<compile_context>
chip_gen: v7x
topology: tpu7x:2x2x1
jax: 0.10.2.dev20260603
libtpu: 0.0.44.dev20260713+nightly
codegen_flags: <defaults>
</compile_context>

<pallas_src>
import functools
import jax
import jax.numpy as jnp
from jax import lax
from jax.experimental import pallas as pl
from jax.experimental.pallas import tpu as pltpu
from jax.experimental.pallas import tpu_sc as plsc

N = 4096
M = 2048
DV = 3
DC = 6
E = N * DV
T = 10
B = 256

NC, NS, L = 2, 16, 16
NW = NC * NS
CPW = B // NW
UN = 8
UNF = 8

_LN2 = 0.6931471805599453


def _vlog(r):
    b = plsc.bitcast(r, jnp.int32)
    e = (b - 0x3F3504F3) >> 23
    m = plsc.bitcast(b - (e << 23), jnp.float32)
    z = (m - jnp.float32(1.0)) / (m + jnp.float32(1.0))
    w = z * z
    p = jnp.float32(1.0 / 3.0) + w * jnp.float32(1.0 / 5.0)
    p = jnp.float32(1.0) + w * p
    return e.astype(jnp.float32) * jnp.float32(_LN2) + (z + z) * p


@functools.partial(
    pl.kernel,
    out_type=jax.ShapeDtypeStruct((T, B, N), jnp.float32),
    mesh=plsc.VectorSubcoreMesh(core_axis_name="c", subcore_axis_name="s"),
    compiler_params=pltpu.CompilerParams(needs_layout_passes=False),
    scratch_types=[
        pltpu.VMEM((E,), jnp.float32),
        pltpu.VMEM((E,), jnp.float32),
        pltpu.VMEM((N,), jnp.float32),
        pltpu.VMEM((M,), jnp.float32),
        pltpu.VMEM((N,), jnp.float32),
        pltpu.VMEM((E,), jnp.float32),
        pltpu.VMEM((E,), jnp.float32),
        pltpu.VMEM((E,), jnp.float32),
        pltpu.VMEM((N,), jnp.float32),
        pltpu.VMEM((E,), jnp.int32),
        pltpu.VMEM((E,), jnp.int32),
        pltpu.VMEM((E,), jnp.int32),
        pltpu.VMEM((N,), jnp.float32),
        pltpu.SemaphoreType.DMA,
        pltpu.SemaphoreType.DMA,
        pltpu.SemaphoreType.DMA,
        pltpu.SemaphoreType.DMA,
        pltpu.SemaphoreType.DMA,
    ],
)
def _bp_kernel(llr_hbm, wll_hbm, wlo_hbm, wvn_hbm, wcc_hbm,
               perm_hbm, iperm_hbm, cidx_hbm,
               out_hbm,
               ext, ttc, vsum, tot, llrb, wll, wvn, wcc, wlo,
               permb, ipermb, cidx, outb,
               sem_ll, sem_vn, sem_cc, sem_lo, sem_out):
    wid = lax.axis_index("s") * NC + lax.axis_index("c")
    iota = lax.iota(jnp.int32, L)
    dvu = [(iota + u * L) // DV for u in range(3)]
    pltpu.sync_copy(perm_hbm, permb)
    pltpu.sync_copy(iperm_hbm, ipermb)
    pltpu.sync_copy(cidx_hbm, cidx)

    def _fetch_w(i):
        pltpu.async_copy(wll_hbm.at[i], wll, sem_ll)
        pltpu.async_copy(wvn_hbm.at[i], wvn, sem_vn)

    def _wait(hbm, buf, sem):
        pltpu.make_async_copy(hbm.at[0], buf, sem).wait()

    def _tanh_store(msg, sl):
        q = jnp.exp(-jnp.abs(msg))
        ta = (jnp.float32(1.0) - q) / (jnp.float32(1.0) + q)
        u = jnp.minimum(ta, jnp.float32(0.999999)) + jnp.float32(1e-12)
        sgn = plsc.bitcast(msg, jnp.int32) & jnp.int32(-2**31)
        ttv = plsc.bitcast(plsc.bitcast(u, jnp.int32) | sgn, jnp.float32)
        plsc.store_scatter(ttc, [ipermb[sl]], ttv)

    def _rest_of_iter(i, nxt, col):
        _wait(wcc_hbm, wcc, sem_cc)

        @plsc.parallel_loop(0, M // L, unroll=UN)
        def _p2(k):
            p0 = (k * L + iota) * DC
            g0 = plsc.load_gather(ttc, [p0])
            g1 = plsc.load_gather(ttc, [p0 + 1])
            g2 = plsc.load_gather(ttc, [p0 + 2])
            g3 = plsc.load_gather(ttc, [p0 + 3])
            g4 = plsc.load_gather(ttc, [p0 + 4])
            g5 = plsc.load_gather(ttc, [p0 + 5])
            tot[pl.ds(k * L, L)] = ((g0 * g1) * (g2 * g3)) * (g4 * g5)

        @plsc.parallel_loop(0, E // L, unroll=UNF)
        def _p3(k):
            sl = pl.ds(k * L, L)
            tg = plsc.load_gather(tot, [cidx[sl]])
            ttp = ttc[sl]
            x = _vlog((ttp + tg) / (ttp - tg))
            plsc.store_scatter(ext, [permb[sl]], wcc[sl] * x)

        pltpu.async_copy(wcc_hbm.at[nxt], wcc, sem_cc)

        _wait(wlo_hbm, wlo, sem_lo)

        @plsc.parallel_loop(0, N // L, unroll=UN)
        def _p4(k):
            sl = pl.ds(k * L, L)
            e0 = (k * L + iota) * DV
            s = (plsc.load_gather(ext, [e0])
                 + plsc.load_gather(ext, [e0 + 1])
                 + plsc.load_gather(ext, [e0 + 2]))
            vsum[sl] = s
            outb[sl] = s + wlo[sl] * llrb[sl]

        pltpu.async_copy(wlo_hbm.at[nxt], wlo, sem_lo)
        pltpu.async_copy(outb, out_hbm.at[i, col], sem_out)

    @pl.loop(0, CPW)
    def _col(j):
        col = wid * CPW + j
        pltpu.sync_copy(llr_hbm.at[col], llrb)
        pltpu.async_copy(wll_hbm.at[0], wll, sem_ll)
        pltpu.async_copy(wvn_hbm.at[1], wvn, sem_vn)
        pltpu.async_copy(wcc_hbm.at[0], wcc, sem_cc)
        pltpu.async_copy(wlo_hbm.at[0], wlo, sem_lo)

        _wait(wll_hbm, wll, sem_ll)

        @plsc.parallel_loop(0, E // (3 * L), unroll=4)
        def _p1z(t):
            for u3 in range(3):
                sl = pl.ds(t * (3 * L) + u3 * L, L)
                v = dvu[u3] + t * L
                _tanh_store(wll[sl] * plsc.load_gather(llrb, [v]), sl)

        pltpu.async_copy(wll_hbm.at[1], wll, sem_ll)
        _rest_of_iter(0, 1, col)

        @pl.loop(1, T)
        def _iter(i):
            nxt = jnp.minimum(i + 1, T - 1)

            _wait(wll_hbm, wll, sem_ll)
            _wait(wvn_hbm, wvn, sem_vn)

            @plsc.parallel_loop(0, E // (3 * L), unroll=4)
            def _p1(t):
                for u3 in range(3):
                    sl = pl.ds(t * (3 * L) + u3 * L, L)
                    v = dvu[u3] + t * L
                    ap = plsc.load_gather(vsum, [v]) - ext[sl]
                    msg = (wvn[sl] * ap
                           + wll[sl] * plsc.load_gather(llrb, [v]))
                    _tanh_store(msg, sl)

            _fetch_w(nxt)

            pltpu.make_async_copy(outb, out_hbm.at[0, 0], sem_out).wait()
            _rest_of_iter(i, nxt, col)

        pltpu.make_async_copy(outb, out_hbm.at[0, 0], sem_out).wait()
        _wait(wll_hbm, wll, sem_ll)
        _wait(wvn_hbm, wvn, sem_vn)
        _wait(wcc_hbm, wcc, sem_cc)
        _wait(wlo_hbm, wlo, sem_lo)


@jax.jit
def kernel(llr, w_llr, w_llr_out, w_vnode, w_cnode, edge_var, edge_chk):
    del edge_var
    perm = jnp.argsort(edge_chk).astype(jnp.int32)
    e = jnp.arange(E, dtype=jnp.int32)
    iperm = jnp.zeros((E,), jnp.int32).at[perm].set(e)
    cidx = e // DC
    wcc = jnp.take(w_cnode, perm, axis=1)
    return _bp_kernel(llr, w_llr, w_llr_out, w_vnode, wcc,
                      perm, iperm, cidx)

# --- scband reference (transcript-rebuilt; emitter-appended) ---
"""Pipeline reference for scband-neural-sum-product-model-90838558311074 (READ-ONLY COPY).

The authoritative reference and input builder live on the scoring server;
editing this copy changes nothing except your own understanding.
"""

import jax, jax.numpy as jnp
import numpy as np

N = 4096   # code_length (variable nodes)
M = 2048   # check nodes
DV = 3     # variable degree
DC = 6     # check degree
E = N * DV # num_of_messages (Tanner graph edges)
T = 10     # num_of_iteration
B = 256    # batch of codewords


def _build_edges():
    rng = np.random.RandomState(0)
    edge_var = np.repeat(np.arange(N), DV)
    edge_chk = rng.permutation(np.repeat(np.arange(M), DC))
    return jnp.asarray(edge_var, jnp.int32), jnp.asarray(edge_chk, jnp.int32)


def setup_inputs(seed: int = 0) -> dict:
    key = jax.random.key(seed)
    ks = jax.random.split(key, 5)
    llr = jax.random.normal(ks[0], (B, N), jnp.float32)
    # MessageNormalizer weights (one learnable vector per iteration), init near 1.0
    w_llr = 1.0 + 0.01 * jax.random.normal(ks[1], (T, E), jnp.float32)
    w_llr_out = 1.0 + 0.01 * jax.random.normal(ks[2], (T, N), jnp.float32)
    w_vnode = 1.0 + 0.01 * jax.random.normal(ks[3], (T, E), jnp.float32)
    w_cnode = 1.0 + 0.01 * jax.random.normal(ks[4], (T, E), jnp.float32)
    edge_var, edge_chk = _build_edges()
    return {"llr": llr, "w_llr": w_llr, "w_llr_out": w_llr_out,
            "w_vnode": w_vnode, "w_cnode": w_cnode,
            "edge_var": edge_var, "edge_chk": edge_chk}


def _check_node_process(msg, edge_chk):
    # tanh-product rule with self-exclusion, done in sign/log-magnitude domain
    t = jnp.clip(jnp.tanh(msg / 2.0), -0.999999, 0.999999)
    mag = jnp.log(jnp.abs(t) + 1e-12)
    neg = (t < 0).astype(msg.dtype)
    Bdim = msg.shape[0]
    sum_mag = jnp.zeros((Bdim, M), msg.dtype).at[:, edge_chk].add(mag)
    sum_neg = jnp.zeros((Bdim, M), msg.dtype).at[:, edge_chk].add(neg)
    ext_mag = jnp.exp(sum_mag[:, edge_chk] - mag)
    parity = sum_neg[:, edge_chk] - neg
    ext_sgn = 1.0 - 2.0 * jnp.mod(parity, 2.0)
    ext = jnp.clip(ext_sgn * ext_mag, -0.999999, 0.999999)
    return 2.0 * jnp.arctanh(ext)


def reference(llr, w_llr, w_llr_out, w_vnode, w_cnode, edge_var, edge_chk):
    # spa.scatter: replicate per-variable LLRs onto incident edges
    llr_msgs0 = llr[:, edge_var]
    extrinsic = jnp.zeros_like(llr_msgs0)
    outputs = []
    for i in range(T):
        llr_msgs = w_llr[i][None, :] * llr_msgs0          # llr_normalizers[i]
        llr_for_output = w_llr_out[i][None, :] * llr      # llr_normalizers_for_output[i]
        # spa.variable_node_process: sum over var node minus self
        vsum = jnp.zeros((llr.shape[0], N), llr.dtype).at[:, edge_var].add(extrinsic)
        a_priori = vsum[:, edge_var] - extrinsic
        a_priori = w_vnode[i][None, :] * a_priori         # vnode_normalizers[i]
        extrinsic = _check_node_process(a_priori + llr_msgs, edge_chk)
        extrinsic = w_cnode[i][None, :] * extrinsic       # cnode_normalizers[i]
        # spa.gather: sum extrinsic messages back to variable nodes
        gathered = jnp.zeros((llr.shape[0], N), llr.dtype).at[:, edge_var].add(extrinsic)
        outputs.append(gathered + llr_for_output)
    return jnp.stack(outputs, axis=0)

if __name__ == "__main__":
    import jax
    _d = setup_inputs()
    print(jax.jit(kernel)(*tuple(_d.values())))

</pallas_src>

<mosaic_0001>
#map = affine_map<(d0, d1) -> (0, 0)>
#map1 = affine_map<(d0, d1) -> (0)>
#map2 = affine_map<(d0, d1) -> (0, 0, 0)>
module attributes {stable_mosaic.version = 14 : i64} {
  func.func @_bp_kernel(%arg0: i32, %arg1: i32, %arg2: memref<256x4096xf32, #tpu.memory_space<hbm>>, %arg3: memref<10x12288xf32, #tpu.memory_space<hbm>>, %arg4: memref<10x4096xf32, #tpu.memory_space<hbm>>, %arg5: memref<10x12288xf32, #tpu.memory_space<hbm>>, %arg6: memref<10x12288xf32, #tpu.memory_space<hbm>>, %arg7: memref<12288xi32, #tpu.memory_space<hbm>>, %arg8: memref<12288xi32, #tpu.memory_space<hbm>>, %arg9: memref<12288xi32, #tpu.memory_space<hbm>>, %arg10: memref<10x256x4096xf32, #tpu.memory_space<hbm>>, %arg11: memref<12288xf32, #tpu.memory_space<vmem>>, %arg12: memref<12288xf32, #tpu.memory_space<vmem>>, %arg13: memref<4096xf32, #tpu.memory_space<vmem>>, %arg14: memref<2048xf32, #tpu.memory_space<vmem>>, %arg15: memref<4096xf32, #tpu.memory_space<vmem>>, %arg16: memref<12288xf32, #tpu.memory_space<vmem>>, %arg17: memref<12288xf32, #tpu.memory_space<vmem>>, %arg18: memref<12288xf32, #tpu.memory_space<vmem>>, %arg19: memref<4096xf32, #tpu.memory_space<vmem>>, %arg20: memref<12288xi32, #tpu.memory_space<vmem>>, %arg21: memref<12288xi32, #tpu.memory_space<vmem>>, %arg22: memref<12288xi32, #tpu.memory_space<vmem>>, %arg23: memref<4096xf32, #tpu.memory_space<vmem>>, %arg24: memref<!tpu.dma_semaphore, #tpu.memory_space<semaphore_mem>>, %arg25: memref<!tpu.dma_semaphore, #tpu.memory_space<semaphore_mem>>, %arg26: memref<!tpu.dma_semaphore, #tpu.memory_space<semaphore_mem>>, %arg27: memref<!tpu.dma_semaphore, #tpu.memory_space<semaphore_mem>>, %arg28: memref<!tpu.dma_semaphore, #tpu.memory_space<semaphore_mem>>) attributes {dimension_semantics = [#tpu.dimension_semantics<core_parallel>, #tpu.dimension_semantics<subcore_parallel>], iteration_bounds = array<i64: 2, 16>, scalar_prefetch = 0 : i64, scratch_operands = 18 : i64, tpu.core_type = #tpu.core_type<sc_vector_subcore>, window_params = [{transform_indices = #map}, {transform_indices = #map}, {transform_indices = #map}, {transform_indices = #map}, {transform_indices = #map}, {transform_indices = #map1}, {transform_indices = #map1}, {transform_indices = #map1}, {transform_indices = #map2}]} {
    %mul3A = arith.constant 2 : i32
    %mul3A_0 = arith.muli %arg1, %mul3A : i32
    %add3A = arith.addi %mul3A_0, %arg0 : i32
    %iota3A = tpu.iota {dimensions = array<i32: 0>} : vector<16xi32>
    %add3A_1 = arith.constant 0 : i32
    %add3A_2 = vector.broadcast %add3A_1 : i32 to vector<16xi32>
    %add3A_3 = arith.addi %iota3A, %add3A_2 : vector<16xi32>
    %jit3A = arith.constant 3 : i32
    %div3A = vector.broadcast %jit3A : i32 to vector<16xi32>
    %div3A_4 = arith.divsi %add3A_3, %div3A : vector<16xi32>
    %sign3A = arith.constant 0 : i32
    %sign3A_5 = vector.broadcast %sign3A : i32 to vector<16xi32>
    %sign3A_6 = arith.cmpi sgt, %add3A_3, %sign3A_5 : vector<16xi32>
    %sign3A_7 = arith.extui %sign3A_6 : vector<16xi1> to vector<16xi32>
    %sign3A_8 = arith.constant 0 : i32
    %sign3A_9 = vector.broadcast %sign3A_8 : i32 to vector<16xi32>
    %sign3A_10 = arith.cmpi slt, %add3A_3, %sign3A_9 : vector<16xi32>
    %sign3A_11 = arith.extui %sign3A_10 : vector<16xi1> to vector<16xi32>
    %sign3A_12 = arith.subi %sign3A_7, %sign3A_11 : vector<16xi32>
    %sign3A_13 = arith.constant 0 : i32
    %sign3A_14 = arith.cmpi sgt, %jit3A, %sign3A_13 : i32
    %sign3A_15 = arith.extui %sign3A_14 : i1 to i32
    %sign3A_16 = arith.constant 0 : i32
    %sign3A_17 = arith.cmpi slt, %jit3A, %sign3A_16 : i32
    %sign3A_18 = arith.extui %sign3A_17 : i1 to i32
    %sign3A_19 = arith.subi %sign3A_15, %sign3A_18 : i32
    %ne3A = vector.broadcast %sign3A_19 : i32 to vector<16xi32>
    %ne3A_20 = arith.cmpi ne, %sign3A_12, %ne3A : vector<16xi32>
    %rem3A = vector.broadcast %jit3A : i32 to vector<16xi32>
    %rem3A_21 = arith.remsi %add3A_3, %rem3A : vector<16xi32>
    %ne3A_22 = arith.constant 0 : i32
    %ne3A_23 = vector.broadcast %ne3A_22 : i32 to vector<16xi32>
    %ne3A_24 = arith.cmpi ne, %rem3A_21, %ne3A_23 : vector<16xi32>
    %and3A = arith.andi %ne3A_20, %ne3A_24 : vector<16xi1>
    %sub3A = arith.constant 1 : i32
    %sub3A_25 = vector.broadcast %sub3A : i32 to vector<16xi32>
    %sub3A_26 = arith.subi %div3A_4, %sub3A_25 : vector<16xi32>
    %select_n3A = arith.select %and3A, %sub3A_26, %div3A_4 : vector<16xi1>, vector<16xi32>
    %add3A_27 = arith.constant 16 : i32
    %add3A_28 = vector.broadcast %add3A_27 : i32 to vector<16xi32>
    %add3A_29 = arith.addi %iota3A, %add3A_28 : vector<16xi32>
    %jit3A_30 = arith.constant 3 : i32
    %div3A_31 = vector.broadcast %jit3A_30 : i32 to vector<16xi32>
    %div3A_32 = arith.divsi %add3A_29, %div3A_31 : vector<16xi32>
    %sign3A_33 = arith.constant 0 : i32
    %sign3A_34 = vector.broadcast %sign3A_33 : i32 to vector<16xi32>
    %sign3A_35 = arith.cmpi sgt, %add3A_29, %sign3A_34 : vector<16xi32>
    %sign3A_36 = arith.extui %sign3A_35 : vector<16xi1> to vector<16xi32>
    %sign3A_37 = arith.constant 0 : i32
    %sign3A_38 = vector.broadcast %sign3A_37 : i32 to vector<16xi32>
    %sign3A_39 = arith.cmpi slt, %add3A_29, %sign3A_38 : vector<16xi32>
    %sign3A_40 = arith.extui %sign3A_39 : vector<16xi1> to vector<16xi32>
    %sign3A_41 = arith.subi %sign3A_36, %sign3A_40 : vector<16xi32>
    %sign3A_42 = arith.constant 0 : i32
    %sign3A_43 = arith.cmpi sgt, %jit3A_30, %sign3A_42 : i32
    %sign3A_44 = arith.extui %sign3A_43 : i1 to i32
    %sign3A_45 = arith.constant 0 : i32
    %sign3A_46 = arith.cmpi slt, %jit3A_30, %sign3A_45 : i32
    %sign3A_47 = arith.extui %sign3A_46 : i1 to i32
    %sign3A_48 = arith.subi %sign3A_44, %sign3A_47 : i32
    %ne3A_49 = vector.broadcast %sign3A_48 : i32 to vector<16xi32>
    %ne3A_50 = arith.cmpi ne, %sign3A_41, %ne3A_49 : vector<16xi32>
    %rem3A_51 = vector.broadcast %jit3A_30 : i32 to vector<16xi32>
    %rem3A_52 = arith.remsi %add3A_29, %rem3A_51 : vector<16xi32>
    %ne3A_53 = arith.constant 0 : i32
    %ne3A_54 = vector.broadcast %ne3A_53 : i32 to vector<16xi32>
    %ne3A_55 = arith.cmpi ne, %rem3A_52, %ne3A_54 : vector<16xi32>
    %and3A_56 = arith.andi %ne3A_50, %ne3A_55 : vector<16xi1>
    %sub3A_57 = arith.constant 1 : i32
    %sub3A_58 = vector.broadcast %sub3A_57 : i32 to vector<16xi32>
    %sub3A_59 = arith.subi %div3A_32, %sub3A_58 : vector<16xi32>
    %select_n3A_60 = arith.select %and3A_56, %sub3A_59, %div3A_32 : vector<16xi1>, vector<16xi32>
    %add3A_61 = arith.constant 32 : i32
    %add3A_62 = vector.broadcast %add3A_61 : i32 to vector<16xi32>
    %add3A_63 = arith.addi %iota3A, %add3A_62 : vector<16xi32>
    %jit3A_64 = arith.constant 3 : i32
    %div3A_65 = vector.broadcast %jit3A_64 : i32 to vector<16xi32>
    %div3A_66 = arith.divsi %add3A_63, %div3A_65 : vector<16xi32>
    %sign3A_67 = arith.constant 0 : i32
    %sign3A_68 = vector.broadcast %sign3A_67 : i32 to vector<16xi32>
    %sign3A_69 = arith.cmpi sgt, %add3A_63, %sign3A_68 : vector<16xi32>
    %sign3A_70 = arith.extui %sign3A_69 : vector<16xi1> to vector<16xi32>
    %sign3A_71 = arith.constant 0 : i32
    %sign3A_72 = vector.broadcast %sign3A_71 : i32 to vector<16xi32>
    %sign3A_73 = arith.cmpi slt, %add3A_63, %sign3A_72 : vector<16xi32>
    %sign3A_74 = arith.extui %sign3A_73 : vector<16xi1> to vector<16xi32>
    %sign3A_75 = arith.subi %sign3A_70, %sign3A_74 : vector<16xi32>
    %sign3A_76 = arith.constant 0 : i32
    %sign3A_77 = arith.cmpi sgt, %jit3A_64, %sign3A_76 : i32
    %sign3A_78 = arith.extui %sign3A_77 : i1 to i32
    %sign3A_79 = arith.constant 0 : i32
    %sign3A_80 = arith.cmpi slt, %jit3A_64, %sign3A_79 : i32
    %sign3A_81 = arith.extui %sign3A_80 : i1 to i32
    %sign3A_82 = arith.subi %sign3A_78, %sign3A_81 : i32
    %ne3A_83 = vector.broadcast %sign3A_82 : i32 to vector<16xi32>
    %ne3A_84 = arith.cmpi ne, %sign3A_75, %ne3A_83 : vector<16xi32>
    %rem3A_85 = vector.broadcast %jit3A_64 : i32 to vector<16xi32>
    %rem3A_86 = arith.remsi %add3A_63, %rem3A_85 : vector<16xi32>
    %ne3A_87 = arith.constant 0 : i32
    %ne3A_88 = vector.broadcast %ne3A_87 : i32 to vector<16xi32>
    %ne3A_89 = arith.cmpi ne, %rem3A_86, %ne3A_88 : vector<16xi32>
    %and3A_90 = arith.andi %ne3A_84, %ne3A_89 : vector<16xi1>
    %sub3A_91 = arith.constant 1 : i32
    %sub3A_92 = vector.broadcast %sub3A_91 : i32 to vector<16xi32>
    %sub3A_93 = arith.subi %div3A_66, %sub3A_92 : vector<16xi32>
    %select_n3A_94 = arith.select %and3A_90, %sub3A_93, %div3A_66 : vector<16xi1>, vector<16xi32>
    "tpu.region"() ({
      %run_scoped3A = tpu.sem_alloc : memref<!tpu.dma_semaphore, #tpu.memory_space<semaphore_mem>>
      tpu.enqueue_dma source(%arg7 : memref<12288xi32, #tpu.memory_space<hbm>>) target(%arg20 : memref<12288xi32, #tpu.memory_space<vmem>>) target_semaphore(%run_scoped3A : memref<!tpu.dma_semaphore, #tpu.memory_space<semaphore_mem>>)
      tpu.wait_dma2 semaphore(%run_scoped3A : memref<!tpu.dma_semaphore, #tpu.memory_space<semaphore_mem>>) src(%arg7 : memref<12288xi32, #tpu.memory_space<hbm>>) dst(%arg20 : memref<12288xi32, #tpu.memory_space<vmem>>)
      tpu.yield
    }) : () -> ()
    "tpu.region"() ({
      %run_scoped3A = tpu.sem_alloc : memref<!tpu.dma_semaphore, #tpu.memory_space<semaphore_mem>>
      tpu.enqueue_dma source(%arg8 : memref<12288xi32, #tpu.memory_space<hbm>>) target(%arg21 : memref<12288xi32, #tpu.memory_space<vmem>>) target_semaphore(%run_scoped3A : memref<!tpu.dma_semaphore, #tpu.memory_space<semaphore_mem>>)
      tpu.wait_dma2 semaphore(%run_scoped3A : memref<!tpu.dma_semaphore, #tpu.memory_space<semaphore_mem>>) src(%arg8 : memref<12288xi32, #tpu.memory_space<hbm>>) dst(%arg21 : memref<12288xi32, #tpu.memory_space<vmem>>)
      tpu.yield
    }) : () -> ()
    "tpu.region"() ({
      %run_scoped3A = tpu.sem_alloc : memref<!tpu.dma_semaphore, #tpu.memory_space<semaphore_mem>>
      tpu.enqueue_dma source(%arg9 : memref<12288xi32, #tpu.memory_space<hbm>>) target(%arg22 : memref<12288xi32, #tpu.memory_space<vmem>>) target_semaphore(%run_scoped3A : memref<!tpu.dma_semaphore, #tpu.memory_space<semaphore_mem>>)
      tpu.wait_dma2 semaphore(%run_scoped3A : memref<!tpu.dma_semaphore, #tpu.memory_space<semaphore_mem>>) src(%arg9 : memref<12288xi32, #tpu.memory_space<hbm>>) dst(%arg22 : memref<12288xi32, #tpu.memory_space<vmem>>)
      tpu.yield
    }) : () -> ()
    %scan3A = arith.constant 0 : i32
    %scan3A_95 = arith.constant 8 : i32
    %scan3A_96 = arith.addi %scan3A, %scan3A_95 : i32
    %scan3A_97 = arith.constant 1 : i32
    scf.for %scan3A_99 = %scan3A to %scan3A_96 step %scan3A_97  : i32 {
      %mul3A_100 = arith.constant 1 : i32
      %mul3A_101 = arith.muli %scan3A_99, %mul3A_100 : i32
      %add3A_102 = arith.constant 0 : i32
      %add3A_103 = arith.addi %add3A_102, %mul3A_101 : i32
      %mul3A_104 = arith.constant 8 : i32
      %mul3A_105 = arith.muli %add3A, %mul3A_104 : i32
      %add3A_106 = arith.addi %mul3A_105, %add3A_103 : i32
      "tpu.region"() ({
        %run_scoped3A = tpu.sem_alloc : memref<!tpu.dma_semaphore, #tpu.memory_space<semaphore_mem>>
        %dma_start3A_234 = arith.constant 0 : i32
        %dma_start3A_235 = tpu.memref_slice %arg2[%add3A_106, %dma_start3A_234] : memref<256x4096xf32, #tpu.memory_space<hbm>> -> memref<1x4096xf32, #tpu.memory_space<hbm>>
        %dma_start3A_236 = tpu.memref_squeeze %dma_start3A_235 : memref<1x4096xf32, #tpu.memory_space<hbm>> -> memref<4096xf32, #tpu.memory_space<hbm>>
        %dma_start3A_237 = arith.constant 0 : i32
        %dma_start3A_238 = tpu.memref_slice %arg2[%add3A_106, %dma_start3A_237] : memref<256x4096xf32, #tpu.memory_space<hbm>> -> memref<1x4096xf32, #tpu.memory_space<hbm>>
        %dma_start3A_239 = tpu.memref_squeeze %dma_start3A_238 : memref<1x4096xf32, #tpu.memory_space<hbm>> -> memref<4096xf32, #tpu.memory_space<hbm>>
        tpu.enqueue_dma source(%dma_start3A_239 : memref<4096xf32, #tpu.memory_space<hbm>>) target(%arg15 : memref<4096xf32, #tpu.memory_space<vmem>>) target_semaphore(%run_scoped3A : memref<!tpu.dma_semaphore, #tpu.memory_space<semaphore_mem>>)
        %dma_wait3A_240 = arith.constant 0 : i32
        %dma_wait3A_241 = tpu.memref_slice %arg2[%add3A_106, %dma_wait3A_240] : memref<256x4096xf32, #tpu.memory_space<hbm>> -> memref<1x4096xf32, #tpu.memory_space<hbm>>
        %dma_wait3A_242 = tpu.memref_squeeze %dma_wait3A_241 : memref<1x4096xf32, #tpu.memory_space<hbm>> -> memref<4096xf32, #tpu.memory_space<hbm>>
        %dma_wait3A_243 = arith.constant 0 : i32
        %dma_wait3A_244 = tpu.memref_slice %arg2[%add3A_106, %dma_wait3A_243] : memref<256x4096xf32, #tpu.memory_space<hbm>> -> memref<1x4096xf32, #tpu.memory_space<hbm>>
        %dma_wait3A_245 = tpu.memref_squeeze %dma_wait3A_244 : memref<1x4096xf32, #tpu.memory_space<hbm>> -> memref<4096xf32, #tpu.memory_space<hbm>>
        tpu.wait_dma2 semaphore(%run_scoped3A : memref<!tpu.dma_semaphore, #tpu.memory_space<semaphore_mem>>) src(%dma_wait3A_245 : memref<4096xf32, #tpu.memory_space<hbm>>) dst(%arg15 : memref<4096xf32, #tpu.memory_space<vmem>>)
        tpu.yield
      }) : () -> ()
      %dma_start3A = arith.constant 0 : i32
      %dma_start3A_107 = arith.constant 0 : i32
      %dma_start3A_108 = tpu.memref_slice %arg3[%dma_start3A, %dma_start3A_107] : memref<10x12288xf32, #tpu.memory_space<hbm>> -> memref<1x12288xf32, #tpu.memory_space<hbm>>
      %dma_start3A_109 = tpu.memref_squeeze %dma_start3A_108 : memref<1x12288xf32, #tpu.memory_space<hbm>> -> memref<12288xf32, #tpu.memory_space<hbm>>
      %dma_start3A_110 = arith.constant 0 : i32
      %dma_start3A_111 = tpu.memref_slice %arg3[%dma_start3A, %dma_start3A_110] : memref<10x12288xf32, #tpu.memory_space<hbm>> -> memref<1x12288xf32, #tpu.memory_space<hbm>>
      %dma_start3A_112 = tpu.memref_squeeze %dma_start3A_111 : memref<1x12288xf32, #tpu.memory_space<hbm>> -> memref<12288xf32, #tpu.memory_space<hbm>>
      tpu.enqueue_dma source(%dma_start3A_112 : memref<12288xf32, #tpu.memory_space<hbm>>) target(%arg16 : memref<12288xf32, #tpu.memory_space<vmem>>) target_semaphore(%arg24 : memref<!tpu.dma_semaphore, #tpu.memory_space<semaphore_mem>>)
      %dma_start3A_113 = arith.constant 1 : i32
      %dma_start3A_114 = arith.constant 0 : i32
      %dma_start3A_115 = tpu.memref_slice %arg5[%dma_start3A_113, %dma_start3A_114] : memref<10x12288xf32, #tpu.memory_space<hbm>> -> memref<1x12288xf32, #tpu.memory_space<hbm>>
      %dma_start3A_116 = tpu.memref_squeeze %dma_start3A_115 : memref<1x12288xf32, #tpu.memory_space<hbm>> -> memref<12288xf32, #tpu.memory_space<hbm>>
      %dma_start3A_117 = arith.constant 0 : i32
      %dma_start3A_118 = tpu.memref_slice %arg5[%dma_start3A_113, %dma_start3A_117] : memref<10x12288xf32, #tpu.memory_space<hbm>> -> memref<1x12288xf32, #tpu.memory_space<hbm>>
      %dma_start3A_119 = tpu.memref_squeeze %dma_start3A_118 : memref<1x12288xf32, #tpu.memory_space<hbm>> -> memref<12288xf32, #tpu.memory_space<hbm>>
      tpu.enqueue_dma source(%dma_start3A_119 : memref<12288xf32, #tpu.memory_space<hbm>>) target(%arg17 : memref<12288xf32, #tpu.memory_space<vmem>>) target_semaphore(%arg25 : memref<!tpu.dma_semaphore, #tpu.memory_space<semaphore_mem>>)
      %dma_start3A_120 = arith.constant 0 : i32
      %dma_start3A_121 = arith.constant 0 : i32
      %dma_start3A_122 = tpu.memref_slice %arg6[%dma_start3A_120, %dma_start3A_121] : memref<10x12288xf32, #tpu.memory_space<hbm>> -> memref<1x12288xf32, #tpu.memory_space<hbm>>
      %dma_start3A_123 = tpu.memref_squeeze %dma_start3A_122 : memref<1x12288xf32, #tpu.memory_space<hbm>> -> memref<12288xf32, #tpu.memory_space<hbm>>
      %dma_start3A_124 = arith.constant 0 : i32
      %dma_start3A_125 = tpu.memref_slice %arg6[%dma_start3A_120, %dma_start3A_124] : memref<10x12288xf32, #tpu.memory_space<hbm>> -> memref<1x12288xf32, #tpu.memory_space<hbm>>
      %dma_start3A_126 = tpu.memref_squeeze %dma_start3A_125 : memref<1x12288xf32, #tpu.memory_space<hbm>> -> memref<12288xf32, #tpu.memory_space<hbm>>
      tpu.enqueue_dma source(%dma_start3A_126 : memref<12288xf32, #tpu.memory_space<hbm>>) target(%arg18 : memref<12288xf32, #tpu.memory_space<vmem>>) target_semaphore(%arg26 : memref<!tpu.dma_semaphore, #tpu.memory_space<semaphore_mem>>)
      %dma_start3A_127 = arith.constant 0 : i32
      %dma_start3A_128 = arith.constant 0 : i32
      %dma_start3A_129 = tpu.memref_slice %arg4[%dma_start3A_127, %dma_start3A_128] : memref<10x4096xf32, #tpu.memory_space<hbm>> -> memref<1x4096xf32, #tpu.memory_space<hbm>>
      %dma_start3A_130 = tpu.memref_squeeze %dma_start3A_129 : memref<1x4096xf32, #tpu.memory_space<hbm>> -> memref<4096xf32, #tpu.memory_space<hbm>>
      %dma_start3A_131 = arith.constant 0 : i32
      %dma_start3A_132 = tpu.memref_slice %arg4[%dma_start3A_127, %dma_start3A_131] : memref<10x4096xf32, #tpu.memory_space<hbm>> -> memref<1x4096xf32, #tpu.memory_space<hbm>>
      %dma_start3A_133 = tpu.memref_squeeze %dma_start3A_132 : memref<1x4096xf32, #tpu.memory_space<hbm>> -> memref<4096xf32, #tpu.memory_space<hbm>>
      tpu.enqueue_dma source(%dma_start3A_133 : memref<4096xf32, #tpu.memory_space<hbm>>) target(%arg19 : memref<4096xf32, #tpu.memory_space<vmem>>) target_semaphore(%arg27 : memref<!tpu.dma_semaphore, #tpu.memory_space<semaphore_mem>>)
      %dma_wait3A = arith.constant 0 : i32
      %dma_wait3A_134 = arith.constant 0 : i32
      %dma_wait3A_135 = tpu.memref_slice %arg3[%dma_wait3A, %dma_wait3A_134] : memref<10x12288xf32, #tpu.memory_space<hbm>> -> memref<1x12288xf32, #tpu.memory_space<hbm>>
      %dma_wait3A_136 = tpu.memref_squeeze %dma_wait3A_135 : memref<1x12288xf32, #tpu.memory_space<hbm>> -> memref<12288xf32, #tpu.memory_space<hbm>>
      %dma_wait3A_137 = arith.constant 0 : i32
      %dma_wait3A_138 = tpu.memref_slice %arg3[%dma_wait3A, %dma_wait3A_137] : memref<10x12288xf32, #tpu.memory_space<hbm>> -> memref<1x12288xf32, #tpu.memory_space<hbm>>
      %dma_wait3A_139 = tpu.memref_squeeze %dma_wait3A_138 : memref<1x12288xf32, #tpu.memory_space<hbm>> -> memref<12288xf32, #tpu.memory_space<hbm>>
      tpu.wait_dma2 semaphore(%arg24 : memref<!tpu.dma_semaphore, #tpu.memory_space<semaphore_mem>>) src(%dma_wait3A_139 : memref<12288xf32, #tpu.memory_space<hbm>>) dst(%arg16 : memref<12288xf32, #tpu.memory_space<vmem>>)
      %parallel_loop3A = arith.constant 0 : i32
      %parallel_loop3A_140 = arith.constant 256 : i32
      %parallel_loop3A_141 = arith.constant 1 : i32
      scf.for %parallel_loop3A_234 = %parallel_loop3A to %parallel_loop3A_140 step %parallel_loop3A_141  : i32 {
        %parallel_loop3A_235 = arith.constant 48 : i32
        %parallel_loop3A_236 = arith.muli %parallel_loop3A_234, %parallel_loop3A_235 : i32
        %parallel_loop3A_237 = arith.constant 0 : i32
        %parallel_loop3A_238 = arith.addi %parallel_loop3A_236, %parallel_loop3A_237 : i32
        %parallel_loop3A_239 = arith.constant 16 : i32
        %parallel_loop3A_240 = arith.muli %parallel_loop3A_234, %parallel_loop3A_239 : i32
        %parallel_loop3A_241 = vector.broadcast %parallel_loop3A_240 : i32 to vector<16xi32>
        %parallel_loop3A_242 = arith.addi %select_n3A, %parallel_loop3A_241 : vector<16xi32>
        %parallel_loop3A_243 = arith.index_cast %parallel_loop3A_238 : i32 to index
        %parallel_loop3A_244 = tpu.vector_load %arg16[%parallel_loop3A_243] {strides = array<i32>} : memref<12288xf32, #tpu.memory_space<vmem>>, vector<16xf32>,
        %parallel_loop3A_245 = tpu.vector_load_idx %arg15[%parallel_loop3A_242] : memref<4096xf32, #tpu.memory_space<vmem>>[vector<16xi32>], vector<16xf32>,
        %parallel_loop3A_246 = arith.mulf %parallel_loop3A_244, %parallel_loop3A_245 : vector<16xf32>
        %parallel_loop3A_247 = math.absf %parallel_loop3A_246 : vector<16xf32>
        %parallel_loop3A_248 = arith.constant 0.000000e+00 : f32
        %parallel_loop3A_249 = vector.broadcast %parallel_loop3A_248 : f32 to vector<16xf32>
        %parallel_loop3A_250 = arith.subf %parallel_loop3A_249, %parallel_loop3A_247 : vector<16xf32>
        %parallel_loop3A_251 = math.exp %parallel_loop3A_250 : vector<16xf32>
        %parallel_loop3A_252 = arith.constant 1.000000e+00 : f32
        %parallel_loop3A_253 = vector.broadcast %parallel_loop3A_252 : f32 to vector<16xf32>
        %parallel_loop3A_254 = arith.subf %parallel_loop3A_253, %parallel_loop3A_251 : vector<16xf32>
        %parallel_loop3A_255 = arith.constant 1.000000e+00 : f32
        %parallel_loop3A_256 = vector.broadcast %parallel_loop3A_255 : f32 to vector<16xf32>
        %parallel_loop3A_257 = arith.addf %parallel_loop3A_256, %parallel_loop3A_251 : vector<16xf32>
        %parallel_loop3A_258 = arith.divf %parallel_loop3A_254, %parallel_loop3A_257 : vector<16xf32>
        %parallel_loop3A_259 = arith.constant 0.999998986 : f32
        %parallel_loop3A_260 = vector.broadcast %parallel_loop3A_259 : f32 to vector<16xf32>
        %parallel_loop3A_261 = arith.minimumf %parallel_loop3A_258, %parallel_loop3A_260 : vector<16xf32>
        %parallel_loop3A_262 = arith.constant 9.99999996E-13 : f32
        %parallel_loop3A_263 = vector.broadcast %parallel_loop3A_262 : f32 to vector<16xf32>
        %parallel_loop3A_264 = arith.addf %parallel_loop3A_261, %parallel_loop3A_263 : vector<16xf32>
        %parallel_loop3A_265 = vector.bitcast %parallel_loop3A_246 : vector<16xf32> to vector<16xi32>
        %parallel_loop3A_266 = arith.constant -2147483648 : i32
        %parallel_loop3A_267 = vector.broadcast %parallel_loop3A_266 : i32 to vector<16xi32>
        %parallel_loop3A_268 = arith.andi %parallel_loop3A_265, %parallel_loop3A_267 : vector<16xi32>
        %parallel_loop3A_269 = vector.bitcast %parallel_loop3A_264 : vector<16xf32> to vector<16xi32>
        %parallel_loop3A_270 = arith.ori %parallel_loop3A_269, %parallel_loop3A_268 : vector<16xi32>
        %parallel_loop3A_271 = vector.bitcast %parallel_loop3A_270 : vector<16xi32> to vector<16xf32>
        %parallel_loop3A_272 = arith.index_cast %parallel_loop3A_238 : i32 to index
        %parallel_loop3A_273 = tpu.vector_load %arg21[%parallel_loop3A_272] {strides = array<i32>} : memref<12288xi32, #tpu.memory_space<vmem>>, vector<16xi32>,
        tpu.vector_store_idx %arg12[%parallel_loop3A_273], %parallel_loop3A_271 : memref<12288xf32, #tpu.memory_space<vmem>>[vector<16xi32>], vector<16xf32>,
        %parallel_loop3A_274 = arith.constant 48 : i32
        %parallel_loop3A_275 = arith.muli %parallel_loop3A_234, %parallel_loop3A_274 : i32
        %parallel_loop3A_276 = arith.constant 16 : i32
        %parallel_loop3A_277 = arith.addi %parallel_loop3A_275, %parallel_loop3A_276 : i32
        %parallel_loop3A_278 = arith.constant 16 : i32
        %parallel_loop3A_279 = arith.muli %parallel_loop3A_234, %parallel_loop3A_278 : i32
        %parallel_loop3A_280 = vector.broadcast %parallel_loop3A_279 : i32 to vector<16xi32>
        %parallel_loop3A_281 = arith.addi %select_n3A_60, %parallel_loop3A_280 : vector<16xi32>
        %parallel_loop3A_282 = arith.index_cast %parallel_loop3A_277 : i32 to index
        %parallel_loop3A_283 = tpu.vector_load %arg16[%parallel_loop3A_282] {strides = array<i32>} : memref<12288xf32, #tpu.memory_space<vmem>>, vector<16xf32>,
        %parallel_loop3A_284 = tpu.vector_load_idx %arg15[%parallel_loop3A_281] : memref<4096xf32, #tpu.memory_space<vmem>>[vector<16xi32>], vector<16xf32>,
        %parallel_loop3A_285 = arith.mulf %parallel_loop3A_283, %parallel_loop3A_284 : vector<16xf32>
        %parallel_loop3A_286 = math.absf %parallel_loop3A_285 : vector<16xf32>
        %parallel_loop3A_287 = arith.constant 0.000000e+00 : f32
        %parallel_loop3A_288 = vector.broadcast %parallel_loop3A_287 : f32 to vector<16xf32>
        %parallel_loop3A_289 = arith.subf %parallel_loop3A_288, %parallel_loop3A_286 : vector<16xf32>
        %parallel_loop3A_290 = math.exp %parallel_loop3A_289 : vector<16xf32>
        %parallel_loop3A_291 = arith.constant 1.000000e+00 : f32
        %parallel_loop3A_292 = vector.broadcast %parallel_loop3A_291 : f32 to vector<16xf32>
        %parallel_loop3A_293 = arith.subf %parallel_loop3A_292, %parallel_loop3A_290 : vector<16xf32>
        %parallel_loop3A_294 = arith.constant 1.000000e+00 : f32
        %parallel_loop3A_295 = vector.broadcast %parallel_loop3A_294 : f32 to vector<16xf32>
        %parallel_loop3A_296 = arith.addf %parallel_loop3A_295, %parallel_loop3A_290 : vector<16xf32>
        %parallel_loop3A_297 = arith.divf %parallel_loop3A_293, %parallel_loop3A_296 : vector<16xf32>
        %parallel_loop3A_298 = arith.constant 0.999998986 : f32
        %parallel_loop3A_299 = vector.broadcast %parallel_loop3A_298 : f32 to vector<16xf32>
        %parallel_loop3A_300 = arith.minimumf %parallel_loop3A_297, %parallel_loop3A_299 : vector<16xf32>
        %parallel_loop3A_301 = arith.constant 9.99999996E-13 : f32
        %parallel_loop3A_302 = vector.broadcast %parallel_loop3A_301 : f32 to vector<16xf32>
        %parallel_loop3A_303 = arith.addf %parallel_loop3A_300, %parallel_loop3A_302 : vector<16xf32>
        %parallel_loop3A_304 = vector.bitcast %parallel_loop3A_285 : vector<16xf32> to vector<16xi32>
        %parallel_loop3A_305 = arith.constant -2147483648 : i32
        %parallel_loop3A_306 = vector.broadcast %parallel_loop3A_305 : i32 to vector<16xi32>
        %parallel_loop3A_307 = arith.andi %parallel_loop3A_304, %parallel_loop3A_306 : vector<16xi32>
        %parallel_loop3A_308 = vector.bitcast %parallel_loop3A_303 : vector<16xf32> to vector<16xi32>
        %parallel_loop3A_309 = arith.ori %parallel_loop3A_308, %parallel_loop3A_307 : vector<16xi32>
        %parallel_loop3A_310 = vector.bitcast %parallel_loop3A_309 : vector<16xi32> to vector<16xf32>
        %parallel_loop3A_311 = arith.index_cast %parallel_loop3A_277 : i32 to index
        %parallel_loop3A_312 = tpu.vector_load %arg21[%parallel_loop3A_311] {strides = array<i32>} : memref<12288xi32, #tpu.memory_space<vmem>>, vector<16xi32>,
        tpu.vector_store_idx %arg12[%parallel_loop3A_312], %parallel_loop3A_310 : memref<12288xf32, #tpu.memory_space<vmem>>[vector<16xi32>], vector<16xf32>,
        %parallel_loop3A_313 = arith.constant 48 : i32
        %parallel_loop3A_314 = arith.muli %parallel_loop3A_234, %parallel_loop3A_313 : i32
        %parallel_loop3A_315 = arith.constant 32 : i32
        %parallel_loop3A_316 = arith.addi %parallel_loop3A_314, %parallel_loop3A_315 : i32
        %parallel_loop3A_317 = arith.constant 16 : i32
        %parallel_loop3A_318 = arith.muli %parallel_loop3A_234, %parallel_loop3A_317 : i32
        %parallel_loop3A_319 = vector.broadcast %parallel_loop3A_318 : i32 to vector<16xi32>
        %parallel_loop3A_320 = arith.addi %select_n3A_94, %parallel_loop3A_319 : vector<16xi32>
        %parallel_loop3A_321 = arith.index_cast %parallel_loop3A_316 : i32 to index
        %parallel_loop3A_322 = tpu.vector_load %arg16[%parallel_loop3A_321] {strides = array<i32>} : memref<12288xf32, #tpu.memory_space<vmem>>, vector<16xf32>,
        %parallel_loop3A_323 = tpu.vector_load_idx %arg15[%parallel_loop3A_320] : memref<4096xf32, #tpu.memory_space<vmem>>[vector<16xi32>], vector<16xf32>,
        %parallel_loop3A_324 = arith.mulf %parallel_loop3A_322, %parallel_loop3A_323 : vector<16xf32>
        %parallel_loop3A_325 = math.absf %parallel_loop3A_324 : vector<16xf32>
        %parallel_loop3A_326 = arith.constant 0.000000e+00 : f32
        %parallel_loop3A_327 = vector.broadcast %parallel_loop3A_326 : f32 to vector<16xf32>
        %parallel_loop3A_328 = arith.subf %parallel_loop3A_327, %parallel_loop3A_325 : vector<16xf32>
        %parallel_loop3A_329 = math.exp %parallel_loop3A_328 : vector<16xf32>
        %parallel_loop3A_330 = arith.constant 1.000000e+00 : f32
        %parallel_loop3A_331 = vector.broadcast %parallel_loop3A_330 : f32 to vector<16xf32>
        %parallel_loop3A_332 = arith.subf %parallel_loop3A_331, %parallel_loop3A_329 : vector<16xf32>
        %parallel_loop3A_333 = arith.constant 1.000000e+00 : f32
        %parallel_loop3A_334 = vector.broadcast %parallel_loop3A_333 : f32 to vector<16xf32>
        %parallel_loop3A_335 = arith.addf %parallel_loop3A_334, %parallel_loop3A_329 : vector<16xf32>
        %parallel_loop3A_336 = arith.divf %parallel_loop3A_332, %parallel_loop3A_335 : vector<16xf32>
        %parallel_loop3A_337 = arith.constant 0.999998986 : f32
        %parallel_loop3A_338 = vector.broadcast %parallel_loop3A_337 : f32 to vector<16xf32>
        %parallel_loop3A_339 = arith.minimumf %parallel_loop3A_336, %parallel_loop3A_338 : vector<16xf32>
        %parallel_loop3A_340 = arith.constant 9.99999996E-13 : f32
        %parallel_loop3A_341 = vector.broadcast %parallel_loop3A_340 : f32 to vector<16xf32>
        %parallel_loop3A_342 = arith.addf %parallel_loop3A_339, %parallel_loop3A_341 : vector<16xf32>
        %parallel_loop3A_343 = vector.bitcast %parallel_loop3A_324 : vector<16xf32> to vector<16xi32>
        %parallel_loop3A_344 = arith.constant -2147483648 : i32
        %parallel_loop3A_345 = vector.broadcast %parallel_loop3A_344 : i32 to vector<16xi32>
        %parallel_loop3A_346 = arith.andi %parallel_loop3A_343, %parallel_loop3A_345 : vector<16xi32>
        %parallel_loop3A_347 = vector.bitcast %parallel_loop3A_342 : vector<16xf32> to vector<16xi32>
        %parallel_loop3A_348 = arith.ori %parallel_loop3A_347, %parallel_loop3A_346 : vector<16xi32>
        %parallel_loop3A_349 = vector.bitcast %parallel_loop3A_348 : vector<16xi32> to vector<16xf32>
        %parallel_loop3A_350 = arith.index_cast %parallel_loop3A_316 : i32 to index
        %parallel_loop3A_351 = tpu.vector_load %arg21[%parallel_loop3A_350] {strides = array<i32>} : memref<12288xi32, #tpu.memory_space<vmem>>, vector<16xi32>,
        tpu.vector_store_idx %arg12[%parallel_loop3A_351], %parallel_loop3A_349 : memref<12288xf32, #tpu.memory_space<vmem>>[vector<16xi32>], vector<16xf32>,
      } {sc.loop_unroll_factor = 4 : i64, sc.parallel_access}
      %dma_start3A_142 = arith.constant 1 : i32
      %dma_start3A_143 = arith.constant 0 : i32
      %dma_start3A_144 = tpu.memref_slice %arg3[%dma_start3A_142, %dma_start3A_143] : memref<10x12288xf32, #tpu.memory_space<hbm>> -> memref<1x12288xf32, #tpu.memory_space<hbm>>
      %dma_start3A_145 = tpu.memref_squeeze %dma_start3A_144 : memref<1x12288xf32, #tpu.memory_space<hbm>> -> memref<12288xf32, #tpu.memory_space<hbm>>
      %dma_start3A_146 = arith.constant 0 : i32
      %dma_start3A_147 = tpu.memref_slice %arg3[%dma_start3A_142, %dma_start3A_146] : memref<10x12288xf32, #tpu.memory_space<hbm>> -> memref<1x12288xf32, #tpu.memory_space<hbm>>
      %dma_start3A_148 = tpu.memref_squeeze %dma_start3A_147 : memref<1x12288xf32, #tpu.memory_space<hbm>> -> memref<12288xf32, #tpu.memory_space<hbm>>
      tpu.enqueue_dma source(%dma_start3A_148 : memref<12288xf32, #tpu.memory_space<hbm>>) target(%arg16 : memref<12288xf32, #tpu.memory_space<vmem>>) target_semaphore(%arg24 : memref<!tpu.dma_semaphore, #tpu.memory_space<semaphore_mem>>)
      %dma_wait3A_149 = arith.constant 0 : i32
      %dma_wait3A_150 = arith.constant 0 : i32
      %dma_wait3A_151 = tpu.memref_slice %arg6[%dma_wait3A_149, %dma_wait3A_150] : memref<10x12288xf32, #tpu.memory_space<hbm>> -> memref<1x12288xf32, #tpu.memory_space<hbm>>
      %dma_wait3A_152 = tpu.memref_squeeze %dma_wait3A_151 : memref<1x12288xf32, #tpu.memory_space<hbm>> -> memref<12288xf32, #tpu.memory_space<hbm>>
      %dma_wait3A_153 = arith.constant 0 : i32
      %dma_wait3A_154 = tpu.memref_slice %arg6[%dma_wait3A_149, %dma_wait3A_153] : memref<10x12288xf32, #tpu.memory_space<hbm>> -> memref<1x12288xf32, #tpu.memory_space<hbm>>
      %dma_wait3A_155 = tpu.memref_squeeze %dma_wait3A_154 : memref<1x12288xf32, #tpu.memory_space<hbm>> -> memref<12288xf32, #tpu.memory_space<hbm>>
      tpu.wait_dma2 semaphore(%arg26 : memref<!tpu.dma_semaphore, #tpu.memory_space<semaphore_mem>>) src(%dma_wait3A_155 : memref<12288xf32, #tpu.memory_space<hbm>>) dst(%arg18 : memref<12288xf32, #tpu.memory_space<vmem>>)
      %parallel_loop3A_156 = arith.constant 0 : i32
      %parallel_loop3A_157 = arith.constant 128 : i32
      %parallel_loop3A_158 = arith.constant 1 : i32
      scf.for %parallel_loop3A_234 = %parallel_loop3A_156 to %parallel_loop3A_157 step %parallel_loop3A_158  : i32 {
        %parallel_loop3A_235 = arith.constant 16 : i32
        %parallel_loop3A_236 = arith.muli %parallel_loop3A_234, %parallel_loop3A_235 : i32
        %parallel_loop3A_237 = vector.broadcast %parallel_loop3A_236 : i32 to vector<16xi32>
        %parallel_loop3A_238 = arith.addi %parallel_loop3A_237, %iota3A : vector<16xi32>
        %parallel_loop3A_239 = arith.constant 6 : i32
        %parallel_loop3A_240 = vector.broadcast %parallel_loop3A_239 : i32 to vector<16xi32>
        %parallel_loop3A_241 = arith.muli %parallel_loop3A_238, %parallel_loop3A_240 : vector<16xi32>
        %parallel_loop3A_242 = tpu.vector_load_idx %arg12[%parallel_loop3A_241] : memref<12288xf32, #tpu.memory_space<vmem>>[vector<16xi32>], vector<16xf32>,
        %parallel_loop3A_243 = arith.constant 1 : i32
        %parallel_loop3A_244 = vector.broadcast %parallel_loop3A_243 : i32 to vector<16xi32>
        %parallel_loop3A_245 = arith.addi %parallel_loop3A_241, %parallel_loop3A_244 : vector<16xi32>
        %parallel_loop3A_246 = tpu.vector_load_idx %arg12[%parallel_loop3A_245] : memref<12288xf32, #tpu.memory_space<vmem>>[vector<16xi32>], vector<16xf32>,
        %parallel_loop3A_247 = arith.constant 2 : i32
        %parallel_loop3A_248 = vector.broadcast %parallel_loop3A_247 : i32 to vector<16xi32>
        %parallel_loop3A_249 = arith.addi %parallel_loop3A_241, %parallel_loop3A_248 : vector<16xi32>
        %parallel_loop3A_250 = tpu.vector_load_idx %arg12[%parallel_loop3A_249] : memref<12288xf32, #tpu.memory_space<vmem>>[vector<16xi32>], vector<16xf32>,
        %parallel_loop3A_251 = arith.constant 3 : i32
        %parallel_loop3A_252 = vector.broadcast %parallel_loop3A_251 : i32 to vector<16xi32>
        %parallel_loop3A_253 = arith.addi %parallel_loop3A_241, %parallel_loop3A_252 : vector<16xi32>
        %parallel_loop3A_254 = tpu.vector_load_idx %arg12[%parallel_loop3A_253] : memref<12288xf32, #tpu.memory_space<vmem>>[vector<16xi32>], vector<16xf32>,
        %parallel_loop3A_255 = arith.constant 4 : i32
        %parallel_loop3A_256 = vector.broadcast %parallel_loop3A_255 : i32 to vector<16xi32>
        %parallel_loop3A_257 = arith.addi %parallel_loop3A_241, %parallel_loop3A_256 : vector<16xi32>
        %parallel_loop3A_258 = tpu.vector_load_idx %arg12[%parallel_loop3A_257] : memref<12288xf32, #tpu.memory_space<vmem>>[vector<16xi32>], vector<16xf32>,
        %parallel_loop3A_259 = arith.constant 5 : i32
        %parallel_loop3A_260 = vector.broadcast %parallel_loop3A_259 : i32 to vector<16xi32>
        %parallel_loop3A_261 = arith.addi %parallel_loop3A_241, %parallel_loop3A_260 : vector<16xi32>
        %parallel_loop3A_262 = tpu.vector_load_idx %arg12[%parallel_loop3A_261] : memref<12288xf32, #tpu.memory_space<vmem>>[vector<16xi32>], vector<16xf32>,
        %parallel_loop3A_263 = arith.mulf %parallel_loop3A_242, %parallel_loop3A_246 : vector<16xf32>
        %parallel_loop3A_264 = arith.mulf %parallel_loop3A_250, %parallel_loop3A_254 : vector<16xf32>
        %parallel_loop3A_265 = arith.mulf %parallel_loop3A_263, %parallel_loop3A_264 : vector<16xf32>
        %parallel_loop3A_266 = arith.mulf %parallel_loop3A_258, %parallel_loop3A_262 : vector<16xf32>
        %parallel_loop3A_267 = arith.mulf %parallel_loop3A_265, %parallel_loop3A_266 : vector<16xf32>
        %parallel_loop3A_268 = arith.constant 16 : i32
        %parallel_loop3A_269 = arith.muli %parallel_loop3A_234, %parallel_loop3A_268 : i32
        %parallel_loop3A_270 = arith.index_cast %parallel_loop3A_269 : i32 to index
        %parallel_loop3A_271 = tpu.vector_load %arg14[%parallel_loop3A_270] {strides = array<i32>} : memref<2048xf32, #tpu.memory_space<vmem>>, vector<16xf32>,
        tpu.vector_store %arg14[%parallel_loop3A_270], %parallel_loop3A_267 {strides = array<i32>} : memref<2048xf32, #tpu.memory_space<vmem>>, vector<16xf32>,
      } {sc.loop_unroll_factor = 8 : i64, sc.parallel_access}
      %parallel_loop3A_159 = arith.constant 0 : i32
      %parallel_loop3A_160 = arith.constant 768 : i32
      %parallel_loop3A_161 = arith.constant 1 : i32
      scf.for %parallel_loop3A_234 = %parallel_loop3A_159 to %parallel_loop3A_160 step %parallel_loop3A_161  : i32 {
        %parallel_loop3A_235 = arith.constant 16 : i32
        %parallel_loop3A_236 = arith.muli %parallel_loop3A_234, %parallel_loop3A_235 : i32
        %parallel_loop3A_237 = arith.index_cast %parallel_loop3A_236 : i32 to index
        %parallel_loop3A_238 = tpu.vector_load %arg22[%parallel_loop3A_237] {strides = array<i32>} : memref<12288xi32, #tpu.memory_space<vmem>>, vector<16xi32>,
        %parallel_loop3A_239 = tpu.vector_load_idx %arg14[%parallel_loop3A_238] : memref<2048xf32, #tpu.memory_space<vmem>>[vector<16xi32>], vector<16xf32>,
        %parallel_loop3A_240 = arith.index_cast %parallel_loop3A_236 : i32 to index
        %parallel_loop3A_241 = tpu.vector_load %arg12[%parallel_loop3A_240] {strides = array<i32>} : memref<12288xf32, #tpu.memory_space<vmem>>, vector<16xf32>,
        %parallel_loop3A_242 = arith.addf %parallel_loop3A_241, %parallel_loop3A_239 : vector<16xf32>
        %parallel_loop3A_243 = arith.subf %parallel_loop3A_241, %parallel_loop3A_239 : vector<16xf32>
        %parallel_loop3A_244 = arith.divf %parallel_loop3A_242, %parallel_loop3A_243 : vector<16xf32>
        %parallel_loop3A_245 = vector.bitcast %parallel_loop3A_244 : vector<16xf32> to vector<16xi32>
        %parallel_loop3A_246 = arith.constant 1060439283 : i32
        %parallel_loop3A_247 = vector.broadcast %parallel_loop3A_246 : i32 to vector<16xi32>
        %parallel_loop3A_248 = arith.subi %parallel_loop3A_245, %parallel_loop3A_247 : vector<16xi32>
        %parallel_loop3A_249 = arith.constant 23 : i32
        %parallel_loop3A_250 = vector.broadcast %parallel_loop3A_249 : i32 to vector<16xi32>
        %parallel_loop3A_251 = arith.shrsi %parallel_loop3A_248, %parallel_loop3A_250 : vector<16xi32>
        %parallel_loop3A_252 = arith.constant 23 : i32
        %parallel_loop3A_253 = vector.broadcast %parallel_loop3A_252 : i32 to vector<16xi32>
        %parallel_loop3A_254 = arith.shli %parallel_loop3A_251, %parallel_loop3A_253 : vector<16xi32>
        %parallel_loop3A_255 = arith.subi %parallel_loop3A_245, %parallel_loop3A_254 : vector<16xi32>
        %parallel_loop3A_256 = vector.bitcast %parallel_loop3A_255 : vector<16xi32> to vector<16xf32>
        %parallel_loop3A_257 = arith.constant 1.000000e+00 : f32
        %parallel_loop3A_258 = vector.broadcast %parallel_loop3A_257 : f32 to vector<16xf32>
        %parallel_loop3A_259 = arith.subf %parallel_loop3A_256, %parallel_loop3A_258 : vector<16xf32>
        %parallel_loop3A_260 = arith.constant 1.000000e+00 : f32
        %parallel_loop3A_261 = vector.broadcast %parallel_loop3A_260 : f32 to vector<16xf32>
        %parallel_loop3A_262 = arith.addf %parallel_loop3A_256, %parallel_loop3A_261 : vector<16xf32>
        %parallel_loop3A_263 = arith.divf %parallel_loop3A_259, %parallel_loop3A_262 : vector<16xf32>
        %parallel_loop3A_264 = arith.mulf %parallel_loop3A_263, %parallel_loop3A_263 : vector<16xf32>
        %parallel_loop3A_265 = arith.constant 2.000000e-01 : f32
        %parallel_loop3A_266 = vector.broadcast %parallel_loop3A_265 : f32 to vector<16xf32>
        %parallel_loop3A_267 = arith.mulf %parallel_loop3A_264, %parallel_loop3A_266 : vector<16xf32>
        %parallel_loop3A_268 = arith.constant 0.333333343 : f32
        %parallel_loop3A_269 = vector.broadcast %parallel_loop3A_268 : f32 to vector<16xf32>
        %parallel_loop3A_270 = arith.addf %parallel_loop3A_269, %parallel_loop3A_267 : vector<16xf32>
        %parallel_loop3A_271 = arith.mulf %parallel_loop3A_264, %parallel_loop3A_270 : vector<16xf32>
        %parallel_loop3A_272 = arith.constant 1.000000e+00 : f32
        %parallel_loop3A_273 = vector.broadcast %parallel_loop3A_272 : f32 to vector<16xf32>
        %parallel_loop3A_274 = arith.addf %parallel_loop3A_273, %parallel_loop3A_271 : vector<16xf32>
        %parallel_loop3A_275 = arith.sitofp %parallel_loop3A_251 : vector<16xi32> to vector<16xf32>
        %parallel_loop3A_276 = arith.constant 0.693147182 : f32
        %parallel_loop3A_277 = vector.broadcast %parallel_loop3A_276 : f32 to vector<16xf32>
        %parallel_loop3A_278 = arith.mulf %parallel_loop3A_275, %parallel_loop3A_277 : vector<16xf32>
        %parallel_loop3A_279 = arith.addf %parallel_loop3A_263, %parallel_loop3A_263 : vector<16xf32>
        %parallel_loop3A_280 = arith.mulf %parallel_loop3A_279, %parallel_loop3A_274 : vector<16xf32>
        %parallel_loop3A_281 = arith.addf %parallel_loop3A_278, %parallel_loop3A_280 : vector<16xf32>
        %parallel_loop3A_282 = arith.index_cast %parallel_loop3A_236 : i32 to index
        %parallel_loop3A_283 = tpu.vector_load %arg20[%parallel_loop3A_282] {strides = array<i32>} : memref<12288xi32, #tpu.memory_space<vmem>>, vector<16xi32>,
        %parallel_loop3A_284 = arith.index_cast %parallel_loop3A_236 : i32 to index
        %parallel_loop3A_285 = tpu.vector_load %arg18[%parallel_loop3A_284] {strides = array<i32>} : memref<12288xf32, #tpu.memory_space<vmem>>, vector<16xf32>,
        %parallel_loop3A_286 = arith.mulf %parallel_loop3A_285, %parallel_loop3A_281 : vector<16xf32>
        tpu.vector_store_idx %arg11[%parallel_loop3A_283], %parallel_loop3A_286 : memref<12288xf32, #tpu.memory_space<vmem>>[vector<16xi32>], vector<16xf32>,
      } {sc.loop_unroll_factor = 8 : i64, sc.parallel_access}
      %dma_start3A_162 = arith.constant 1 : i32
      %dma_start3A_163 = arith.constant 0 : i32
      %dma_start3A_164 = tpu.memref_slice %arg6[%dma_start3A_162, %dma_start3A_163] : memref<10x12288xf32, #tpu.memory_space<hbm>> -> memref<1x12288xf32, #tpu.memory_space<hbm>>
      %dma_start3A_165 = tpu.memref_squeeze %dma_start3A_164 : memref<1x12288xf32, #tpu.memory_space<hbm>> -> memref<12288xf32, #tpu.memory_space<hbm>>
      %dma_start3A_166 = arith.constant 0 : i32
      %dma_start3A_167 = tpu.memref_slice %arg6[%dma_start3A_162, %dma_start3A_166] : memref<10x12288xf32, #tpu.memory_space<hbm>> -> memref<1x12288xf32, #tpu.memory_space<hbm>>
      %dma_start3A_168 = tpu.memref_squeeze %dma_start3A_167 : memref<1x12288xf32, #tpu.memory_space<hbm>> -> memref<12288xf32, #tpu.memory_space<hbm>>
      tpu.enqueue_dma source(%dma_start3A_168 : memref<12288xf32, #tpu.memory_space<hbm>>) target(%arg18 : memref<12288xf32, #tpu.memory_space<vmem>>) target_semaphore(%arg26 : memref<!tpu.dma_semaphore, #tpu.memory_space<semaphore_mem>>)
      %dma_wait3A_169 = arith.constant 0 : i32
      %dma_wait3A_170 = arith.constant 0 : i32
      %dma_wait3A_171 = tpu.memref_slice %arg4[%dma_wait3A_169, %dma_wait3A_170] : memref<10x4096xf32, #tpu.memory_space<hbm>> -> memref<1x4096xf32, #tpu.memory_space<hbm>>
      %dma_wait3A_172 = tpu.memref_squeeze %dma_wait3A_171 : memref<1x4096xf32, #tpu.memory_space<hbm>> -> memref<4096xf32, #tpu.memory_space<hbm>>
      %dma_wait3A_173 = arith.constant 0 : i32
      %dma_wait3A_174 = tpu.memref_slice %arg4[%dma_wait3A_169, %dma_wait3A_173] : memref<10x4096xf32, #tpu.memory_space<hbm>> -> memref<1x4096xf32, #tpu.memory_space<hbm>>
      %dma_wait3A_175 = tpu.memref_squeeze %dma_wait3A_174 : memref<1x4096xf32, #tpu.memory_space<hbm>> -> memref<4096xf32, #tpu.memory_space<hbm>>
      tpu.wait_dma2 semaphore(%arg27 : memref<!tpu.dma_semaphore, #tpu.memory_space<semaphore_mem>>) src(%dma_wait3A_175 : memref<4096xf32, #tpu.memory_space<hbm>>) dst(%arg19 : memref<4096xf32, #tpu.memory_space<vmem>>)
      %parallel_loop3A_176 = arith.constant 0 : i32
      %parallel_loop3A_177 = arith.constant 256 : i32
      %parallel_loop3A_178 = arith.constant 1 : i32
      scf.for %parallel_loop3A_234 = %parallel_loop3A_176 to %parallel_loop3A_177 step %parallel_loop3A_178  : i32 {
        %parallel_loop3A_235 = arith.constant 16 : i32
        %parallel_loop3A_236 = arith.muli %parallel_loop3A_234, %parallel_loop3A_235 : i32
        %parallel_loop3A_237 = arith.constant 16 : i32
        %parallel_loop3A_238 = arith.muli %parallel_loop3A_234, %parallel_loop3A_237 : i32
        %parallel_loop3A_239 = vector.broadcast %parallel_loop3A_238 : i32 to vector<16xi32>
        %parallel_loop3A_240 = arith.addi %parallel_loop3A_239, %iota3A : vector<16xi32>
        %parallel_loop3A_241 = arith.constant 3 : i32
        %parallel_loop3A_242 = vector.broadcast %parallel_loop3A_241 : i32 to vector<16xi32>
        %parallel_loop3A_243 = arith.muli %parallel_loop3A_240, %parallel_loop3A_242 : vector<16xi32>
        %parallel_loop3A_244 = tpu.vector_load_idx %arg11[%parallel_loop3A_243] : memref<12288xf32, #tpu.memory_space<vmem>>[vector<16xi32>], vector<16xf32>,
        %parallel_loop3A_245 = arith.constant 1 : i32
        %parallel_loop3A_246 = vector.broadcast %parallel_loop3A_245 : i32 to vector<16xi32>
        %parallel_loop3A_247 = arith.addi %parallel_loop3A_243, %parallel_loop3A_246 : vector<16xi32>
        %parallel_loop3A_248 = tpu.vector_load_idx %arg11[%parallel_loop3A_247] : memref<12288xf32, #tpu.memory_space<vmem>>[vector<16xi32>], vector<16xf32>,
        %parallel_loop3A_249 = arith.addf %parallel_loop3A_244, %parallel_loop3A_248 : vector<16xf32>
        %parallel_loop3A_250 = arith.constant 2 : i32
        %parallel_loop3A_251 = vector.broadcast %parallel_loop3A_250 : i32 to vector<16xi32>
        %parallel_loop3A_252 = arith.addi %parallel_loop3A_243, %parallel_loop3A_251 : vector<16xi32>
        %parallel_loop3A_253 = tpu.vector_load_idx %arg11[%parallel_loop3A_252] : memref<12288xf32, #tpu.memory_space<vmem>>[vector<16xi32>], vector<16xf32>,
        %parallel_loop3A_254 = arith.addf %parallel_loop3A_249, %parallel_loop3A_253 : vector<16xf32>
        %parallel_loop3A_255 = arith.index_cast %parallel_loop3A_236 : i32 to index
        %parallel_loop3A_256 = tpu.vector_load %arg13[%parallel_loop3A_255] {strides = array<i32>} : memref<4096xf32, #tpu.memory_space<vmem>>, vector<16xf32>,
        tpu.vector_store %arg13[%parallel_loop3A_255], %parallel_loop3A_254 {strides = array<i32>} : memref<4096xf32, #tpu.memory_space<vmem>>, vector<16xf32>,
        %parallel_loop3A_257 = arith.index_cast %parallel_loop3A_236 : i32 to index
        %parallel_loop3A_258 = tpu.vector_load %arg19[%parallel_loop3A_257] {strides = array<i32>} : memref<4096xf32, #tpu.memory_space<vmem>>, vector<16xf32>,
        %parallel_loop3A_259 = arith.index_cast %parallel_loop3A_236 : i32 to index
        %parallel_loop3A_260 = tpu.vector_load %arg15[%parallel_loop3A_259] {strides = array<i32>} : memref<4096xf32, #tpu.memory_space<vmem>>, vector<16xf32>,
        %parallel_loop3A_261 = arith.mulf %parallel_loop3A_258, %parallel_loop3A_260 : vector<16xf32>
        %parallel_loop3A_262 = arith.addf %parallel_loop3A_254, %parallel_loop3A_261 : vector<16xf32>
        %parallel_loop3A_263 = arith.index_cast %parallel_loop3A_236 : i32 to index
        %parallel_loop3A_264 = tpu.vector_load %arg23[%parallel_loop3A_263] {strides = array<i32>} : memref<4096xf32, #tpu.memory_space<vmem>>, vector<16xf32>,
        tpu.vector_store %arg23[%parallel_loop3A_263], %parallel_loop3A_262 {strides = array<i32>} : memref<4096xf32, #tpu.memory_space<vmem>>, vector<16xf32>,
      } {sc.loop_unroll_factor = 8 : i64, sc.parallel_access}
      %dma_start3A_179 = arith.constant 1 : i32
      %dma_start3A_180 = arith.constant 0 : i32
      %dma_start3A_181 = tpu.memref_slice %arg4[%dma_start3A_179, %dma_start3A_180] : memref<10x4096xf32, #tpu.memory_space<hbm>> -> memref<1x4096xf32, #tpu.memory_space<hbm>>
      %dma_start3A_182 = tpu.memref_squeeze %dma_start3A_181 : memref<1x4096xf32, #tpu.memory_space<hbm>> -> memref<4096xf32, #tpu.memory_space<hbm>>
      %dma_start3A_183 = arith.constant 0 : i32
      %dma_start3A_184 = tpu.memref_slice %arg4[%dma_start3A_179, %dma_start3A_183] : memref<10x4096xf32, #tpu.memory_space<hbm>> -> memref<1x4096xf32, #tpu.memory_space<hbm>>
      %dma_start3A_185 = tpu.memref_squeeze %dma_start3A_184 : memref<1x4096xf32, #tpu.memory_space<hbm>> -> memref<4096xf32, #tpu.memory_space<hbm>>
      tpu.enqueue_dma source(%dma_start3A_185 : memref<4096xf32, #tpu.memory_space<hbm>>) target(%arg19 : memref<4096xf32, #tpu.memory_space<vmem>>) target_semaphore(%arg27 : memref<!tpu.dma_semaphore, #tpu.memory_space<semaphore_mem>>)
      %dma_start3A_186 = arith.constant 0 : i32
      %dma_start3A_187 = arith.constant 0 : i32
      %dma_start3A_188 = tpu.memref_slice %arg10[%dma_start3A_186, %add3A_106, %dma_start3A_187] : memref<10x256x4096xf32, #tpu.memory_space<hbm>> -> memref<1x1x4096xf32, #tpu.memory_space<hbm>>
      %dma_start3A_189 = tpu.memref_squeeze %dma_start3A_188 : memref<1x1x4096xf32, #tpu.memory_space<hbm>> -> memref<4096xf32, #tpu.memory_space<hbm>>
      %dma_start3A_190 = arith.constant 0 : i32
      %dma_start3A_191 = tpu.memref_slice %arg10[%dma_start3A_186, %add3A_106, %dma_start3A_190] : memref<10x256x4096xf32, #tpu.memory_space<hbm>> -> memref<1x1x4096xf32, #tpu.memory_space<hbm>>
      %dma_start3A_192 = tpu.memref_squeeze %dma_start3A_191 : memref<1x1x4096xf32, #tpu.memory_space<hbm>> -> memref<4096xf32, #tpu.memory_space<hbm>>
      tpu.enqueue_dma source(%arg23 : memref<4096xf32, #tpu.memory_space<vmem>>) target(%dma_start3A_192 : memref<4096xf32, #tpu.memory_space<hbm>>) target_semaphore(%arg28 : memref<!tpu.dma_semaphore, #tpu.memory_space<semaphore_mem>>)
      %scan3A_193 = arith.constant 0 : i32
      %scan3A_194 = arith.constant 9 : i32
      %scan3A_195 = arith.addi %scan3A_193, %scan3A_194 : i32
      %scan3A_196 = arith.constant 1 : i32
      scf.for %scan3A_234 = %scan3A_193 to %scan3A_195 step %scan3A_196  : i32 {
        %mul3A_235 = arith.constant 1 : i32
        %mul3A_236 = arith.muli %scan3A_234, %mul3A_235 : i32
        %add3A_237 = arith.constant 1 : i32
        %add3A_238 = arith.addi %add3A_237, %mul3A_236 : i32
        %add3A_239 = arith.constant 1 : i32
        %add3A_240 = arith.addi %add3A_238, %add3A_239 : i32
        %min3A = arith.constant 9 : i32
        %min3A_241 = arith.minsi %add3A_240, %min3A : i32
        %dma_wait3A_242 = arith.constant 0 : i32
        %dma_wait3A_243 = arith.constant 0 : i32
        %dma_wait3A_244 = tpu.memref_slice %arg3[%dma_wait3A_242, %dma_wait3A_243] : memref<10x12288xf32, #tpu.memory_space<hbm>> -> memref<1x12288xf32, #tpu.memory_space<hbm>>
        %dma_wait3A_245 = tpu.memref_squeeze %dma_wait3A_244 : memref<1x12288xf32, #tpu.memory_space<hbm>> -> memref<12288xf32, #tpu.memory_space<hbm>>
        %dma_wait3A_246 = arith.constant 0 : i32
        %dma_wait3A_247 = tpu.memref_slice %arg3[%dma_wait3A_242, %dma_wait3A_246] : memref<10x12288xf32, #tpu.memory_space<hbm>> -> memref<1x12288xf32, #tpu.memory_space<hbm>>
        %dma_wait3A_248 = tpu.memref_squeeze %dma_wait3A_247 : memref<1x12288xf32, #tpu.memory_space<hbm>> -> memref<12288xf32, #tpu.memory_space<hbm>>
        tpu.wait_dma2 semaphore(%arg24 : memref<!tpu.dma_semaphore, #tpu.memory_space<semaphore_mem>>) src(%dma_wait3A_248 : memref<12288xf32, #tpu.memory_space<hbm>>) dst(%arg16 : memref<12288xf32, #tpu.memory_space<vmem>>)
        %dma_wait3A_249 = arith.constant 0 : i32
        %dma_wait3A_250 = arith.constant 0 : i32
        %dma_wait3A_251 = tpu.memref_slice %arg5[%dma_wait3A_249, %dma_wait3A_250] : memref<10x12288xf32, #tpu.memory_space<hbm>> -> memref<1x12288xf32, #tpu.memory_space<hbm>>
        %dma_wait3A_252 = tpu.memref_squeeze %dma_wait3A_251 : memref<1x12288xf32, #tpu.memory_space<hbm>> -> memref<12288xf32, #tpu.memory_space<hbm>>
        %dma_wait3A_253 = arith.constant 0 : i32
        %dma_wait3A_254 = tpu.memref_slice %arg5[%dma_wait3A_249, %dma_wait3A_253] : memref<10x12288xf32, #tpu.memory_space<hbm>> -> memref<1x12288xf32, #tpu.memory_space<hbm>>
        %dma_wait3A_255 = tpu.memref_squeeze %dma_wait3A_254 : memref<1x12288xf32, #tpu.memory_space<hbm>> -> memref<12288xf32, #tpu.memory_space<hbm>>
        tpu.wait_dma2 semaphore(%arg25 : memref<!tpu.dma_semaphore, #tpu.memory_space<semaphore_mem>>) src(%dma_wait3A_255 : memref<12288xf32, #tpu.memory_space<hbm>>) dst(%arg17 : memref<12288xf32, #tpu.memory_space<vmem>>)
        %parallel_loop3A_256 = arith.constant 0 : i32
        %parallel_loop3A_257 = arith.constant 256 : i32
        %parallel_loop3A_258 = arith.constant 1 : i32
        scf.for %parallel_loop3A_320 = %parallel_loop3A_256 to %parallel_loop3A_257 step %parallel_loop3A_258  : i32 {
          %parallel_loop3A_321 = arith.constant 48 : i32
          %parallel_loop3A_322 = arith.muli %parallel_loop3A_320, %parallel_loop3A_321 : i32
          %parallel_loop3A_323 = arith.constant 0 : i32
          %parallel_loop3A_324 = arith.addi %parallel_loop3A_322, %parallel_loop3A_323 : i32
          %parallel_loop3A_325 = arith.constant 16 : i32
          %parallel_loop3A_326 = arith.muli %parallel_loop3A_320, %parallel_loop3A_325 : i32
          %parallel_loop3A_327 = vector.broadcast %parallel_loop3A_326 : i32 to vector<16xi32>
          %parallel_loop3A_328 = arith.addi %select_n3A, %parallel_loop3A_327 : vector<16xi32>
          %parallel_loop3A_329 = tpu.vector_load_idx %arg13[%parallel_loop3A_328] : memref<4096xf32, #tpu.memory_space<vmem>>[vector<16xi32>], vector<16xf32>,
          %parallel_loop3A_330 = arith.index_cast %parallel_loop3A_324 : i32 to index
          %parallel_loop3A_331 = tpu.vector_load %arg11[%parallel_loop3A_330] {strides = array<i32>} : memref<12288xf32, #tpu.memory_space<vmem>>, vector<16xf32>,
          %parallel_loop3A_332 = arith.subf %parallel_loop3A_329, %parallel_loop3A_331 : vector<16xf32>
          %parallel_loop3A_333 = arith.index_cast %parallel_loop3A_324 : i32 to index
          %parallel_loop3A_334 = tpu.vector_load %arg17[%parallel_loop3A_333] {strides = array<i32>} : memref<12288xf32, #tpu.memory_space<vmem>>, vector<16xf32>,
          %parallel_loop3A_335 = arith.mulf %parallel_loop3A_334, %parallel_loop3A_332 : vector<16xf32>
          %parallel_loop3A_336 = arith.index_cast %parallel_loop3A_324 : i32 to index
          %parallel_loop3A_337 = tpu.vector_load %arg16[%parallel_loop3A_336] {strides = array<i32>} : memref<12288xf32, #tpu.memory_space<vmem>>, vector<16xf32>,
          %parallel_loop3A_338 = tpu.vector_load_idx %arg15[%parallel_loop3A_328] : memref<4096xf32, #tpu.memory_space<vmem>>[vector<16xi32>], vector<16xf32>,
          %parallel_loop3A_339 = arith.mulf %parallel_loop3A_337, %parallel_loop3A_338 : vector<16xf32>
          %parallel_loop3A_340 = arith.addf %parallel_loop3A_335, %parallel_loop3A_339 : vector<16xf32>
          %parallel_loop3A_341 = math.absf %parallel_loop3A_340 : vector<16xf32>
          %parallel_loop3A_342 = arith.constant 0.000000e+00 : f32
          %parallel_loop3A_343 = vector.broadcast %parallel_loop3A_342 : f32 to vector<16xf32>
          %parallel_loop3A_344 = arith.subf %parallel_loop3A_343, %parallel_loop3A_341 : vector<16xf32>
          %parallel_loop3A_345 = math.exp %parallel_loop3A_344 : vector<16xf32>
          %parallel_loop3A_346 = arith.constant 1.000000e+00 : f32
          %parallel_loop3A_347 = vector.broadcast %parallel_loop3A_346 : f32 to vector<16xf32>
          %parallel_loop3A_348 = arith.subf %parallel_loop3A_347, %parallel_loop3A_345 : vector<16xf32>
          %parallel_loop3A_349 = arith.constant 1.000000e+00 : f32
          %parallel_loop3A_350 = vector.broadcast %parallel_loop3A_349 : f32 to vector<16xf32>
          %parallel_loop3A_351 = arith.addf %parallel_loop3A_350, %parallel_loop3A_345 : vector<16xf32>
          %parallel_loop3A_352 = arith.divf %parallel_loop3A_348, %parallel_loop3A_351 : vector<16xf32>
          %parallel_loop3A_353 = arith.constant 0.999998986 : f32
          %parallel_loop3A_354 = vector.broadcast %parallel_loop3A_353 : f32 to vector<16xf32>
          %parallel_loop3A_355 = arith.minimumf %parallel_loop3A_352, %parallel_loop3A_354 : vector<16xf32>
          %parallel_loop3A_356 = arith.constant 9.99999996E-13 : f32
          %parallel_loop3A_357 = vector.broadcast %parallel_loop3A_356 : f32 to vector<16xf32>
          %parallel_loop3A_358 = arith.addf %parallel_loop3A_355, %parallel_loop3A_357 : vector<16xf32>
          %parallel_loop3A_359 = vector.bitcast %parallel_loop3A_340 : vector<16xf32> to vector<16xi32>
          %parallel_loop3A_360 = arith.constant -2147483648 : i32
          %parallel_loop3A_361 = vector.broadcast %parallel_loop3A_360 : i32 to vector<16xi32>
          %parallel_loop3A_362 = arith.andi %parallel_loop3A_359, %parallel_loop3A_361 : vector<16xi32>
          %parallel_loop3A_363 = vector.bitcast %parallel_loop3A_358 : vector<16xf32> to vector<16xi32>
          %parallel_loop3A_364 = arith.ori %parallel_loop3A_363, %parallel_loop3A_362 : vector<16xi32>
          %parallel_loop3A_365 = vector.bitcast %parallel_loop3A_364 : vector<16xi32> to vector<16xf32>
          %parallel_loop3A_366 = arith.index_cast %parallel_loop3A_324 : i32 to index
          %parallel_loop3A_367 = tpu.vector_load %arg21[%parallel_loop3A_366] {strides = array<i32>} : memref<12288xi32, #tpu.memory_space<vmem>>, vector<16xi32>,
          tpu.vector_store_idx %arg12[%parallel_loop3A_367], %parallel_loop3A_365 : memref<12288xf32, #tpu.memory_space<vmem>>[vector<16xi32>], vector<16xf32>,
          %parallel_loop3A_368 = arith.constant 48 : i32
          %parallel_loop3A_369 = arith.muli %parallel_loop3A_320, %parallel_loop3A_368 : i32
          %parallel_loop3A_370 = arith.constant 16 : i32
          %parallel_loop3A_371 = arith.addi %parallel_loop3A_369, %parallel_loop3A_370 : i32
          %parallel_loop3A_372 = arith.constant 16 : i32
          %parallel_loop3A_373 = arith.muli %parallel_loop3A_320, %parallel_loop3A_372 : i32
          %parallel_loop3A_374 = vector.broadcast %parallel_loop3A_373 : i32 to vector<16xi32>
          %parallel_loop3A_375 = arith.addi %select_n3A_60, %parallel_loop3A_374 : vector<16xi32>
          %parallel_loop3A_376 = tpu.vector_load_idx %arg13[%parallel_loop3A_375] : memref<4096xf32, #tpu.memory_space<vmem>>[vector<16xi32>], vector<16xf32>,
          %parallel_loop3A_377 = arith.index_cast %parallel_loop3A_371 : i32 to index
          %parallel_loop3A_378 = tpu.vector_load %arg11[%parallel_loop3A_377] {strides = array<i32>} : memref<12288xf32, #tpu.memory_space<vmem>>, vector<16xf32>,
          %parallel_loop3A_379 = arith.subf %parallel_loop3A_376, %parallel_loop3A_378 : vector<16xf32>
          %parallel_loop3A_380 = arith.index_cast %parallel_loop3A_371 : i32 to index
          %parallel_loop3A_381 = tpu.vector_load %arg17[%parallel_loop3A_380] {strides = array<i32>} : memref<12288xf32, #tpu.memory_space<vmem>>, vector<16xf32>,
          %parallel_loop3A_382 = arith.mulf %parallel_loop3A_381, %parallel_loop3A_379 : vector<16xf32>
          %parallel_loop3A_383 = arith.index_cast %parallel_loop3A_371 : i32 to index
          %parallel_loop3A_384 = tpu.vector_load %arg16[%parallel_loop3A_383] {strides = array<i32>} : memref<12288xf32, #tpu.memory_space<vmem>>, vector<16xf32>,
          %parallel_loop3A_385 = tpu.vector_load_idx %arg15[%parallel_loop3A_375] : memref<4096xf32, #tpu.memory_space<vmem>>[vector<16xi32>], vector<16xf32>,
          %parallel_loop3A_386 = arith.mulf %parallel_loop3A_384, %parallel_loop3A_385 : vector<16xf32>
          %parallel_loop3A_387 = arith.addf %parallel_loop3A_382, %parallel_loop3A_386 : vector<16xf32>
          %parallel_loop3A_388 = math.absf %parallel_loop3A_387 : vector<16xf32>
          %parallel_loop3A_389 = arith.constant 0.000000e+00 : f32
          %parallel_loop3A_390 = vector.broadcast %parallel_loop3A_389 : f32 to vector<16xf32>
          %parallel_loop3A_391 = arith.subf %parallel_loop3A_390, %parallel_loop3A_388 : vector<16xf32>
          %parallel_loop3A_392 = math.exp %parallel_loop3A_391 : vector<16xf32>
          %parallel_loop3A_393 = arith.constant 1.000000e+00 : f32
          %parallel_loop3A_394 = vector.broadcast %parallel_loop3A_393 : f32 to vector<16xf32>
          %parallel_loop3A_395 = arith.subf %parallel_loop3A_394, %parallel_loop3A_392 : vector<16xf32>
          %parallel_loop3A_396 = arith.constant 1.000000e+00 : f32
          %parallel_loop3A_397 = vector.broadcast %parallel_loop3A_396 : f32 to vector<16xf32>
          %parallel_loop3A_398 = arith.addf %parallel_loop3A_397, %parallel_loop3A_392 : vector<16xf32>
          %parallel_loop3A_399 = arith.divf %parallel_loop3A_395, %parallel_loop3A_398 : vector<16xf32>
          %parallel_loop3A_400 = arith.constant 0.999998986 : f32
          %parallel_loop3A_401 = vector.broadcast %parallel_loop3A_400 : f32 to vector<16xf32>
          %parallel_loop3A_402 = arith.minimumf %parallel_loop3A_399, %parallel_loop3A_401 : vector<16xf32>
          %parallel_loop3A_403 = arith.constant 9.99999996E-13 : f32
          %parallel_loop3A_404 = vector.broadcast %parallel_loop3A_403 : f32 to vector<16xf32>
          %parallel_loop3A_405 = arith.addf %parallel_loop3A_402, %parallel_loop3A_404 : vector<16xf32>
          %parallel_loop3A_406 = vector.bitcast %parallel_loop3A_387 : vector<16xf32> to vector<16xi32>
          %parallel_loop3A_407 = arith.constant -2147483648 : i32
          %parallel_loop3A_408 = vector.broadcast %parallel_loop3A_407 : i32 to vector<16xi32>
          %parallel_loop3A_409 = arith.andi %parallel_loop3A_406, %parallel_loop3A_408 : vector<16xi32>
          %parallel_loop3A_410 = vector.bitcast %parallel_loop3A_405 : vector<16xf32> to vector<16xi32>
          %parallel_loop3A_411 = arith.ori %parallel_loop3A_410, %parallel_loop3A_409 : vector<16xi32>
          %parallel_loop3A_412 = vector.bitcast %parallel_loop3A_411 : vector<16xi32> to vector<16xf32>
          %parallel_loop3A_413 = arith.index_cast %parallel_loop3A_371 : i32 to index
          %parallel_loop3A_414 = tpu.vector_load %arg21[%parallel_loop3A_413] {strides = array<i32>} : memref<12288xi32, #tpu.memory_space<vmem>>, vector<16xi32>,
          tpu.vector_store_idx %arg12[%parallel_loop3A_414], %parallel_loop3A_412 : memref<12288xf32, #tpu.memory_space<vmem>>[vector<16xi32>], vector<16xf32>,
          %parallel_loop3A_415 = arith.constant 48 : i32
          %parallel_loop3A_416 = arith.muli %parallel_loop3A_320, %parallel_loop3A_415 : i32
          %parallel_loop3A_417 = arith.constant 32 : i32
          %parallel_loop3A_418 = arith.addi %parallel_loop3A_416, %parallel_loop3A_417 : i32
          %parallel_loop3A_419 = arith.constant 16 : i32
          %parallel_loop3A_420 = arith.muli %parallel_loop3A_320, %parallel_loop3A_419 : i32
          %parallel_loop3A_421 = vector.broadcast %parallel_loop3A_420 : i32 to vector<16xi32>
          %parallel_loop3A_422 = arith.addi %select_n3A_94, %parallel_loop3A_421 : vector<16xi32>
          %parallel_loop3A_423 = tpu.vector_load_idx %arg13[%parallel_loop3A_422] : memref<4096xf32, #tpu.memory_space<vmem>>[vector<16xi32>], vector<16xf32>,
          %parallel_loop3A_424 = arith.index_cast %parallel_loop3A_418 : i32 to index
          %parallel_loop3A_425 = tpu.vector_load %arg11[%parallel_loop3A_424] {strides = array<i32>} : memref<12288xf32, #tpu.memory_space<vmem>>, vector<16xf32>,
          %parallel_loop3A_426 = arith.subf %parallel_loop3A_423, %parallel_loop3A_425 : vector<16xf32>
          %parallel_loop3A_427 = arith.index_cast %parallel_loop3A_418 : i32 to index
          %parallel_loop3A_428 = tpu.vector_load %arg17[%parallel_loop3A_427] {strides = array<i32>} : memref<12288xf32, #tpu.memory_space<vmem>>, vector<16xf32>,
          %parallel_loop3A_429 = arith.mulf %parallel_loop3A_428, %parallel_loop3A_426 : vector<16xf32>
          %parallel_loop3A_430 = arith.index_cast %parallel_loop3A_418 : i32 to index
          %parallel_loop3A_431 = tpu.vector_load %arg16[%parallel_loop3A_430] {strides = array<i32>} : memref<12288xf32, #tpu.memory_space<vmem>>, vector<16xf32>,
          %parallel_loop3A_432 = tpu.vector_load_idx %arg15[%parallel_loop3A_422] : memref<4096xf32, #tpu.memory_space<vmem>>[vector<16xi32>], vector<16xf32>,
          %parallel_loop3A_433 = arith.mulf %parallel_loop3A_431, %parallel_loop3A_432 : vector<16xf32>
          %parallel_loop3A_434 = arith.addf %parallel_loop3A_429, %parallel_loop3A_433 : vector<16xf32>
          %parallel_loop3A_435 = math.absf %parallel_loop3A_434 : vector<16xf32>
          %parallel_loop3A_436 = arith.constant 0.000000e+00 : f32
          %parallel_loop3A_437 = vector.broadcast %parallel_loop3A_436 : f32 to vector<16xf32>
          %parallel_loop3A_438 = arith.subf %parallel_loop3A_437, %parallel_loop3A_435 : vector<16xf32>
          %parallel_loop3A_439 = math.exp %parallel_loop3A_438 : vector<16xf32>
          %parallel_loop3A_440 = arith.constant 1.000000e+00 : f32
          %parallel_loop3A_441 = vector.broadcast %parallel_loop3A_440 : f32 to vector<16xf32>
          %parallel_loop3A_442 = arith.subf %parallel_loop3A_441, %parallel_loop3A_439 : vector<16xf32>
          %parallel_loop3A_443 = arith.constant 1.000000e+00 : f32
          %parallel_loop3A_444 = vector.broadcast %parallel_loop3A_443 : f32 to vector<16xf32>
          %parallel_loop3A_445 = arith.addf %parallel_loop3A_444, %parallel_loop3A_439 : vector<16xf32>
          %parallel_loop3A_446 = arith.divf %parallel_loop3A_442, %parallel_loop3A_445 : vector<16xf32>
          %parallel_loop3A_447 = arith.constant 0.999998986 : f32
          %parallel_loop3A_448 = vector.broadcast %parallel_loop3A_447 : f32 to vector<16xf32>
          %parallel_loop3A_449 = arith.minimumf %parallel_loop3A_446, %parallel_loop3A_448 : vector<16xf32>
          %parallel_loop3A_450 = arith.constant 9.99999996E-13 : f32
          %parallel_loop3A_451 = vector.broadcast %parallel_loop3A_450 : f32 to vector<16xf32>
          %parallel_loop3A_452 = arith.addf %parallel_loop3A_449, %parallel_loop3A_451 : vector<16xf32>
          %parallel_loop3A_453 = vector.bitcast %parallel_loop3A_434 : vector<16xf32> to vector<16xi32>
          %parallel_loop3A_454 = arith.constant -2147483648 : i32
          %parallel_loop3A_455 = vector.broadcast %parallel_loop3A_454 : i32 to vector<16xi32>
          %parallel_loop3A_456 = arith.andi %parallel_loop3A_453, %parallel_loop3A_455 : vector<16xi32>
          %parallel_loop3A_457 = vector.bitcast %parallel_loop3A_452 : vector<16xf32> to vector<16xi32>
          %parallel_loop3A_458 = arith.ori %parallel_loop3A_457, %parallel_loop3A_456 : vector<16xi32>
          %parallel_loop3A_459 = vector.bitcast %parallel_loop3A_458 : vector<16xi32> to vector<16xf32>
          %parallel_loop3A_460 = arith.index_cast %parallel_loop3A_418 : i32 to index
          %parallel_loop3A_461 = tpu.vector_load %arg21[%parallel_loop3A_460] {strides = array<i32>} : memref<12288xi32, #tpu.memory_space<vmem>>, vector<16xi32>,
          tpu.vector_store_idx %arg12[%parallel_loop3A_461], %parallel_loop3A_459 : memref<12288xf32, #tpu.memory_space<vmem>>[vector<16xi32>], vector<16xf32>,
        } {sc.loop_unroll_factor = 4 : i64, sc.parallel_access}
        %dma_start3A_259 = arith.constant 0 : i32
        %dma_start3A_260 = tpu.memref_slice %arg3[%min3A_241, %dma_start3A_259] : memref<10x12288xf32, #tpu.memory_space<hbm>> -> memref<1x12288xf32, #tpu.memory_space<hbm>>
        %dma_start3A_261 = tpu.memref_squeeze %dma_start3A_260 : memref<1x12288xf32, #tpu.memory_space<hbm>> -> memref<12288xf32, #tpu.memory_space<hbm>>
        %dma_start3A_262 = arith.constant 0 : i32
        %dma_start3A_263 = tpu.memref_slice %arg3[%min3A_241, %dma_start3A_262] : memref<10x12288xf32, #tpu.memory_space<hbm>> -> memref<1x12288xf32, #tpu.memory_space<hbm>>
        %dma_start3A_264 = tpu.memref_squeeze %dma_start3A_263 : memref<1x12288xf32, #tpu.memory_space<hbm>> -> memref<12288xf32, #tpu.memory_space<hbm>>
        tpu.enqueue_dma source(%dma_start3A_264 : memref<12288xf32, #tpu.memory_space<hbm>>) target(%arg16 : memref<12288xf32, #tpu.memory_space<vmem>>) target_semaphore(%arg24 : memref<!tpu.dma_semaphore, #tpu.memory_space<semaphore_mem>>)
        %dma_start3A_265 = arith.constant 0 : i32
        %dma_start3A_266 = tpu.memref_slice %arg5[%min3A_241, %dma_start3A_265] : memref<10x12288xf32, #tpu.memory_space<hbm>> -> memref<1x12288xf32, #tpu.memory_space<hbm>>
        %dma_start3A_267 = tpu.memref_squeeze %dma_start3A_266 : memref<1x12288xf32, #tpu.memory_space<hbm>> -> memref<12288xf32, #tpu.memory_space<hbm>>
        %dma_start3A_268 = arith.constant 0 : i32
        %dma_start3A_269 = tpu.memref_slice %arg5[%min3A_241, %dma_start3A_268] : memref<10x12288xf32, #tpu.memory_space<hbm>> -> memref<1x12288xf32, #tpu.memory_space<hbm>>
        %dma_start3A_270 = tpu.memref_squeeze %dma_start3A_269 : memref<1x12288xf32, #tpu.memory_space<hbm>> -> memref<12288xf32, #tpu.memory_space<hbm>>
        tpu.enqueue_dma source(%dma_start3A_270 : memref<12288xf32, #tpu.memory_space<hbm>>) target(%arg17 : memref<12288xf32, #tpu.memory_space<vmem>>) target_semaphore(%arg25 : memref<!tpu.dma_semaphore, #tpu.memory_space<semaphore_mem>>)
        %dma_wait3A_271 = arith.constant 0 : i32
        %dma_wait3A_272 = arith.constant 0 : i32
        %dma_wait3A_273 = arith.constant 0 : i32
        %dma_wait3A_274 = tpu.memref_slice %arg10[%dma_wait3A_271, %dma_wait3A_272, %dma_wait3A_273] : memref<10x256x4096xf32, #tpu.memory_space<hbm>> -> memref<1x1x4096xf32, #tpu.memory_space<hbm>>
        %dma_wait3A_275 = tpu.memref_squeeze %dma_wait3A_274 : memref<1x1x4096xf32, #tpu.memory_space<hbm>> -> memref<4096xf32, #tpu.memory_space<hbm>>
        %dma_wait3A_276 = arith.constant 0 : i32
        %dma_wait3A_277 = tpu.memref_slice %arg10[%dma_wait3A_271, %dma_wait3A_272, %dma_wait3A_276] : memref<10x256x4096xf32, #tpu.memory_space<hbm>> -> memref<1x1x4096xf32, #tpu.memory_space<hbm>>
        %dma_wait3A_278 = tpu.memref_squeeze %dma_wait3A_277 : memref<1x1x4096xf32, #tpu.memory_space<hbm>> -> memref<4096xf32, #tpu.memory_space<hbm>>
        tpu.wait_dma2 semaphore(%arg28 : memref<!tpu.dma_semaphore, #tpu.memory_space<semaphore_mem>>) src(%arg23 : memref<4096xf32, #tpu.memory_space<vmem>>) dst(%dma_wait3A_278 : memref<4096xf32, #tpu.memory_space<hbm>>)
        %dma_wait3A_279 = arith.constant 0 : i32
        %dma_wait3A_280 = arith.constant 0 : i32
        %dma_wait3A_281 = tpu.memref_slice %arg6[%dma_wait3A_279, %dma_wait3A_280] : memref<10x12288xf32, #tpu.memory_space<hbm>> -> memref<1x12288xf32, #tpu.memory_space<hbm>>
        %dma_wait3A_282 = tpu.memref_squeeze %dma_wait3A_281 : memref<1x12288xf32, #tpu.memory_space<hbm>> -> memref<12288xf32, #tpu.memory_space<hbm>>
        %dma_wait3A_283 = arith.constant 0 : i32
        %dma_wait3A_284 = tpu.memref_slice %arg6[%dma_wait3A_279, %dma_wait3A_283] : memref<10x12288xf32, #tpu.memory_space<hbm>> -> memref<1x12288xf32, #tpu.memory_space<hbm>>
        %dma_wait3A_285 = tpu.memref_squeeze %dma_wait3A_284 : memref<1x12288xf32, #tpu.memory_space<hbm>> -> memref<12288xf32, #tpu.memory_space<hbm>>
        tpu.wait_dma2 semaphore(%arg26 : memref<!tpu.dma_semaphore, #tpu.memory_space<semaphore_mem>>) src(%dma_wait3A_285 : memref<12288xf32, #tpu.memory_space<hbm>>) dst(%arg18 : memref<12288xf32, #tpu.memory_space<vmem>>)
        %parallel_loop3A_286 = arith.constant 0 : i32
        %parallel_loop3A_287 = arith.constant 128 : i32
        %parallel_loop3A_288 = arith.constant 1 : i32
        scf.for %parallel_loop3A_320 = %parallel_loop3A_286 to %parallel_loop3A_287 step %parallel_loop3A_288  : i32 {
          %parallel_loop3A_321 = arith.constant 16 : i32
          %parallel_loop3A_322 = arith.muli %parallel_loop3A_320, %parallel_loop3A_321 : i32
          %parallel_loop3A_323 = vector.broadcast %parallel_loop3A_322 : i32 to vector<16xi32>
          %parallel_loop3A_324 = arith.addi %parallel_loop3A_323, %iota3A : vector<16xi32>
          %parallel_loop3A_325 = arith.constant 6 : i32
          %parallel_loop3A_326 = vector.broadcast %parallel_loop3A_325 : i32 to vector<16xi32>
          %parallel_loop3A_327 = arith.muli %parallel_loop3A_324, %parallel_loop3A_326 : vector<16xi32>
          %parallel_loop3A_328 = tpu.vector_load_idx %arg12[%parallel_loop3A_327] : memref<12288xf32, #tpu.memory_space<vmem>>[vector<16xi32>], vector<16xf32>,
          %parallel_loop3A_329 = arith.constant 1 : i32
          %parallel_loop3A_330 = vector.broadcast %parallel_loop3A_329 : i32 to vector<16xi32>
          %parallel_loop3A_331 = arith.addi %parallel_loop3A_327, %parallel_loop3A_330 : vector<16xi32>
          %parallel_loop3A_332 = tpu.vector_load_idx %arg12[%parallel_loop3A_331] : memref<12288xf32, #tpu.memory_space<vmem>>[vector<16xi32>], vector<16xf32>,
          %parallel_loop3A_333 = arith.constant 2 : i32
          %parallel_loop3A_334 = vector.broadcast %parallel_loop3A_333 : i32 to vector<16xi32>
          %parallel_loop3A_335 = arith.addi %parallel_loop3A_327, %parallel_loop3A_334 : vector<16xi32>
          %parallel_loop3A_336 = tpu.vector_load_idx %arg12[%parallel_loop3A_335] : memref<12288xf32, #tpu.memory_space<vmem>>[vector<16xi32>], vector<16xf32>,
          %parallel_loop3A_337 = arith.constant 3 : i32
          %parallel_loop3A_338 = vector.broadcast %parallel_loop3A_337 : i32 to vector<16xi32>
          %parallel_loop3A_339 = arith.addi %parallel_loop3A_327, %parallel_loop3A_338 : vector<16xi32>
          %parallel_loop3A_340 = tpu.vector_load_idx %arg12[%parallel_loop3A_339] : memref<12288xf32, #tpu.memory_space<vmem>>[vector<16xi32>], vector<16xf32>,
          %parallel_loop3A_341 = arith.constant 4 : i32
          %parallel_loop3A_342 = vector.broadcast %parallel_loop3A_341 : i32 to vector<16xi32>
          %parallel_loop3A_343 = arith.addi %parallel_loop3A_327, %parallel_loop3A_342 : vector<16xi32>
          %parallel_loop3A_344 = tpu.vector_load_idx %arg12[%parallel_loop3A_343] : memref<12288xf32, #tpu.memory_space<vmem>>[vector<16xi32>], vector<16xf32>,
          %parallel_loop3A_345 = arith.constant 5 : i32
          %parallel_loop3A_346 = vector.broadcast %parallel_loop3A_345 : i32 to vector<16xi32>
          %parallel_loop3A_347 = arith.addi %parallel_loop3A_327, %parallel_loop3A_346 : vector<16xi32>
          %parallel_loop3A_348 = tpu.vector_load_idx %arg12[%parallel_loop3A_347] : memref<12288xf32, #tpu.memory_space<vmem>>[vector<16xi32>], vector<16xf32>,
          %parallel_loop3A_349 = arith.mulf %parallel_loop3A_328, %parallel_loop3A_332 : vector<16xf32>
          %parallel_loop3A_350 = arith.mulf %parallel_loop3A_336, %parallel_loop3A_340 : vector<16xf32>
          %parallel_loop3A_351 = arith.mulf %parallel_loop3A_349, %parallel_loop3A_350 : vector<16xf32>
          %parallel_loop3A_352 = arith.mulf %parallel_loop3A_344, %parallel_loop3A_348 : vector<16xf32>
          %parallel_loop3A_353 = arith.mulf %parallel_loop3A_351, %parallel_loop3A_352 : vector<16xf32>
          %parallel_loop3A_354 = arith.constant 16 : i32
          %parallel_loop3A_355 = arith.muli %parallel_loop3A_320, %parallel_loop3A_354 : i32
          %parallel_loop3A_356 = arith.index_cast %parallel_loop3A_355 : i32 to index
          %parallel_loop3A_357 = tpu.vector_load %arg14[%parallel_loop3A_356] {strides = array<i32>} : memref<2048xf32, #tpu.memory_space<vmem>>, vector<16xf32>,
          tpu.vector_store %arg14[%parallel_loop3A_356], %parallel_loop3A_353 {strides = array<i32>} : memref<2048xf32, #tpu.memory_space<vmem>>, vector<16xf32>,
        } {sc.loop_unroll_factor = 8 : i64, sc.parallel_access}
        %parallel_loop3A_289 = arith.constant 0 : i32
        %parallel_loop3A_290 = arith.constant 768 : i32
        %parallel_loop3A_291 = arith.constant 1 : i32
        scf.for %parallel_loop3A_320 = %parallel_loop3A_289 to %parallel_loop3A_290 step %parallel_loop3A_291  : i32 {
          %parallel_loop3A_321 = arith.constant 16 : i32
          %parallel_loop3A_322 = arith.muli %parallel_loop3A_320, %parallel_loop3A_321 : i32
          %parallel_loop3A_323 = arith.index_cast %parallel_loop3A_322 : i32 to index
          %parallel_loop3A_324 = tpu.vector_load %arg22[%parallel_loop3A_323] {strides = array<i32>} : memref<12288xi32, #tpu.memory_space<vmem>>, vector<16xi32>,
          %parallel_loop3A_325 = tpu.vector_load_idx %arg14[%parallel_loop3A_324] : memref<2048xf32, #tpu.memory_space<vmem>>[vector<16xi32>], vector<16xf32>,
          %parallel_loop3A_326 = arith.index_cast %parallel_loop3A_322 : i32 to index
          %parallel_loop3A_327 = tpu.vector_load %arg12[%parallel_loop3A_326] {strides = array<i32>} : memref<12288xf32, #tpu.memory_space<vmem>>, vector<16xf32>,
          %parallel_loop3A_328 = arith.addf %parallel_loop3A_327, %parallel_loop3A_325 : vector<16xf32>
          %parallel_loop3A_329 = arith.subf %parallel_loop3A_327, %parallel_loop3A_325 : vector<16xf32>
          %parallel_loop3A_330 = arith.divf %parallel_loop3A_328, %parallel_loop3A_329 : vector<16xf32>
          %parallel_loop3A_331 = vector.bitcast %parallel_loop3A_330 : vector<16xf32> to vector<16xi32>
          %parallel_loop3A_332 = arith.constant 1060439283 : i32
          %parallel_loop3A_333 = vector.broadcast %parallel_loop3A_332 : i32 to vector<16xi32>
          %parallel_loop3A_334 = arith.subi %parallel_loop3A_331, %parallel_loop3A_333 : vector<16xi32>
          %parallel_loop3A_335 = arith.constant 23 : i32
          %parallel_loop3A_336 = vector.broadcast %parallel_loop3A_335 : i32 to vector<16xi32>
          %parallel_loop3A_337 = arith.shrsi %parallel_loop3A_334, %parallel_loop3A_336 : vector<16xi32>
          %parallel_loop3A_338 = arith.constant 23 : i32
          %parallel_loop3A_339 = vector.broadcast %parallel_loop3A_338 : i32 to vector<16xi32>
          %parallel_loop3A_340 = arith.shli %parallel_loop3A_337, %parallel_loop3A_339 : vector<16xi32>
          %parallel_loop3A_341 = arith.subi %parallel_loop3A_331, %parallel_loop3A_340 : vector<16xi32>
          %parallel_loop3A_342 = vector.bitcast %parallel_loop3A_341 : vector<16xi32> to vector<16xf32>
          %parallel_loop3A_343 = arith.constant 1.000000e+00 : f32
          %parallel_loop3A_344 = vector.broadcast %parallel_loop3A_343 : f32 to vector<16xf32>
          %parallel_loop3A_345 = arith.subf %parallel_loop3A_342, %parallel_loop3A_344 : vector<16xf32>
          %parallel_loop3A_346 = arith.constant 1.000000e+00 : f32
          %parallel_loop3A_347 = vector.broadcast %parallel_loop3A_346 : f32 to vector<16xf32>
          %parallel_loop3A_348 = arith.addf %parallel_loop3A_342, %parallel_loop3A_347 : vector<16xf32>
          %parallel_loop3A_349 = arith.divf %parallel_loop3A_345, %parallel_loop3A_348 : vector<16xf32>
          %parallel_loop3A_350 = arith.mulf %parallel_loop3A_349, %parallel_loop3A_349 : vector<16xf32>
          %parallel_loop3A_351 = arith.constant 2.000000e-01 : f32
          %parallel_loop3A_352 = vector.broadcast %parallel_loop3A_351 : f32 to vector<16xf32>
          %parallel_loop3A_353 = arith.mulf %parallel_loop3A_350, %parallel_loop3A_352 : vector<16xf32>
          %parallel_loop3A_354 = arith.constant 0.333333343 : f32
          %parallel_loop3A_355 = vector.broadcast %parallel_loop3A_354 : f32 to vector<16xf32>
          %parallel_loop3A_356 = arith.addf %parallel_loop3A_355, %parallel_loop3A_353 : vector<16xf32>
          %parallel_loop3A_357 = arith.mulf %parallel_loop3A_350, %parallel_loop3A_356 : vector<16xf32>
          %parallel_loop3A_358 = arith.constant 1.000000e+00 : f32
          %parallel_loop3A_359 = vector.broadcast %parallel_loop3A_358 : f32 to vector<16xf32>
          %parallel_loop3A_360 = arith.addf %parallel_loop3A_359, %parallel_loop3A_357 : vector<16xf32>
          %parallel_loop3A_361 = arith.sitofp %parallel_loop3A_337 : vector<16xi32> to vector<16xf32>
          %parallel_loop3A_362 = arith.constant 0.693147182 : f32
          %parallel_loop3A_363 = vector.broadcast %parallel_loop3A_362 : f32 to vector<16xf32>
          %parallel_loop3A_364 = arith.mulf %parallel_loop3A_361, %parallel_loop3A_363 : vector<16xf32>
          %parallel_loop3A_365 = arith.addf %parallel_loop3A_349, %parallel_loop3A_349 : vector<16xf32>
          %parallel_loop3A_366 = arith.mulf %parallel_loop3A_365, %parallel_loop3A_360 : vector<16xf32>
          %parallel_loop3A_367 = arith.addf %parallel_loop3A_364, %parallel_loop3A_366 : vector<16xf32>
          %parallel_loop3A_368 = arith.index_cast %parallel_loop3A_322 : i32 to index
          %parallel_loop3A_369 = tpu.vector_load %arg20[%parallel_loop3A_368] {strides = array<i32>} : memref<12288xi32, #tpu.memory_space<vmem>>, vector<16xi32>,
          %parallel_loop3A_370 = arith.index_cast %parallel_loop3A_322 : i32 to index
          %parallel_loop3A_371 = tpu.vector_load %arg18[%parallel_loop3A_370] {strides = array<i32>} : memref<12288xf32, #tpu.memory_space<vmem>>, vector<16xf32>,
          %parallel_loop3A_372 = arith.mulf %parallel_loop3A_371, %parallel_loop3A_367 : vector<16xf32>
          tpu.vector_store_idx %arg11[%parallel_loop3A_369], %parallel_loop3A_372 : memref<12288xf32, #tpu.memory_space<vmem>>[vector<16xi32>], vector<16xf32>,
        } {sc.loop_unroll_factor = 8 : i64, sc.parallel_access}
        %dma_start3A_292 = arith.constant 0 : i32
        %dma_start3A_293 = tpu.memref_slice %arg6[%min3A_241, %dma_start3A_292] : memref<10x12288xf32, #tpu.memory_space<hbm>> -> memref<1x12288xf32, #tpu.memory_space<hbm>>
        %dma_start3A_294 = tpu.memref_squeeze %dma_start3A_293 : memref<1x12288xf32, #tpu.memory_space<hbm>> -> memref<12288xf32, #tpu.memory_space<hbm>>
        %dma_start3A_295 = arith.constant 0 : i32
        %dma_start3A_296 = tpu.memref_slice %arg6[%min3A_241, %dma_start3A_295] : memref<10x12288xf32, #tpu.memory_space<hbm>> -> memref<1x12288xf32, #tpu.memory_space<hbm>>
        %dma_start3A_297 = tpu.memref_squeeze %dma_start3A_296 : memref<1x12288xf32, #tpu.memory_space<hbm>> -> memref<12288xf32, #tpu.memory_space<hbm>>
        tpu.enqueue_dma source(%dma_start3A_297 : memref<12288xf32, #tpu.memory_space<hbm>>) target(%arg18 : memref<12288xf32, #tpu.memory_space<vmem>>) target_semaphore(%arg26 : memref<!tpu.dma_semaphore, #tpu.memory_space<semaphore_mem>>)
        %dma_wait3A_298 = arith.constant 0 : i32
        %dma_wait3A_299 = arith.constant 0 : i32
        %dma_wait3A_300 = tpu.memref_slice %arg4[%dma_wait3A_298, %dma_wait3A_299] : memref<10x4096xf32, #tpu.memory_space<hbm>> -> memref<1x4096xf32, #tpu.memory_space<hbm>>
        %dma_wait3A_301 = tpu.memref_squeeze %dma_wait3A_300 : memref<1x4096xf32, #tpu.memory_space<hbm>> -> memref<4096xf32, #tpu.memory_space<hbm>>
        %dma_wait3A_302 = arith.constant 0 : i32
        %dma_wait3A_303 = tpu.memref_slice %arg4[%dma_wait3A_298, %dma_wait3A_302] : memref<10x4096xf32, #tpu.memory_space<hbm>> -> memref<1x4096xf32, #tpu.memory_space<hbm>>
        %dma_wait3A_304 = tpu.memref_squeeze %dma_wait3A_303 : memref<1x4096xf32, #tpu.memory_space<hbm>> -> memref<4096xf32, #tpu.memory_space<hbm>>
        tpu.wait_dma2 semaphore(%arg27 : memref<!tpu.dma_semaphore, #tpu.memory_space<semaphore_mem>>) src(%dma_wait3A_304 : memref<4096xf32, #tpu.memory_space<hbm>>) dst(%arg19 : memref<4096xf32, #tpu.memory_space<vmem>>)
        %parallel_loop3A_305 = arith.constant 0 : i32
        %parallel_loop3A_306 = arith.constant 256 : i32
        %parallel_loop3A_307 = arith.constant 1 : i32
        scf.for %parallel_loop3A_320 = %parallel_loop3A_305 to %parallel_loop3A_306 step %parallel_loop3A_307  : i32 {
          %parallel_loop3A_321 = arith.constant 16 : i32
          %parallel_loop3A_322 = arith.muli %parallel_loop3A_320, %parallel_loop3A_321 : i32
          %parallel_loop3A_323 = arith.constant 16 : i32
          %parallel_loop3A_324 = arith.muli %parallel_loop3A_320, %parallel_loop3A_323 : i32
          %parallel_loop3A_325 = vector.broadcast %parallel_loop3A_324 : i32 to vector<16xi32>
          %parallel_loop3A_326 = arith.addi %parallel_loop3A_325, %iota3A : vector<16xi32>
          %parallel_loop3A_327 = arith.constant 3 : i32
          %parallel_loop3A_328 = vector.broadcast %parallel_loop3A_327 : i32 to vector<16xi32>
          %parallel_loop3A_329 = arith.muli %parallel_loop3A_326, %parallel_loop3A_328 : vector<16xi32>
          %parallel_loop3A_330 = tpu.vector_load_idx %arg11[%parallel_loop3A_329] : memref<12288xf32, #tpu.memory_space<vmem>>[vector<16xi32>], vector<16xf32>,
          %parallel_loop3A_331 = arith.constant 1 : i32
          %parallel_loop3A_332 = vector.broadcast %parallel_loop3A_331 : i32 to vector<16xi32>
          %parallel_loop3A_333 = arith.addi %parallel_loop3A_329, %parallel_loop3A_332 : vector<16xi32>
          %parallel_loop3A_334 = tpu.vector_load_idx %arg11[%parallel_loop3A_333] : memref<12288xf32, #tpu.memory_space<vmem>>[vector<16xi32>], vector<16xf32>,
          %parallel_loop3A_335 = arith.addf %parallel_loop3A_330, %parallel_loop3A_334 : vector<16xf32>
          %parallel_loop3A_336 = arith.constant 2 : i32
          %parallel_loop3A_337 = vector.broadcast %parallel_loop3A_336 : i32 to vector<16xi32>
          %parallel_loop3A_338 = arith.addi %parallel_loop3A_329, %parallel_loop3A_337 : vector<16xi32>
          %parallel_loop3A_339 = tpu.vector_load_idx %arg11[%parallel_loop3A_338] : memref<12288xf32, #tpu.memory_space<vmem>>[vector<16xi32>], vector<16xf32>,
          %parallel_loop3A_340 = arith.addf %parallel_loop3A_335, %parallel_loop3A_339 : vector<16xf32>
          %parallel_loop3A_341 = arith.index_cast %parallel_loop3A_322 : i32 to index
          %parallel_loop3A_342 = tpu.vector_load %arg13[%parallel_loop3A_341] {strides = array<i32>} : memref<4096xf32, #tpu.memory_space<vmem>>, vector<16xf32>,
          tpu.vector_store %arg13[%parallel_loop3A_341], %parallel_loop3A_340 {strides = array<i32>} : memref<4096xf32, #tpu.memory_space<vmem>>, vector<16xf32>,
          %parallel_loop3A_343 = arith.index_cast %parallel_loop3A_322 : i32 to index
          %parallel_loop3A_344 = tpu.vector_load %arg19[%parallel_loop3A_343] {strides = array<i32>} : memref<4096xf32, #tpu.memory_space<vmem>>, vector<16xf32>,
          %parallel_loop3A_345 = arith.index_cast %parallel_loop3A_322 : i32 to index
          %parallel_loop3A_346 = tpu.vector_load %arg15[%parallel_loop3A_345] {strides = array<i32>} : memref<4096xf32, #tpu.memory_space<vmem>>, vector<16xf32>,
          %parallel_loop3A_347 = arith.mulf %parallel_loop3A_344, %parallel_loop3A_346 : vector<16xf32>
          %parallel_loop3A_348 = arith.addf %parallel_loop3A_340, %parallel_loop3A_347 : vector<16xf32>
          %parallel_loop3A_349 = arith.index_cast %parallel_loop3A_322 : i32 to index
          %parallel_loop3A_350 = tpu.vector_load %arg23[%parallel_loop3A_349] {strides = array<i32>} : memref<4096xf32, #tpu.memory_space<vmem>>, vector<16xf32>,
          tpu.vector_store %arg23[%parallel_loop3A_349], %parallel_loop3A_348 {strides = array<i32>} : memref<4096xf32, #tpu.memory_space<vmem>>, vector<16xf32>,
        } {sc.loop_unroll_factor = 8 : i64, sc.parallel_access}
        %dma_start3A_308 = arith.constant 0 : i32
        %dma_start3A_309 = tpu.memref_slice %arg4[%min3A_241, %dma_start3A_308] : memref<10x4096xf32, #tpu.memory_space<hbm>> -> memref<1x4096xf32, #tpu.memory_space<hbm>>
        %dma_start3A_310 = tpu.memref_squeeze %dma_start3A_309 : memref<1x4096xf32, #tpu.memory_space<hbm>> -> memref<4096xf32, #tpu.memory_space<hbm>>
        %dma_start3A_311 = arith.constant 0 : i32
        %dma_start3A_312 = tpu.memref_slice %arg4[%min3A_241, %dma_start3A_311] : memref<10x4096xf32, #tpu.memory_space<hbm>> -> memref<1x4096xf32, #tpu.memory_space<hbm>>
        %dma_start3A_313 = tpu.memref_squeeze %dma_start3A_312 : memref<1x4096xf32, #tpu.memory_space<hbm>> -> memref<4096xf32, #tpu.memory_space<hbm>>
        tpu.enqueue_dma source(%dma_start3A_313 : memref<4096xf32, #tpu.memory_space<hbm>>) target(%arg19 : memref<4096xf32, #tpu.memory_space<vmem>>) target_semaphore(%arg27 : memref<!tpu.dma_semaphore, #tpu.memory_space<semaphore_mem>>)
        %dma_start3A_314 = arith.constant 0 : i32
        %dma_start3A_315 = tpu.memref_slice %arg10[%add3A_238, %add3A_106, %dma_start3A_314] : memref<10x256x4096xf32, #tpu.memory_space<hbm>> -> memref<1x1x4096xf32, #tpu.memory_space<hbm>>
        %dma_start3A_316 = tpu.memref_squeeze %dma_start3A_315 : memref<1x1x4096xf32, #tpu.memory_space<hbm>> -> memref<4096xf32, #tpu.memory_space<hbm>>
        %dma_start3A_317 = arith.constant 0 : i32
        %dma_start3A_318 = tpu.memref_slice %arg10[%add3A_238, %add3A_106, %dma_start3A_317] : memref<10x256x4096xf32, #tpu.memory_space<hbm>> -> memref<1x1x4096xf32, #tpu.memory_space<hbm>>
        %dma_start3A_319 = tpu.memref_squeeze %dma_start3A_318 : memref<1x1x4096xf32, #tpu.memory_space<hbm>> -> memref<4096xf32, #tpu.memory_space<hbm>>
        tpu.enqueue_dma source(%arg23 : memref<4096xf32, #tpu.memory_space<vmem>>) target(%dma_start3A_319 : memref<4096xf32, #tpu.memory_space<hbm>>) target_semaphore(%arg28 : memref<!tpu.dma_semaphore, #tpu.memory_space<semaphore_mem>>)
      }
      %scan3A_197 = arith.constant 9 : i32
      %dma_wait3A_198 = arith.constant 0 : i32
      %dma_wait3A_199 = arith.constant 0 : i32
      %dma_wait3A_200 = arith.constant 0 : i32
      %dma_wait3A_201 = tpu.memref_slice %arg10[%dma_wait3A_198, %dma_wait3A_199, %dma_wait3A_200] : memref<10x256x4096xf32, #tpu.memory_space<hbm>> -> memref<1x1x4096xf32, #tpu.memory_space<hbm>>
      %dma_wait3A_202 = tpu.memref_squeeze %dma_wait3A_201 : memref<1x1x4096xf32, #tpu.memory_space<hbm>> -> memref<4096xf32, #tpu.memory_space<hbm>>
      %dma_wait3A_203 = arith.constant 0 : i32
      %dma_wait3A_204 = tpu.memref_slice %arg10[%dma_wait3A_198, %dma_wait3A_199, %dma_wait3A_203] : memref<10x256x4096xf32, #tpu.memory_space<hbm>> -> memref<1x1x4096xf32, #tpu.memory_space<hbm>>
      %dma_wait3A_205 = tpu.memref_squeeze %dma_wait3A_204 : memref<1x1x4096xf32, #tpu.memory_space<hbm>> -> memref<4096xf32, #tpu.memory_space<hbm>>
      tpu.wait_dma2 semaphore(%arg28 : memref<!tpu.dma_semaphore, #tpu.memory_space<semaphore_mem>>) src(%arg23 : memref<4096xf32, #tpu.memory_space<vmem>>) dst(%dma_wait3A_205 : memref<4096xf32, #tpu.memory_space<hbm>>)
      %dma_wait3A_206 = arith.constant 0 : i32
      %dma_wait3A_207 = arith.constant 0 : i32
      %dma_wait3A_208 = tpu.memref_slice %arg3[%dma_wait3A_206, %dma_wait3A_207] : memref<10x12288xf32, #tpu.memory_space<hbm>> -> memref<1x12288xf32, #tpu.memory_space<hbm>>
      %dma_wait3A_209 = tpu.memref_squeeze %dma_wait3A_208 : memref<1x12288xf32, #tpu.memory_space<hbm>> -> memref<12288xf32, #tpu.memory_space<hbm>>
      %dma_wait3A_210 = arith.constant 0 : i32
      %dma_wait3A_211 = tpu.memref_slice %arg3[%dma_wait3A_206, %dma_wait3A_210] : memref<10x12288xf32, #tpu.memory_space<hbm>> -> memref<1x12288xf32, #tpu.memory_space<hbm>>
      %dma_wait3A_212 = tpu.memref_squeeze %dma_wait3A_211 : memref<1x12288xf32, #tpu.memory_space<hbm>> -> memref<12288xf32, #tpu.memory_space<hbm>>
      tpu.wait_dma2 semaphore(%arg24 : memref<!tpu.dma_semaphore, #tpu.memory_space<semaphore_mem>>) src(%dma_wait3A_212 : memref<12288xf32, #tpu.memory_space<hbm>>) dst(%arg16 : memref<12288xf32, #tpu.memory_space<vmem>>)
      %dma_wait3A_213 = arith.constant 0 : i32
      %dma_wait3A_214 = arith.constant 0 : i32
      %dma_wait3A_215 = tpu.memref_slice %arg5[%dma_wait3A_213, %dma_wait3A_214] : memref<10x12288xf32, #tpu.memory_space<hbm>> -> memref<1x12288xf32, #tpu.memory_space<hbm>>
      %dma_wait3A_216 = tpu.memref_squeeze %dma_wait3A_215 : memref<1x12288xf32, #tpu.memory_space<hbm>> -> memref<12288xf32, #tpu.memory_space<hbm>>
      %dma_wait3A_217 = arith.constant 0 : i32
      %dma_wait3A_218 = tpu.memref_slice %arg5[%dma_wait3A_213, %dma_wait3A_217] : memref<10x12288xf32, #tpu.memory_space<hbm>> -> memref<1x12288xf32, #tpu.memory_space<hbm>>
      %dma_wait3A_219 = tpu.memref_squeeze %dma_wait3A_218 : memref<1x12288xf32, #tpu.memory_space<hbm>> -> memref<12288xf32, #tpu.memory_space<hbm>>
      tpu.wait_dma2 semaphore(%arg25 : memref<!tpu.dma_semaphore, #tpu.memory_space<semaphore_mem>>) src(%dma_wait3A_219 : memref<12288xf32, #tpu.memory_space<hbm>>) dst(%arg17 : memref<12288xf32, #tpu.memory_space<vmem>>)
      %dma_wait3A_220 = arith.constant 0 : i32
      %dma_wait3A_221 = arith.constant 0 : i32
      %dma_wait3A_222 = tpu.memref_slice %arg6[%dma_wait3A_220, %dma_wait3A_221] : memref<10x12288xf32, #tpu.memory_space<hbm>> -> memref<1x12288xf32, #tpu.memory_space<hbm>>
      %dma_wait3A_223 = tpu.memref_squeeze %dma_wait3A_222 : memref<1x12288xf32, #tpu.memory_space<hbm>> -> memref<12288xf32, #tpu.memory_space<hbm>>
      %dma_wait3A_224 = arith.constant 0 : i32
      %dma_wait3A_225 = tpu.memref_slice %arg6[%dma_wait3A_220, %dma_wait3A_224] : memref<10x12288xf32, #tpu.memory_space<hbm>> -> memref<1x12288xf32, #tpu.memory_space<hbm>>
      %dma_wait3A_226 = tpu.memref_squeeze %dma_wait3A_225 : memref<1x12288xf32, #tpu.memory_space<hbm>> -> memref<12288xf32, #tpu.memory_space<hbm>>
      tpu.wait_dma2 semaphore(%arg26 : memref<!tpu.dma_semaphore, #tpu.memory_space<semaphore_mem>>) src(%dma_wait3A_226 : memref<12288xf32, #tpu.memory_space<hbm>>) dst(%arg18 : memref<12288xf32, #tpu.memory_space<vmem>>)
      %dma_wait3A_227 = arith.constant 0 : i32
      %dma_wait3A_228 = arith.constant 0 : i32
      %dma_wait3A_229 = tpu.memref_slice %arg4[%dma_wait3A_227, %dma_wait3A_228] : memref<10x4096xf32, #tpu.memory_space<hbm>> -> memref<1x4096xf32, #tpu.memory_space<hbm>>
      %dma_wait3A_230 = tpu.memref_squeeze %dma_wait3A_229 : memref<1x4096xf32, #tpu.memory_space<hbm>> -> memref<4096xf32, #tpu.memory_space<hbm>>
      %dma_wait3A_231 = arith.constant 0 : i32
      %dma_wait3A_232 = tpu.memref_slice %arg4[%dma_wait3A_227, %dma_wait3A_231] : memref<10x4096xf32, #tpu.memory_space<hbm>> -> memref<1x4096xf32, #tpu.memory_space<hbm>>
      %dma_wait3A_233 = tpu.memref_squeeze %dma_wait3A_232 : memref<1x4096xf32, #tpu.memory_space<hbm>> -> memref<4096xf32, #tpu.memory_space<hbm>>
      tpu.wait_dma2 semaphore(%arg27 : memref<!tpu.dma_semaphore, #tpu.memory_space<semaphore_mem>>) src(%dma_wait3A_233 : memref<4096xf32, #tpu.memory_space<hbm>>) dst(%arg19 : memref<4096xf32, #tpu.memory_space<vmem>>)
    }
    %scan3A_98 = arith.constant 8 : i32
    return
  }
}

</mosaic_0001>

<sc_bundles>
// kernel: gather_offload_async_start
scs
__scs_entry_jumppad:
0x0: {  	(pc) =	sbr.rel $0x88, $3  }
0x1: {  	(tag) =	ssettag $0x0;
	lr =	simm.s32 $0x1  }
0x2: {  	[smem:$0x3F9B] =	sst lr;
	_ =	strace $0xD0000000  }
0x3: {  	_ = 	snop  }
0x4: {  	_ = 	snop  }
0x5: {  	_ = 	snop  }
0x6: {  	_ = 	snop  }
0x7: {  	_ = 	snop  }
__scs_overlays_trampoline_lowered:
0x8: {  	[smem:$0x3FAA] =	sst s0  }
0x9: {  	[smem:$0x3FAB] =	sst s1  }
0xa: {  	[smem:$0x3FAC] =	sst s2  }
0xb: {  	[smem:$0x3FAD] =	sst s3  }
0xc: {  	[smem:$0x3FAE] =	sst s4  }
0xd: {  	[smem:$0x3FAF] =	sst s5  }
0xe: {  	[smem:$0x3FB0] =	sst s6  }
0xf: {  	[smem:$0x3FB1] =	sst s7  }
0x10: {  	[smem:$0x3FB2] =	sst s8  }
0x11: {  	[smem:$0x3FB3] =	sst s9;
	s0 =	simm.s32 @!p0 $0x0  }
0x12: {  	s1 =	sld [smem:$0x3F99];
	s0 =	simm.s32 @p0 $0x1  }
0x13: {  	[smem:$0x3FB4] =	sst s0;
	s0 =	simm.s32 @!p1 $0x0  }
0x14: {  	s2 =	sld [smem:$0x3F98];
	s0 =	simm.s32 @p1 $0x1  }
0x15: {  	[smem:$0x3FB5] =	sst s0;
	s0 =	simm.s32 @!p2 $0x0  }
0x16: {  	s3 =	sld [smem:$0x3FDB];
	s0 =	simm.s32 @p2 $0x1  }
0x17: {  	s4 =	simm.s32 $0x1BF5;
	[smem:$0x3FB7] =	sst s0  }
0x18: {  	s0 =	sld [smem:$0x3F9A];
	_ =	swait.ge [sflag:s4], $0x0  }
0x19: {  	s7 =	sld [smem:$0x3F9B]  }
0x1a: {  	s8 =	sadd.s32 $0xFFFFE003, lr  }
0x1b: {  	s9 =	sadd.s32 $0xFFFFFEF7, lr;
	s5 =	simm.s32 $0xFFFFFFFF;
	p2 =	slt.u32 s8, $0xFFFFF086  }
0x1c: {  	p1 =	slt.u32 s9, $0xF7A;
	s5 =	simm.s32 @!p2 $0x0  }
0x1d: {  	s5 =	simm.s32 @p1 $0x1;
	p0 =	seq.s32 s7, s2  }
0x1e: {  	s7 =	smul.u32 @!p0 $0xF7A, s2;
	p2 =	seq.s32 @!p0 s5, $0x0  }
0x1f: {  	s9 =	smul.u32 $0xF7A, s1;
	s8 =	simm.s32 @!p0 $0x1BF5;
	p2 =	por !p2, p0  }
0x20: {  	[sflag:s8] =	ssyncset.s32 @!p0 $0xFFFFF086;
	s6 =	sadd.s32 @!p0 s3, s7;
	s7 =	simm.s32 @!p0 $0x108  }
0x21: {  	s3 =	sadd.s32 s3, s9;
	s6 =	sadd.s32 @!p0 $0x88, s6;
	s7 =	simm.s32 @p2 $0x1082  }
0x22: {  	[simem:s7], [sflag:s8] =	dma.local @!p0 [hbm:s6], $0xF7A  }
0x23: {  	s9 =	sor.u32 $0xD0000000, s2;
	s6 =	simm.s32 $0x108;
	_ =	swait.ge @!p0 [sflag:s8], $0x0  }
0x24: {  	s3 =	sadd.s32 $0x88, s3;
	s6 =	simm.s32 @!p1 $0x1082;
	[sflag:s4] =	ssyncset.s32 $0xFFFFF086  }
0x25: {  	[simem:s6], [sflag:s4] =	dma.local [hbm:s3], $0xF7A  }
0x26: {  	[smem:$0x3F9B] =	sst s1;
	(tag) =	ssettag s2;
	_ =	strace s9  }
0x27: {  	s1 =	sld [smem:$0x3FAB]  }
0x28: {  	s2 =	sld [smem:$0x3FAC]  }
0x29: {  	s4 =	sld [smem:$0x3FAE]  }
0x2a: {  	p0 =	seq.s32 s5, $0x0;
	s5 =	sld [smem:$0x3FAF]  }
0x2b: {  	s6 =	sld [smem:$0x3FB0]  }
0x2c: {  	s7 =	sld [smem:$0x3FB1]  }
0x2d: {  	s3 =	simm.s32 $0x108;
	s8 =	sld [smem:$0x3FB2]  }
0x2e: {  	s3 =	simm.s32 @!p0 $0x1082;
	s9 =	sld [smem:$0x3FB3]  }
0x2f: {  	lr =	sadd.s32 s0, s3;
	s0 =	sld [smem:$0x3FAA]  }
0x30: {  	s3 =	sld [smem:$0x3FAD]  }
0x31: {  	[smem:$0x3FB6] =	sst s10  }
0x32: {  	s10 =	sld [smem:$0x3FB4];
	_ =	sdelay $0x3  }
0x33: {  	p0 =	seq.s32 s10, $0x1;
	s10 =	sld [smem:$0x3FB6];
	_ =	sdelay $0x3  }
0x34: {  	[smem:$0x3FB6] =	sst s10  }
0x35: {  	s10 =	sld [smem:$0x3FB5];
	_ =	sdelay $0x3  }
0x36: {  	p1 =	seq.s32 s10, $0x1;
	s10 =	sld [smem:$0x3FB6];
	_ =	sdelay $0x3  }
0x37: {  	[smem:$0x3FB6] =	sst s10  }
0x38: {  	s10 =	sld [smem:$0x3FB7]  }
0x39: {  	_ = 	snop;
	(pc) =	sbr.ind lr, $3  }
0x3a: {  	_ = 	snop  }
0x3b: {  	_ = 	snop  }
0x3c: {  	p2 =	seq.s32 s10, $0x1;
	s10 =	sld [smem:$0x3FB6]  }
0x3d: {  	_ =	shalt  }
0x3e: {  	_ =	shalt  }
0x3f: {  	_ =	shalt  }
0x40: {  	_ =	shalt  }
0x41: {  	_ =	shalt  }
0x42: {  	_ =	shalt  }
0x43: {  	_ =	shalt  }
0x44: {  	_ =	shalt  }
0x45: {  	_ =	shalt  }
0x46: {  	_ =	shalt  }
0x47: {  	_ =	shalt  }
0x48: {  	_ =	shalt  }
0x49: {  	_ =	shalt  }
0x4a: {  	_ =	shalt  }
0x4b: {  	_ =	shalt  }
0x4c: {  	_ =	shalt  }
0x4d: {  	_ =	shalt  }
0x4e: {  	_ =	shalt  }
0x4f: {  	_ =	shalt  }
0x50: {  	_ =	shalt  }
0x51: {  	_ =	shalt  }
0x52: {  	_ =	shalt  }
0x53: {  	_ =	shalt  }
0x54: {  	_ =	shalt  }
0x55: {  	_ =	shalt  }
0x56: {  	_ =	shalt  }
0x57: {  	_ =	shalt  }
0x58: {  	_ =	shalt  }
0x59: {  	_ =	shalt  }
0x5a: {  	_ =	shalt  }
0x5b: {  	_ =	shalt  }
0x5c: {  	_ =	shalt  }
0x5d: {  	_ =	shalt  }
0x5e: {  	_ =	shalt  }
0x5f: {  	_ =	shalt  }
0x60: {  	_ =	shalt  }
0x61: {  	_ =	shalt  }
0x62: {  	_ =	shalt  }
0x63: {  	_ =	shalt  }
0x64: {  	_ =	shalt  }
0x65: {  	_ =	shalt  }
0x66: {  	_ =	shalt  }
0x67: {  	_ =	shalt  }
0x68: {  	_ =	shalt  }
0x69: {  	_ =	shalt  }
0x6a: {  	_ =	shalt  }
0x6b: {  	_ =	shalt  }
0x6c: {  	_ =	shalt  }
0x6d: {  	_ =	shalt  }
0x6e: {  	_ =	shalt  }
0x6f: {  	_ =	shalt  }
0x70: {  	_ =	shalt  }
0x71: {  	_ =	shalt  }
0x72: {  	_ =	shalt  }
0x73: {  	_ =	shalt  }
0x74: {  	_ =	shalt  }
0x75: {  	_ =	shalt  }
0x76: {  	_ =	shalt  }
0x77: {  	_ =	shalt  }
0x78: {  	_ =	shalt  }
0x79: {  	_ =	shalt  }
0x7a: {  	_ =	shalt  }
0x7b: {  	_ =	shalt  }
0x7c: {  	_ =	shalt  }
0x7d: {  	_ =	shalt  }
0x7e: {  	_ =	shalt  }
0x7f: {  	_ =	shalt  }
0x80: {  	_ =	shalt  }
0x81: {  	_ =	shalt  }
0x82: {  	_ =	shalt  }
0x83: {  	_ =	shalt  }
0x84: {  	_ =	shalt  }
0x85: {  	_ =	shalt  }
0x86: {  	_ =	shalt  }
0x87: {  	_ =	shalt  }
.Lfunc_end0:
.L_simem_size_0:
called_computation_lowered:
.L_overlay_start_0:
0x88: {  	s2 =	sld [smem:$0x3FD9]  }
0x89: {  	s3 =	sld [smem:$0x3FFE];
	_ =	sdelay $0x1  }
0x8a: {  	s1 =	srdreg.scid  }
0x8b: {  	s0 =	sand.u32 $0x1, s1  }
0x8c: {  	s17 =	sshll.u32 s0, $0xA;
	s2 =	sadd.s32 s3, s2  }
0x8d: {  	s2 =	sadd.s32 s2, s17  }
0x8e: {  	[smem:$0x3FC2] =	sst s2  }
0x8f: {  	_ = 	snop  }
0x90: {  	s2 =	sld [smem:$0x3FD0];
	(tm) =	ssettm $0x1  }
0x91: {  	s18 =	sld [smem:$0x3FFB];
	_ =	sdelay $0x3  }
0x92: {  	_ =	strace s18  }
0x93: {  	s3 =	sld [smem:$0x3FFC];
	_ =	sdelay $0x3  }
0x94: {  	_ =	strace s3  }
0x95: {  	s3 =	sld [smem:$0x3FFD];
	_ =	sdelay $0x3  }
0x96: {  	_ =	strace s3  }
0x97: {  	_ =	strace $0x8FFFFFFF  }
0x98: {  	s19 =	sld [smem:$0x3FDB];
	_ =	sdelay $0x1  }
0x99: {  	s4 =	simm.s32 $_scs_section_size  }
0x9a: {  	s5 =	simm.s32 $_size__tile_overlayer_lowered;
	s6 =	simm.s32 $_tile_overlayer_lowered  }
0x9b: {  	s22 =	simm.s32 $0x1BFF;
	s21 =	sshll.u32 s6, $0x1;
	s3 =	sadd.s32 s4, s19  }
0x9c: {  	s7 =	simm.s32 $0x0;
	s20 =	sshll.u32 s5, $0x1;
	s5 =	sadd.s32 s21, s3  }
0x9d: {  	[timem:s7], [sflag:s22] =	dma.local [hbm:s5], s20  }
0x9e: {  	_ =	swait.ge [sflag:s22], s20  }
0x9f: {  	s4 =	ssub.s32 $0x0, s20;
	[sflag:s22] =	ssyncset.done $0x0  }
0xa0: {  	[sflag:s22] =	ssyncadd.s32 s4;
	_ =	sdelay $0x1  }
0xa1: {  	s23 =	simm.s32 $0x1B8B  }
0xa2: {  	_ =	swait.ge [sflag:s23], $0x1  }
0xa3: {  	[sflag:s23] =	ssyncset.done $0x0  }
0xa4: {  	s25 =	simm.s32 $0x1B8E;
	s24 =	sld [smem:$0x3FFE];
	[sflag:s23] =	ssyncadd.s32 $0xFFFFFFFF  }
0xa5: {  	s26 =	simm.s32 $execute0_lowered;
	[smem:$0x3FD2] =	sst s25  }
0xa6: {  	s5 =	sshll.u32 s26, $0x1;
	_ =	strace $0x80000046;
	[dreg:$0x1] =	wrdreg $0xFFFFFFFF  }
0xa7: {  	s28 =	simm.s32 $_size_execute0_lowered;
	s3 =	sadd.s32 s3, s5;
	[dreg:$0x0] =	wrdreg $0x0  }
0xa8: {  	s5 =	sshll.u32 s28, $0x1;
	[dreg:$0x2] =	wrdreg s3  }
0xa9: {  	[dreg:$0x3] =	wrdreg s5  }
0xaa: {  	[dreg:$0x4] =	wrdreg $0xC0  }
0xab: {  	_ =	task [dreg:s7], $0x5FFFF  }
0xac: {  	[dreg:$0x1] =	wrdreg $0xFFFFFFFF  }
0xad: {  	[dreg:$0x0] =	wrdreg $0x60  }
0xae: {  	[dreg:$0x2] =	wrdreg s2  }
0xaf: {  	[dreg:$0x3] =	wrdreg s24  }
0xb0: {  	[dreg:$0x4] =	wrdreg $0x9  }
0xb1: {  	_ =	task.clear_ibuf [dreg:s7], $0x5FFFF;
	_ =	strace $0x90000046  }
0xb2: {  	s29 =	simm.s32 $0x9;
	_ =	strace $0x80000048  }
0xb3: {  	_ =	swait.ge [sflag:s29], $0x1  }
0xb4: {  	[sflag:s29] =	ssyncadd.s32 $0xFFFFFFFF  }
0xb5: {  	_ =	strace $0x90000048  }
0xb6: {  	_ =	sfence  }
0xb7: {  	s30 =	sld [smem:$0x0];
	_ =	sdelay $0x2  }
0xb8: {  	s31 =	sshll.u32 s1, $0xD;
	s1 =	sshrl.u32 s1, $0x2  }
0xb9: {  	s3 =	sand.u32 $0x4000, s31;
	s1 =	sadd.s32 s1, s30  }
0xba: {  	s0 =	sor.u32 s3, s0;
	s1 =	sshll.u32 s1, $0x11  }
0xbb: {  	s0 =	sor.u32 s1, s0  }
0xbc: {  	s0 =	sadd.s32 $0x8F2B, s0  }
0xbd: {  	[sflag:s0] =	ssyncadd.remote.s32 $0x1  }
0xbe: {  	_ =	sfence.sel $0xFFFF  }
0xbf: {  	[dreg:$0x0] =	wrdreg $0xFFFFFFFF;
	(pc) =	sbr.abs _section_cstart, $3  }
0xc0: {  	[dreg:$0x1] =	wrdreg $0xFFFFFFFF  }
0xc1: {  	_ =	task.clear_ibuf [dreg:s7], $0x2FFFF;
	_ =	strace $0x9FFFFFFF  }
0xc2: {  	(tm) =	ssettm $0x7FFFFFFF  }
0xc3: {  	_ =	shalt  }
tec
execute0_lowered:
.L_overlay_start_1:
0x0: {  	(tag) =	ssettag $0x1  }
0x1: {  	s2 =	rddreg [dreg:$0x0]  }
0x2: {  	s0 =	srdreg.scid;
	s7 =	rddreg [dreg:$0x1]  }
0x3: {  	s1 =	stileid.u32;
	s5 =	simm.s32 $0x2;
	s9 =	simm.s32 $0x3  }
0x4: {  	s3 =	sshll.u32 s0, $0x4;
	s0 =	rddreg [dreg:$0x2];
	_ =	strace $0x80000047  }
.Ltmp0:
0x5: {  	s4 =	sand.u32 $0x10, s3;
	s3 =	simm.s32 $0x1;
	(pc) =	sbr.rel .LBB2_1-.Ltmp0, $4  }
0x6: {  	s12 =	simm.s32 $0x0;
	s4 =	sor.u32 s1, s4;
	[sflag:s3] =	ssyncpa.u1 $0x0  }
0x7: {  	s10 =	simm.s32 $0x0;
	s4 =	smul.u32 $0x180, s4;
	[sflag:s5] =	ssyncpa.u1 $0x0  }
0x8: {  	s6 =	sadd.s32 $0x600, s7;
	s7 =	sadd.s32 $0xC00, s7;
	[sflag:s9] =	ssyncpa.u1 $0x0  }
0x9: {  	vm0 =	vmmov $0xff;
	vm1 =	vcmask $0x3F20;
	s9 =	simm.s32 $0x180;
	s8 =	sadd.s32 $0x180, s4;
	s11 =	smov.u32 s4  }
.LBB2_10:
0xa: {  	s12 =	sshrl.u32 s11, $0x3  }
0xb: {  	s13 =	sand.u32 $0x7, s11;
	s12 =	sadd.s32 s6, s12  }
0xc: {  	[tilespmem:s9], [sflag:$0x2] =	stream.linear.gather [hbm4b:s12+s13], $0x180, $0x38;
	[tilespmem:$0x18300] =	vst v63  }
.LBB2_8:
0xd: {  	s12 =	sadd.s32 $0x180, s11  }
0xe: {  	s13 =	smov.u32 s4;
	p0 =	slt.s32 s12, s8  }
0xf: {  	s13 =	smov.u32 @p0 s12  }
0x10: {  	s10 =	sadd.s32 $0x1, s10;
	s12 =	smov.u32 s11;
	s11 =	smov.u32 s13  }
.LBB2_1:
0x11: {  	p0 =	seq.s32 s10, $0x0  }
.Ltmp1:
0x12: {  	_ = 	snop;
	(pc) =	sbr.rel @p0 .LBB2_10-.Ltmp1, $1  }
0x13: {  	_ =	sdelay $0x3  }
0x14: {  	p0 =	seq.s32 s10, $0x1  }
.Ltmp2:
0x15: {  	_ = 	snop;
	(pc) =	sbr.rel @!p0 .LBB2_9-.Ltmp2, $1  }
0x16: {  	_ =	sdelay $0x3  }
0x17: {  	_ =	swait.ge [sflag:s5], $0x180  }
0x18: {  	[sflag:s5] =	ssyncset.done $0x0  }
0x19: {  	s13 =	simm.s32 $0x0;
	[sflag:s5] =	ssyncadd.s32 $0xFFFFFE80  }
0x1a: {  	v0 =	vld.msk [tilespmem:s13+$0x180 ss:$0x1], $0xffff;
	_ =	sdelay $0x4  }
0x1b: {  	vm2 =	vgt.s32 v0, $0x0  }
0x1c: {  	v0 =	vnsel vm2, $0x0, v0  }
0x1d: {  	v0 =	vmin.u32 v0, $0x2FFF  }
0x1e: {  	v0 =	vshll.u32 v0, $0x4;
	_ =	sdelay $0x3  }
0x1f: {  	s13 =	simm.s32 $0xC300  }
0x20: {  	[tilespmem:s13], [sflag:$0x1] =	stream.indirect_vreg.gather [hbm:s2], $0x80, v0, vm0, $0x38;
	[tilespmem:$0x18300] =	vst v63  }
0x21: {  	s14 =	simm.s32 $0xC700;
	s31 =	simm.s32 $0x10  }
0x22: {  	[tilespmem:s14], [sflag:$0x1] =	stream.indirect_vreg.gather [hbm:s2], $0x80, v0, vm1, $0x38;
	[tilespmem:$0x18300] =	vst v63  }
0x23: {  	s14 =	simm.s32 $0x80;
	v0 =	vld.msk [tilespmem:s31+$0x180 ss:$0x1], $0xffff  }
.LBB2_4:
0x24: {  	p0 =	sne.s32 s14, $0x5C0;
	_ =	sdelay $0x4  }
0x25: {  	vm2 =	vgt.s32 v0, $0x0  }
0x26: {  	v0 =	vnsel vm2, $0x0, v0  }
0x27: {  	v0 =	vmin.u32 v0, $0x2FFF  }
0x28: {  	v0 =	vshll.u32 v0, $0x4;
	_ =	sdelay $0x3  }
.Ltmp3:
0x29: {  	s13 =	sadd.s32 $0x800, s13;
	(pc) =	sbr.rel @p0 .LBB2_4-.Ltmp3, $4  }
0x2a: {  	[tilespmem:s13], [sflag:$0x1] =	stream.indirect_vreg.gather [hbm:s2], $0x80, v0, vm0, $0x38;
	[tilespmem:$0x18300] =	vst v63  }
0x2b: {  	s15 =	sshra.s32 s14, $0x2;
	s16 =	sadd.s32 $0x400, s13  }
0x2c: {  	[tilespmem:s16], [sflag:$0x1] =	stream.indirect_vreg.gather [hbm:s2], $0x80, v0, vm1, $0x38;
	[tilespmem:$0x18300] =	vst v63  }
0x2d: {  	s14 =	sadd.s32 $0x40, s14;
	v0 =	vld.msk [tilespmem:s15+$0x180 ss:$0x1], $0xffff  }
0x2e: {  	_ =	sdelay $0x3  }
0x2f: {  	vm2 =	vgt.s32 v0, $0x0  }
0x30: {  	v0 =	vnsel vm2, $0x0, v0  }
0x31: {  	v0 =	vmin.u32 v0, $0x2FFF  }
0x32: {  	v0 =	vshll.u32 v0, $0x4;
	_ =	sdelay $0x3  }
0x33: {  	s13 =	sadd.s32 $0x800, s13  }
0x34: {  	[tilespmem:s13], [sflag:$0x1] =	stream.indirect_vreg.gather [hbm:s2], $0x80, v0, vm0, $0x38;
	[tilespmem:$0x18300] =	vst v63  }
0x35: {  	s13 =	sadd.s32 $0x400, s13  }
0x36: {  	[tilespmem:s13], [sflag:$0x1] =	stream.indirect_vreg.gather [hbm:s2], $0x80, v0, vm1, $0x38;
	[tilespmem:$0x18300] =	vst v63  }
0x37: {  	s12 =	sshll.u32 s12, $0x4;
	s14 =	simm.s32 $0x80;
	_ =	swait.ge [sflag:s3], $0xC000  }
0x38: {  	s15 =	simm.s32 $0xC700;
	s12 =	sadd.s32 s12, s7;
	[sflag:s3] =	ssyncset.done $0x0  }
0x39: {  	s16 =	sadd.s32 $0x0, s12;
	s13 =	simm.s32 $0xC300;
	[sflag:s3] =	ssyncadd.s32 $0xFFFF4000  }
.LBB2_6:
0x3a: {  	[hbm:s16] =	stream.linear.scatter [tilespmem:s13], [sflag:$0x3], $0x400, $0x38;
	[tilespmem:$0x18300] =	vst v63  }
0x3b: {  	s16 =	smov.u32 s14;
	s13 =	smov.u32 s15;
	p0 =	seq.s32 s14, $0x1780  }
.Ltmp4:
0x3c: {  	s14 =	sadd.s32 $0x80, s14;
	(pc) =	sbr.rel @!p0 .LBB2_6-.Ltmp4, $2  }
0x3d: {  	_ =	sdelay $0x2  }
0x3e: {  	s15 =	sadd.s32 $0x400, s15;
	s16 =	sadd.s32 s16, s12  }
.Ltmp5:
0x3f: {  	(pc) =	sbr.rel .LBB2_8-.Ltmp5, $2  }
0x40: {  	_ =	sdelay $0x2  }
0x41: {  	[hbm:s16] =	stream.linear.scatter [tilespmem:s13], [sflag:$0x3], $0x400, $0x38;
	[tilespmem:$0x18300] =	vst v63  }
.LBB2_9:
0x42: {  	s2 =	simm.s32 $0x3  }
0x43: {  	_ =	swait.ge [sflag:s2], $0xC000  }
0x44: {  	[sflag:s2] =	ssyncset.done $0x0  }
0x45: {  	[sflag:s2] =	ssyncadd.s32 $0xFFFF4000  }
0x46: {  	_ =	sfence.sel $0x180000  }
0x47: {  	s3 =	simm.s32 $0x2;
	[bflag:$0x0] =	sbarrier.arrive $0xFFFF  }
0x48: {  	[sflag:s3] =	ssyncpa.u1 $0x1  }
0x49: {  	s31 =	simm.s32 $0x1;
	[sflag:s2] =	ssyncpa.u1 $0x1  }
0x4a: {  	[sflag:s31] =	ssyncpa.u1 $0x1  }
0x4b: {  	p0 =	sne.s32 s1, $0x0;
	_ =	strace $0x90000047  }
0x4c: {  	s0 =	sadd.s32 @!p0 $0x100000, s0;
	[bflag:$0x2] =	sbarrier.arrive $0xFFFF  }
0x4d: {  	[sflag:s0] =	ssyncadd.tile.s32 @!p0 $0x1;
	_ =	shalt  }
.Lfunc_end2:
_tile_overlayer_lowered:
.L_overlay_start_2:
0x4e: {  	(tag) =	ssettag $0x2  }
0x4f: {  	s0 =	rddreg [dreg:$0x0];
	s2 =	stileid.u32  }
0x50: {  	s1 =	rddreg [dreg:$0x1];
	p0 =	sne.s32 s2, $0x0  }
0x51: {  	s3 =	rddreg [dreg:$0x2];
	[bflag:$0x3] =	sbarrier.arrive $0xFFFF;
	s2 =	simm.s32 @!p0 $0x1C01  }
0x52: {  	[timem:s3], [sflag:s2] =	dma.local @!p0 [hbm:s0], s1  }
0x53: {  	s0 =	simm.s32 @!p0 $0x1  }
0x54: {  	_ =	swait.ge @!p0 [sflag:s0], s1  }
0x55: {  	s1 =	ssub.s32 @!p0 $0x0, s1;
	[sflag:s0] =	ssyncset.done @!p0 $0x0  }
0x56: {  	[sflag:s0] =	ssyncadd.s32 @!p0 s1  }
0x57: {  	[bflag:$0x3] =	sbarrier.arrive $0xFFFF  }
0x58: {  	_ =	shalt  }

// kernel: kernel.3.cloned.1.call-start
scs
__scs_entry_jumppad:
0x0: {  	(pc) =	sbr.rel $0x88, $3  }
0x1: {  	(tag) =	ssettag $0x0;
	lr =	simm.s32 $0x1  }
0x2: {  	[smem:$0x3F9B] =	sst lr;
	_ =	strace $0xD0000000  }
0x3: {  	_ = 	snop  }
0x4: {  	_ = 	snop  }
0x5: {  	_ = 	snop  }
0x6: {  	_ = 	snop  }
0x7: {  	_ = 	snop  }
__scs_overlays_trampoline_lowered:
0x8: {  	[smem:$0x3FAA] =	sst s0  }
0x9: {  	[smem:$0x3FAB] =	sst s1  }
0xa: {  	[smem:$0x3FAC] =	sst s2  }
0xb: {  	[smem:$0x3FAD] =	sst s3  }
0xc: {  	[smem:$0x3FAE] =	sst s4  }
0xd: {  	[smem:$0x3FAF] =	sst s5  }
0xe: {  	[smem:$0x3FB0] =	sst s6  }
0xf: {  	[smem:$0x3FB1] =	sst s7  }
0x10: {  	[smem:$0x3FB2] =	sst s8  }
0x11: {  	[smem:$0x3FB3] =	sst s9;
	s0 =	simm.s32 @!p0 $0x0  }
0x12: {  	s1 =	sld [smem:$0x3F99];
	s0 =	simm.s32 @p0 $0x1  }
0x13: {  	[smem:$0x3FB4] =	sst s0;
	s0 =	simm.s32 @!p1 $0x0  }
0x14: {  	s2 =	sld [smem:$0x3F98];
	s0 =	simm.s32 @p1 $0x1  }
0x15: {  	[smem:$0x3FB5] =	sst s0;
	s0 =	simm.s32 @!p2 $0x0  }
0x16: {  	s3 =	sld [smem:$0x3FDB];
	s0 =	simm.s32 @p2 $0x1  }
0x17: {  	s4 =	simm.s32 $0x1BF5;
	[smem:$0x3FB7] =	sst s0  }
0x18: {  	s0 =	sld [smem:$0x3F9A];
	_ =	swait.ge [sflag:s4], $0x0  }
0x19: {  	s7 =	sld [smem:$0x3F9B]  }
0x1a: {  	s8 =	sadd.s32 $0xFFFFE003, lr  }
0x1b: {  	s9 =	sadd.s32 $0xFFFFFEF7, lr;
	s5 =	simm.s32 $0xFFFFFFFF;
	p2 =	slt.u32 s8, $0xFFFFF086  }
0x1c: {  	p1 =	slt.u32 s9, $0xF7A;
	s5 =	simm.s32 @!p2 $0x0  }
0x1d: {  	s5 =	simm.s32 @p1 $0x1;
	p0 =	seq.s32 s7, s2  }
0x1e: {  	s7 =	smul.u32 @!p0 $0xF7A, s2;
	p2 =	seq.s32 @!p0 s5, $0x0  }
0x1f: {  	s9 =	smul.u32 $0xF7A, s1;
	s8 =	simm.s32 @!p0 $0x1BF5;
	p2 =	por !p2, p0  }
0x20: {  	[sflag:s8] =	ssyncset.s32 @!p0 $0xFFFFF086;
	s6 =	sadd.s32 @!p0 s3, s7;
	s7 =	simm.s32 @!p0 $0x108  }
0x21: {  	s3 =	sadd.s32 s3, s9;
	s6 =	sadd.s32 @!p0 $0x88, s6;
	s7 =	simm.s32 @p2 $0x1082  }
0x22: {  	[simem:s7], [sflag:s8] =	dma.local @!p0 [hbm:s6], $0xF7A  }
0x23: {  	s9 =	sor.u32 $0xD0000000, s2;
	s6 =	simm.s32 $0x108;
	_ =	swait.ge @!p0 [sflag:s8], $0x0  }
0x24: {  	s3 =	sadd.s32 $0x88, s3;
	s6 =	simm.s32 @!p1 $0x1082;
	[sflag:s4] =	ssyncset.s32 $0xFFFFF086  }
0x25: {  	[simem:s6], [sflag:s4] =	dma.local [hbm:s3], $0xF7A  }
0x26: {  	[smem:$0x3F9B] =	sst s1;
	(tag) =	ssettag s2;
	_ =	strace s9  }
0x27: {  	s1 =	sld [smem:$0x3FAB]  }
0x28: {  	s2 =	sld [smem:$0x3FAC]  }
0x29: {  	s4 =	sld [smem:$0x3FAE]  }
0x2a: {  	p0 =	seq.s32 s5, $0x0;
	s5 =	sld [smem:$0x3FAF]  }
0x2b: {  	s6 =	sld [smem:$0x3FB0]  }
0x2c: {  	s7 =	sld [smem:$0x3FB1]  }
0x2d: {  	s3 =	simm.s32 $0x108;
	s8 =	sld [smem:$0x3FB2]  }
0x2e: {  	s3 =	simm.s32 @!p0 $0x1082;
	s9 =	sld [smem:$0x3FB3]  }
0x2f: {  	lr =	sadd.s32 s0, s3;
	s0 =	sld [smem:$0x3FAA]  }
0x30: {  	s3 =	sld [smem:$0x3FAD]  }
0x31: {  	[smem:$0x3FB6] =	sst s10  }
0x32: {  	s10 =	sld [smem:$0x3FB4];
	_ =	sdelay $0x3  }
0x33: {  	p0 =	seq.s32 s10, $0x1;
	s10 =	sld [smem:$0x3FB6];
	_ =	sdelay $0x3  }
0x34: {  	[smem:$0x3FB6] =	sst s10  }
0x35: {  	s10 =	sld [smem:$0x3FB5];
	_ =	sdelay $0x3  }
0x36: {  	p1 =	seq.s32 s10, $0x1;
	s10 =	sld [smem:$0x3FB6];
	_ =	sdelay $0x3  }
0x37: {  	[smem:$0x3FB6] =	sst s10  }
0x38: {  	s10 =	sld [smem:$0x3FB7]  }
0x39: {  	_ = 	snop;
	(pc) =	sbr.ind lr, $3  }
0x3a: {  	_ = 	snop  }
0x3b: {  	_ = 	snop  }
0x3c: {  	p2 =	seq.s32 s10, $0x1;
	s10 =	sld [smem:$0x3FB6]  }
0x3d: {  	_ =	shalt  }
0x3e: {  	_ =	shalt  }
0x3f: {  	_ =	shalt  }
0x40: {  	_ =	shalt  }
0x41: {  	_ =	shalt  }
0x42: {  	_ =	shalt  }
0x43: {  	_ =	shalt  }
0x44: {  	_ =	shalt  }
0x45: {  	_ =	shalt  }
0x46: {  	_ =	shalt  }
0x47: {  	_ =	shalt  }
0x48: {  	_ =	shalt  }
0x49: {  	_ =	shalt  }
0x4a: {  	_ =	shalt  }
0x4b: {  	_ =	shalt  }
0x4c: {  	_ =	shalt  }
0x4d: {  	_ =	shalt  }
0x4e: {  	_ =	shalt  }
0x4f: {  	_ =	shalt  }
0x50: {  	_ =	shalt  }
0x51: {  	_ =	shalt  }
0x52: {  	_ =	shalt  }
0x53: {  	_ =	shalt  }
0x54: {  	_ =	shalt  }
0x55: {  	_ =	shalt  }
0x56: {  	_ =	shalt  }
0x57: {  	_ =	shalt  }
0x58: {  	_ =	shalt  }
0x59: {  	_ =	shalt  }
0x5a: {  	_ =	shalt  }
0x5b: {  	_ =	shalt  }
0x5c: {  	_ =	shalt  }
0x5d: {  	_ =	shalt  }
0x5e: {  	_ =	shalt  }
0x5f: {  	_ =	shalt  }
0x60: {  	_ =	shalt  }
0x61: {  	_ =	shalt  }
0x62: {  	_ =	shalt  }
0x63: {  	_ =	shalt  }
0x64: {  	_ =	shalt  }
0x65: {  	_ =	shalt  }
0x66: {  	_ =	shalt  }
0x67: {  	_ =	shalt  }
0x68: {  	_ =	shalt  }
0x69: {  	_ =	shalt  }
0x6a: {  	_ =	shalt  }
0x6b: {  	_ =	shalt  }
0x6c: {  	_ =	shalt  }
0x6d: {  	_ =	shalt  }
0x6e: {  	_ =	shalt  }
0x6f: {  	_ =	shalt  }
0x70: {  	_ =	shalt  }
0x71: {  	_ =	shalt  }
0x72: {  	_ =	shalt  }
0x73: {  	_ =	shalt  }
0x74: {  	_ =	shalt  }
0x75: {  	_ =	shalt  }
0x76: {  	_ =	shalt  }
0x77: {  	_ =	shalt  }
0x78: {  	_ =	shalt  }
0x79: {  	_ =	shalt  }
0x7a: {  	_ =	shalt  }
0x7b: {  	_ =	shalt  }
0x7c: {  	_ =	shalt  }
0x7d: {  	_ =	shalt  }
0x7e: {  	_ =	shalt  }
0x7f: {  	_ =	shalt  }
0x80: {  	_ =	shalt  }
0x81: {  	_ =	shalt  }
0x82: {  	_ =	shalt  }
0x83: {  	_ =	shalt  }
0x84: {  	_ =	shalt  }
0x85: {  	_ =	shalt  }
0x86: {  	_ =	shalt  }
0x87: {  	_ =	shalt  }
.Lfunc_end0:
.L_simem_size_0:
called_computation.1_lowered:
.L_overlay_start_0:
0x88: {  	s2 =	sld [smem:$0x3FD9]  }
0x89: {  	s3 =	sld [smem:$0x3FFE];
	_ =	sdelay $0x1  }
0x8a: {  	s1 =	srdreg.scid  }
0x8b: {  	s0 =	sand.u32 $0x1, s1  }
0x8c: {  	s17 =	sshll.u32 s0, $0xA;
	s2 =	sadd.s32 s3, s2  }
0x8d: {  	s2 =	sadd.s32 s2, s17  }
0x8e: {  	[smem:$0x3FC2] =	sst s2  }
0x8f: {  	_ = 	snop  }
0x90: {  	s2 =	sld [smem:$0x3FC9]  }
0x91: {  	s18 =	sld [smem:$0x3FC8]  }
0x92: {  	s4 =	sld [smem:$0x3FC7]  }
0x93: {  	s5 =	sld [smem:$0x3FC6]  }
0x94: {  	s6 =	sld [smem:$0x3FD0];
	(tm) =	ssettm $0x1  }
0x95: {  	s7 =	sld [smem:$0x3FFB];
	_ =	sdelay $0x3  }
0x96: {  	_ =	strace s7  }
0x97: {  	s7 =	sld [smem:$0x3FFC];
	_ =	sdelay $0x3  }
0x98: {  	_ =	strace s7  }
0x99: {  	s7 =	sld [smem:$0x3FFD];
	_ =	sdelay $0x3  }
0x9a: {  	_ =	strace s7  }
0x9b: {  	_ =	strace $0x8FFFFFFF  }
0x9c: {  	s19 =	sld [smem:$0x3FDB];
	_ =	sdelay $0x1  }
0x9d: {  	s8 =	simm.s32 $_scs_section_size  }
0x9e: {  	s9 =	simm.s32 $_size__tile_overlayer_lowered;
	s10 =	simm.s32 $_tile_overlayer_lowered  }
0x9f: {  	s22 =	simm.s32 $0x1BFF;
	s21 =	sshll.u32 s10, $0x1;
	s7 =	sadd.s32 s8, s19  }
0xa0: {  	s11 =	simm.s32 $0x0;
	s20 =	sshll.u32 s9, $0x1;
	s9 =	sadd.s32 s21, s7  }
0xa1: {  	[timem:s11], [sflag:s22] =	dma.local [hbm:s9], s20  }
0xa2: {  	_ =	swait.ge [sflag:s22], s20  }
0xa3: {  	s8 =	ssub.s32 $0x0, s20;
	[sflag:s22] =	ssyncset.done $0x0  }
0xa4: {  	[sflag:s22] =	ssyncadd.s32 s8;
	_ =	sdelay $0x1  }
0xa5: {  	s23 =	simm.s32 $0x1B8B  }
0xa6: {  	_ =	swait.ge [sflag:s23], $0x1  }
0xa7: {  	[sflag:s23] =	ssyncset.done $0x0  }
0xa8: {  	s25 =	simm.s32 $0x1B8E;
	s24 =	sld [smem:$0x3FFE];
	[sflag:s23] =	ssyncadd.s32 $0xFFFFFFFF  }
0xa9: {  	s26 =	simm.s32 $execute0_lowered;
	[smem:$0x3FD2] =	sst s25  }
0xaa: {  	s9 =	sshll.u32 s26, $0x1;
	_ =	strace $0x80000049;
	[dreg:$0x1] =	wrdreg $0xFFFFFFFF  }
0xab: {  	s28 =	simm.s32 $_size_execute0_lowered;
	s7 =	sadd.s32 s7, s9;
	[dreg:$0x0] =	wrdreg $0x0  }
0xac: {  	s9 =	sshll.u32 s28, $0x1;
	[dreg:$0x2] =	wrdreg s7  }
0xad: {  	[dreg:$0x3] =	wrdreg s9  }
0xae: {  	[dreg:$0x4] =	wrdreg $0xC0  }
0xaf: {  	_ =	task [dreg:s11], $0x5FFFF  }
0xb0: {  	[dreg:$0x1] =	wrdreg $0xFFFFFFFF  }
0xb1: {  	[dreg:$0x0] =	wrdreg $0x60  }
0xb2: {  	[dreg:$0x2] =	wrdreg s2  }
0xb3: {  	[dreg:$0x3] =	wrdreg s18  }
0xb4: {  	[dreg:$0x4] =	wrdreg s4  }
0xb5: {  	[dreg:$0x5] =	wrdreg s5  }
0xb6: {  	[dreg:$0x6] =	wrdreg s24  }
0xb7: {  	[dreg:$0x7] =	wrdreg s6  }
0xb8: {  	[dreg:$0x8] =	wrdreg $0x9  }
0xb9: {  	_ =	task.clear_ibuf [dreg:s11], $0x9FFFF;
	_ =	strace $0x90000049  }
0xba: {  	s29 =	simm.s32 $0x9;
	_ =	strace $0x8000004B  }
0xbb: {  	_ =	swait.ge [sflag:s29], $0x1  }
0xbc: {  	[sflag:s29] =	ssyncadd.s32 $0xFFFFFFFF  }
0xbd: {  	_ =	strace $0x9000004B  }
0xbe: {  	_ =	sfence  }
0xbf: {  	s30 =	sld [smem:$0x0];
	_ =	sdelay $0x2  }
0xc0: {  	s31 =	sshll.u32 s1, $0xD;
	s1 =	sshrl.u32 s1, $0x2  }
0xc1: {  	s3 =	sand.u32 $0x4000, s31;
	s1 =	sadd.s32 s1, s30  }
0xc2: {  	s0 =	sor.u32 s3, s0;
	s1 =	sshll.u32 s1, $0x11  }
0xc3: {  	s0 =	sor.u32 s1, s0  }
0xc4: {  	s0 =	sadd.s32 $0x8F2B, s0  }
0xc5: {  	[sflag:s0] =	ssyncadd.remote.s32 $0x1  }
0xc6: {  	_ =	sfence.sel $0xFFFF  }
0xc7: {  	[dreg:$0x0] =	wrdreg $0xFFFFFFFF;
	(pc) =	sbr.abs _section_cstart, $3  }
0xc8: {  	[dreg:$0x1] =	wrdreg $0xFFFFFFFF  }
0xc9: {  	_ =	task.clear_ibuf [dreg:s11], $0x2FFFF;
	_ =	strace $0x9FFFFFFF  }
0xca: {  	(tm) =	ssettm $0x7FFFFFFF  }
0xcb: {  	_ =	shalt  }
tec
execute0_lowered:
.L_overlay_start_1:
0x0: {  	(tag) =	ssettag $0x1  }
0x1: {  	v0 =	vimm.s32 $0xFEA540  }
0x2: {  	v1 =	vimm.s32 $0x77766655;
	v0 =	vunpack.c.l.s2.s4 v0  }
0x3: {  	s3 =	rddreg [dreg:$0x1];
	vm0 =	vcmask $0x2F00;
	v2 =	vimm.s32 $0xDCCCBBBA;
	v1 =	vunpack.c.l.s4.s8 v1  }
0x4: {  	s4 =	rddreg [dreg:$0x2];
	vm13 =	vcmask $0x3B30;
	v2 =	vunpack.c.l.s4.s8 v2;
	v0 =	vunpack.c.l.s4.s8 v0  }
0x5: {  	s5 =	rddreg [dreg:$0x3];
	v3 =	vimm.s32 $0x9080808;
	vm1 =	vcmask $0x1F00;
	v1 =	vunpack.c.0.s8.s32 v1  }
0x6: {  	s6 =	rddreg [dreg:$0x4];
	s7 =	simm.s32 $0x0;
	vm2 =	vcmask $0x2F20;
	v2 =	vunpack.c.0.s8.s32 v2;
	v0 =	vunpack.c.0.s8.s32 v0  }
0x7: {  	s0 =	srdreg.scid;
	s8 =	stileid.u32;
	vm14 =	vcmask $0x3730;
	s31 =	simm.s32 $0x3000;
	v3 =	vunpack.c.0.s8.s32 v3;
	v1 =	vand.u32 $0xF, v1  }
0x8: {  	s9 =	simm.s32 $0x7000;
	s18 =	simm.s32 $0x4;
	s29 =	simm.s32 $0xA0;
	v2 =	vand.u32 $0xF, v2;
	v1 =	vnsel vm1, $0xA, v1;
	v0 =	vand.u32 $0x3, v0  }
0x9: {  	s30 =	simm.s32 $0xB0;
	[smem:$0x7FF] =	sst s7;
	s1 =	sadd.s32 $0x600, s6;
	v3 =	vsel vm2, v3, v1;
	v1 =	vimm.s32 $0xE0E0D0D;
	v0 =	vnsel vm0, $0x5, v0  }
0xa: {  	s19 =	sadd.s32 $0x31200, s6;
	_ =	strace $0x8000004A;
	[dreg:$0x7] =	wrdreg s1;
	v4 =	vunpack.c.0.s8.s32 v1;
	v1 =	vlaneseq.u32;
	v3 =	vsel vm14, $0x9, v3  }
0xb: {  	s0 =	sand.u32 $0x1, s0;
	s2 =	sadd.s32 $0x30C00, s6;
	[dreg:$0x8] =	wrdreg s19;
	v5 =	vnsel vm1, $0xF, v2;
	v0 =	vsel vm13, $0x4, v0;
	v2 =	vmul.u32 $0x6, v1;
	[tilespmem:$0x1FF90] =	vst v3  }
0xc: {  	vm15 =	vcmask $0x3330;
	s22 =	sshll.u32 s8, $0x10;
	s23 =	sadd.s32 $0x10, s5;
	[dreg:$0x9] =	wrdreg s2;
	v4 =	vsel vm2, v4, v5;
	[tilespmem:$0x1FF70] =	vst v0  }
0xd: {  	s24 =	sadd.s32 $0x10, s3;
	s25 =	sadd.s32 $0x610, s6;
	[dreg:$0xb] =	wrdreg s23;
	v4 =	vsel vm15, $0xE, v4;
	[tilespmem:$0x1FF80] =	vst v2  }
0xe: {  	s26 =	sadd.s32 $0x10, s4;
	s5 =	simm.s32 $0x6000;
	[dreg:$0xc] =	wrdreg s24;
	v5 =	vor.u32 $0x1, v2;
	[tilespmem:$0x1FFA0] =	vst v4  }
0xf: {  	s20 =	ssub.s32 $0x2, s0;
	s0 =	sshll.u32 s0, $0xF;
	[dreg:$0xd] =	wrdreg s25;
	v1 =	vadd.s32 $0x2, v2;
	[tilespmem:$0x1FFB0] =	vst v5  }
0x10: {  	[dreg:$0xe] =	wrdreg s26;
	s23 =	simm.s32 $0x400;
	s21 =	sshrl.u32 s20, $0x1;
	v6 =	vadd.s32 $0x3, v2;
	[tilespmem:$0x1FFC0] =	vst v1  }
0x11: {  	s24 =	simm.s32 $0x7800;
	s0 =	sor.u32 s0, s22;
	s1 =	ssub.s32 s20, s21;
	v8 =	vadd.s32 $0x4, v2;
	[tilespmem:$0x1FFD0] =	vst v6  }
0x12: {  	s26 =	simm.s32 $0x1;
	[dreg:$0xa] =	wrdreg s0;
	s28 =	smax.u32 s1, $0x1;
	v9 =	vadd.s32 $0x5, v2;
	[tilespmem:$0x1FFE0] =	vst v8  }
0x13: {  	s22 =	simm.s32 $0x80;
	s1 =	simm.s32 $0x0;
	[dreg:$0xf] =	wrdreg s28;
	[tilespmem:$0x1FFF0] =	vst v9  }
.LBB2_1:
0x14: {  	[dreg:$0x10] =	wrdreg s1  }
0x15: {  	s0 =	rddreg [dreg:$0x4];
	s19 =	simm.s32 $0x12800;
	s20 =	simm.s32 $0x6  }
0x16: {  	[tilespmem:s19], [sflag:$0x6] =	stream.linear.gather [hbm4b:s0+s7], $0x3000, $0x38;
	[tilespmem:$0x1C800] =	vst v63  }
0x17: {  	_ =	swait.ge [sflag:s20], $0x3000  }
0x18: {  	[sflag:s20] =	ssyncset.done $0x0  }
0x19: {  	s2 =	simm.s32 $0x15800;
	s21 =	rddreg [dreg:$0x8];
	[sflag:s20] =	ssyncadd.s32 $0xFFFFD000  }
0x1a: {  	[tilespmem:s2], [sflag:$0x6] =	stream.linear.gather [hbm4b:s21+s7], $0x3000, $0x38;
	[tilespmem:$0x1C800] =	vst v63  }
0x1b: {  	_ =	swait.ge [sflag:s20], $0x3000  }
0x1c: {  	[sflag:s20] =	ssyncset.done $0x0  }
0x1d: {  	s28 =	simm.s32 $0x18800;
	s25 =	rddreg [dreg:$0x9];
	[sflag:s20] =	ssyncadd.s32 $0xFFFFD000  }
0x1e: {  	[tilespmem:s28], [sflag:$0x6] =	stream.linear.gather [hbm4b:s25+s7], $0x3000, $0x38;
	[tilespmem:$0x1C800] =	vst v63  }
0x1f: {  	_ =	swait.ge [sflag:s20], $0x3000  }
0x20: {  	[sflag:s20] =	ssyncset.done $0x0  }
0x21: {  	s0 =	simm.s32 $0x0;
	[sflag:s20] =	ssyncadd.s32 $0xFFFFD000  }
.LBB2_2:
0x22: {  	[dreg:$0x11] =	wrdreg s0  }
0x23: {  	s0 =	sshll.u32 s0, $0x7;
	s1 =	rddreg [dreg:$0xa]  }
0x24: {  	s1 =	sor.u32 s1, s0  }
0x25: {  	s13 =	rddreg [dreg:$0x0];
	s11 =	sshrl.u32 s1, $0x3  }
0x26: {  	s14 =	simm.s32 $0x6;
	s1 =	sadd.s32 s13, s11  }
0x27: {  	[tilespmem:s24], [sflag:$0x6] =	stream.strided.gather [hbm4b:s1+s22], $0x1000, s23, s22, $0x38;
	[tilespmem:$0x1C800] =	vst v63  }
0x28: {  	_ =	swait.ge [sflag:s14], $0x1000  }
0x29: {  	[sflag:s14] =	ssyncset.done $0x0  }
0x2a: {  	[sflag:s14] =	ssyncadd.s32 $0xFFFFF000  }
0x2b: {  	s2 =	simm.s32 $0x8800;
	s1 =	rddreg [dreg:$0x1]  }
0x2c: {  	[tilespmem:s2], [sflag:$0x1] =	stream.strided.gather [hbm4b:s1+s22], $0x3000, s23, s22, $0x38;
	[tilespmem:$0x1C800] =	vst v63  }
0x2d: {  	s16 =	simm.s32 $0xB800;
	s15 =	rddreg [dreg:$0xb]  }
0x2e: {  	[tilespmem:s16], [sflag:$0x2] =	stream.strided.gather [hbm4b:s15+s22], $0x3000, s23, s22, $0x38;
	[tilespmem:$0x1C800] =	vst v63  }
0x2f: {  	s19 =	simm.s32 $0xE800;
	s17 =	rddreg [dreg:$0x7]  }
0x30: {  	[tilespmem:s19], [sflag:$0x3] =	stream.strided.gather [hbm4b:s17+s22], $0x3000, s23, s22, $0x38;
	[tilespmem:$0x1C800] =	vst v63  }
0x31: {  	s20 =	simm.s32 $0x10;
	s3 =	simm.s32 $0x11800;
	s21 =	rddreg [dreg:$0x2]  }
0x32: {  	v10 =	vor.u32 s20, v0;
	[tilespmem:s3], [sflag:$0x4] =	stream.strided.gather [hbm4b:s21+s22], $0x1000, s23, s22, $0x38;
	[tilespmem:$0x1C800] =	vst v63  }
0x33: {  	_ =	swait.ge [sflag:s26], $0x3000  }
0x34: {  	[sflag:s26] =	ssyncset.done $0x0  }
0x35: {  	s8 =	simm.s32 $0x8860;
	[sflag:s26] =	ssyncadd.s32 $0xFFFFD000  }
0x36: {  	s25 =	simm.s32 $0x0;
	v11 =	vld [tilespmem:s8+$0xFFFFFFD0]  }
0x37: {  	v12 =	vor.u32 s25, v0;
	v10 =	vld.idx.msk [tilespmem:v10+s24+$0x0], $0xffff;
	_ =	sdelay $0x3  }
0x38: {  	v13 =	vld [tilespmem:s8+$0xFFFFFFA0]  }
0x39: {  	s17 =	simm.s32 $0x20;
	v12 =	vld.idx.msk [tilespmem:v12+s24+$0x0], $0xffff;
	v10 =	vmul.f32 v10, v11  }
0x3a: {  	v11 =	vor.u32 s17, v0  }
0x3b: {  	v14 =	vand.u32 $0x7FFFFFFF, v10  }
0x3c: {  	v14 =	vsub.f32 $0.0e+00, v14;
	_ =	sdelay $0x1  }
0x3d: {  	v15 =	vld [tilespmem:s8+$0x0];
	v12 =	vmul.f32 v12, v13;
	v13 =	vmul.f32 $1.442695020e+00, v14  }
0x3e: {  	v11 =	vld.idx.msk [tilespmem:v11+s24+$0x0], $0xffff  }
0x3f: {  	(erf) = vpow2.f32 v13  }
0x40: {  	v14 =	vand.u32 $0x7FFFFFFF, v12  }
0x41: {  	v13 =	vsub.f32 $0.0e+00, v14;
	_ =	sdelay $0x1  }
0x42: {  	v13 =	vmul.f32 $1.442695020e+00, v13;
	v11 =	vmul.f32 v11, v15;
	_ =	sdelay $0x1  }
0x43: {  	(erf) = vpow2.f32 v13;
	v13 =	vand.u32 $0x7FFFFFFF, v11  }
0x44: {  	v13 =	vsub.f32 $0.0e+00, v13;
	_ =	sdelay $0x1  }
0x45: {  	v13 =	vmul.f32 $1.442695020e+00, v13;
	v14 =	vpop (erf)  }
0x46: {  	v15 =	vadd.f32 $1.000000000e+00, v14  }
0x47: {  	(erf) = vpow2.f32 v13  }
0x48: {  	(erf) = vrcp.f32 v15;
	_ =	sdelay $0x1  }
0x49: {  	s28 =	simm.s32 $0x30  }
0x4a: {  	v13 =	vor.u32 s28, v0;
	v15 =	vpop (erf)  }
0x4b: {  	v16 =	vadd.f32 $1.000000000e+00, v15;
	_ =	sdelay $0x1  }
0x4c: {  	s13 =	simm.s32 $0x15860;
	(erf) = vrcp.f32 v16  }
0x4d: {  	v18 =	vld [tilespmem:s13+$0xFFFFFFD0]  }
0x4e: {  	v14 =	vsub.f32 $1.000000000e+00, v14;
	v13 =	vld.idx.msk [tilespmem:v13+s24+$0x0], $0xffff;
	v17 =	vpop (erf)  }
0x4f: {  	v16 =	vld [tilespmem:s8+$0x30];
	v19 =	vpop (erf)  }
0x50: {  	v14 =	vmul.f32 v19, v14;
	_ =	sdelay $0x1  }
0x51: {  	v19 =	vor.u32 s20, v3;
	v14 =	vmin.f32 v14, $9.999989860e-01  }
0x52: {  	v14 =	vadd.f32 $9.999999960e-13, v14  }
0x53: {  	v10 =	vand.u32 $0x80000000, v10;
	v15 =	vsub.f32 $1.000000000e+00, v15;
	v13 =	vmul.f32 v13, v16;
	v16 =	vld [tilespmem:s13+$0xFFFFFFA0]  }
0x54: {  	v20 =	vpop (erf);
	v10 =	vor.u32 v14, v10  }
0x55: {  	v21 =	vand.u32 $0x7FFFFFFF, v13;
	v15 =	vmul.f32 v20, v15;
	[tilespmem:v18+s31+$0x0] =	vst.idx.msk $0xffff, v10  }
0x56: {  	v14 =	vsub.f32 $0.0e+00, v21;
	v18 =	vld.idx.msk [tilespmem:v19+s24+$0x0], $0xffff  }
0x57: {  	v20 =	vadd.f32 $1.000000000e+00, v17;
	v10 =	vor.u32 s25, v3;
	v15 =	vmin.f32 v15, $9.999989860e-01;
	v19 =	vld [tilespmem:s8+$0xFFFFFFE0]  }
0x58: {  	v14 =	vmul.f32 $1.442695020e+00, v14;
	v15 =	vadd.f32 $9.999999960e-13, v15  }
0x59: {  	v12 =	vand.u32 $0x80000000, v12;
	(erf) = vrcp.f32 v20  }
0x5a: {  	(erf) = vpow2.f32 v14;
	v12 =	vor.u32 v15, v12  }
0x5b: {  	s16 =	simm.s32 $0x50;
	[tilespmem:v16+s31+$0x0] =	vst.idx.msk $0xffff, v12  }
0x5c: {  	v12 =	vor.u32 s16, v0;
	v10 =	vld.idx.msk [tilespmem:v10+s24+$0x0], $0xffff;
	v15 =	vmul.f32 v18, v19  }
0x5d: {  	v14 =	vld [tilespmem:s8+$0xFFFFFFB0]  }
0x5e: {  	s12 =	simm.s32 $0x8920;
	v18 =	vand.u32 $0x7FFFFFFF, v15  }
0x5f: {  	s10 =	simm.s32 $0x40;
	v20 =	vld [tilespmem:s12+$0xFFFFFFD0];
	v18 =	vsub.f32 $0.0e+00, v18  }
0x60: {  	v16 =	vld [tilespmem:s13+$0x0];
	v19 =	vor.u32 s10, v0  }
0x61: {  	v17 =	vsub.f32 $1.000000000e+00, v17;
	v12 =	vld.idx.msk [tilespmem:v12+s24+$0x0], $0xffff  }
0x62: {  	v21 =	vpop (erf);
	v14 =	vmul.f32 v10, v14  }
0x63: {  	s4 =	simm.s32 $0x60;
	v10 =	vmul.f32 $1.442695020e+00, v18;
	v17 =	vmul.f32 v21, v17;
	v18 =	vpop (erf)  }
0x64: {  	v23 =	vor.u32 s4, v0;
	v25 =	vand.u32 $0x7FFFFFFF, v14;
	v21 =	vadd.f32 $1.000000000e+00, v18  }
0x65: {  	(erf) = vpow2.f32 v10;
	v10 =	vmin.f32 v17, $9.999989860e-01;
	v17 =	vld.idx.msk [tilespmem:v19+s24+$0x0], $0xffff;
	v19 =	vsub.f32 $0.0e+00, v25  }
0x66: {  	v10 =	vadd.f32 $9.999999960e-13, v10;
	v20 =	vmul.f32 v12, v20;
	(erf) = vrcp.f32 v21  }
0x67: {  	v22 =	vor.u32 s17, v3;
	v24 =	vld [tilespmem:s12+$0xFFFFFFA0];
	v11 =	vand.u32 $0x80000000, v11  }
0x68: {  	v12 =	vmul.f32 $1.442695020e+00, v19;
	v19 =	vld [tilespmem:s12+$0x0];
	v10 =	vor.u32 v10, v11;
	v11 =	vand.u32 $0x7FFFFFFF, v20  }
0x69: {  	v21 =	vld.idx.msk [tilespmem:v23+s24+$0x0], $0xffff;
	[tilespmem:v16+s31+$0x0] =	vst.idx.msk $0xffff, v10;
	v10 =	vsub.f32 $0.0e+00, v11  }
0x6a: {  	(erf) = vpow2.f32 v12  }
0x6b: {  	v10 =	vmul.f32 $1.442695020e+00, v10  }
0x6c: {  	v16 =	vmul.f32 v17, v24  }
0x6d: {  	v11 =	vld.idx.msk [tilespmem:v22+s24+$0x0], $0xffff  }
0x6e: {  	v18 =	vsub.f32 $1.000000000e+00, v18;
	v12 =	vld [tilespmem:s8+$0x10];
	v17 =	vand.u32 $0x7FFFFFFF, v16;
	v19 =	vmul.f32 v21, v19;
	v22 =	vpop (erf)  }
0x6f: {  	v17 =	vsub.f32 $0.0e+00, v17;
	(erf) = vpow2.f32 v10;
	v10 =	vpop (erf)  }
0x70: {  	v23 =	vld [tilespmem:s13+$0x30];
	v21 =	vadd.f32 $1.000000000e+00, v22;
	v10 =	vmul.f32 v10, v18;
	v18 =	vand.u32 $0x7FFFFFFF, v19  }
0x71: {  	v17 =	vmul.f32 $1.442695020e+00, v17  }
0x72: {  	(erf) = vrcp.f32 v21  }
0x73: {  	v11 =	vmul.f32 v11, v12;
	(erf) = vpow2.f32 v17;
	v17 =	vsub.f32 $0.0e+00, v18;
	v18 =	vpop (erf)  }
0x74: {  	v12 =	vor.u32 s28, v3;
	v10 =	vmin.f32 v10, $9.999989860e-01;
	v24 =	vadd.f32 $1.000000000e+00, v18  }
0x75: {  	v13 =	vand.u32 $0x80000000, v13;
	v10 =	vadd.f32 $9.999999960e-13, v10;
	v17 =	vmul.f32 $1.442695020e+00, v17  }
0x76: {  	v21 =	vand.u32 $0x7FFFFFFF, v11;
	(erf) = vrcp.f32 v24  }
0x77: {  	v21 =	vsub.f32 $0.0e+00, v21;
	v10 =	vor.u32 v10, v13;
	(erf) = vpow2.f32 v17  }
0x78: {  	v13 =	vpop (erf);
	[tilespmem:v23+s31+$0x0] =	vst.idx.msk $0xffff, v10  }
0x79: {  	v10 =	vmul.f32 $1.442695020e+00, v21;
	v21 =	vadd.f32 $1.000000000e+00, v13;
	v12 =	vld.idx.msk [tilespmem:v12+s24+$0x0], $0xffff  }
0x7a: {  	v17 =	vld [tilespmem:s8+$0x40]  }
0x7b: {  	(erf) = vpow2.f32 v10  }
0x7c: {  	v23 =	vpop (erf);
	(erf) = vrcp.f32 v21  }
0x7d: {  	v21 =	vpop (erf)  }
0x7e: {  	v25 =	vadd.f32 $1.000000000e+00, v21  }
0x7f: {  	v10 =	vmul.f32 v12, v17;
	v12 =	vpop (erf)  }
0x80: {  	s15 =	simm.s32 $0x70;
	(erf) = vrcp.f32 v25;
	v26 =	vpop (erf)  }
0x81: {  	v24 =	vor.u32 s15, v0;
	v28 =	vadd.f32 $1.000000000e+00, v26  }
0x82: {  	s14 =	simm.s32 $0x15920;
	v22 =	vsub.f32 $1.000000000e+00, v22;
	v25 =	vld [tilespmem:s13+$0xFFFFFFE0]  }
0x83: {  	v29 =	vld [tilespmem:s14+$0xFFFFFFD0];
	v17 =	vand.u32 $0x7FFFFFFF, v10  }
0x84: {  	v31 =	vld [tilespmem:s12+$0x30];
	v13 =	vsub.f32 $1.000000000e+00, v13;
	v22 =	vmul.f32 v23, v22;
	v17 =	vsub.f32 $0.0e+00, v17;
	v23 =	vpop (erf)  }
0x85: {  	v32 =	vld [tilespmem:s13+$0xFFFFFFB0];
	v15 =	vand.u32 $0x80000000, v15;
	v18 =	vsub.f32 $1.000000000e+00, v18;
	(erf) = vrcp.f32 v28;
	v28 =	vpop (erf)  }
0x86: {  	v24 =	vld.idx.msk [tilespmem:v24+s24+$0x0], $0xffff;
	v22 =	vmin.f32 v22, $9.999989860e-01;
	v17 =	vmul.f32 $1.442695020e+00, v17;
	v13 =	vmul.f32 v28, v13  }
0x87: {  	v22 =	vadd.f32 $9.999999960e-13, v22;
	v12 =	vmul.f32 v12, v18;
	v18 =	vsub.f32 $1.000000000e+00, v21  }
0x88: {  	(erf) = vpow2.f32 v17;
	v17 =	vor.u32 s16, v3;
	v13 =	vmin.f32 v13, $9.999989860e-01  }
0x89: {  	v30 =	vor.u32 s20, v4;
	v15 =	vor.u32 v22, v15;
	v28 =	vpop (erf);
	v13 =	vadd.f32 $9.999999960e-13, v13  }
0x8a: {  	v21 =	vld [tilespmem:s14+$0xFFFFFFA0];
	v22 =	vmin.f32 v12, $9.999989860e-01;
	[tilespmem:v25+s31+$0x0] =	vst.idx.msk $0xffff, v15;
	v15 =	vmul.f32 v28, v18;
	v18 =	vand.u32 $0x80000000, v20  }
0x8b: {  	v12 =	vmul.f32 v24, v31;
	v22 =	vadd.f32 $9.999999960e-13, v22;
	v13 =	vor.u32 v13, v18  }
0x8c: {  	v27 =	vor.u32 s25, v4;
	v14 =	vand.u32 $0x80000000, v14;
	v15 =	vmin.f32 v15, $9.999989860e-01;
	[tilespmem:v29+s31+$0x0] =	vst.idx.msk $0xffff, v13  }
0x8d: {  	v25 =	vand.u32 $0x7FFFFFFF, v12;
	v15 =	vadd.f32 $9.999999960e-13, v15;
	v13 =	vor.u32 v22, v14;
	v17 =	vld.idx.msk [tilespmem:v17+s24+$0x0], $0xffff  }
0x8e: {  	[tilespmem:v32+s31+$0x0] =	vst.idx.msk $0xffff, v13;
	v13 =	vand.u32 $0x80000000, v16;
	v16 =	vld [tilespmem:s12+$0xFFFFFFE0]  }
0x8f: {  	v24 =	vld.idx.msk [tilespmem:v30+s24+$0x0], $0xffff;
	v20 =	vor.u32 s10, v3;
	v14 =	vsub.f32 $0.0e+00, v25  }
0x90: {  	v18 =	vld [tilespmem:s8+$0xFFFFFFF0];
	v22 =	vadd.f32 $1.000000000e+00, v23;
	v25 =	vpop (erf)  }
0x91: {  	v13 =	vor.u32 v15, v13;
	v14 =	vmul.f32 $1.442695020e+00, v14;
	v15 =	vpop (erf)  }
0x92: {  	v27 =	vld.idx.msk [tilespmem:v27+s24+$0x0], $0xffff;
	(erf) = vrcp.f32 v22;
	[tilespmem:v21+s31+$0x0] =	vst.idx.msk $0xffff, v13;
	v13 =	vadd.f32 $1.000000000e+00, v15  }
0x93: {  	v28 =	vld [tilespmem:s8+$0xFFFFFFC0];
	(erf) = vpow2.f32 v14;
	v16 =	vmul.f32 v17, v16  }
0x94: {  	v20 =	vld.idx.msk [tilespmem:v20+s24+$0x0], $0xffff;
	(erf) = vrcp.f32 v13  }
0x95: {  	s6 =	simm.s32 $0x90;
	v14 =	vsub.f32 $1.000000000e+00, v26;
	v22 =	vld [tilespmem:s12+$0xFFFFFFB0];
	v30 =	vmul.f32 v24, v18;
	v24 =	vand.u32 $0x7FFFFFFF, v16  }
0x96: {  	s3 =	simm.s32 $0x80;
	v21 =	vor.u32 s6, v0;
	v13 =	vld [tilespmem:s14+$0x0];
	v24 =	vsub.f32 $0.0e+00, v24  }
0x97: {  	v45 =	vor.u32 s28, v4;
	s1 =	simm.s32 $0xA0;
	s19 =	simm.s32 $0x89E0;
	v33 =	vld [tilespmem:s13+$0x40];
	v14 =	vmul.f32 v25, v14;
	v17 =	vor.u32 s3, v0  }
0x98: {  	v29 =	vor.u32 s4, v3;
	v26 =	vor.u32 s1, v0;
	v18 =	vld [tilespmem:s19+$0xFFFFFFA0];
	v24 =	vmul.f32 $1.442695020e+00, v24  }
0x99: {  	v23 =	vsub.f32 $1.000000000e+00, v23;
	v25 =	vld [tilespmem:s19+$0x0];
	v27 =	vmul.f32 v27, v28;
	v14 =	vmin.f32 v14, $9.999989860e-01  }
0x9a: {  	v28 =	vld [tilespmem:s19+$0xFFFFFFD0];
	v31 =	vadd.f32 $9.999999960e-13, v14;
	v14 =	vmul.f32 v20, v22;
	v20 =	vand.u32 $0x7FFFFFFF, v30  }
0x9b: {  	v19 =	vand.u32 $0x80000000, v19;
	v15 =	vsub.f32 $1.000000000e+00, v15;
	v21 =	vld.idx.msk [tilespmem:v21+s24+$0x0], $0xffff;
	v20 =	vsub.f32 $0.0e+00, v20;
	v44 =	vpop (erf)  }
0x9c: {  	v19 =	vor.u32 v31, v19;
	v17 =	vld.idx.msk [tilespmem:v17+s24+$0x0], $0xffff;
	v31 =	vand.u32 $0x7FFFFFFF, v14;
	(erf) = vpow2.f32 v24;
	v24 =	vpop (erf)  }
0x9d: {  	v26 =	vld.idx.msk [tilespmem:v26+s24+$0x0], $0xffff;
	v31 =	vsub.f32 $0.0e+00, v31;
	v20 =	vmul.f32 $1.442695020e+00, v20;
	v34 =	vadd.f32 $1.000000000e+00, v24;
	v35 =	vpop (erf)  }
0x9e: {  	v11 =	vand.u32 $0x80000000, v11;
	v23 =	vmul.f32 v44, v23;
	[tilespmem:v13+s31+$0x0] =	vst.idx.msk $0xffff, v19;
	v15 =	vmul.f32 v35, v15  }
0x9f: {  	v10 =	vand.u32 $0x80000000, v10;
	v19 =	vmul.f32 $1.442695020e+00, v31;
	v29 =	vld.idx.msk [tilespmem:v29+s24+$0x0], $0xffff;
	(erf) = vrcp.f32 v34  }
0xa0: {  	v13 =	vmul.f32 v21, v28;
	v21 =	vld [tilespmem:s12+$0x10];
	v15 =	vmin.f32 v15, $9.999989860e-01;
	(erf) = vpow2.f32 v20  }
0xa1: {  	v18 =	vmul.f32 v17, v18;
	v20 =	vld [tilespmem:s13+$0x10];
	v15 =	vadd.f32 $9.999999960e-13, v15;
	(erf) = vpow2.f32 v19  }
0xa2: {  	v31 =	vor.u32 s17, v4;
	v17 =	vmul.f32 v26, v25;
	v25 =	vand.u32 $0x7FFFFFFF, v13  }
0xa3: {  	v25 =	vsub.f32 $0.0e+00, v25;
	v19 =	vand.u32 $0x7FFFFFFF, v18;
	v10 =	vor.u32 v15, v10  }
0xa4: {  	v15 =	vsub.f32 $0.0e+00, v19;
	v19 =	vmin.f32 v23, $9.999989860e-01;
	v23 =	vand.u32 $0x7FFFFFFF, v17;
	[tilespmem:v33+s31+$0x0] =	vst.idx.msk $0xffff, v10  }
0xa5: {  	v10 =	vmul.f32 v29, v21;
	v19 =	vadd.f32 $9.999999960e-13, v19;
	v23 =	vsub.f32 $0.0e+00, v23;
	v21 =	vld.idx.msk [tilespmem:v45+s24+$0x0], $0xffff  }
0xa6: {  	v22 =	vand.u32 $0x7FFFFFFF, v27;
	v24 =	vsub.f32 $1.000000000e+00, v24;
	v25 =	vmul.f32 $1.442695020e+00, v25;
	v29 =	vpop (erf);
	v28 =	vld [tilespmem:s8+$0x50]  }
0xa7: {  	v47 =	vld [tilespmem:s14+$0x30];
	v11 =	vor.u32 v19, v11;
	v19 =	vmul.f32 $1.442695020e+00, v23;
	v23 =	vadd.f32 $1.000000000e+00, v29  }
0xa8: {  	v22 =	vsub.f32 $0.0e+00, v22;
	(erf) = vpow2.f32 v25;
	v15 =	vmul.f32 $1.442695020e+00, v15;
	v49 =	vpop (erf)  }
0xa9: {  	v48 =	vor.u32 s15, v3;
	[tilespmem:v20+s31+$0x0] =	vst.idx.msk $0xffff, v11;
	(erf) = vrcp.f32 v23;
	v24 =	vmul.f32 v49, v24;
	v50 =	vpop (erf)  }
0xaa: {  	v12 =	vand.u32 $0x80000000, v12;
	v22 =	vmul.f32 $1.442695020e+00, v22;
	v25 =	vld.idx.msk [tilespmem:v31+s24+$0x0], $0xffff;
	(erf) = vpow2.f32 v15;
	v31 =	vpop (erf)  }
0xab: {  	v21 =	vmul.f32 v21, v28;
	v24 =	vmin.f32 v24, $9.999989860e-01;
	v15 =	vadd.f32 $1.000000000e+00, v31  }
0xac: {  	v46 =	vand.u32 $0x7FFFFFFF, v10;
	v11 =	vadd.f32 $1.000000000e+00, v50;
	v23 =	vadd.f32 $9.999999960e-13, v24;
	v24 =	vld [tilespmem:s8+$0x20]  }
0xad: {  	v32 =	vsub.f32 $0.0e+00, v46;
	v28 =	vand.u32 $0x7FFFFFFF, v21;
	(erf) = vrcp.f32 v15  }
0xae: {  	v12 =	vor.u32 v23, v12;
	v23 =	vsub.f32 $0.0e+00, v28;
	(erf) = vrcp.f32 v11  }
0xaf: {  	v52 =	vor.u32 s6, v3;
	v20 =	vmul.f32 $1.442695020e+00, v32;
	[tilespmem:v47+s31+$0x0] =	vst.idx.msk $0xffff, v12;
	(erf) = vpow2.f32 v19  }
0xb0: {  	v16 =	vand.u32 $0x80000000, v16;
	v19 =	vmul.f32 $1.442695020e+00, v23;
	v23 =	vld.idx.msk [tilespmem:v48+s24+$0x0], $0xffff;
	(erf) = vpow2.f32 v22  }
0xb1: {  	v12 =	vand.u32 $0x80000000, v27;
	v27 =	vpop (erf);
	v22 =	vld [tilespmem:s12+$0x40];
	v11 =	vmul.f32 v25, v24;
	(erf) = vpow2.f32 v20  }
0xb2: {  	v20 =	vand.u32 $0x80000000, v30;
	v25 =	vsub.f32 $1.000000000e+00, v29;
	v30 =	vadd.f32 $1.000000000e+00, v27  }
0xb3: {  	(erf) = vpow2.f32 v19;
	v19 =	vand.u32 $0x80000000, v17;
	v17 =	vpop (erf);
	v29 =	vand.u32 $0x7FFFFFFF, v11  }
0xb4: {  	v14 =	vand.u32 $0x80000000, v14;
	s17 =	simm.s32 $0xB0;
	v36 =	vpop (erf);
	v17 =	vmul.f32 v17, v25;
	v29 =	vsub.f32 $0.0e+00, v29  }
0xb5: {  	v53 =	vor.u32 s17, v0;
	(erf) = vrcp.f32 v30;
	v25 =	vadd.f32 $1.000000000e+00, v36  }
0xb6: {  	v51 =	vld [tilespmem:s14+$0xFFFFFFE0];
	v37 =	vmin.f32 v17, $9.999989860e-01;
	v17 =	vmul.f32 v23, v22;
	v29 =	vmul.f32 $1.442695020e+00, v29;
	v22 =	vpop (erf)  }
0xb7: {  	v26 =	vor.u32 s10, v4;
	(erf) = vrcp.f32 v25;
	v23 =	vadd.f32 $9.999999960e-13, v37;
	v54 =	vpop (erf)  }
0xb8: {  	v35 =	vsub.f32 $1.000000000e+00, v50;
	v30 =	vsub.f32 $1.000000000e+00, v31;
	v31 =	vld [tilespmem:s14+$0xFFFFFFB0];
	v38 =	vpop (erf);
	(erf) = vpow2.f32 v29  }
0xb9: {  	v16 =	vor.u32 v23, v16;
	v23 =	vand.u32 $0x7FFFFFFF, v17;
	v29 =	vadd.f32 $1.000000000e+00, v38  }
0xba: {  	v41 =	vld [tilespmem:s19+$0x30];
	v28 =	vor.u32 s16, v4;
	v22 =	vmul.f32 v22, v30;
	v39 =	vpop (erf);
	v23 =	vsub.f32 $0.0e+00, v23  }
0xbb: {  	v34 =	vld.idx.msk [tilespmem:v53+s24+$0x0], $0xffff;
	s16 =	simm.s32 $0x159E0;
	v40 =	vadd.f32 $1.000000000e+00, v39;
	(erf) = vrcp.f32 v29;
	v29 =	vmul.f32 v54, v35  }
0xbc: {  	v13 =	vand.u32 $0x80000000, v13;
	v55 =	vld [tilespmem:s16+$0xFFFFFFD0];
	v22 =	vmin.f32 v22, $9.999989860e-01;
	v23 =	vmul.f32 $1.442695020e+00, v23  }
0xbd: {  	v60 =	vld [tilespmem:s16+$0xFFFFFFA0];
	v25 =	vpop (erf);
	v22 =	vadd.f32 $9.999999960e-13, v22;
	(erf) = vrcp.f32 v40;
	v29 =	vmin.f32 v29, $9.999989860e-01  }
0xbe: {  	v27 =	vsub.f32 $1.000000000e+00, v27;
	v30 =	vld [tilespmem:s13+$0xFFFFFFF0];
	[tilespmem:v51+s31+$0x0] =	vst.idx.msk $0xffff, v16;
	v56 =	vpop (erf);
	(erf) = vpow2.f32 v23;
	v23 =	vadd.f32 $9.999999960e-13, v29  }
0xbf: {  	v58 =	vand.u32 $0x80000000, v18;
	v16 =	vadd.f32 $1.000000000e+00, v25;
	v14 =	vor.u32 v22, v14;
	v22 =	vld.idx.msk [tilespmem:v28+s24+$0x0], $0xffff;
	v57 =	vpop (erf)  }
0xc0: {  	v18 =	vmul.f32 v34, v41;
	v15 =	vor.u32 s1, v3;
	[tilespmem:v31+s31+$0x0] =	vst.idx.msk $0xffff, v14;
	v14 =	vld [tilespmem:s12+$0xFFFFFFF0];
	v27 =	vmul.f32 v57, v27  }
0xc1: {  	v24 =	vor.u32 s3, v3;
	v31 =	vadd.f32 $1.000000000e+00, v56;
	v26 =	vld.idx.msk [tilespmem:v26+s24+$0x0], $0xffff;
	v29 =	vpop (erf);
	(erf) = vrcp.f32 v16  }
0xc2: {  	v28 =	vsub.f32 $1.000000000e+00, v36;
	v59 =	vld [tilespmem:s12+$0xFFFFFFC0];
	v16 =	vmin.f32 v27, $9.999989860e-01;
	v61 =	vor.u32 v23, v20;
	v23 =	vpop (erf)  }
0xc3: {  	v16 =	vadd.f32 $9.999999960e-13, v16;
	(erf) = vrcp.f32 v31;
	v20 =	vadd.f32 $1.000000000e+00, v23  }
0xc4: {  	v27 =	vsub.f32 $1.000000000e+00, v38;
	v28 =	vmul.f32 v29, v28;
	v29 =	vsub.f32 $1.000000000e+00, v39  }
0xc5: {  	v31 =	vor.u32 v16, v13;
	v13 =	vand.u32 $0x7FFFFFFF, v18;
	(erf) = vrcp.f32 v20  }
0xc6: {  	v28 =	vmin.f32 v28, $9.999989860e-01;
	v62 =	vpop (erf);
	v63 =	vsub.f32 $0.0e+00, v13;
	v13 =	vmul.f32 v22, v14;
	[tilespmem:v55+s31+$0x0] =	vst.idx.msk $0xffff, v31;
	v20 =	vld [tilespmem:s13+$0xFFFFFFC0]  }
0xc7: {  	[tilespmem:v30+s31+$0x0] =	vst.idx.msk $0xffff, v61;
	v28 =	vadd.f32 $9.999999960e-13, v28;
	v14 =	vmul.f32 v26, v59;
	v22 =	vpop (erf);
	v33 =	vmul.f32 v62, v27;
	v30 =	vld [tilespmem:s19+$0xFFFFFFE0]  }
0xc8: {  	v27 =	vsub.f32 $1.000000000e+00, v56;
	v26 =	vmul.f32 v22, v29;
	v29 =	vld.idx.msk [tilespmem:v52+s24+$0x0], $0xffff;
	v34 =	vand.u32 $0x7FFFFFFF, v13  }
0xc9: {  	s20 =	simm.s32 $0x89E0;
	v16 =	vld [tilespmem:s16+$0x0];
	v22 =	vand.u32 $0x80000000, v21;
	v21 =	vor.u32 v28, v58;
	v35 =	vmul.f32 $1.442695020e+00, v63;
	v32 =	vpop (erf)  }
0xca: {  	s25 =	simm.s32 $0xF0;
	s8 =	simm.s32 $0x8;
	[tilespmem:v60+s31+$0x0] =	vst.idx.msk $0xffff, v21;
	v36 =	vadd.f32 $1.000000000e+00, v32;
	v21 =	vld [tilespmem:s13+$0x50];
	v28 =	vmin.f32 v26, $9.999989860e-01;
	v26 =	vand.u32 $0x7FFFFFFF, v14;
	v31 =	vpop (erf)  }
.LBB2_3:
0xcb: {  	s10 =	sadd.s32 $0xFFFFFFD0, s25;
	s2 =	sadd.s32 $0xFFFFFFE0, s25;
	s21 =	sadd.s32 $0xFFFFFFF0, s25;
	v24 =	vld.idx.msk [tilespmem:v24+s24+$0x0], $0xffff;
	(erf) = vpow2.f32 v35;
	v28 =	vadd.f32 $9.999999960e-13, v28;
	v35 =	vsub.f32 $1.000000000e+00, v23  }
0xcc: {  	s8 =	sadd.s32 $0x4, s8;
	v37 =	vor.u32 s10, v0;
	v38 =	vor.u32 s2, v0;
	v39 =	vld [tilespmem:s19+$0xFFFFFFB0];
	(erf) = vrcp.f32 v36;
	v36 =	vpop (erf)  }
0xcd: {  	v40 =	vor.u32 s21, v0;
	p0 =	slt.u32 s8, $0xFC;
	s19 =	sadd.s32 $0xC0, s19;
	v23 =	vmul.f32 v29, v30;
	v12 =	vor.u32 v28, v12;
	v28 =	vld [tilespmem:s13+$0x20];
	s13 =	smov.u32 s14  }
0xce: {  	v11 =	vand.u32 $0x80000000, v11;
	v30 =	vsub.f32 $0.0e+00, v34;
	s14 =	smov.u32 s16;
	v29 =	vld [tilespmem:s19+$0x0];
	[tilespmem:v20+s31+$0x0] =	vst.idx.msk $0xffff, v12;
	v12 =	vmul.f32 v36, v27;
	v20 =	vpop (erf)  }
0xcf: {  	v33 =	vmin.f32 v33, $9.999989860e-01;
	v27 =	vld [tilespmem:s19+$0xFFFFFFA0];
	v34 =	vand.u32 $0x7FFFFFFF, v23;
	v35 =	vmul.f32 v20, v35  }
0xd0: {  	v33 =	vadd.f32 $9.999999960e-13, v33;
	v36 =	vld [tilespmem:s19+$0xFFFFFFD0];
	v34 =	vsub.f32 $0.0e+00, v34;
	v12 =	vmin.f32 v12, $9.999989860e-01  }
0xd1: {  	v38 =	vld.idx.msk [tilespmem:v38+s24+$0x0], $0xffff;
	v20 =	vmul.f32 v24, v39;
	v24 =	vmin.f32 v35, $9.999989860e-01;
	v12 =	vadd.f32 $9.999999960e-13, v12  }
0xd2: {  	v19 =	vor.u32 v33, v19;
	v35 =	vld.idx.msk [tilespmem:v40+s24+$0x0], $0xffff;
	v34 =	vmul.f32 $1.442695020e+00, v34;
	v24 =	vadd.f32 $9.999999960e-13, v24  }
0xd3: {  	v33 =	vld.idx.msk [tilespmem:v37+s24+$0x0], $0xffff;
	v37 =	vand.u32 $0x7FFFFFFF, v20;
	[tilespmem:v16+s31+$0x0] =	vst.idx.msk $0xffff, v19;
	v19 =	vsub.f32 $1.000000000e+00, v32;
	v12 =	vor.u32 v12, v22  }
0xd4: {  	s16 =	sadd.s32 $0xC0, s16;
	v22 =	vsub.f32 $0.0e+00, v37;
	(erf) = vpow2.f32 v34;
	v32 =	vpop (erf);
	v34 =	vld [tilespmem:s13+$0x40];
	v11 =	vor.u32 v24, v11;
	[tilespmem:v21+s31+$0x0] =	vst.idx.msk $0xffff, v12  }
0xd5: {  	v24 =	vmul.f32 $1.442695020e+00, v30;
	v21 =	vsub.f32 $1.000000000e+00, v25;
	v16 =	vld [tilespmem:s16+$0x0];
	v12 =	vadd.f32 $1.000000000e+00, v32;
	v25 =	vpop (erf);
	[tilespmem:v28+s31+$0x0] =	vst.idx.msk $0xffff, v11  }
0xd6: {  	v30 =	vor.u32 s4, v4;
	s4 =	smov.u32 s1;
	s1 =	smov.u32 s21;
	v11 =	vmul.f32 $1.442695020e+00, v22;
	v19 =	vmul.f32 v25, v19  }
0xd7: {  	v25 =	vor.u32 s15, v4;
	s15 =	smov.u32 s17;
	s17 =	smov.u32 s25;
	v15 =	vld.idx.msk [tilespmem:v15+s24+$0x0], $0xffff;
	(erf) = vrcp.f32 v12;
	v12 =	vmul.f32 v31, v21  }
0xd8: {  	v21 =	vmul.f32 v38, v36;
	v31 =	vld [tilespmem:s20+$0x10];
	v19 =	vmin.f32 v19, $9.999989860e-01;
	(erf) = vpow2.f32 v24  }
0xd9: {  	v29 =	vmul.f32 v35, v29;
	v22 =	vmul.f32 v33, v27;
	v24 =	vld [tilespmem:s13+$0x10];
	v19 =	vadd.f32 $9.999999960e-13, v19  }
0xda: {  	v27 =	vand.u32 $0x7FFFFFFF, v21;
	(erf) = vpow2.f32 v11;
	v11 =	vand.u32 $0x80000000, v17  }
0xdb: {  	v17 =	vand.u32 $0x7FFFFFFF, v22;
	v27 =	vsub.f32 $0.0e+00, v27;
	v11 =	vor.u32 v19, v11  }
0xdc: {  	v28 =	vor.u32 s3, v4;
	s3 =	smov.u32 s10;
	v12 =	vmin.f32 v12, $9.999989860e-01;
	v17 =	vsub.f32 $0.0e+00, v17;
	[tilespmem:v34+s31+$0x0] =	vst.idx.msk $0xffff, v11  }
0xdd: {  	v33 =	vand.u32 $0x80000000, v10;
	v11 =	vand.u32 $0x7FFFFFFF, v29;
	v19 =	vpop (erf);
	v10 =	vmul.f32 v15, v31;
	v15 =	vld.idx.msk [tilespmem:v25+s24+$0x0], $0xffff  }
0xde: {  	v12 =	vadd.f32 $9.999999960e-13, v12;
	v17 =	vmul.f32 $1.442695020e+00, v17;
	v25 =	vmul.f32 $1.442695020e+00, v27;
	v27 =	vld [tilespmem:s12+$0x50]  }
0xdf: {  	v32 =	vsub.f32 $1.000000000e+00, v32;
	v11 =	vsub.f32 $0.0e+00, v11;
	v31 =	vand.u32 $0x7FFFFFFF, v10;
	v34 =	vld [tilespmem:s14+$0x30]  }
0xe0: {  	v35 =	vor.u32 s15, v3;
	v12 =	vor.u32 v12, v33;
	v1 =	vsub.f32 $0.0e+00, v31;
	v36 =	vpop (erf)  }
0xe1: {  	v33 =	vadd.f32 $1.000000000e+00, v19;
	v11 =	vmul.f32 $1.442695020e+00, v11;
	v32 =	vmul.f32 v36, v32;
	[tilespmem:v24+s31+$0x0] =	vst.idx.msk $0xffff, v12;
	v36 =	vpop (erf)  }
0xe2: {  	(erf) = vpow2.f32 v25;
	v25 =	vmul.f32 $1.442695020e+00, v1;
	v12 =	vadd.f32 $1.000000000e+00, v36;
	v24 =	vld.idx.msk [tilespmem:v30+s24+$0x0], $0xffff  }
0xe3: {  	v30 =	vmin.f32 v32, $9.999989860e-01;
	v31 =	vpop (erf);
	(erf) = vrcp.f32 v33;
	v27 =	vmul.f32 v15, v27  }
0xe4: {  	(erf) = vpow2.f32 v17;
	v15 =	vadd.f32 $1.000000000e+00, v31;
	v17 =	vadd.f32 $9.999999960e-13, v30;
	v30 =	vld [tilespmem:s12+$0x20];
	s12 =	smov.u32 s20;
	s20 =	smov.u32 s19  }
0xe5: {  	v18 =	vand.u32 $0x80000000, v18;
	v26 =	vsub.f32 $0.0e+00, v26;
	v32 =	vand.u32 $0x7FFFFFFF, v27  }
0xe6: {  	v17 =	vor.u32 v17, v18;
	(erf) = vrcp.f32 v15;
	v18 =	vsub.f32 $0.0e+00, v32  }
0xe7: {  	v32 =	vor.u32 s6, v4;
	s6 =	smov.u32 s2;
	[tilespmem:v34+s31+$0x0] =	vst.idx.msk $0xffff, v17;
	v17 =	vmul.f32 $1.442695020e+00, v26;
	(erf) = vrcp.f32 v12  }
0xe8: {  	v15 =	vor.u32 s1, v3;
	(erf) = vpow2.f32 v11;
	v26 =	vld.idx.msk [tilespmem:v35+s24+$0x0], $0xffff;
	v18 =	vmul.f32 $1.442695020e+00, v18  }
0xe9: {  	v12 =	vand.u32 $0x80000000, v14;
	v33 =	vld [tilespmem:s12+$0x40];
	v11 =	vmul.f32 v24, v30;
	(erf) = vpow2.f32 v17  }
0xea: {  	v13 =	vand.u32 $0x80000000, v13;
	v24 =	vor.u32 s3, v3;
	(erf) = vpow2.f32 v25  }
0xeb: {  	v17 =	vsub.f32 $1.000000000e+00, v19;
	v14 =	vpop (erf);
	v25 =	vld [tilespmem:s14+$0xFFFFFFE0];
	v30 =	vand.u32 $0x7FFFFFFF, v11;
	(erf) = vpow2.f32 v18  }
0xec: {  	v19 =	vand.u32 $0x80000000, v29;
	v18 =	vadd.f32 $1.000000000e+00, v14;
	v29 =	vpop (erf);
	v30 =	vsub.f32 $0.0e+00, v30  }
0xed: {  	v34 =	vor.u32 s6, v3;
	v35 =	vor.u32 s25, v0;
	v37 =	vpop (erf);
	v17 =	vmul.f32 v29, v17  }
0xee: {  	v29 =	vadd.f32 $1.000000000e+00, v37;
	(erf) = vrcp.f32 v18;
	v18 =	vmul.f32 $1.442695020e+00, v30  }
0xef: {  	v30 =	vsub.f32 $1.000000000e+00, v31;
	v31 =	vld [tilespmem:s14+$0xFFFFFFB0];
	v1 =	vmin.f32 v17, $9.999989860e-01;
	v17 =	vmul.f32 v26, v33;
	v26 =	vpop (erf)  }
0xf0: {  	v33 =	vsub.f32 $1.000000000e+00, v36;
	(erf) = vrcp.f32 v29;
	v29 =	vadd.f32 $9.999999960e-13, v1;
	v36 =	vpop (erf)  }
0xf1: {  	v23 =	vand.u32 $0x80000000, v23;
	v26 =	vmul.f32 v26, v30;
	v38 =	vpop (erf);
	(erf) = vpow2.f32 v18  }
0xf2: {  	v18 =	vadd.f32 $1.000000000e+00, v38;
	v23 =	vor.u32 v29, v23;
	v29 =	vand.u32 $0x7FFFFFFF, v17;
	v30 =	vld [tilespmem:s13+$0xFFFFFFF0];
	v39 =	vpop (erf)  }
0xf3: {  	v26 =	vmin.f32 v26, $9.999989860e-01;
	v35 =	vld.idx.msk [tilespmem:v35+s24+$0x0], $0xffff;
	[tilespmem:v25+s31+$0x0] =	vst.idx.msk $0xffff, v23;
	v23 =	vsub.f32 $0.0e+00, v29;
	v25 =	vpop (erf);
	v29 =	vadd.f32 $1.000000000e+00, v39  }
0xf4: {  	v40 =	vld [tilespmem:s19+$0x30];
	(erf) = vrcp.f32 v18;
	v18 =	vadd.f32 $9.999999960e-13, v26;
	v26 =	vmul.f32 v36, v33;
	v41 =	vpop (erf)  }
0xf5: {  	v20 =	vand.u32 $0x80000000, v20;
	v36 =	vadd.f32 $1.000000000e+00, v25;
	v33 =	vld [tilespmem:s16+$0xFFFFFFD0];
	(erf) = vrcp.f32 v29  }
0xf6: {  	v14 =	vsub.f32 $1.000000000e+00, v14;
	v18 =	vor.u32 v18, v20;
	v29 =	vld.idx.msk [tilespmem:v32+s24+$0x0], $0xffff;
	v20 =	vmul.f32 $1.442695020e+00, v23  }
0xf7: {  	v32 =	vsub.f32 $1.000000000e+00, v37;
	v23 =	vpop (erf);
	[tilespmem:v31+s31+$0x0] =	vst.idx.msk $0xffff, v18;
	v31 =	vld [tilespmem:s12+$0xFFFFFFF0];
	v18 =	vmin.f32 v26, $9.999989860e-01;
	v26 =	vadd.f32 $1.000000000e+00, v41  }
0xf8: {  	v14 =	vmul.f32 v23, v14;
	v28 =	vld.idx.msk [tilespmem:v28+s24+$0x0], $0xffff;
	(erf) = vpow2.f32 v20;
	v20 =	vadd.f32 $9.999999960e-13, v18  }
0xf9: {  	v37 =	vand.u32 $0x80000000, v22;
	v18 =	vmul.f32 v35, v40;
	v22 =	vpop (erf);
	v35 =	vld [tilespmem:s12+$0xFFFFFFC0];
	(erf) = vrcp.f32 v36  }
0xfa: {  	v38 =	vsub.f32 $1.000000000e+00, v38;
	v36 =	vld [tilespmem:s16+$0xFFFFFFA0];
	v14 =	vmin.f32 v14, $9.999989860e-01;
	v13 =	vor.u32 v20, v13;
	v23 =	vpop (erf)  }
0xfb: {  	v14 =	vadd.f32 $9.999999960e-13, v14;
	[tilespmem:v30+s31+$0x0] =	vst.idx.msk $0xffff, v13;
	v13 =	vadd.f32 $1.000000000e+00, v23;
	(erf) = vrcp.f32 v26  }
0xfc: {  	v22 =	vmul.f32 v22, v32;
	v20 =	vand.u32 $0x80000000, v21;
	v21 =	vsub.f32 $1.000000000e+00, v39  }
0xfd: {  	v26 =	vand.u32 $0x7FFFFFFF, v18;
	v14 =	vor.u32 v14, v20;
	v32 =	vpop (erf);
	v20 =	vld [tilespmem:s13+$0xFFFFFFC0];
	(erf) = vrcp.f32 v13  }
.Ltmp0:
0xfe: {  	v22 =	vmin.f32 v22, $9.999989860e-01;
	v26 =	vsub.f32 $0.0e+00, v26;
	v13 =	vmul.f32 v29, v31;
	[tilespmem:v33+s31+$0x0] =	vst.idx.msk $0xffff, v14;
	v30 =	vpop (erf);
	(pc) =	sbr.rel @p0 .LBB2_3-.Ltmp0, $4  }
0xff: {  	v1 =	vadd.f32 $9.999999960e-13, v22;
	v14 =	vmul.f32 v28, v35;
	v29 =	vld.idx.msk [tilespmem:v34+s24+$0x0], $0xffff;
	v21 =	vmul.f32 v30, v21  }
0x100: {  	v22 =	vand.u32 $0x80000000, v27;
	v33 =	vmul.f32 v32, v38;
	v34 =	vand.u32 $0x7FFFFFFF, v13;
	v30 =	vld [tilespmem:s19+$0xFFFFFFE0]  }
0x101: {  	v35 =	vmul.f32 $1.442695020e+00, v26;
	v27 =	vor.u32 v1, v37;
	v32 =	vpop (erf);
	v28 =	vmin.f32 v21, $9.999989860e-01  }
0x102: {  	s25 =	sadd.s32 $0x40, s25;
	v26 =	vand.u32 $0x7FFFFFFF, v14;
	[tilespmem:v36+s31+$0x0] =	vst.idx.msk $0xffff, v27;
	v36 =	vadd.f32 $1.000000000e+00, v32;
	v31 =	vpop (erf);
	v27 =	vsub.f32 $1.000000000e+00, v41;
	v21 =	vld [tilespmem:s13+$0x50]  }
0x103: {  	_ = 	snop  }
0x104: {  	(erf) = vpow2.f32 v35;
	_ =	sdelay $0x2  }
0x105: {  	v49 =	vld.idx.msk [tilespmem:v24+s24+$0x0], $0xffff;
	v38 =	vmul.f32 v29, v30  }
0x106: {  	v37 =	vld [tilespmem:s19+$0xFFFFFFB0]  }
0x107: {  	v29 =	vand.u32 $0x7FFFFFFF, v38;
	_ =	sdelay $0x1  }
0x108: {  	v24 =	vpop (erf);
	v50 =	vsub.f32 $0.0e+00, v29  }
0x109: {  	(erf) = vrcp.f32 v36;
	v29 =	vpop (erf)  }
0x10a: {  	v30 =	vmul.f32 v49, v37;
	v51 =	vmul.f32 $1.442695020e+00, v50;
	v53 =	vpop (erf)  }
0x10b: {  	v39 =	vadd.f32 $1.000000000e+00, v53  }
0x10c: {  	v34 =	vsub.f32 $0.0e+00, v34;
	v52 =	vand.u32 $0x7FFFFFFF, v30;
	(erf) = vpow2.f32 v51  }
0x10d: {  	v36 =	vsub.f32 $0.0e+00, v52;
	(erf) = vrcp.f32 v39  }
0x10e: {  	v34 =	vmul.f32 $1.442695020e+00, v34  }
0x10f: {  	v54 =	vmul.f32 $1.442695020e+00, v36  }
0x110: {  	v32 =	vsub.f32 $1.000000000e+00, v32;
	(erf) = vpow2.f32 v34  }
0x111: {  	v55 =	vld [tilespmem:s14+$0x40];
	v25 =	vsub.f32 $1.000000000e+00, v25;
	v33 =	vmin.f32 v33, $9.999989860e-01;
	(erf) = vpow2.f32 v54  }
0x112: {  	v57 =	vld [tilespmem:s14+$0x10];
	v33 =	vadd.f32 $9.999999960e-13, v33;
	v56 =	vpop (erf)  }
0x113: {  	v25 =	vmul.f32 v31, v25;
	v32 =	vmul.f32 v56, v32  }
0x114: {  	v58 =	vor.u32 s15, v4;
	v19 =	vor.u32 v33, v19  }
0x115: {  	v60 =	vld [tilespmem:s16+$0x30];
	[tilespmem:v16+s31+$0x0] =	vst.idx.msk $0xffff, v19;
	v19 =	vmin.f32 v25, $9.999989860e-01;
	v37 =	vsub.f32 $1.000000000e+00, v53;
	v31 =	vmin.f32 v32, $9.999989860e-01;
	v59 =	vpop (erf)  }
0x116: {  	v61 =	vor.u32 s4, v4;
	v19 =	vadd.f32 $9.999999960e-13, v19;
	v31 =	vadd.f32 $9.999999960e-13, v31;
	v40 =	vpop (erf)  }
0x117: {  	v17 =	vand.u32 $0x80000000, v17;
	v10 =	vand.u32 $0x80000000, v10;
	v25 =	vmul.f32 v40, v37  }
0x118: {  	v15 =	vld.idx.msk [tilespmem:v15+s24+$0x0], $0xffff;
	v10 =	vor.u32 v19, v10;
	v17 =	vor.u32 v31, v17  }
0x119: {  	v63 =	vld [tilespmem:s20+$0x10];
	v31 =	vor.u32 s17, v3;
	[tilespmem:v55+s31+$0x0] =	vst.idx.msk $0xffff, v17;
	v17 =	vadd.f32 $1.000000000e+00, v59;
	v16 =	vpop (erf);
	v25 =	vmin.f32 v25, $9.999989860e-01  }
0x11a: {  	[tilespmem:v57+s31+$0x0] =	vst.idx.msk $0xffff, v10;
	v32 =	vld.idx.msk [tilespmem:v58+s24+$0x0], $0xffff;
	v62 =	vpop (erf);
	v19 =	vadd.f32 $9.999999960e-13, v25;
	v25 =	vsub.f32 $0.0e+00, v26  }
0x11b: {  	(erf) = vrcp.f32 v17;
	v17 =	vand.u32 $0x80000000, v18;
	v18 =	vld.idx.msk [tilespmem:v61+s24+$0x0], $0xffff;
	v44 =	vadd.f32 $1.000000000e+00, v62  }
0x11c: {  	v10 =	vadd.f32 $1.000000000e+00, v16;
	v17 =	vor.u32 v19, v17;
	v19 =	vmul.f32 $1.442695020e+00, v25;
	v25 =	vld [tilespmem:s12+$0x20]  }
0x11d: {  	v26 =	vld [tilespmem:s12+$0x50];
	(erf) = vrcp.f32 v44;
	[tilespmem:v60+s31+$0x0] =	vst.idx.msk $0xffff, v17  }
0x11e: {  	(erf) = vrcp.f32 v10;
	v17 =	vld.idx.msk [tilespmem:v31+s24+$0x0], $0xffff  }
0x11f: {  	(erf) = vpow2.f32 v19;
	v19 =	vld [tilespmem:s20+$0x40]  }
0x120: {  	v31 =	vmul.f32 v15, v63  }
0x121: {  	v10 =	vmul.f32 v18, v25  }
0x122: {  	v15 =	vmul.f32 v32, v26;
	v26 =	vand.u32 $0x7FFFFFFF, v31  }
0x123: {  	v18 =	vsub.f32 $0.0e+00, v26;
	v26 =	vand.u32 $0x7FFFFFFF, v10  }
0x124: {  	v25 =	vand.u32 $0x7FFFFFFF, v15;
	v17 =	vmul.f32 v17, v19;
	v19 =	vsub.f32 $0.0e+00, v26  }
0x125: {  	v45 =	vpop (erf);
	v25 =	vsub.f32 $0.0e+00, v25  }
0x126: {  	v18 =	vmul.f32 $1.442695020e+00, v18;
	v26 =	vpop (erf)  }
0x127: {  	v25 =	vmul.f32 $1.442695020e+00, v25;
	v46 =	vand.u32 $0x7FFFFFFF, v17;
	v33 =	vpop (erf)  }
0x128: {  	(erf) = vpow2.f32 v18;
	v18 =	vmul.f32 $1.442695020e+00, v19;
	v34 =	vsub.f32 $0.0e+00, v46;
	v19 =	vpop (erf)  }
0x129: {  	(erf) = vpow2.f32 v25;
	v25 =	vadd.f32 $1.000000000e+00, v19  }
0x12a: {  	(erf) = vpow2.f32 v18;
	v18 =	vmul.f32 $1.442695020e+00, v34  }
0x12b: {  	(erf) = vrcp.f32 v25  }
0x12c: {  	(erf) = vpow2.f32 v18;
	_ =	sdelay $0x4  }
0x12d: {  	v18 =	vpop (erf)  }
0x12e: {  	v35 =	vpop (erf)  }
0x12f: {  	v47 =	vld [tilespmem:s16+$0xFFFFFFE0];
	v25 =	vsub.f32 $1.000000000e+00, v59;
	v48 =	vadd.f32 $1.000000000e+00, v18;
	v39 =	vpop (erf)  }
0x130: {  	v49 =	vadd.f32 $1.000000000e+00, v35;
	v40 =	vpop (erf)  }
0x131: {  	v25 =	vmul.f32 v45, v25;
	(erf) = vrcp.f32 v48;
	v50 =	vadd.f32 $1.000000000e+00, v39;
	v42 =	vpop (erf)  }
0x132: {  	(erf) = vrcp.f32 v49;
	v51 =	vadd.f32 $1.000000000e+00, v42  }
0x133: {  	v41 =	vor.u32 s6, v4;
	v25 =	vmin.f32 v25, $9.999989860e-01;
	(erf) = vrcp.f32 v50  }
0x134: {  	v25 =	vadd.f32 $9.999999960e-13, v25;
	(erf) = vrcp.f32 v51  }
0x135: {  	v52 =	vand.u32 $0x80000000, v38  }
0x136: {  	v25 =	vor.u32 v25, v52  }
0x137: {  	[tilespmem:v47+s31+$0x0] =	vst.idx.msk $0xffff, v25  }
0x138: {  	v25 =	vld.idx.msk [tilespmem:v41+s24+$0x0], $0xffff  }
0x139: {  	v54 =	vsub.f32 $1.000000000e+00, v62;
	v53 =	vld [tilespmem:s20+$0xFFFFFFF0]  }
0x13a: {  	v55 =	vld [tilespmem:s16+$0xFFFFFFB0];
	v56 =	vpop (erf)  }
0x13b: {  	v26 =	vmul.f32 v26, v54;
	v57 =	vpop (erf)  }
0x13c: {  	v60 =	vld [tilespmem:s16+$0x40];
	v59 =	vsub.f32 $1.000000000e+00, v42;
	v58 =	vpop (erf)  }
0x13d: {  	v43 =	vor.u32 s3, v4;
	v26 =	vmin.f32 v26, $9.999989860e-01;
	v61 =	vpop (erf)  }
0x13e: {  	v62 =	vld [tilespmem:s16+$0x10];
	v18 =	vsub.f32 $1.000000000e+00, v18;
	v25 =	vmul.f32 v25, v53;
	v32 =	vmul.f32 v61, v59  }
0x13f: {  	v30 =	vand.u32 $0x80000000, v30;
	v63 =	vor.u32 s17, v4;
	v26 =	vadd.f32 $9.999999960e-13, v26  }
0x140: {  	v44 =	vand.u32 $0x7FFFFFFF, v25;
	v18 =	vmul.f32 v56, v18;
	v32 =	vmin.f32 v32, $9.999989860e-01  }
0x141: {  	v26 =	vor.u32 v26, v30;
	v30 =	vsub.f32 $0.0e+00, v44;
	v32 =	vadd.f32 $9.999999960e-13, v32  }
0x142: {  	v17 =	vand.u32 $0x80000000, v17;
	[tilespmem:v55+s31+$0x0] =	vst.idx.msk $0xffff, v26;
	v26 =	vor.u32 s1, v4;
	v18 =	vmin.f32 v18, $9.999989860e-01  }
0x143: {  	v36 =	vld.idx.msk [tilespmem:v43+s24+$0x0], $0xffff;
	v30 =	vmul.f32 $1.442695020e+00, v30;
	v18 =	vadd.f32 $9.999999960e-13, v18;
	v17 =	vor.u32 v32, v17  }
0x144: {  	v45 =	vld [tilespmem:s20+$0xFFFFFFC0];
	[tilespmem:v60+s31+$0x0] =	vst.idx.msk $0xffff, v17;
	v17 =	vand.u32 $0x80000000, v31  }
0x145: {  	(erf) = vpow2.f32 v30;
	v30 =	vld.idx.msk [tilespmem:v63+s24+$0x0], $0xffff;
	v17 =	vor.u32 v18, v17  }
0x146: {  	v18 =	vld [tilespmem:s20+$0x50];
	[tilespmem:v62+s31+$0x0] =	vst.idx.msk $0xffff, v17  }
0x147: {  	v17 =	vld.idx.msk [tilespmem:v26+s24+$0x0], $0xffff  }
0x148: {  	v26 =	vld [tilespmem:s20+$0x20];
	_ =	sdelay $0x2  }
0x149: {  	v31 =	vmul.f32 v36, v45  }
0x14a: {  	v18 =	vmul.f32 v30, v18  }
0x14b: {  	v30 =	vand.u32 $0x7FFFFFFF, v31;
	v17 =	vmul.f32 v17, v26  }
0x14c: {  	v30 =	vsub.f32 $0.0e+00, v30;
	v26 =	vpop (erf);
	v46 =	vand.u32 $0x7FFFFFFF, v18  }
0x14d: {  	v47 =	vadd.f32 $1.000000000e+00, v26;
	v32 =	vsub.f32 $0.0e+00, v46;
	v48 =	vand.u32 $0x7FFFFFFF, v17  }
0x14e: {  	v30 =	vmul.f32 $1.442695020e+00, v30;
	v37 =	vsub.f32 $0.0e+00, v48  }
0x14f: {  	(erf) = vrcp.f32 v47;
	v32 =	vmul.f32 $1.442695020e+00, v32  }
0x150: {  	(erf) = vpow2.f32 v30;
	v30 =	vmul.f32 $1.442695020e+00, v37  }
0x151: {  	(erf) = vpow2.f32 v32  }
0x152: {  	(erf) = vpow2.f32 v30;
	_ =	sdelay $0x1  }
0x153: {  	v23 =	vsub.f32 $1.000000000e+00, v23  }
0x154: {  	v24 =	vmul.f32 v24, v27;
	v27 =	vadd.f32 $9.999999960e-13, v28;
	v16 =	vsub.f32 $1.000000000e+00, v16  }
0x155: {  	v23 =	vmul.f32 v29, v23  }
0x156: {  	v11 =	vand.u32 $0x80000000, v11;
	v24 =	vmin.f32 v24, $9.999989860e-01;
	v16 =	vmul.f32 v33, v16  }
0x157: {  	v13 =	vand.u32 $0x80000000, v13;
	v24 =	vadd.f32 $9.999999960e-13, v24;
	v23 =	vmin.f32 v23, $9.999989860e-01;
	v28 =	vpop (erf)  }
0x158: {  	v12 =	vor.u32 v27, v12;
	v23 =	vadd.f32 $9.999999960e-13, v23;
	v16 =	vmin.f32 v16, $9.999989860e-01;
	v27 =	vpop (erf)  }
0x159: {  	v22 =	vor.u32 v24, v22;
	v16 =	vadd.f32 $9.999999960e-13, v16;
	v24 =	vadd.f32 $1.000000000e+00, v27;
	v29 =	vpop (erf)  }
0x15a: {  	v11 =	vor.u32 v23, v11;
	v19 =	vsub.f32 $1.000000000e+00, v19;
	v23 =	vadd.f32 $1.000000000e+00, v29;
	v30 =	vpop (erf)  }
0x15b: {  	v13 =	vor.u32 v16, v13;
	(erf) = vrcp.f32 v24;
	v24 =	vadd.f32 $1.000000000e+00, v30  }
0x15c: {  	v16 =	vld [tilespmem:s14+$0xFFFFFFC0];
	v49 =	vsub.f32 $1.000000000e+00, v35;
	v19 =	vmul.f32 v40, v19;
	(erf) = vrcp.f32 v23  }
0x15d: {  	v50 =	vsub.f32 $1.000000000e+00, v39;
	v23 =	vld [tilespmem:s13+$0x20];
	(erf) = vrcp.f32 v24  }
0x15e: {  	v19 =	vmin.f32 v19, $9.999989860e-01;
	v32 =	vmul.f32 v57, v49;
	v24 =	vld [tilespmem:s14+$0xFFFFFFF0]  }
0x15f: {  	v14 =	vand.u32 $0x80000000, v14;
	v52 =	vld [tilespmem:s14+$0x20];
	v19 =	vadd.f32 $9.999999960e-13, v19;
	v33 =	vmul.f32 v58, v50  }
0x160: {  	v15 =	vand.u32 $0x80000000, v15;
	v51 =	vld [tilespmem:s14+$0x50];
	v26 =	vsub.f32 $1.000000000e+00, v26;
	v32 =	vmin.f32 v32, $9.999989860e-01  }
0x161: {  	v53 =	vld [tilespmem:s16+$0xFFFFFFF0];
	v14 =	vor.u32 v19, v14;
	v33 =	vmin.f32 v33, $9.999989860e-01;
	v32 =	vadd.f32 $9.999999960e-13, v32  }
0x162: {  	[tilespmem:v21+s31+$0x0] =	vst.idx.msk $0xffff, v22;
	v19 =	vadd.f32 $9.999999960e-13, v33;
	v26 =	vmul.f32 v28, v26;
	v22 =	vsub.f32 $1.000000000e+00, v29  }
0x163: {  	[tilespmem:v20+s31+$0x0] =	vst.idx.msk $0xffff, v12;
	v10 =	vand.u32 $0x80000000, v10;
	v20 =	vld [tilespmem:s16+$0xFFFFFFC0];
	v12 =	vor.u32 v32, v15;
	v15 =	vsub.f32 $1.000000000e+00, v27  }
0x164: {  	[tilespmem:v16+s31+$0x0] =	vst.idx.msk $0xffff, v14;
	v10 =	vor.u32 v19, v10;
	v19 =	vmin.f32 v26, $9.999989860e-01;
	v26 =	vld [tilespmem:s16+$0x50];
	v21 =	vpop (erf)  }
0x165: {  	s13 =	simm.s32 $0x60;
	[tilespmem:v23+s31+$0x0] =	vst.idx.msk $0xffff, v11;
	v11 =	vadd.f32 $9.999999960e-13, v19;
	v19 =	vsub.f32 $1.000000000e+00, v30;
	v23 =	vld [tilespmem:s16+$0x20];
	v15 =	vmul.f32 v21, v15;
	v21 =	vpop (erf)  }
0x166: {  	v16 =	vmov s13;
	[tilespmem:v24+s31+$0x0] =	vst.idx.msk $0xffff, v13;
	v13 =	vand.u32 $0x80000000, v31;
	v21 =	vmul.f32 v21, v22;
	v22 =	vpop (erf)  }
0x167: {  	[tilespmem:v52+s31+$0x0] =	vst.idx.msk $0xffff, v10;
	v24 =	vand.u32 $0x80000000, v25;
	v14 =	vmin.f32 v15, $9.999989860e-01;
	v15 =	vmul.f32 v22, v19  }
0x168: {  	[tilespmem:v51+s31+$0x0] =	vst.idx.msk $0xffff, v12;
	v11 =	vor.u32 v11, v24;
	v12 =	vadd.f32 $9.999999960e-13, v14;
	v14 =	vmin.f32 v21, $9.999989860e-01  }
0x169: {  	[tilespmem:v53+s31+$0x0] =	vst.idx.msk $0xffff, v11;
	v11 =	vand.u32 $0x80000000, v18;
	v14 =	vadd.f32 $9.999999960e-13, v14;
	v10 =	vmin.f32 v15, $9.999989860e-01  }
0x16a: {  	v15 =	vmul.u32 $0x6, v16;
	v12 =	vor.u32 v12, v13;
	v10 =	vadd.f32 $9.999999960e-13, v10  }
0x16b: {  	s19 =	simm.s32 $0x20;
	[tilespmem:v20+s31+$0x0] =	vst.idx.msk $0xffff, v12;
	v12 =	vand.u32 $0x80000000, v17;
	v11 =	vor.u32 v14, v11  }
0x16c: {  	v21 =	vmov s19;
	v13 =	vbroadcast v15, $0x0;
	[tilespmem:v26+s31+$0x0] =	vst.idx.msk $0xffff, v11;
	v10 =	vor.u32 v10, v12  }
0x16d: {  	s15 =	simm.s32 $0x8800;
	s17 =	simm.s32 $0x10;
	v21 =	vmul.u32 $0x6, v21;
	[tilespmem:v23+s31+$0x0] =	vst.idx.msk $0xffff, v10  }
0x16e: {  	s14 =	simm.s32 $0x0;
	s16 =	simm.s32 $0x3;
	v17 =	vmov s17;
	v10 =	vadd.s32 v2, v13;
	s2 =	rddreg [dreg:$0xc]  }
0x16f: {  	v21 =	vbroadcast v21, $0x0;
	v17 =	vmul.u32 $0x6, v17;
	v12 =	vadd.s32 v5, v13;
	[tilespmem:s15], [sflag:$0x1] =	stream.strided.gather [hbm4b:s2+s22], $0x3000, s23, s22, $0x38;
	[tilespmem:$0x1C800] =	vst v63  }
0x170: {  	v11 =	vmov s14;
	v16 =	vadd.s32 v8, v13;
	_ =	swait.ge [sflag:s16], $0x3000  }
0x171: {  	s20 =	simm.s32 $0x30;
	v11 =	vmul.u32 $0x6, v11;
	v28 =	vadd.s32 v2, v21;
	v17 =	vbroadcast v17, $0x0;
	v6 =	vld [tilespmem:$0x1FFC0];
	[sflag:s16] =	ssyncset.done $0x0  }
0x172: {  	v26 =	vmov s20;
	v29 =	vadd.s32 v5, v21;
	v7 =	vld [tilespmem:$0x1FFD0];
	[sflag:s16] =	ssyncadd.s32 $0xFFFFD000  }
0x173: {  	v26 =	vmul.u32 $0x6, v26;
	v11 =	vbroadcast v11, $0x0;
	v23 =	vadd.s32 v2, v17;
	v10 =	vld.idx.msk [tilespmem:v10+s31+$0x0], $0xffff  }
0x174: {  	v24 =	vadd.s32 v5, v17;
	v12 =	vld.idx.msk [tilespmem:v12+s31+$0x0], $0xffff  }
0x175: {  	v26 =	vbroadcast v26, $0x0;
	v18 =	vor.u32 v2, v11;
	v16 =	vld.idx.msk [tilespmem:v16+s31+$0x0], $0xffff  }
0x176: {  	v19 =	vor.u32 v5, v11;
	v35 =	vld.idx.msk [tilespmem:v28+s31+$0x0], $0xffff  }
0x177: {  	v55 =	vadd.s32 v5, v26;
	v37 =	vld.idx.msk [tilespmem:v29+s31+$0x0], $0xffff  }
0x178: {  	v23 =	vld.idx.msk [tilespmem:v23+s31+$0x0], $0xffff;
	v14 =	vadd.s32 v6, v13  }
0x179: {  	v24 =	vld.idx.msk [tilespmem:v24+s31+$0x0], $0xffff;
	v15 =	vadd.s32 v7, v13  }
0x17a: {  	v18 =	vld.idx.msk [tilespmem:v18+s31+$0x0], $0xffff;
	v13 =	vadd.s32 v9, v13  }
0x17b: {  	v19 =	vld.idx.msk [tilespmem:v19+s31+$0x0], $0xffff;
	v20 =	vor.u32 v6, v11  }
0x17c: {  	v42 =	vld.idx.msk [tilespmem:v55+s31+$0x0], $0xffff;
	v22 =	vor.u32 v7, v11  }
0x17d: {  	s25 =	simm.s32 $0x50;
	v25 =	vadd.s32 v6, v17;
	v14 =	vld.idx.msk [tilespmem:v14+s31+$0x0], $0xffff  }
0x17e: {  	v28 =	vmov s25;
	v27 =	vadd.s32 v7, v17;
	v15 =	vld.idx.msk [tilespmem:v15+s31+$0x0], $0xffff  }
0x17f: {  	v28 =	vmul.u32 $0x6, v28;
	v30 =	vadd.s32 v6, v21;
	v13 =	vld.idx.msk [tilespmem:v13+s31+$0x0], $0xffff  }
0x180: {  	s21 =	simm.s32 $0x40;
	v54 =	vadd.s32 v7, v21;
	v20 =	vld.idx.msk [tilespmem:v20+s31+$0x0], $0xffff  }
0x181: {  	v31 =	vmov s21;
	v29 =	vadd.s32 v7, v26;
	v39 =	vbroadcast v28, $0x0;
	v22 =	vld.idx.msk [tilespmem:v22+s31+$0x0], $0xffff  }
0x182: {  	v33 =	vld.idx.msk [tilespmem:v25+s31+$0x0], $0xffff;
	v25 =	vmul.u32 $0x6, v31;
	v31 =	vadd.s32 v2, v26  }
0x183: {  	v47 =	vadd.s32 v6, v39;
	v27 =	vld.idx.msk [tilespmem:v27+s31+$0x0], $0xffff  }
0x184: {  	v30 =	vld.idx.msk [tilespmem:v30+s31+$0x0], $0xffff;
	v58 =	vbroadcast v25, $0x0;
	v25 =	vadd.s32 v6, v26  }
0x185: {  	v46 =	vadd.s32 v5, v39;
	v1 =	vld.idx.msk [tilespmem:v54+s31+$0x0], $0xffff  }
0x186: {  	s28 =	simm.s32 $0x70;
	v45 =	vld.idx.msk [tilespmem:v29+s31+$0x0], $0xffff;
	v59 =	vor.u32 v2, v58  }
0x187: {  	v60 =	vmov s28;
	v10 =	vmul.f32 v12, v10;
	v61 =	vor.u32 v5, v58;
	v41 =	vld.idx.msk [tilespmem:v31+s31+$0x0], $0xffff  }
0x188: {  	v28 =	vor.u32 v6, v58;
	v12 =	vmul.f32 v15, v14;
	v14 =	vmul.f32 v22, v20;
	v20 =	vld.idx.msk [tilespmem:v47+s31+$0x0], $0xffff  }
0x189: {  	v62 =	vor.u32 v7, v58;
	v31 =	vmul.u32 $0x6, v60;
	v63 =	vld.idx.msk [tilespmem:v25+s31+$0x0], $0xffff  }
0x18a: {  	v48 =	vadd.s32 v7, v39;
	v10 =	vmul.f32 v12, v10;
	v12 =	vmul.f32 v13, v16;
	v16 =	vld.idx.msk [tilespmem:v46+s31+$0x0], $0xffff  }
0x18b: {  	v53 =	vor.u32 v8, v11;
	v60 =	vbroadcast v31, $0x0;
	v25 =	vadd.s32 v2, v39;
	v38 =	vld.idx.msk [tilespmem:v59+s31+$0x0], $0xffff  }
0x18c: {  	v55 =	vor.u32 v9, v11;
	v29 =	vadd.s32 v9, v21;
	v13 =	vmul.f32 v19, v18;
	v40 =	vld.idx.msk [tilespmem:v61+s31+$0x0], $0xffff  }
0x18d: {  	v18 =	vmul.f32 v1, v30;
	v49 =	vadd.s32 v2, v60;
	v50 =	vadd.s32 v5, v60;
	v54 =	vld.idx.msk [tilespmem:v28+s31+$0x0], $0xffff  }
0x18e: {  	v51 =	vadd.s32 v6, v60;
	v52 =	vadd.s32 v7, v60;
	v11 =	vld.idx.msk [tilespmem:v62+s31+$0x0], $0xffff;
	v28 =	vadd.s32 v8, v21  }
0x18f: {  	v21 =	vadd.s32 v9, v26;
	v62 =	vld.idx.msk [tilespmem:v48+s31+$0x0], $0xffff;
	v59 =	vmul.f32 v14, v13;
	v14 =	vmul.f32 v37, v35  }
0x190: {  	v61 =	vmul.f32 v12, v10;
	v12 =	vmul.f32 v24, v23;
	v23 =	vadd.s32 v9, v39;
	v57 =	vld.idx.msk [tilespmem:v25+s31+$0x0], $0xffff  }
0x191: {  	v25 =	vadd.s32 v8, v26;
	v26 =	vadd.s32 v8, v39;
	v39 =	vmul.f32 v18, v14;
	v18 =	vld.idx.msk [tilespmem:v53+s31+$0x0], $0xffff  }
0x192: {  	v56 =	vadd.s32 v8, v17;
	v13 =	vmul.f32 v27, v33;
	v33 =	vld.idx.msk [tilespmem:v49+s31+$0x0], $0xffff  }
0x193: {  	v22 =	vor.u32 v9, v58;
	v31 =	vadd.s32 v9, v17;
	v27 =	vmul.f32 v42, v41;
	v34 =	vld.idx.msk [tilespmem:v50+s31+$0x0], $0xffff  }
0x194: {  	v24 =	vor.u32 v8, v58;
	v48 =	vmul.f32 v13, v12;
	v30 =	vmul.f32 v45, v63;
	v15 =	vld.idx.msk [tilespmem:v51+s31+$0x0], $0xffff  }
0x195: {  	s6 =	simm.s32 $0x0;
	s2 =	simm.s32 $0x7040;
	v19 =	vadd.s32 v8, v60;
	v1 =	vmul.f32 v40, v38;
	v63 =	vmul.f32 v11, v54;
	v17 =	vld.idx.msk [tilespmem:v52+s31+$0x0], $0xffff  }
0x196: {  	s4 =	simm.s32 $0x3040;
	s8 =	simm.s32 $0xF0;
	s3 =	simm.s32 $0x7040;
	[tilespmem:s2+$0x20] =	vst v61;
	v36 =	vmul.f32 v30, v27;
	v27 =	vld.idx.msk [tilespmem:v55+s31+$0x0], $0xffff;
	v35 =	vmul.f32 v62, v20  }
0x197: {  	s12 =	simm.s32 $0x12840;
	s1 =	simm.s32 $0x18840;
	s13 =	simm.s32 $0xE840;
	v30 =	vadd.s32 v9, v60;
	v20 =	vld.idx.msk [tilespmem:v56+s31+$0x0], $0xffff;
	v37 =	vmul.f32 v63, v1;
	v16 =	vmul.f32 v16, v57  }
.LBB2_5:
0x198: {  	v1 =	vld.idx.msk [tilespmem:v31+s31+$0x0], $0xffff;
	_ =	sdelay $0x4  }
0x199: {  	[tilespmem:$0x1FEB0] =	vst v1;
	v1 =	vmul.f32 v35, v16;
	_ =	sdelay $0x1  }
0x19a: {  	[tilespmem:$0x1FF40] =	vst v1;
	v1 =	vmul.f32 v34, v33;
	_ =	sdelay $0x1  }
0x19b: {  	[tilespmem:$0x1FEA0] =	vst v1;
	v1 =	vld.idx.msk [tilespmem:v28+s31+$0x0], $0xffff;
	_ =	sdelay $0x4  }
0x19c: {  	[tilespmem:$0x1FEC0] =	vst v1;
	v1 =	vld.idx.msk [tilespmem:v29+s31+$0x0], $0xffff;
	_ =	sdelay $0x3  }
0x19d: {  	s15 =	sadd.s32 $0xFFFFFFF0, s8  }
0x19e: {  	v61 =	vmov s15;
	[tilespmem:$0x1FED0] =	vst v1;
	v1 =	vld.idx.msk [tilespmem:v25+s31+$0x0], $0xffff  }
0x19f: {  	v38 =	vmul.u32 $0x6, v61;
	_ =	sdelay $0x1  }
0x1a0: {  	s21 =	sadd.s32 $0xFFFFFFC0, s8;
	s25 =	sadd.s32 $0xFFFFFFD0, s8;
	v42 =	vbroadcast v38, $0x0  }
0x1a1: {  	s16 =	sadd.s32 $0xFFFFFFE0, s8;
	v40 =	vmov s25;
	v28 =	vmov s21  }
0x1a2: {  	v41 =	vmov s16;
	v47 =	vadd.s32 v8, v42;
	[tilespmem:$0x1FEE0] =	vst v1;
	v1 =	vld.idx.msk [tilespmem:v21+s31+$0x0], $0xffff;
	v21 =	vmul.u32 $0x6, v28  }
0x1a3: {  	v62 =	vmul.u32 $0x6, v41;
	v41 =	vld.idx.msk [tilespmem:v26+s31+$0x0], $0xffff;
	v28 =	vmul.u32 $0x6, v40  }
0x1a4: {  	v58 =	vmov s8;
	s28 =	sadd.s32 $0xFFFFFF90, s8;
	v16 =	vld.idx.msk [tilespmem:v30+s31+$0x0], $0xffff;
	v63 =	vadd.s32 v7, v42;
	v21 =	vbroadcast v21, $0x0  }
0x1a5: {  	v34 =	vld.idx.msk [tilespmem:v23+s31+$0x0], $0xffff;
	v29 =	vmov s28;
	v26 =	vbroadcast v28, $0x0;
	v28 =	vadd.s32 v6, v42  }
0x1a6: {  	[tilespmem:$0x1FF20] =	vst v39;
	v39 =	vmul.u32 $0x6, v58;
	v33 =	vld.idx.msk [tilespmem:v19+s31+$0x0], $0xffff;
	v25 =	vmul.u32 $0x6, v29;
	v58 =	vadd.s32 v2, v21  }
0x1a7: {  	v47 =	vld.idx.msk [tilespmem:v47+s31+$0x0], $0xffff  }
0x1a8: {  	[tilespmem:$0x1FEF0] =	vst v1;
	v1 =	vld.idx.msk [tilespmem:v24+s31+$0x0], $0xffff;
	v24 =	vbroadcast v25, $0x0  }
0x1a9: {  	v40 =	vld.idx.msk [tilespmem:v63+s31+$0x0], $0xffff;
	v25 =	vadd.s32 v2, v42  }
0x1aa: {  	s10 =	sadd.s32 $0xFFFFFFA0, s8;
	v19 =	vor.u32 v2, v24;
	v28 =	vld.idx.msk [tilespmem:v28+s31+$0x0], $0xffff  }
0x1ab: {  	v31 =	vmov s10;
	v18 =	vmul.f32 v27, v18;
	v46 =	vor.u32 v5, v24;
	v27 =	vld.idx.msk [tilespmem:v58+s31+$0x0], $0xffff  }
0x1ac: {  	s14 =	sadd.s32 $0xFFFFFFB0, s8;
	v31 =	vmul.u32 $0x6, v31;
	v30 =	vor.u32 v6, v24;
	v58 =	vld [tilespmem:$0x1FED0]  }
0x1ad: {  	v60 =	vmov s14;
	v49 =	vor.u32 v7, v24;
	[tilespmem:$0x1FF00] =	vst v1;
	v1 =	vld.idx.msk [tilespmem:v22+s31+$0x0], $0xffff  }
0x1ae: {  	v29 =	vmul.u32 $0x6, v60;
	v22 =	vbroadcast v31, $0x0;
	v31 =	vadd.s32 v5, v42;
	v25 =	vld.idx.msk [tilespmem:v25+s31+$0x0], $0xffff  }
0x1af: {  	v42 =	vadd.s32 v9, v42;
	v10 =	vld.idx.msk [tilespmem:v19+s31+$0x0], $0xffff  }
0x1b0: {  	v29 =	vbroadcast v29, $0x0;
	v50 =	vadd.s32 v2, v22;
	v46 =	vld.idx.msk [tilespmem:v46+s31+$0x0], $0xffff  }
0x1b1: {  	v51 =	vadd.s32 v5, v22;
	v44 =	vld.idx.msk [tilespmem:v30+s31+$0x0], $0xffff  }
0x1b2: {  	v55 =	vadd.s32 v5, v29;
	v49 =	vld.idx.msk [tilespmem:v49+s31+$0x0], $0xffff  }
0x1b3: {  	v31 =	vld.idx.msk [tilespmem:v31+s31+$0x0], $0xffff  }
0x1b4: {  	v52 =	vadd.s32 v6, v22;
	v42 =	vld.idx.msk [tilespmem:v42+s31+$0x0], $0xffff  }
0x1b5: {  	v39 =	vbroadcast v39, $0x0;
	v53 =	vadd.s32 v7, v22;
	v50 =	vld.idx.msk [tilespmem:v50+s31+$0x0], $0xffff  }
0x1b6: {  	v54 =	vadd.s32 v2, v29;
	v51 =	vld.idx.msk [tilespmem:v51+s31+$0x0], $0xffff  }
0x1b7: {  	v56 =	vadd.s32 v6, v29;
	v19 =	vadd.s32 v7, v39;
	v10 =	vmul.f32 v46, v10;
	v46 =	vld.idx.msk [tilespmem:v55+s31+$0x0], $0xffff  }
0x1b8: {  	v57 =	vadd.s32 v7, v29;
	[tilespmem:$0x1FF50] =	vst v19;
	v19 =	vor.u32 v8, v24;
	v55 =	vld [tilespmem:$0x1FEA0]  }
0x1b9: {  	[tilespmem:$0x1FF60] =	vst v19;
	v30 =	vmul.f32 v42, v47;
	v42 =	vld.idx.msk [tilespmem:v52+s31+$0x0], $0xffff  }
0x1ba: {  	[tilespmem:$0x1FF10] =	vst v1;
	v47 =	vld.idx.msk [tilespmem:v53+s31+$0x0], $0xffff  }
0x1bb: {  	v1 =	vor.u32 v6, v26;
	v19 =	vmul.f32 v31, v25;
	v25 =	vmul.f32 v40, v28;
	v52 =	vld.idx.msk [tilespmem:v54+s31+$0x0], $0xffff  }
0x1bc: {  	v12 =	vmovc v48;
	v48 =	vmov v59;
	v59 =	vadd.s32 v5, v21;
	v54 =	vmul.f32 v49, v44;
	v44 =	vld.idx.msk [tilespmem:v56+s31+$0x0], $0xffff  }
0x1bd: {  	v60 =	vadd.s32 v6, v21;
	v49 =	vld.idx.msk [tilespmem:v57+s31+$0x0], $0xffff;
	v19 =	vmul.f32 v25, v19  }
0x1be: {  	v56 =	vld [tilespmem:$0x1FEB0]  }
0x1bf: {  	[tilespmem:$0x1FF30] =	vst v37;
	v35 =	vadd.s32 v2, v39;
	v45 =	vadd.s32 v5, v39;
	v57 =	vld [tilespmem:$0x1FEC0];
	v30 =	vmul.f32 v30, v19  }
0x1c0: {  	s2 =	sadd.s32 $0x80, s2;
	v37 =	vadd.s32 v6, v39;
	v61 =	vadd.s32 v7, v21;
	v1 =	vld.idx.msk [tilespmem:v1+s31+$0x0], $0xffff;
	v19 =	vadd.s32 v8, v39  }
0x1c1: {  	[tilespmem:s2+$0x20] =	vst v30;
	v30 =	vadd.s32 v9, v39;
	v39 =	vmul.f32 v47, v42;
	v42 =	vld.idx.msk [tilespmem:v59+s31+$0x0], $0xffff  }
0x1c2: {  	v23 =	vbroadcast v62, $0x0;
	v62 =	vor.u32 v2, v26;
	v47 =	vld.idx.msk [tilespmem:v60+s31+$0x0], $0xffff  }
0x1c3: {  	v20 =	vmul.f32 v56, v20;
	v59 =	vld [tilespmem:$0x1FEE0]  }
0x1c4: {  	v15 =	vmul.f32 v17, v15;
	v17 =	vmul.f32 v51, v50;
	v60 =	vld [tilespmem:$0x1FEF0]  }
0x1c5: {  	v63 =	vor.u32 v5, v26;
	v20 =	vmul.f32 v20, v12;
	v12 =	vld [tilespmem:$0x1FF20]  }
0x1c6: {  	v32 =	vor.u32 v7, v26;
	v17 =	vmul.f32 v39, v17;
	v39 =	vmul.f32 v46, v52;
	v46 =	vld.idx.msk [tilespmem:v61+s31+$0x0], $0xffff  }
0x1c7: {  	v52 =	vld.idx.msk [tilespmem:v62+s31+$0x0], $0xffff  }
0x1c8: {  	v61 =	vld [tilespmem:$0x1FF00]  }
0x1c9: {  	v62 =	vld [tilespmem:$0x1FF10]  }
0x1ca: {  	v11 =	vmov v36;
	v36 =	vadd.s32 v2, v23;
	v51 =	vmul.f32 v60, v59;
	v60 =	vld.idx.msk [tilespmem:v63+s31+$0x0], $0xffff  }
0x1cb: {  	v18 =	vmul.f32 v18, v48;
	v48 =	vmov v17;
	v17 =	vmul.f32 v42, v27;
	v27 =	vld.idx.msk [tilespmem:v32+s31+$0x0], $0xffff  }
0x1cc: {  	v50 =	vmul.f32 v58, v57  }
0x1cd: {  	v16 =	vmul.f32 v16, v33;
	v63 =	vmul.f32 v46, v47  }
0x1ce: {  	[tilespmem:s3+$0xFFFFFFC0] =	vst v18;
	v15 =	vmul.f32 v15, v55;
	v18 =	vmul.f32 v50, v12;
	v12 =	vld [tilespmem:$0x1FF30]  }
0x1cf: {  	v53 =	vmul.f32 v62, v61;
	v61 =	vld.idx.msk [tilespmem:v36+s31+$0x0], $0xffff;
	v36 =	vmul.f32 v63, v17  }
0x1d0: {  	v17 =	vmul.f32 v60, v52;
	v1 =	vmul.f32 v27, v1  }
0x1d1: {  	v16 =	vmul.f32 v16, v15;
	v15 =	vld.idx.msk [tilespmem:v37+s31+$0x0], $0xffff  }
0x1d2: {  	v37 =	vmul.f32 v1, v17;
	v1 =	vld [tilespmem:$0x1FF50];
	_ =	sdelay $0x1  }
0x1d3: {  	[tilespmem:s3+$0xFFFFFFD0] =	vst v20;
	v20 =	vmul.f32 v53, v12;
	v12 =	vld [tilespmem:$0x1FF40];
	_ =	sdelay $0x2  }
0x1d4: {  	v13 =	vadd.s32 v5, v23;
	v43 =	vadd.s32 v6, v23;
	v34 =	vmul.f32 v34, v41  }
0x1d5: {  	v14 =	vadd.s32 v7, v23;
	v33 =	vld.idx.msk [tilespmem:v35+s31+$0x0], $0xffff;
	v10 =	vmul.f32 v54, v10;
	[tilespmem:s3+$0xFFFFFFE0] =	vst v18  }
0x1d6: {  	v55 =	vmul.f32 v49, v44;
	v18 =	vmul.f32 v34, v12;
	v34 =	vld.idx.msk [tilespmem:v45+s31+$0x0], $0xffff;
	[tilespmem:s3+$0x30] =	vst v16  }
0x1d7: {  	v17 =	vld.idx.msk [tilespmem:v1+s31+$0x0], $0xffff  }
0x1d8: {  	v59 =	vmov v10;
	v10 =	vmul.f32 v55, v39;
	v1 =	vld [tilespmem:$0x1FF60]  }
0x1d9: {  	v40 =	vor.u32 v9, v24;
	v62 =	vmul.f32 v51, v11;
	v11 =	vld.idx.msk [tilespmem:v13+s31+$0x0], $0xffff  }
0x1da: {  	s6 =	sadd.s32 $0x8, s6;
	v38 =	vadd.s32 v8, v22;
	v39 =	vmov v10;
	v10 =	vld.idx.msk [tilespmem:v43+s31+$0x0], $0xffff  }
0x1db: {  	p0 =	slt.u32 s6, $0x78;
	v12 =	vld.idx.msk [tilespmem:v14+s31+$0x0], $0xffff  }
.Ltmp1:
0x1dc: {  	v31 =	vadd.s32 v9, v22;
	v28 =	vadd.s32 v8, v29;
	(pc) =	sbr.rel @p0 .LBB2_5-.Ltmp1, $4  }
0x1dd: {  	v29 =	vadd.s32 v9, v29;
	v24 =	vor.u32 v8, v26;
	v22 =	vor.u32 v9, v26  }
0x1de: {  	v26 =	vadd.s32 v8, v23;
	v23 =	vadd.s32 v9, v23;
	[tilespmem:s3+$0xFFFFFFF0] =	vst v62;
	v27 =	vld.idx.msk [tilespmem:v40+s31+$0x0], $0xffff  }
0x1df: {  	v25 =	vadd.s32 v8, v21;
	v21 =	vadd.s32 v9, v21;
	[tilespmem:s3+$0x0] =	vst v20;
	v20 =	vld.idx.msk [tilespmem:v38+s31+$0x0], $0xffff  }
0x1e0: {  	s8 =	sadd.s32 $0x80, s8;
	v16 =	vmul.f32 v11, v61;
	[tilespmem:s3+$0x10] =	vst v18;
	s3 =	smov.u32 s2;
	v35 =	vmul.f32 v12, v10;
	v18 =	vld.idx.msk [tilespmem:v1+s31+$0x0], $0xffff  }
0x1e1: {  	_ =	sdelay $0x3  }
0x1e2: {  	v1 =	vld.idx.msk [tilespmem:v31+s31+$0x0], $0xffff  }
0x1e3: {  	v10 =	vld.idx.msk [tilespmem:v28+s31+$0x0], $0xffff  }
0x1e4: {  	v11 =	vld.idx.msk [tilespmem:v29+s31+$0x0], $0xffff  }
0x1e5: {  	v12 =	vld.idx.msk [tilespmem:v25+s31+$0x0], $0xffff  }
0x1e6: {  	v13 =	vld.idx.msk [tilespmem:v21+s31+$0x0], $0xffff  }
0x1e7: {  	v14 =	vld.idx.msk [tilespmem:v24+s31+$0x0], $0xffff  }
0x1e8: {  	v21 =	vld.idx.msk [tilespmem:v22+s31+$0x0], $0xffff  }
0x1e9: {  	v22 =	vld.idx.msk [tilespmem:v26+s31+$0x0], $0xffff  }
0x1ea: {  	v24 =	vmul.f32 v34, v33;
	v23 =	vld.idx.msk [tilespmem:v23+s31+$0x0], $0xffff;
	v15 =	vmul.f32 v17, v15  }
0x1eb: {  	v17 =	vld.idx.msk [tilespmem:v19+s31+$0x0], $0xffff;
	v16 =	vmul.f32 v35, v16;
	v18 =	vmul.f32 v27, v18  }
0x1ec: {  	v19 =	vld.idx.msk [tilespmem:v30+s31+$0x0], $0xffff;
	v15 =	vmul.f32 v15, v24;
	v1 =	vmul.f32 v1, v20  }
0x1ed: {  	v10 =	vmul.f32 v11, v10;
	v11 =	vmul.f32 v18, v59  }
0x1ee: {  	v12 =	vmul.f32 v13, v12;
	v1 =	vmul.f32 v1, v48  }
0x1ef: {  	v13 =	vmul.f32 v21, v14;
	v10 =	vmul.f32 v10, v39;
	[tilespmem:s3+$0xFFFFFFC0] =	vst v11  }
0x1f0: {  	v12 =	vmul.f32 v12, v36;
	v11 =	vmul.f32 v23, v22;
	[tilespmem:s3+$0xFFFFFFD0] =	vst v1  }
0x1f1: {  	v13 =	vmul.f32 v13, v37;
	v1 =	vmul.f32 v19, v17;
	[tilespmem:s3+$0xFFFFFFE0] =	vst v10  }
0x1f2: {  	[tilespmem:s3+$0xFFFFFFF0] =	vst v12;
	v10 =	vmul.f32 v11, v16  }
0x1f3: {  	[tilespmem:s3+$0x0] =	vst v13;
	v1 =	vmul.f32 v1, v15  }
0x1f4: {  	[tilespmem:s3+$0x10] =	vst v10  }
0x1f5: {  	[tilespmem:s3+$0x30] =	vst v1  }
0x1f6: {  	v1 =	vld [tilespmem:s4+$0x10]  }
0x1f7: {  	v10 =	vld [tilespmem:s4+$0x20]  }
0x1f8: {  	v11 =	vld [tilespmem:s4+$0xFFFFFFF0]  }
0x1f9: {  	v12 =	vld [tilespmem:s4+$0x30]  }
0x1fa: {  	v13 =	vld [tilespmem:s1+$0xFFFFFFE0]  }
0x1fb: {  	v14 =	vld [tilespmem:s1+$0x30]  }
0x1fc: {  	v15 =	vld [tilespmem:s1+$0xFFFFFFF0]  }
0x1fd: {  	v16 =	vld [tilespmem:s1+$0x20]  }
0x1fe: {  	v17 =	vld [tilespmem:s1+$0x10]  }
0x1ff: {  	v18 =	vld [tilespmem:s1+$0xFFFFFFC0]  }
0x200: {  	v19 =	vld [tilespmem:s4+$0xFFFFFFE0]  }
0x201: {  	v20 =	vld [tilespmem:s1+$0xFFFFFFD0]  }
0x202: {  	v13 =	vld.idx.msk [tilespmem:v13+s9+$0x0], $0xffff  }
0x203: {  	v14 =	vld.idx.msk [tilespmem:v14+s9+$0x0], $0xffff  }
0x204: {  	v21 =	vld [tilespmem:s4+$0xFFFFFFC0]  }
0x205: {  	v24 =	vld [tilespmem:s4+$0xFFFFFFD0]  }
0x206: {  	v15 =	vld.idx.msk [tilespmem:v15+s9+$0x0], $0xffff  }
0x207: {  	v16 =	vld.idx.msk [tilespmem:v16+s9+$0x0], $0xffff;
	v22 =	vsub.f32 v19, v13  }
0x208: {  	v17 =	vld.idx.msk [tilespmem:v17+s9+$0x0], $0xffff;
	v23 =	vsub.f32 v12, v14  }
0x209: {  	v18 =	vld.idx.msk [tilespmem:v18+s9+$0x0], $0xffff;
	(erf) = vrcp.f32 v22  }
0x20a: {  	v20 =	vld.idx.msk [tilespmem:v20+s9+$0x0], $0xffff;
	(erf) = vrcp.f32 v23  }
0x20b: {  	v25 =	vsub.f32 v11, v15  }
0x20c: {  	v22 =	vsub.f32 v10, v16  }
0x20d: {  	v26 =	vsub.f32 v1, v17;
	v23 =	vld [tilespmem:s1+$0x0];
	(erf) = vrcp.f32 v25  }
0x20e: {  	v25 =	vsub.f32 v21, v18;
	(erf) = vrcp.f32 v22  }
0x20f: {  	v22 =	vsub.f32 v24, v20;
	(erf) = vrcp.f32 v26  }
0x210: {  	(erf) = vrcp.f32 v25  }
0x211: {  	(erf) = vrcp.f32 v22  }
0x212: {  	v12 =	vadd.f32 v12, v14;
	v14 =	vpop (erf)  }
0x213: {  	v25 =	vpop (erf)  }
0x214: {  	v22 =	vld [tilespmem:s4+$0x0];
	v12 =	vmul.f32 v25, v12  }
0x215: {  	v23 =	vld.idx.msk [tilespmem:v23+s9+$0x0], $0xffff  }
0x216: {  	v25 =	vpop (erf);
	v61 =	vadd.s32 $0xC0CAFB0D, v12  }
0x217: {  	v20 =	vadd.f32 v24, v20;
	v26 =	vpop (erf);
	v24 =	vand.u32 $0xFF800000, v61  }
0x218: {  	v18 =	vadd.f32 v21, v18;
	v21 =	vpop (erf)  }
0x219: {  	v27 =	vpop (erf)  }
0x21a: {  	v28 =	vsub.f32 v22, v23;
	v18 =	vmul.f32 v27, v18;
	v12 =	vsub.s32 v12, v24;
	v24 =	vpop (erf)  }
0x21b: {  	v27 =	vadd.f32 $1.000000000e+00, v12;
	v20 =	vmul.f32 v24, v20  }
0x21c: {  	(erf) = vrcp.f32 v28;
	v24 =	vadd.s32 $0xC0CAFB0D, v18  }
0x21d: {  	(erf) = vrcp.f32 v27;
	v28 =	vand.u32 $0xFF800000, v24;
	v27 =	vadd.s32 $0xC0CAFB0D, v20  }
0x21e: {  	v10 =	vadd.f32 v10, v16;
	v18 =	vsub.s32 v18, v28;
	v28 =	vand.u32 $0xFF800000, v27  }
0x21f: {  	v11 =	vadd.f32 v11, v15;
	v16 =	vadd.f32 $1.000000000e+00, v18;
	v20 =	vsub.s32 v20, v28  }
0x220: {  	v13 =	vadd.f32 v19, v13;
	v10 =	vmul.f32 v26, v10;
	v19 =	vadd.f32 $1.000000000e+00, v20  }
0x221: {  	v1 =	vadd.f32 v1, v17;
	v11 =	vmul.f32 v25, v11;
	(erf) = vrcp.f32 v16  }
0x222: {  	v15 =	vadd.f32 v22, v23;
	v23 =	vadd.s32 $0xC0CAFB0D, v10;
	(erf) = vrcp.f32 v19  }
0x223: {  	v13 =	vmul.f32 v14, v13;
	v14 =	vand.u32 $0xFF800000, v23  }
0x224: {  	v1 =	vmul.f32 v21, v1;
	v25 =	vadd.s32 $0xC0CAFB0D, v11;
	v10 =	vsub.s32 v10, v14  }
0x225: {  	v12 =	vadd.f32 $-1.000000000e+00, v12;
	v17 =	vadd.f32 $1.000000000e+00, v10;
	v14 =	vshra.s32 v24, $0x17;
	v22 =	vpop (erf)  }
0x226: {  	v21 =	vshra.s32 v27, $0x17;
	v27 =	vcvt.s32.f32 v14;
	v31 =	vadd.f32 $-1.000000000e+00, v18;
	v24 =	vpop (erf)  }
0x227: {  	v16 =	vadd.s32 $0xC0CAFB0D, v13;
	v20 =	vadd.f32 $-1.000000000e+00, v20;
	v62 =	vmul.f32 v24, v12  }
0x228: {  	v14 =	vand.u32 $0xFF800000, v16;
	v16 =	vshra.s32 v16, $0x17;
	(erf) = vrcp.f32 v17  }
0x229: {  	v19 =	vadd.s32 $0xC0CAFB0D, v1;
	v12 =	vand.u32 $0xFF800000, v25;
	v63 =	vmul.f32 v62, v62  }
0x22a: {  	v30 =	vsub.s32 v13, v14;
	v24 =	vand.u32 $0xFF800000, v19;
	v17 =	vsub.s32 v11, v12;
	v32 =	vpop (erf)  }
0x22b: {  	v29 =	vld [tilespmem:s13+$0xFFFFFFD0];
	v12 =	vadd.f32 $1.000000000e+00, v30;
	v26 =	vsub.s32 v1, v24;
	v1 =	vmul.f32 $2.000000030e-01, v63;
	v13 =	vpop (erf)  }
0x22c: {  	v14 =	vld [tilespmem:s13+$0x30];
	v18 =	vcvt.s32.f32 v16;
	v33 =	vmul.f32 v13, v20;
	v20 =	vadd.f32 $1.000000000e+00, v26  }
0x22d: {  	v16 =	vshra.s32 v61, $0x17;
	v11 =	vld [tilespmem:s13+$0x10];
	(erf) = vrcp.f32 v12;
	v1 =	vadd.f32 $3.333333430e-01, v1  }
0x22e: {  	v24 =	vshra.s32 v25, $0x17;
	v25 =	vld [tilespmem:s12+$0x30];
	v38 =	vadd.f32 $1.000000000e+00, v17;
	(erf) = vrcp.f32 v20  }
0x22f: {  	v28 =	vadd.f32 $-1.000000000e+00, v17;
	v12 =	vld [tilespmem:s12+$0xFFFFFFE0];
	v1 =	vmul.f32 v1, v63;
	v17 =	vmul.f32 v33, v33  }
0x230: {  	s6 =	simm.s32 $0x188C0;
	v34 =	vcvt.s32.f32 v16;
	v13 =	vld [tilespmem:s13+$0xFFFFFFE0];
	(erf) = vrcp.f32 v38  }
0x231: {  	s8 =	simm.s32 $0xE8C0;
	s3 =	simm.s32 $0x0;
	s1 =	simm.s32 $0x12840;
	v37 =	vadd.f32 v62, v62;
	v16 =	vpop (erf);
	v20 =	vld [tilespmem:s12+$0xFFFFFFD0];
	v35 =	vadd.f32 $1.000000000e+00, v1;
	v36 =	vmul.f32 $2.000000030e-01, v17  }
.LBB2_7:
0x232: {  	v1 =	vld [tilespmem:s6+$0x0];
	s3 =	sadd.s32 $0x8, s3;
	v33 =	vadd.f32 v33, v33;
	v15 =	vmul.f32 v22, v15;
	v23 =	vshra.s32 v23, $0x17;
	s4 =	sadd.s32 $0x80, s4;
	s12 =	sadd.s32 $0x80, s12  }
0x233: {  	v34 =	vmul.f32 $6.931471820e-01, v34;
	v38 =	vld [tilespmem:s4+$0x10];
	v36 =	vadd.f32 $3.333333430e-01, v36;
	v35 =	vmul.f32 v35, v37  }
0x234: {  	v2 =	vmul.f32 v32, v31;
	v22 =	vmul.f32 $6.931471820e-01, v27;
	v27 =	vadd.f32 $-1.000000000e+00, v30;
	p0 =	slt.u32 s3, $0x2F8;
	v37 =	vld [tilespmem:s4+$0x20]  }
0x235: {  	v5 =	vcvt.s32.f32 v23;
	v30 =	vld [tilespmem:s4+$0xFFFFFFF0];
	v17 =	vmul.f32 v36, v17;
	v34 =	vadd.f32 v35, v34  }
0x236: {  	v21 =	vcvt.s32.f32 v21;
	v23 =	vadd.f32 v2, v2;
	v36 =	vmul.f32 v2, v2;
	v35 =	vld [tilespmem:s4+$0x30];
	v31 =	vpop (erf)  }
0x237: {  	v39 =	vld [tilespmem:s4+$0xFFFFFFE0];
	v40 =	vadd.f32 $1.000000000e+00, v17;
	v17 =	vmul.f32 $6.931471820e-01, v5;
	v2 =	vmul.f32 v34, v14;
	v32 =	vpop (erf)  }
0x238: {  	v19 =	vshra.s32 v19, $0x17;
	v26 =	vadd.f32 $-1.000000000e+00, v26;
	v27 =	vmul.f32 v31, v27;
	v34 =	vld [tilespmem:s4+$0x0]  }
0x239: {  	v21 =	vmul.f32 $6.931471820e-01, v21;
	v31 =	vld [tilespmem:s6+$0xFFFFFFE0];
	v33 =	vmul.f32 v40, v33;
	v40 =	vadd.s32 $0xC0CAFB0D, v15;
	[tilespmem:v25+s7+$0x0] =	vst.idx.msk $0xffff, v2;
	v14 =	vpop (erf)  }
0x23a: {  	v19 =	vcvt.s32.f32 v19;
	v26 =	vmul.f32 v32, v26;
	v25 =	vld [tilespmem:s6+$0x30]  }
0x23b: {  	v41 =	vand.u32 $0xFF800000, v40;
	v32 =	vld [tilespmem:s6+$0xFFFFFFF0];
	v21 =	vadd.f32 v33, v21;
	v33 =	vmul.f32 v27, v27  }
0x23c: {  	v14 =	vmul.f32 v14, v28;
	v28 =	vshra.s32 v40, $0x17;
	v40 =	vmul.f32 v26, v26;
	v42 =	vld [tilespmem:s6+$0x20]  }
0x23d: {  	v19 =	vmul.f32 $6.931471820e-01, v19;
	v15 =	vsub.s32 v15, v41;
	v43 =	vld [tilespmem:s6+$0x10];
	v21 =	vmul.f32 v21, v29  }
0x23e: {  	v41 =	vmul.f32 v14, v14;
	v44 =	vadd.f32 $1.000000000e+00, v15;
	v45 =	vmul.f32 $2.000000030e-01, v40;
	v29 =	vld [tilespmem:s6+$0xFFFFFFC0]  }
0x23f: {  	v46 =	vmul.f32 $2.000000030e-01, v36;
	v1 =	vld.idx.msk [tilespmem:v1+s9+$0x0], $0xffff;
	[tilespmem:v20+s7+$0x0] =	vst.idx.msk $0xffff, v21;
	v20 =	vmul.f32 $2.000000030e-01, v33  }
0x240: {  	v24 =	vcvt.s32.f32 v24;
	v47 =	vmul.f32 $2.000000030e-01, v41;
	v45 =	vadd.f32 $3.333333430e-01, v45;
	v21 =	vld [tilespmem:s6+$0xFFFFFFD0]  }
0x241: {  	v46 =	vadd.f32 $3.333333430e-01, v46;
	v28 =	vcvt.s32.f32 v28;
	v31 =	vld.idx.msk [tilespmem:v31+s9+$0x0], $0xffff;
	v20 =	vadd.f32 $3.333333430e-01, v20  }
0x242: {  	v24 =	vmul.f32 $6.931471820e-01, v24;
	v47 =	vadd.f32 $3.333333430e-01, v47;
	v40 =	vmul.f32 v45, v40;
	v25 =	vld.idx.msk [tilespmem:v25+s9+$0x0], $0xffff  }
0x243: {  	v27 =	vadd.f32 v27, v27;
	v32 =	vld.idx.msk [tilespmem:v32+s9+$0x0], $0xffff;
	v33 =	vmul.f32 v20, v33;
	v20 =	vmul.f32 $6.931471820e-01, v28  }
0x244: {  	v45 =	vadd.f32 $-1.000000000e+00, v15;
	v41 =	vmul.f32 v47, v41;
	v28 =	vld.idx.msk [tilespmem:v42+s9+$0x0], $0xffff;
	v42 =	vadd.f32 v14, v14  }
0x245: {  	v15 =	vadd.f32 v34, v1;
	v43 =	vld.idx.msk [tilespmem:v43+s9+$0x0], $0xffff;
	v14 =	vadd.f32 $1.000000000e+00, v33;
	(erf) = vrcp.f32 v44  }
0x246: {  	v26 =	vadd.f32 v26, v26;
	v33 =	vmul.f32 v46, v36;
	v36 =	vadd.f32 $1.000000000e+00, v40;
	v29 =	vld.idx.msk [tilespmem:v29+s9+$0x0], $0xffff  }
0x247: {  	v18 =	vmul.f32 $6.931471820e-01, v18;
	v44 =	vsub.f32 v39, v31;
	v40 =	vld [tilespmem:s4+$0xFFFFFFC0];
	v27 =	vmul.f32 v14, v27  }
0x248: {  	v46 =	vadd.f32 v35, v25;
	v25 =	vsub.f32 v35, v25;
	v26 =	vmul.f32 v36, v26;
	v21 =	vld.idx.msk [tilespmem:v21+s9+$0x0], $0xffff  }
0x249: {  	v36 =	vadd.f32 v30, v32;
	v30 =	vsub.f32 v30, v32;
	v35 =	vld [tilespmem:s4+$0xFFFFFFD0];
	(erf) = vrcp.f32 v44  }
0x24a: {  	v32 =	vadd.f32 v37, v28;
	v28 =	vsub.f32 v37, v28;
	v14 =	vld [tilespmem:s8+$0x30];
	(erf) = vrcp.f32 v25  }
0x24b: {  	v25 =	vadd.f32 v38, v43;
	v37 =	vsub.f32 v38, v43;
	(erf) = vrcp.f32 v30;
	v30 =	vld [tilespmem:s1+$0x10]  }
0x24c: {  	v18 =	vadd.f32 v27, v18;
	v38 =	vsub.f32 v40, v29;
	(erf) = vrcp.f32 v28  }
0x24d: {  	v1 =	vsub.f32 v34, v1;
	v19 =	vadd.f32 v26, v19;
	(erf) = vrcp.f32 v37  }
0x24e: {  	v26 =	vadd.f32 v35, v21;
	v21 =	vsub.f32 v35, v21;
	(erf) = vrcp.f32 v38;
	v27 =	vpop (erf)  }
0x24f: {  	v2 =	vmul.f32 v18, v13;
	v18 =	vadd.f32 $1.000000000e+00, v41;
	v11 =	vmul.f32 v19, v11  }
0x250: {  	v5 =	vadd.f32 $1.000000000e+00, v33;
	(erf) = vrcp.f32 v21;
	v21 =	vmul.f32 v27, v45  }
0x251: {  	v27 =	vadd.f32 v39, v31;
	(erf) = vrcp.f32 v1;
	[tilespmem:v12+s7+$0x0] =	vst.idx.msk $0xffff, v2;
	v1 =	vmul.f32 v18, v42;
	v12 =	vld [tilespmem:s13+$0xFFFFFFF0]  }
0x252: {  	v18 =	vmul.f32 v5, v23;
	v13 =	vpop (erf);
	v23 =	vmul.f32 v21, v21;
	v28 =	vadd.f32 v21, v21  }
0x253: {  	v10 =	vadd.f32 $-1.000000000e+00, v10;
	v13 =	vmul.f32 v13, v27;
	v19 =	vpop (erf);
	v1 =	vadd.f32 v1, v24;
	[tilespmem:v30+s7+$0x0] =	vst.idx.msk $0xffff, v11  }
0x254: {  	v18 =	vadd.f32 v18, v22;
	v11 =	vmul.f32 v19, v46;
	v19 =	vpop (erf);
	v21 =	vmul.f32 $2.000000030e-01, v23  }
0x255: {  	v10 =	vmul.f32 v16, v10;
	v24 =	vadd.s32 $0xC0CAFB0D, v13;
	v30 =	vmul.f32 v19, v36;
	v19 =	vpop (erf);
	v27 =	vld [tilespmem:s1+$0xFFFFFFC0]  }
0x256: {  	v16 =	vadd.f32 v40, v29;
	v34 =	vadd.s32 $0xC0CAFB0D, v11;
	v22 =	vpop (erf);
	v29 =	vld [tilespmem:s13+$0xFFFFFFC0];
	v1 =	vmul.f32 v1, v12  }
0x257: {  	v12 =	vmul.f32 v22, v25;
	v25 =	vmul.f32 v19, v32;
	v19 =	vand.u32 $0xFF800000, v34;
	v22 =	vpop (erf)  }
0x258: {  	v31 =	vadd.f32 v10, v10;
	v16 =	vmul.f32 v22, v16;
	v11 =	vsub.s32 v11, v19  }
0x259: {  	v35 =	vadd.s32 $0xC0CAFB0D, v30;
	v19 =	vadd.s32 $0xC0CAFB0D, v12;
	v32 =	vadd.f32 $1.000000000e+00, v11;
	v22 =	vpop (erf)  }
0x25a: {  	v21 =	vadd.f32 $3.333333430e-01, v21;
	v33 =	vadd.s32 $0xC0CAFB0D, v16;
	v26 =	vmul.f32 v22, v26;
	v22 =	vpop (erf);
	v36 =	vld [tilespmem:s1+$0xFFFFFFF0]  }
0x25b: {  	v37 =	vand.u32 $0xFF800000, v33;
	(erf) = vrcp.f32 v32;
	v18 =	vmul.f32 v18, v29  }
0x25c: {  	v10 =	vmul.f32 v10, v10;
	v16 =	vsub.s32 v16, v37;
	v29 =	vadd.s32 $0xC0CAFB0D, v26  }
0x25d: {  	v32 =	vadd.f32 $1.000000000e+00, v16;
	v37 =	vand.u32 $0xFF800000, v29;
	[tilespmem:v27+s7+$0x0] =	vst.idx.msk $0xffff, v18;
	v18 =	vmul.f32 v21, v23  }
0x25e: {  	v27 =	vshra.s32 v33, $0x17;
	v21 =	vsub.s32 v26, v37;
	v26 =	vmul.f32 $2.000000030e-01, v10  }
0x25f: {  	v33 =	vadd.f32 $-1.000000000e+00, v21;
	v37 =	vadd.f32 $1.000000000e+00, v21;
	(erf) = vrcp.f32 v32  }
0x260: {  	v23 =	vadd.s32 $0xC0CAFB0D, v25;
	v21 =	vshra.s32 v29, $0x17;
	v26 =	vadd.f32 $3.333333430e-01, v26  }
0x261: {  	v29 =	vand.u32 $0xFF800000, v35;
	v18 =	vadd.f32 $1.000000000e+00, v18;
	(erf) = vrcp.f32 v37;
	v37 =	vld [tilespmem:s13+$0x20]  }
0x262: {  	v2 =	vand.u32 $0xFF800000, v23;
	v32 =	vand.u32 $0xFF800000, v19;
	v26 =	vmul.f32 v26, v10;
	v39 =	vld [tilespmem:s1+$0x20]  }
0x263: {  	v11 =	vadd.f32 $-1.000000000e+00, v11;
	v18 =	vmul.f32 v18, v28;
	v10 =	vsub.s32 v25, v2;
	v25 =	vld [tilespmem:s1+$0x0];
	s1 =	smov.u32 s12  }
0x264: {  	v27 =	vcvt.s32.f32 v27;
	v28 =	vadd.f32 $1.000000000e+00, v10;
	v38 =	vpop (erf);
	v40 =	vld [tilespmem:s13+$0x0];
	v26 =	vadd.f32 $1.000000000e+00, v26;
	s13 =	smov.u32 s8  }
0x265: {  	v41 =	vand.u32 $0xFF800000, v24;
	v29 =	vsub.s32 v30, v29;
	v38 =	vmul.f32 v38, v11  }
0x266: {  	v30 =	vsub.s32 v13, v41;
	(erf) = vrcp.f32 v28;
	v11 =	vmul.f32 v26, v31  }
0x267: {  	v2 =	vadd.f32 v18, v20;
	v31 =	vadd.f32 $-1.000000000e+00, v16;
	v16 =	vmul.f32 v38, v38  }
0x268: {  	v18 =	vadd.f32 $1.000000000e+00, v30;
	v26 =	vsub.s32 v12, v32;
	v32 =	vpop (erf);
	v12 =	vadd.f32 v11, v17  }
0x269: {  	v41 =	vadd.f32 $1.000000000e+00, v29;
	v17 =	vmul.f32 $2.000000030e-01, v16;
	v20 =	vmul.f32 v2, v40  }
0x26a: {  	v24 =	vshra.s32 v24, $0x17;
	v40 =	vadd.f32 $1.000000000e+00, v26;
	v11 =	vld [tilespmem:s8+$0x10];
	v13 =	vpop (erf);
	[tilespmem:v36+s7+$0x0] =	vst.idx.msk $0xffff, v1;
	v1 =	vmul.f32 v12, v37  }
.Ltmp2:
0x26b: {  	v33 =	vmul.f32 v13, v33;
	v13 =	vld [tilespmem:s8+$0xFFFFFFE0];
	v36 =	vadd.f32 $3.333333430e-01, v17;
	(erf) = vrcp.f32 v18;
	[tilespmem:v25+s7+$0x0] =	vst.idx.msk $0xffff, v20;
	(pc) =	sbr.rel @p0 .LBB2_7-.Ltmp2, $4  }
0x26c: {  	v28 =	vadd.f32 $-1.000000000e+00, v29;
	v18 =	vcvt.s32.f32 v24;
	v12 =	vld [tilespmem:s12+$0xFFFFFFE0];
	(erf) = vrcp.f32 v40;
	[tilespmem:v39+s7+$0x0] =	vst.idx.msk $0xffff, v1  }
0x26d: {  	v1 =	vshra.s32 v34, $0x17;
	v17 =	vmul.f32 v33, v33;
	v29 =	vld [tilespmem:s8+$0xFFFFFFD0];
	v2 =	vmul.f32 v36, v16  }
0x26e: {  	v24 =	vshra.s32 v35, $0x17;
	v34 =	vcvt.s32.f32 v1;
	v20 =	vld [tilespmem:s12+$0xFFFFFFD0];
	(erf) = vrcp.f32 v41  }
0x26f: {  	s6 =	sadd.s32 $0x80, s6;
	v37 =	vadd.f32 v38, v38;
	s8 =	sadd.s32 $0x80, s8;
	v36 =	vmul.f32 $2.000000030e-01, v17;
	v35 =	vadd.f32 $1.000000000e+00, v2;
	v25 =	vld [tilespmem:s12+$0x30];
	v16 =	vpop (erf)  }
0x270: {  	v1 =	vmul.f32 v22, v15;
	v23 =	vshra.s32 v23, $0x17;
	v34 =	vmul.f32 $6.931471820e-01, v34  }
0x271: {  	v31 =	vmul.f32 v32, v31;
	v27 =	vmul.f32 $6.931471820e-01, v27;
	v30 =	vadd.f32 $-1.000000000e+00, v30  }
0x272: {  	v21 =	vcvt.s32.f32 v21;
	v26 =	vadd.f32 $-1.000000000e+00, v26;
	v19 =	vshra.s32 v19, $0x17  }
0x273: {  	v24 =	vcvt.s32.f32 v24;
	v18 =	vmul.f32 $6.931471820e-01, v18;
	v15 =	vadd.s32 $0xC0CAFB0D, v1  }
0x274: {  	v52 =	vadd.f32 $3.333333430e-01, v36;
	v35 =	vmul.f32 v35, v37;
	v22 =	vand.u32 $0xFF800000, v15  }
0x275: {  	v23 =	vcvt.s32.f32 v23;
	v19 =	vcvt.s32.f32 v19;
	v1 =	vsub.s32 v1, v22  }
0x276: {  	v56 =	vmul.f32 v31, v31;
	v17 =	vmul.f32 v52, v17;
	v53 =	vadd.f32 $1.000000000e+00, v1  }
0x277: {  	v10 =	vadd.f32 $-1.000000000e+00, v10;
	v21 =	vmul.f32 $6.931471820e-01, v21;
	v24 =	vmul.f32 $6.931471820e-01, v24  }
0x278: {  	v22 =	vadd.f32 v33, v33;
	v17 =	vadd.f32 $1.000000000e+00, v17;
	(erf) = vrcp.f32 v53  }
0x279: {  	v10 =	vmul.f32 v16, v10;
	v23 =	vmul.f32 $6.931471820e-01, v23;
	v55 =	vpop (erf)  }
0x27a: {  	s14 =	simm.s32 $0x70;
	v2 =	vlaneseq.u32;
	v30 =	vmul.f32 v55, v30;
	v17 =	vmul.f32 v17, v22  }
0x27b: {  	v46 =	vmov s14;
	v19 =	vmul.f32 $6.931471820e-01, v19;
	v59 =	vmul.f32 $2.000000030e-01, v56;
	v57 =	vpop (erf)  }
0x27c: {  	v22 =	vmul.f32 v57, v26;
	v26 =	vpop (erf);
	v17 =	vadd.f32 v17, v21;
	v21 =	vmul.f32 v30, v30  }
0x27d: {  	v31 =	vadd.f32 v31, v31;
	v9 =	vmul.f32 v10, v10;
	v26 =	vmul.f32 v26, v28  }
0x27e: {  	v54 =	vadd.f32 v35, v34;
	v28 =	vmul.f32 v22, v22;
	v60 =	vmul.f32 $2.000000030e-01, v21  }
0x27f: {  	v10 =	vadd.f32 v10, v10;
	v17 =	vmul.f32 v17, v29;
	v29 =	vmul.f32 v26, v26  }
0x280: {  	v1 =	vadd.f32 $-1.000000000e+00, v1;
	v41 =	vmul.f32 $2.000000030e-01, v9;
	v35 =	vadd.f32 $3.333333430e-01, v60  }
0x281: {  	v16 =	vadd.f32 $3.333333430e-01, v59;
	v58 =	vmul.f32 $2.000000030e-01, v28;
	v62 =	vmul.f32 $2.000000030e-01, v29;
	v61 =	vpop (erf)  }
0x282: {  	v33 =	vadd.f32 $3.333333430e-01, v41;
	v21 =	vmul.f32 v35, v21;
	v1 =	vmul.f32 v61, v1  }
0x283: {  	v14 =	vmul.f32 v54, v14;
	v32 =	vadd.f32 $3.333333430e-01, v58;
	v8 =	vadd.f32 $3.333333430e-01, v62  }
0x284: {  	v30 =	vadd.f32 v30, v30;
	v21 =	vadd.f32 $1.000000000e+00, v21;
	v63 =	vmul.f32 v1, v1  }
0x285: {  	v42 =	vld [tilespmem:s1+$0x10];
	v22 =	vadd.f32 v22, v22;
	v28 =	vmul.f32 v32, v28;
	v29 =	vmul.f32 v8, v29  }
0x286: {  	v43 =	vld [tilespmem:s13+$0xFFFFFFF0];
	v26 =	vadd.f32 v26, v26;
	v21 =	vmul.f32 v21, v30;
	v40 =	vmul.f32 $2.000000030e-01, v63  }
0x287: {  	v44 =	vld [tilespmem:s1+$0xFFFFFFC0];
	v16 =	vmul.f32 v16, v56;
	v28 =	vadd.f32 $1.000000000e+00, v28;
	v29 =	vadd.f32 $1.000000000e+00, v29  }
0x288: {  	v45 =	vld [tilespmem:s13+$0xFFFFFFC0];
	v33 =	vmul.f32 v33, v9;
	v18 =	vadd.f32 v21, v18;
	v36 =	vadd.f32 $3.333333430e-01, v40  }
0x289: {  	v15 =	vshra.s32 v15, $0x17;
	[tilespmem:v25+s7+$0x0] =	vst.idx.msk $0xffff, v14;
	v22 =	vmul.f32 v28, v22;
	v28 =	vld [tilespmem:s1+$0xFFFFFFF0];
	v14 =	vmul.f32 v29, v26  }
0x28a: {  	v26 =	vadd.f32 $1.000000000e+00, v33;
	v13 =	vmul.f32 v18, v13;
	v18 =	vld [tilespmem:s1+$0x20];
	v32 =	vmul.f32 v36, v63  }
0x28b: {  	v15 =	vcvt.s32.f32 v15;
	v16 =	vadd.f32 $1.000000000e+00, v16;
	v1 =	vadd.f32 v1, v1;
	v21 =	vld [tilespmem:s13+$0x20]  }
0x28c: {  	v19 =	vadd.f32 v22, v19;
	v22 =	vld [tilespmem:s1+$0x0];
	v10 =	vmul.f32 v26, v10;
	v32 =	vadd.f32 $1.000000000e+00, v32  }
0x28d: {  	v15 =	vmul.f32 $6.931471820e-01, v15;
	v25 =	vld [tilespmem:s13+$0x0];
	v16 =	vmul.f32 v16, v31;
	[tilespmem:v20+s7+$0x0] =	vst.idx.msk $0xffff, v17;
	v14 =	vadd.f32 v14, v24  }
0x28e: {  	v11 =	vmul.f32 v19, v11;
	v10 =	vadd.f32 v10, v23;
	v1 =	vmul.f32 v32, v1  }
0x28f: {  	s2 =	simm.s32 $0x0;
	v51 =	vmul.u32 $0x3, v2;
	v16 =	vadd.f32 v16, v27;
	v14 =	vmul.f32 v14, v43;
	[tilespmem:v12+s7+$0x0] =	vst.idx.msk $0xffff, v13  }
0x290: {  	v13 =	vmov s2;
	[tilespmem:v42+s7+$0x0] =	vst.idx.msk $0xffff, v11;
	v12 =	vmul.f32 v10, v21;
	v1 =	vadd.f32 v1, v15  }
0x291: {  	s15 =	simm.s32 $0x20;
	v52 =	vadd.s32 $0x1, v51;
	v47 =	vmul.u32 $0x3, v13;
	[tilespmem:v28+s7+$0x0] =	vst.idx.msk $0xffff, v14;
	v15 =	vmul.f32 v16, v45  }
0x292: {  	s16 =	simm.s32 $0x10;
	v13 =	vmov s15;
	v16 =	vmul.u32 $0x3, v46;
	[tilespmem:v18+s7+$0x0] =	vst.idx.msk $0xffff, v12;
	v1 =	vmul.f32 v1, v25  }
0x293: {  	s17 =	simm.s32 $0x50;
	v13 =	vmul.u32 $0x3, v13;
	v14 =	vbroadcast v47, $0x0;
	[tilespmem:v44+s7+$0x0] =	vst.idx.msk $0xffff, v15;
	v15 =	vmov s16  }
0x294: {  	v17 =	vmov s17;
	v16 =	vbroadcast v16, $0x0;
	v15 =	vmul.u32 $0x3, v15;
	[tilespmem:v22+s7+$0x0] =	vst.idx.msk $0xffff, v1  }
0x295: {  	s20 =	simm.s32 $0xE800;
	v1 =	vbroadcast v13, $0x0;
	v13 =	vmul.u32 $0x3, v17;
	v17 =	vor.u32 v52, v14;
	s19 =	rddreg [dreg:$0xd]  }
0x296: {  	v53 =	vadd.s32 $0x2, v51;
	v22 =	vadd.s32 v52, v16;
	v15 =	vbroadcast v15, $0x0;
	[tilespmem:s20], [sflag:$0x3] =	stream.strided.gather [hbm4b:s19+s22], $0x3000, s23, s22, $0x38;
	[tilespmem:$0x1C800] =	vst v63  }
0x297: {  	v18 =	vadd.s32 v53, v1;
	v19 =	vbroadcast v13, $0x0;
	_ =	swait.ge [sflag:s18], $0x1000  }
0x298: {  	v20 =	vadd.s32 v53, v15;
	[sflag:s18] =	ssyncset.done $0x0  }
0x299: {  	v21 =	vadd.s32 v53, v19;
	[sflag:s18] =	ssyncadd.s32 $0xFFFFF000  }
0x29a: {  	s21 =	simm.s32 $0x30;
	v23 =	vadd.s32 v51, v15;
	v25 =	vld.idx.msk [tilespmem:v17+s7+$0x0], $0xffff  }
0x29b: {  	v15 =	vadd.s32 v52, v15;
	v17 =	vmov s21;
	v28 =	vld.idx.msk [tilespmem:v22+s7+$0x0], $0xffff  }
0x29c: {  	v13 =	vld.idx.msk [tilespmem:v18+s7+$0x0], $0xffff;
	v17 =	vmul.u32 $0x3, v17;
	v18 =	vor.u32 v51, v14  }
0x29d: {  	s25 =	simm.s32 $0x40;
	v24 =	vadd.s32 v52, v19;
	v26 =	vld.idx.msk [tilespmem:v20+s7+$0x0], $0xffff  }
0x29e: {  	v19 =	vadd.s32 v51, v19;
	v27 =	vld.idx.msk [tilespmem:v21+s7+$0x0], $0xffff;
	v21 =	vmov s25;
	v17 =	vbroadcast v17, $0x0  }
0x29f: {  	v20 =	vadd.s32 v51, v16;
	v22 =	vld.idx.msk [tilespmem:v23+s7+$0x0], $0xffff;
	v21 =	vmul.u32 $0x3, v21  }
0x2a0: {  	v15 =	vld.idx.msk [tilespmem:v15+s7+$0x0], $0xffff;
	v23 =	vadd.s32 v51, v17  }
0x2a1: {  	v21 =	vbroadcast v21, $0x0;
	v29 =	vld.idx.msk [tilespmem:v18+s7+$0x0], $0xffff;
	v18 =	vadd.s32 v53, v17  }
0x2a2: {  	v56 =	vld.idx.msk [tilespmem:v24+s7+$0x0], $0xffff;
	v17 =	vadd.s32 v52, v17  }
0x2a3: {  	s28 =	simm.s32 $0x60;
	v19 =	vld.idx.msk [tilespmem:v19+s7+$0x0], $0xffff;
	v55 =	vor.u32 v53, v21  }
0x2a4: {  	v54 =	vld.idx.msk [tilespmem:v20+s7+$0x0], $0xffff;
	v20 =	vmov s28;
	v24 =	vor.u32 v51, v21  }
0x2a5: {  	v20 =	vmul.u32 $0x3, v20;
	v57 =	vor.u32 v52, v21;
	v23 =	vld.idx.msk [tilespmem:v23+s7+$0x0], $0xffff  }
0x2a6: {  	v14 =	vor.u32 v53, v14;
	v58 =	vld.idx.msk [tilespmem:v18+s7+$0x0], $0xffff  }
0x2a7: {  	v20 =	vbroadcast v20, $0x0;
	v18 =	vadd.s32 v51, v1;
	v17 =	vld.idx.msk [tilespmem:v17+s7+$0x0], $0xffff  }
0x2a8: {  	v16 =	vadd.s32 v53, v16;
	v21 =	vld.idx.msk [tilespmem:v55+s7+$0x0], $0xffff  }
0x2a9: {  	v59 =	vadd.s32 v51, v20;
	v61 =	vld.idx.msk [tilespmem:v24+s7+$0x0], $0xffff  }
0x2aa: {  	v60 =	vadd.s32 v52, v20;
	v33 =	vld.idx.msk [tilespmem:v57+s7+$0x0], $0xffff  }
0x2ab: {  	v1 =	vadd.s32 v52, v1;
	v24 =	vld.idx.msk [tilespmem:v14+s7+$0x0], $0xffff  }
0x2ac: {  	v62 =	vadd.s32 v53, v20;
	v14 =	vadd.f32 v15, v22;
	v18 =	vld.idx.msk [tilespmem:v18+s7+$0x0], $0xffff  }
0x2ad: {  	v15 =	vadd.f32 v56, v19;
	v63 =	vadd.f32 v17, v23;
	v23 =	vld.idx.msk [tilespmem:v16+s7+$0x0], $0xffff  }
0x2ae: {  	s3 =	simm.s32 $0x6040;
	v14 =	vadd.f32 v26, v14;
	v20 =	vld.idx.msk [tilespmem:v59+s7+$0x0], $0xffff  }
0x2af: {  	s4 =	simm.s32 $0x7840;
	s6 =	simm.s32 $0x0;
	s8 =	simm.s32 $0x78C0;
	v15 =	vadd.f32 v27, v15;
	v22 =	vld.idx.msk [tilespmem:v60+s7+$0x0], $0xffff  }
0x2b0: {  	s10 =	simm.s32 $0x1B8C0;
	s12 =	simm.s32 $0xF0;
	s14 =	simm.s32 $0x118C0;
	v26 =	vadd.f32 v25, v29;
	v25 =	vld.idx.msk [tilespmem:v1+s7+$0x0], $0xffff;
	[tilespmem:s3+$0xFFFFFFD0] =	vst v14;
	v27 =	vadd.f32 v33, v61  }
0x2b1: {  	s13 =	simm.s32 $0x60C0;
	s1 =	simm.s32 $0x1B840;
	s2 =	simm.s32 $0x11840;
	v19 =	vadd.f32 v28, v54;
	v17 =	vld.idx.msk [tilespmem:v62+s7+$0x0], $0xffff;
	[tilespmem:s3+$0x10] =	vst v15;
	v16 =	vadd.f32 v58, v63  }
.LBB2_9:
0x2b2: {  	s15 =	sadd.s32 $0xFFFFFF90, s12;
	s16 =	sadd.s32 $0xFFFFFFC0, s12;
	s17 =	sadd.s32 $0xFFFFFFF0, s12;
	v1 =	vmov s12;
	v24 =	vadd.f32 v24, v26;
	v26 =	vld [tilespmem:s2+$0xFFFFFFD0];
	v21 =	vadd.f32 v21, v27  }
0x2b3: {  	s6 =	sadd.s32 $0x8, s6;
	v27 =	vmov s15;
	v28 =	vmov s16;
	v1 =	vmul.u32 $0x3, v1;
	v29 =	vld [tilespmem:s4+$0xFFFFFFD0];
	[tilespmem:s3+$0xFFFFFFF0] =	vst v16  }
0x2b4: {  	s19 =	sadd.s32 $0xFFFFFFE0, s12;
	s15 =	sadd.s32 $0xFFFFFFA0, s12;
	s16 =	sadd.s32 $0xFFFFFFD0, s12;
	v20 =	vadd.f32 v22, v20;
	v27 =	vmul.u32 $0x3, v27;
	v28 =	vmul.u32 $0x3, v28;
	v30 =	vld [tilespmem:s4+$0xFFFFFFF0];
	[tilespmem:s3+$0x0] =	vst v21  }
0x2b5: {  	v31 =	vmov s17;
	p0 =	slt.u32 s6, $0xF8;
	v22 =	vmov s15;
	[tilespmem:s3+$0xFFFFFFC0] =	vst v24;
	v32 =	vld [tilespmem:s2+$0x10]  }
0x2b6: {  	s15 =	sadd.s32 $0xFFFFFFB0, s12;
	v31 =	vmul.u32 $0x3, v31;
	v22 =	vmul.u32 $0x3, v22;
	v27 =	vbroadcast v27, $0x0;
	v33 =	vld [tilespmem:s4+$0x10]  }
0x2b7: {  	v34 =	vmov s15;
	v18 =	vadd.f32 v25, v18;
	v25 =	vld [tilespmem:s2+$0x0]  }
0x2b8: {  	v19 =	vadd.f32 v23, v19;
	v34 =	vmul.u32 $0x3, v34;
	v35 =	vor.u32 v51, v27;
	v36 =	vld [tilespmem:s4+$0x0]  }
0x2b9: {  	v37 =	vmov s19;
	v22 =	vbroadcast v22, $0x0;
	v23 =	vor.u32 v52, v27;
	v38 =	vld [tilespmem:s4+$0xFFFFFFC0]  }
0x2ba: {  	v39 =	vmov s16;
	v34 =	vbroadcast v34, $0x0;
	v26 =	vmul.f32 v29, v26;
	v40 =	vld [tilespmem:s2+$0xFFFFFFC0];
	[tilespmem:s3+$0x30] =	vst v19  }
0x2bb: {  	v37 =	vmul.u32 $0x3, v37;
	v29 =	vadd.s32 v51, v22;
	v41 =	vld [tilespmem:s2+$0x30]  }
0x2bc: {  	v18 =	vadd.f32 v13, v18;
	v42 =	vadd.s32 v51, v34;
	v43 =	vadd.s32 v53, v34;
	v13 =	vld [tilespmem:s2+$0xFFFFFFF0]  }
0x2bd: {  	v17 =	vadd.f32 v17, v20;
	v44 =	vadd.s32 v53, v22;
	v34 =	vadd.s32 v52, v34;
	v20 =	vld [tilespmem:s4+$0x30]  }
0x2be: {  	v39 =	vmul.u32 $0x3, v39;
	v1 =	vbroadcast v1, $0x0;
	v37 =	vbroadcast v37, $0x0;
	v23 =	vld.idx.msk [tilespmem:v23+s7+$0x0], $0xffff;
	[tilespmem:s3+$0xFFFFFFE0] =	vst v18  }
0x2bf: {  	v31 =	vbroadcast v31, $0x0;
	v22 =	vadd.s32 v52, v22;
	v25 =	vmul.f32 v36, v25;
	v45 =	vld [tilespmem:s2+$0xFFFFFFE0];
	[tilespmem:s3+$0x20] =	vst v17;
	s3 =	smov.u32 s13  }
0x2c0: {  	v28 =	vbroadcast v28, $0x0;
	v46 =	vadd.s32 v53, v37;
	v36 =	vadd.s32 v52, v37;
	v47 =	vld [tilespmem:s4+$0x20]  }
0x2c1: {  	v49 =	vadd.s32 v52, v1;
	v48 =	vadd.s32 v51, v31;
	v30 =	vmul.f32 v30, v13;
	v50 =	vld [tilespmem:s2+$0x20];
	s2 =	smov.u32 s14  }
0x2c2: {  	v37 =	vadd.s32 v51, v37;
	v21 =	vadd.f32 v25, v21;
	v13 =	vld.idx.msk [tilespmem:v43+s7+$0x0], $0xffff;
	v20 =	vmul.f32 v20, v41  }
0x2c3: {  	v25 =	vadd.s32 v51, v1;
	v38 =	vmul.f32 v38, v40;
	v40 =	vld [tilespmem:s4+$0xFFFFFFE0];
	v16 =	vadd.f32 v30, v16;
	s4 =	smov.u32 s8  }
0x2c4: {  	v39 =	vbroadcast v39, $0x0;
	v41 =	vadd.s32 v52, v31;
	v30 =	vld.idx.msk [tilespmem:v44+s7+$0x0], $0xffff;
	[tilespmem:s1+$0x0] =	vst v21;
	v19 =	vadd.f32 v20, v19  }
0x2c5: {  	v31 =	vadd.s32 v53, v31;
	v20 =	vor.u32 v53, v27;
	v21 =	vmul.f32 v33, v32;
	v27 =	vld.idx.msk [tilespmem:v46+s7+$0x0], $0xffff  }
0x2c6: {  	v32 =	vor.u32 v52, v39;
	v33 =	vor.u32 v53, v39;
	v43 =	vld.idx.msk [tilespmem:v49+s7+$0x0], $0xffff;
	[tilespmem:s1+$0x30] =	vst v19  }
0x2c7: {  	v24 =	vadd.f32 v38, v24;
	v38 =	vmul.f32 v47, v50;
	v19 =	vld.idx.msk [tilespmem:v29+s7+$0x0], $0xffff;
	v29 =	vor.u32 v51, v39  }
0x2c8: {  	v15 =	vadd.f32 v21, v15;
	v39 =	vadd.s32 v51, v28;
	v22 =	vld.idx.msk [tilespmem:v22+s7+$0x0], $0xffff;
	v40 =	vmul.f32 v40, v45  }
0x2c9: {  	v17 =	vadd.f32 v38, v17;
	v21 =	vld.idx.msk [tilespmem:v35+s7+$0x0], $0xffff;
	v35 =	vadd.s32 v53, v28;
	[tilespmem:s1+$0xFFFFFFC0] =	vst v24  }
0x2ca: {  	v24 =	vadd.s32 v52, v28;
	v25 =	vld.idx.msk [tilespmem:v25+s7+$0x0], $0xffff;
	v18 =	vadd.f32 v40, v18;
	[tilespmem:s1+$0x10] =	vst v15  }
0x2cb: {  	v14 =	vadd.f32 v26, v14;
	v1 =	vadd.s32 v53, v1;
	v15 =	vld.idx.msk [tilespmem:v36+s7+$0x0], $0xffff;
	[tilespmem:s1+$0xFFFFFFF0] =	vst v16  }
0x2cc: {  	v16 =	vld.idx.msk [tilespmem:v37+s7+$0x0], $0xffff;
	[tilespmem:s1+$0xFFFFFFE0] =	vst v18  }
0x2cd: {  	v28 =	vld.idx.msk [tilespmem:v39+s7+$0x0], $0xffff;
	[tilespmem:s1+$0xFFFFFFD0] =	vst v14  }
0x2ce: {  	v14 =	vadd.f32 v22, v19;
	v35 =	vld.idx.msk [tilespmem:v35+s7+$0x0], $0xffff;
	[tilespmem:s1+$0x20] =	vst v17;
	s1 =	smov.u32 s10  }
0x2cf: {  	v26 =	vadd.f32 v23, v21;
	v17 =	vld.idx.msk [tilespmem:v24+s7+$0x0], $0xffff  }
0x2d0: {  	v14 =	vadd.f32 v30, v14;
	v19 =	vadd.f32 v43, v25;
	v21 =	vld.idx.msk [tilespmem:v33+s7+$0x0], $0xffff  }
0x2d1: {  	v23 =	vld.idx.msk [tilespmem:v29+s7+$0x0], $0xffff  }
0x2d2: {  	[tilespmem:s13+$0xFFFFFFD0] =	vst v14;
	v25 =	vld.idx.msk [tilespmem:v32+s7+$0x0], $0xffff  }
0x2d3: {  	v15 =	vadd.f32 v15, v16;
	v24 =	vld.idx.msk [tilespmem:v20+s7+$0x0], $0xffff  }
0x2d4: {  	v18 =	vld.idx.msk [tilespmem:v42+s7+$0x0], $0xffff  }
.Ltmp3:
0x2d5: {  	v15 =	vadd.f32 v27, v15;
	v16 =	vadd.f32 v17, v28;
	v20 =	vld.idx.msk [tilespmem:v48+s7+$0x0], $0xffff;
	(pc) =	sbr.rel @p0 .LBB2_9-.Ltmp3, $4  }
0x2d6: {  	v22 =	vld.idx.msk [tilespmem:v41+s7+$0x0], $0xffff  }
0x2d7: {  	[tilespmem:s13+$0x10] =	vst v15;
	v17 =	vld.idx.msk [tilespmem:v31+s7+$0x0], $0xffff  }
0x2d8: {  	s8 =	sadd.s32 $0x80, s8;
	s10 =	sadd.s32 $0x80, s10;
	v27 =	vadd.f32 v25, v23;
	v23 =	vld.idx.msk [tilespmem:v1+s7+$0x0], $0xffff  }
0x2d9: {  	s12 =	sadd.s32 $0x80, s12;
	s14 =	sadd.s32 $0x80, s14;
	v16 =	vadd.f32 v35, v16;
	s13 =	sadd.s32 $0x80, s13;
	v25 =	vld.idx.msk [tilespmem:v34+s7+$0x0], $0xffff  }
0x2da: {  	v1 =	vld [tilespmem:s2+$0xFFFFFFD0]  }
0x2db: {  	v28 =	vld [tilespmem:s4+$0xFFFFFFD0]  }
0x2dc: {  	v29 =	vld [tilespmem:s2+$0x10]  }
0x2dd: {  	v21 =	vadd.f32 v21, v27;
	v45 =	vld [tilespmem:s4+$0x10];
	[tilespmem:s3+$0xFFFFFFF0] =	vst v16  }
0x2de: {  	v44 =	vld [tilespmem:s4+$0xFFFFFFF0]  }
0x2df: {  	v24 =	vadd.f32 v24, v26;
	[tilespmem:s3+$0x0] =	vst v21;
	v32 =	vld [tilespmem:s2+$0xFFFFFFF0]  }
0x2e0: {  	v30 =	vld [tilespmem:s2+$0x0]  }
0x2e1: {  	v20 =	vadd.f32 v22, v20;
	[tilespmem:s3+$0xFFFFFFC0] =	vst v24;
	v19 =	vadd.f32 v23, v19;
	v46 =	vld [tilespmem:s4+$0x0]  }
0x2e2: {  	v47 =	vld [tilespmem:s4+$0xFFFFFFC0]  }
0x2e3: {  	v49 =	vld [tilespmem:s2+$0xFFFFFFC0];
	v17 =	vadd.f32 v17, v20;
	v18 =	vadd.f32 v25, v18;
	[tilespmem:s3+$0x30] =	vst v19  }
0x2e4: {  	v31 =	vld [tilespmem:s2+$0x30]  }
0x2e5: {  	[tilespmem:s3+$0x20] =	vst v17;
	v13 =	vadd.f32 v13, v18;
	v48 =	vld [tilespmem:s4+$0x30]  }
0x2e6: {  	v55 =	vld [tilespmem:s4+$0x20]  }
0x2e7: {  	v57 =	vmul.f32 v45, v29;
	v56 =	vld [tilespmem:s2+$0x20];
	[tilespmem:s3+$0xFFFFFFE0] =	vst v13  }
0x2e8: {  	v1 =	vmul.f32 v28, v1;
	v50 =	vld [tilespmem:s2+$0xFFFFFFE0]  }
0x2e9: {  	v58 =	vmul.f32 v44, v32;
	v15 =	vadd.f32 v57, v15;
	v54 =	vld [tilespmem:s4+$0xFFFFFFE0]  }
0x2ea: {  	v1 =	vadd.f32 v1, v14;
	v23 =	vmul.f32 v46, v30  }
0x2eb: {  	v22 =	vmul.f32 v47, v49;
	v61 =	vadd.f32 v58, v16;
	[tilespmem:s1+$0x10] =	vst v15  }
0x2ec: {  	[tilespmem:s1+$0xFFFFFFD0] =	vst v1;
	v21 =	vadd.f32 v23, v21;
	v18 =	vmul.f32 v48, v31  }
0x2ed: {  	v59 =	vadd.f32 v22, v24;
	v62 =	vmul.f32 v55, v56;
	[tilespmem:s1+$0xFFFFFFF0] =	vst v61  }
0x2ee: {  	[tilespmem:s1+$0x0] =	vst v21;
	v18 =	vadd.f32 v18, v19;
	v60 =	vmul.f32 v54, v50  }
0x2ef: {  	[tilespmem:s1+$0xFFFFFFC0] =	vst v59;
	v63 =	vadd.f32 v62, v17  }
0x2f0: {  	[tilespmem:s1+$0x30] =	vst v18;
	v13 =	vadd.f32 v60, v13  }
0x2f1: {  	[tilespmem:s1+$0x20] =	vst v63  }
0x2f2: {  	s21 =	rddreg [dreg:$0x5];
	[tilespmem:s1+$0xFFFFFFE0] =	vst v13  }
0x2f3: {  	s1 =	rddreg [dreg:$0xe];
	[tilespmem:$0x1FE70] =	vst v51  }
0x2f4: {  	s20 =	simm.s32 $0x11800;
	s25 =	simm.s32 $0x1B800;
	s28 =	rddreg [dreg:$0xa];
	[tilespmem:$0x1FE80] =	vst v52  }
0x2f5: {  	[tilespmem:s20], [sflag:$0x4] =	stream.strided.gather [hbm4b:s1+s22], $0x1000, s23, s22, $0x38;
	[tilespmem:$0x1C800] =	vst v63  }
0x2f6: {  	[tilespmem:$0x1FE90] =	vst v53;
	s1 =	sadd.s32 s21, s11;
	s11 =	sadd.s32 s0, s28;
	s0 =	simm.s32 $0x0  }
0x2f7: {  	[hbm4b:s1+s22] =	stream.strided.scatter [tilespmem:s25], [sflag:$0x5], $0x1000, s23, s22, $0x38;
	[tilespmem:$0x1C800] =	vst v63  }
.LBB2_11:
0x2f8: {  	_ =	swait.ge [sflag:s26], $0x3000  }
0x2f9: {  	s2 =	simm.s32 $0x20;
	[sflag:s26] =	ssyncset.done $0x0  }
0x2fa: {  	s1 =	simm.s32 $0x2;
	v1 =	vor.u32 s2, v0;
	[sflag:s26] =	ssyncadd.s32 $0xFFFFD000  }
0x2fb: {  	_ =	swait.ge [sflag:s1], $0x3000  }
0x2fc: {  	[sflag:s1] =	ssyncset.done $0x0  }
0x2fd: {  	s3 =	simm.s32 $0xB860;
	[sflag:s1] =	ssyncadd.s32 $0xFFFFD000  }
0x2fe: {  	v13 =	vld [tilespmem:s3+$0x0]  }
0x2ff: {  	s6 =	simm.s32 $0x60;
	v14 =	vld.idx.msk [tilespmem:v1+s5+$0x0], $0xffff  }
0x300: {  	v15 =	vld [tilespmem:s6+$0x0]  }
0x301: {  	s4 =	simm.s32 $0x8860;
	v1 =	vld.idx.msk [tilespmem:v1+s24+$0x0], $0xffff  }
0x302: {  	v16 =	vld [tilespmem:s4+$0x0];
	_ =	sdelay $0x2  }
0x303: {  	v14 =	vsub.f32 v14, v15;
	_ =	sdelay $0x1  }
0x304: {  	s13 =	simm.s32 $0x0;
	v1 =	vmul.f32 v1, v16;
	v13 =	vmul.f32 v14, v13  }
0x305: {  	v17 =	vor.u32 s13, v0  }
0x306: {  	s28 =	simm.s32 $0x10;
	v18 =	vld [tilespmem:s6+$0xFFFFFFA0];
	v1 =	vadd.f32 v1, v13  }
0x307: {  	v19 =	vld [tilespmem:s6+$0xFFFFFFD0];
	v15 =	vor.u32 s28, v0  }
0x308: {  	v20 =	vld [tilespmem:s3+$0xFFFFFFA0];
	v16 =	vand.u32 $0x7FFFFFFF, v1  }
0x309: {  	v21 =	vld [tilespmem:s3+$0xFFFFFFD0];
	v16 =	vsub.f32 $0.0e+00, v16  }
0x30a: {  	v13 =	vld.idx.msk [tilespmem:v17+s5+$0x0], $0xffff  }
0x30b: {  	v17 =	vld.idx.msk [tilespmem:v17+s24+$0x0], $0xffff;
	v16 =	vmul.f32 $1.442695020e+00, v16  }
0x30c: {  	v14 =	vld.idx.msk [tilespmem:v15+s5+$0x0], $0xffff  }
0x30d: {  	s16 =	simm.s32 $0x30;
	(erf) = vpow2.f32 v16;
	v16 =	vld [tilespmem:s4+$0xFFFFFFA0]  }
0x30e: {  	v22 =	vor.u32 s16, v0;
	v23 =	vld [tilespmem:s4+$0xFFFFFFD0]  }
0x30f: {  	v15 =	vld.idx.msk [tilespmem:v15+s24+$0x0], $0xffff  }
0x310: {  	v13 =	vsub.f32 v13, v18;
	_ =	sdelay $0x1  }
0x311: {  	v14 =	vsub.f32 v14, v19;
	v13 =	vmul.f32 v13, v20;
	v16 =	vmul.f32 v17, v16  }
0x312: {  	v19 =	vld.idx.msk [tilespmem:v22+s24+$0x0], $0xffff  }
0x313: {  	v15 =	vmul.f32 v15, v23;
	v14 =	vmul.f32 v14, v21;
	v17 =	vld.idx.msk [tilespmem:v22+s5+$0x0], $0xffff;
	v13 =	vadd.f32 v16, v13  }
0x314: {  	v16 =	vld [tilespmem:s6+$0x30]  }
0x315: {  	v21 =	vld [tilespmem:s3+$0x30];
	v14 =	vadd.f32 v15, v14;
	v18 =	vpop (erf);
	v20 =	vand.u32 $0x7FFFFFFF, v13  }
0x316: {  	v22 =	vld [tilespmem:s4+$0x30];
	v15 =	vadd.f32 $1.000000000e+00, v18;
	v20 =	vsub.f32 $0.0e+00, v20  }
0x317: {  	v23 =	vand.u32 $0x7FFFFFFF, v14  }
0x318: {  	(erf) = vrcp.f32 v15;
	v15 =	vmul.f32 $1.442695020e+00, v20;
	v20 =	vsub.f32 $0.0e+00, v23  }
0x319: {  	v16 =	vsub.f32 v17, v16  }
0x31a: {  	v17 =	vmul.f32 $1.442695020e+00, v20;
	(erf) = vpow2.f32 v15  }
0x31b: {  	v15 =	vmul.f32 v16, v21;
	v16 =	vmul.f32 v19, v22;
	_ =	sdelay $0x1  }
0x31c: {  	(erf) = vpow2.f32 v17;
	v15 =	vadd.f32 v16, v15;
	_ =	sdelay $0x1  }
0x31d: {  	s1 =	simm.s32 $0x15860;
	v16 =	vsub.f32 $1.000000000e+00, v18;
	v18 =	vand.u32 $0x7FFFFFFF, v15  }
0x31e: {  	v17 =	vld [tilespmem:s1+$0x0];
	v18 =	vsub.f32 $0.0e+00, v18  }
0x31f: {  	v19 =	vpop (erf)  }
0x320: {  	v18 =	vmul.f32 $1.442695020e+00, v18;
	v16 =	vmul.f32 v19, v16;
	_ =	sdelay $0x1  }
0x321: {  	v19 =	vpop (erf);
	v16 =	vmin.f32 v16, $9.999989860e-01  }
0x322: {  	v21 =	vor.u32 s2, v3;
	v20 =	vadd.f32 $1.000000000e+00, v19;
	v16 =	vadd.f32 $9.999999960e-13, v16  }
0x323: {  	v1 =	vand.u32 $0x80000000, v1;
	(erf) = vpow2.f32 v18;
	v18 =	vpop (erf)  }
0x324: {  	v22 =	vadd.f32 $1.000000000e+00, v18;
	(erf) = vrcp.f32 v20;
	v1 =	vor.u32 v16, v1  }
0x325: {  	[tilespmem:v17+s31+$0x0] =	vst.idx.msk $0xffff, v1  }
0x326: {  	(erf) = vrcp.f32 v22;
	v1 =	vld [tilespmem:s3+$0x10]  }
0x327: {  	v16 =	vld.idx.msk [tilespmem:v21+s5+$0x0], $0xffff  }
0x328: {  	v17 =	vld [tilespmem:s6+$0x10]  }
0x329: {  	v20 =	vld.idx.msk [tilespmem:v21+s24+$0x0], $0xffff  }
0x32a: {  	v21 =	vld [tilespmem:s4+$0x10];
	_ =	sdelay $0x1  }
0x32b: {  	v19 =	vsub.f32 $1.000000000e+00, v19;
	v22 =	vpop (erf)  }
0x32c: {  	v23 =	vld [tilespmem:s1+$0xFFFFFFA0];
	v16 =	vsub.f32 v16, v17;
	v24 =	vpop (erf)  }
0x32d: {  	v18 =	vsub.f32 $1.000000000e+00, v18;
	v17 =	vld [tilespmem:s1+$0xFFFFFFD0];
	v19 =	vmul.f32 v24, v19  }
0x32e: {  	v1 =	vmul.f32 v16, v1;
	v16 =	vmul.f32 v20, v21;
	v24 =	vpop (erf)  }
0x32f: {  	v18 =	vmul.f32 v24, v18  }
0x330: {  	v19 =	vmin.f32 v19, $9.999989860e-01;
	v1 =	vadd.f32 v16, v1  }
0x331: {  	v14 =	vand.u32 $0x80000000, v14;
	v19 =	vadd.f32 $9.999999960e-13, v19;
	v18 =	vmin.f32 v18, $9.999989860e-01  }
0x332: {  	v13 =	vand.u32 $0x80000000, v13;
	v21 =	vand.u32 $0x7FFFFFFF, v1;
	v18 =	vadd.f32 $9.999999960e-13, v18  }
0x333: {  	v20 =	vor.u32 s13, v3;
	v13 =	vor.u32 v19, v13;
	v19 =	vsub.f32 $0.0e+00, v21  }
0x334: {  	s19 =	simm.s32 $0xB920;
	v24 =	vadd.f32 $1.000000000e+00, v22;
	[tilespmem:v23+s31+$0x0] =	vst.idx.msk $0xffff, v13;
	v13 =	vor.u32 v18, v14  }
0x335: {  	s26 =	simm.s32 $0x120;
	v25 =	vld [tilespmem:s19+$0x0];
	[tilespmem:v17+s31+$0x0] =	vst.idx.msk $0xffff, v13;
	v13 =	vmul.f32 $1.442695020e+00, v19  }
0x336: {  	s12 =	simm.s32 $0x8920;
	v28 =	vld [tilespmem:s26+$0x0];
	(erf) = vrcp.f32 v24  }
0x337: {  	s21 =	simm.s32 $0x60;
	v32 =	vld [tilespmem:s12+$0x0];
	(erf) = vpow2.f32 v13  }
0x338: {  	v14 =	vld.idx.msk [tilespmem:v20+s5+$0x0], $0xffff;
	v19 =	vor.u32 s21, v0  }
0x339: {  	v18 =	vld [tilespmem:s6+$0xFFFFFFB0]  }
0x33a: {  	v20 =	vld.idx.msk [tilespmem:v20+s24+$0x0], $0xffff  }
0x33b: {  	v23 =	vld [tilespmem:s3+$0xFFFFFFB0]  }
0x33c: {  	v24 =	vld [tilespmem:s4+$0xFFFFFFB0]  }
0x33d: {  	v26 =	vld.idx.msk [tilespmem:v19+s5+$0x0], $0xffff  }
0x33e: {  	v43 =	vld [tilespmem:s26+$0xFFFFFFD0]  }
0x33f: {  	v14 =	vsub.f32 v14, v18;
	v29 =	vpop (erf);
	v19 =	vld.idx.msk [tilespmem:v19+s24+$0x0], $0xffff  }
0x340: {  	v36 =	vld [tilespmem:s19+$0xFFFFFFA0];
	v16 =	vor.u32 s28, v3;
	v18 =	vpop (erf)  }
0x341: {  	v37 =	vld [tilespmem:s19+$0xFFFFFFD0];
	v20 =	vmul.f32 v20, v24;
	v14 =	vmul.f32 v14, v23;
	v33 =	vadd.f32 $1.000000000e+00, v18  }
0x342: {  	s8 =	simm.s32 $0x40;
	v45 =	vld [tilespmem:s12+$0xFFFFFFD0];
	v24 =	vsub.f32 v26, v28  }
0x343: {  	v27 =	vor.u32 s8, v0;
	v35 =	vld [tilespmem:s1+$0x10];
	v14 =	vadd.f32 v20, v14;
	(erf) = vrcp.f32 v33  }
0x344: {  	s25 =	simm.s32 $0x70;
	v21 =	vld [tilespmem:s1+$0x30];
	v19 =	vmul.f32 v19, v32;
	v24 =	vmul.f32 v24, v25  }
0x345: {  	v31 =	vor.u32 s25, v0;
	v17 =	vld.idx.msk [tilespmem:v16+s5+$0x0], $0xffff;
	v28 =	vand.u32 $0x7FFFFFFF, v14  }
0x346: {  	v16 =	vld.idx.msk [tilespmem:v16+s24+$0x0], $0xffff;
	v24 =	vadd.f32 v19, v24;
	v19 =	vsub.f32 $0.0e+00, v28  }
0x347: {  	s17 =	simm.s32 $0x50;
	v13 =	vld [tilespmem:s6+$0xFFFFFFE0]  }
0x348: {  	v30 =	vor.u32 s17, v0;
	v22 =	vsub.f32 $1.000000000e+00, v22;
	v23 =	vld.idx.msk [tilespmem:v27+s5+$0x0], $0xffff;
	v19 =	vmul.f32 $1.442695020e+00, v19  }
0x349: {  	v27 =	vld.idx.msk [tilespmem:v27+s24+$0x0], $0xffff  }
0x34a: {  	v22 =	vmul.f32 v29, v22;
	v29 =	vld.idx.msk [tilespmem:v31+s24+$0x0], $0xffff  }
0x34b: {  	v20 =	vld.idx.msk [tilespmem:v31+s5+$0x0], $0xffff;
	v18 =	vsub.f32 $1.000000000e+00, v18;
	v44 =	vand.u32 $0x7FFFFFFF, v24  }
0x34c: {  	v25 =	vld [tilespmem:s26+$0xFFFFFFA0];
	v33 =	vsub.f32 $0.0e+00, v44;
	(erf) = vpow2.f32 v19;
	v19 =	vpop (erf)  }
0x34d: {  	v26 =	vld.idx.msk [tilespmem:v30+s5+$0x0], $0xffff;
	v18 =	vmul.f32 v19, v18  }
0x34e: {  	v33 =	vmul.f32 $1.442695020e+00, v33;
	v19 =	vld [tilespmem:s12+$0xFFFFFFA0]  }
0x34f: {  	v30 =	vld.idx.msk [tilespmem:v30+s24+$0x0], $0xffff;
	v18 =	vmin.f32 v18, $9.999989860e-01  }
0x350: {  	v38 =	vor.u32 s2, v4;
	v28 =	vld [tilespmem:s26+$0x30];
	(erf) = vpow2.f32 v33;
	v18 =	vadd.f32 $9.999999960e-13, v18  }
0x351: {  	v15 =	vand.u32 $0x80000000, v15;
	v1 =	vand.u32 $0x80000000, v1;
	v31 =	vld [tilespmem:s12+$0x30];
	v23 =	vsub.f32 v23, v25  }
0x352: {  	v22 =	vmin.f32 v22, $9.999989860e-01;
	v26 =	vsub.f32 v26, v43;
	v25 =	vld [tilespmem:s19+$0x30];
	v1 =	vor.u32 v18, v1  }
0x353: {  	v34 =	vld [tilespmem:s3+$0xFFFFFFE0];
	v18 =	vadd.f32 $9.999999960e-13, v22;
	v22 =	vmul.f32 v23, v36;
	v19 =	vmul.f32 v27, v19;
	[tilespmem:v35+s31+$0x0] =	vst.idx.msk $0xffff, v1  }
0x354: {  	v23 =	vld [tilespmem:s4+$0xFFFFFFE0];
	v1 =	vsub.f32 v17, v13;
	v13 =	vmul.f32 v26, v37;
	v17 =	vmul.f32 v30, v45  }
0x355: {  	v26 =	vld.idx.msk [tilespmem:v38+s5+$0x0], $0xffff;
	v15 =	vor.u32 v18, v15;
	v18 =	vsub.f32 v20, v28;
	v20 =	vpop (erf);
	v22 =	vadd.f32 v19, v22  }
0x356: {  	v39 =	vor.u32 s16, v3;
	v19 =	vld [tilespmem:s6+$0x20];
	v27 =	vadd.f32 $1.000000000e+00, v20;
	v30 =	vadd.f32 v17, v13  }
0x357: {  	v28 =	vld [tilespmem:s3+$0x20];
	v13 =	vmul.f32 v18, v25;
	v17 =	vand.u32 $0x7FFFFFFF, v22;
	v18 =	vmul.f32 v29, v31  }
0x358: {  	v1 =	vmul.f32 v1, v34;
	v25 =	vld.idx.msk [tilespmem:v38+s24+$0x0], $0xffff;
	v17 =	vsub.f32 $0.0e+00, v17  }
0x359: {  	v29 =	vpop (erf);
	v31 =	vld [tilespmem:s4+$0x20];
	v46 =	vand.u32 $0x7FFFFFFF, v30;
	(erf) = vrcp.f32 v27;
	v27 =	vadd.f32 v18, v13  }
0x35a: {  	[tilespmem:v21+s31+$0x0] =	vst.idx.msk $0xffff, v15;
	v47 =	vadd.f32 $1.000000000e+00, v29;
	v16 =	vmul.f32 v16, v23;
	v13 =	vsub.f32 $0.0e+00, v46  }
0x35b: {  	v21 =	vld [tilespmem:s6+$0x40];
	v15 =	vmul.f32 $1.442695020e+00, v17;
	v17 =	vsub.f32 v26, v19;
	v19 =	vand.u32 $0x7FFFFFFF, v27  }
0x35c: {  	v18 =	vld.idx.msk [tilespmem:v39+s5+$0x0], $0xffff;
	(erf) = vrcp.f32 v47;
	v13 =	vmul.f32 $1.442695020e+00, v13;
	v23 =	vsub.f32 $0.0e+00, v19  }
0x35d: {  	v17 =	vmul.f32 v17, v28;
	(erf) = vpow2.f32 v15  }
0x35e: {  	v15 =	vmul.f32 v25, v31;
	v19 =	vadd.f32 v16, v1;
	v1 =	vmul.f32 $1.442695020e+00, v23  }
0x35f: {  	(erf) = vpow2.f32 v13  }
0x360: {  	v25 =	vld [tilespmem:s3+$0x40];
	v13 =	vadd.f32 v15, v17;
	(erf) = vpow2.f32 v1;
	v1 =	vand.u32 $0x7FFFFFFF, v19  }
0x361: {  	v17 =	vsub.f32 v18, v21;
	v1 =	vsub.f32 $0.0e+00, v1  }
0x362: {  	v16 =	vld.idx.msk [tilespmem:v39+s24+$0x0], $0xffff  }
0x363: {  	s20 =	simm.s32 $0x15920;
	v15 =	vld [tilespmem:s4+$0x40];
	v1 =	vmul.f32 $1.442695020e+00, v1  }
0x364: {  	v26 =	vld [tilespmem:s20+$0x0];
	v23 =	vsub.f32 $1.000000000e+00, v29;
	v18 =	vand.u32 $0x7FFFFFFF, v13;
	v21 =	vpop (erf)  }
0x365: {  	v18 =	vsub.f32 $0.0e+00, v18;
	v25 =	vmul.f32 v17, v25;
	v17 =	vpop (erf)  }
0x366: {  	v48 =	vor.u32 s21, v3;
	v17 =	vmul.f32 v17, v23  }
0x367: {  	v20 =	vsub.f32 $1.000000000e+00, v20;
	v18 =	vmul.f32 $1.442695020e+00, v18;
	(erf) = vpow2.f32 v1;
	v1 =	vpop (erf)  }
0x368: {  	v15 =	vmul.f32 v16, v15;
	v17 =	vmin.f32 v17, $9.999989860e-01;
	v16 =	vadd.f32 $1.000000000e+00, v1;
	v23 =	vpop (erf)  }
0x369: {  	(erf) = vpow2.f32 v18;
	v31 =	vadd.f32 $9.999999960e-13, v17;
	v29 =	vadd.f32 $1.000000000e+00, v23  }
0x36a: {  	v24 =	vand.u32 $0x80000000, v24;
	v20 =	vmul.f32 v21, v20;
	(erf) = vrcp.f32 v16  }
0x36b: {  	v28 =	vld [tilespmem:s1+$0xFFFFFFB0];
	v18 =	vadd.f32 v15, v25;
	v24 =	vor.u32 v31, v24;
	(erf) = vrcp.f32 v29  }
0x36c: {  	v15 =	vpop (erf);
	[tilespmem:v26+s31+$0x0] =	vst.idx.msk $0xffff, v24  }
0x36d: {  	v20 =	vmin.f32 v20, $9.999989860e-01;
	v21 =	vand.u32 $0x7FFFFFFF, v18;
	v29 =	vadd.f32 $1.000000000e+00, v15;
	v26 =	vld [tilespmem:s19+$0x10]  }
0x36e: {  	v20 =	vadd.f32 $9.999999960e-13, v20;
	v21 =	vsub.f32 $0.0e+00, v21;
	v49 =	vld [tilespmem:s26+$0x10]  }
0x36f: {  	v14 =	vand.u32 $0x80000000, v14;
	(erf) = vrcp.f32 v29;
	v29 =	vld.idx.msk [tilespmem:v48+s5+$0x0], $0xffff  }
0x370: {  	v20 =	vor.u32 v20, v14;
	v21 =	vmul.f32 $1.442695020e+00, v21;
	v32 =	vld.idx.msk [tilespmem:v48+s24+$0x0], $0xffff  }
0x371: {  	v50 =	vld [tilespmem:s12+$0x10];
	v34 =	vpop (erf)  }
0x372: {  	v25 =	vld [tilespmem:s20+$0xFFFFFFA0];
	v1 =	vsub.f32 $1.000000000e+00, v1;
	(erf) = vpow2.f32 v21;
	v14 =	vpop (erf)  }
0x373: {  	v51 =	vld [tilespmem:s20+$0xFFFFFFD0];
	[tilespmem:v28+s31+$0x0] =	vst.idx.msk $0xffff, v20;
	v21 =	vsub.f32 $1.000000000e+00, v23;
	v20 =	vpop (erf)  }
0x374: {  	v47 =	vor.u32 s30, v0;
	v1 =	vmul.f32 v20, v1;
	v20 =	vsub.f32 v29, v49;
	v23 =	vpop (erf)  }
0x375: {  	s15 =	simm.s32 $0x1E0;
	v53 =	vld [tilespmem:s20+$0x30];
	v21 =	vmul.f32 v23, v21  }
0x376: {  	v9 =	vld [tilespmem:s15+$0xFFFFFFA0];
	v23 =	vmul.f32 v32, v50;
	v1 =	vmin.f32 v1, $9.999989860e-01;
	v20 =	vmul.f32 v20, v26  }
0x377: {  	v11 =	vld [tilespmem:s15+$0xFFFFFFD0];
	v22 =	vand.u32 $0x80000000, v22;
	v1 =	vadd.f32 $9.999999960e-13, v1;
	v21 =	vmin.f32 v21, $9.999989860e-01  }
0x378: {  	v45 =	vld [tilespmem:s15+$0x0];
	v31 =	vor.u32 s13, v4;
	v57 =	vadd.f32 $9.999999960e-13, v21;
	v35 =	vadd.f32 v23, v20  }
0x379: {  	v37 =	vld.idx.msk [tilespmem:v47+s5+$0x0], $0xffff;
	v26 =	vand.u32 $0x80000000, v30;
	v1 =	vor.u32 v1, v22  }
0x37a: {  	v56 =	vld [tilespmem:s4+$0xFFFFFFC0];
	s13 =	simm.s32 $0xB9E0;
	v55 =	vpop (erf);
	v20 =	vadd.f32 $1.000000000e+00, v34;
	[tilespmem:v25+s31+$0x0] =	vst.idx.msk $0xffff, v1;
	v1 =	vor.u32 v57, v26;
	v22 =	vand.u32 $0x7FFFFFFF, v35  }
0x37b: {  	s14 =	simm.s32 $0x89E0;
	v41 =	vld [tilespmem:s13+$0x0];
	v40 =	vadd.f32 $1.000000000e+00, v14;
	v25 =	vpop (erf);
	[tilespmem:v51+s31+$0x0] =	vst.idx.msk $0xffff, v1;
	v1 =	vsub.f32 $0.0e+00, v22  }
0x37c: {  	v52 =	vor.u32 s8, v3;
	v48 =	vld [tilespmem:s14+$0x0];
	(erf) = vrcp.f32 v20;
	v20 =	vadd.f32 $1.000000000e+00, v25  }
0x37d: {  	v15 =	vsub.f32 $1.000000000e+00, v15;
	v54 =	vld.idx.msk [tilespmem:v31+s5+$0x0], $0xffff;
	(erf) = vrcp.f32 v40;
	v1 =	vmul.f32 $1.442695020e+00, v1  }
0x37e: {  	v31 =	vld.idx.msk [tilespmem:v31+s24+$0x0], $0xffff;
	(erf) = vrcp.f32 v20  }
0x37f: {  	v29 =	vld [tilespmem:s6+$0xFFFFFFC0];
	v15 =	vmul.f32 v55, v15;
	(erf) = vpow2.f32 v1  }
0x380: {  	v30 =	vld [tilespmem:s3+$0xFFFFFFC0]  }
0x381: {  	v28 =	vor.u32 s17, v3;
	v15 =	vmin.f32 v15, $9.999989860e-01;
	v58 =	vld.idx.msk [tilespmem:v52+s5+$0x0], $0xffff  }
0x382: {  	v15 =	vadd.f32 $9.999999960e-13, v15;
	v59 =	vld [tilespmem:s19+$0xFFFFFFB0];
	v1 =	vor.u32 s29, v0  }
0x383: {  	v22 =	vand.u32 $0x80000000, v27;
	v60 =	vld [tilespmem:s12+$0xFFFFFFB0]  }
0x384: {  	v15 =	vor.u32 v15, v22;
	v22 =	vld [tilespmem:s26+$0xFFFFFFB0]  }
0x385: {  	[tilespmem:v53+s31+$0x0] =	vst.idx.msk $0xffff, v15;
	v15 =	vld.idx.msk [tilespmem:v52+s24+$0x0], $0xffff;
	v42 =	vpop (erf)  }
0x386: {  	v29 =	vsub.f32 v54, v29;
	v36 =	vld.idx.msk [tilespmem:v28+s5+$0x0], $0xffff;
	v20 =	vpop (erf)  }
0x387: {  	v43 =	vld.idx.msk [tilespmem:v1+s5+$0x0], $0xffff;
	v46 =	vpop (erf)  }
0x388: {  	v29 =	vmul.f32 v29, v30;
	v30 =	vmul.f32 v31, v56;
	v31 =	vld.idx.msk [tilespmem:v28+s24+$0x0], $0xffff;
	v62 =	vpop (erf)  }
0x389: {  	s2 =	simm.s32 $0x80;
	v22 =	vsub.f32 v58, v22;
	v1 =	vld.idx.msk [tilespmem:v1+s24+$0x0], $0xffff;
	v28 =	vadd.f32 $1.000000000e+00, v62  }
0x38a: {  	v44 =	vor.u32 s2, v0;
	v17 =	vld [tilespmem:s1+$0xFFFFFFE0];
	v63 =	vmul.f32 v15, v60  }
0x38b: {  	v16 =	vld [tilespmem:s1+$0x40];
	v22 =	vmul.f32 v22, v59;
	(erf) = vrcp.f32 v28  }
0x38c: {  	s10 =	simm.s32 $0x90;
	v57 =	vld [tilespmem:s20+$0x10];
	v15 =	vadd.f32 v30, v29;
	v28 =	vsub.f32 v43, v45  }
0x38d: {  	v61 =	vor.u32 s10, v0;
	v51 =	vld [tilespmem:s13+$0xFFFFFFD0];
	v40 =	vadd.f32 v63, v22  }
0x38e: {  	v38 =	vld [tilespmem:s26+$0xFFFFFFE0];
	v29 =	vand.u32 $0x7FFFFFFF, v15;
	v1 =	vmul.f32 v1, v48;
	v28 =	vmul.f32 v28, v41  }
0x38f: {  	v30 =	vld.idx.msk [tilespmem:v44+s5+$0x0], $0xffff;
	v8 =	vsub.f32 $0.0e+00, v29;
	v29 =	vand.u32 $0x7FFFFFFF, v40  }
0x390: {  	v44 =	vld.idx.msk [tilespmem:v44+s24+$0x0], $0xffff;
	v10 =	vsub.f32 $0.0e+00, v29;
	v29 =	vadd.f32 v1, v28  }
0x391: {  	v60 =	vld [tilespmem:s14+$0xFFFFFFA0];
	v1 =	vmul.f32 $1.442695020e+00, v8  }
0x392: {  	v34 =	vsub.f32 $1.000000000e+00, v34;
	v59 =	vld [tilespmem:s13+$0xFFFFFFA0];
	v54 =	vmul.f32 $1.442695020e+00, v10;
	v55 =	vand.u32 $0x7FFFFFFF, v29  }
0x393: {  	v22 =	vld.idx.msk [tilespmem:v61+s5+$0x0], $0xffff;
	v32 =	vsub.f32 $1.000000000e+00, v62;
	(erf) = vpow2.f32 v1;
	v56 =	vsub.f32 $0.0e+00, v55  }
0x394: {  	v34 =	vmul.f32 v42, v34;
	v63 =	vld [tilespmem:s13+$0x30];
	(erf) = vpow2.f32 v54;
	v58 =	vpop (erf)  }
0x395: {  	v30 =	vsub.f32 v30, v9;
	v9 =	vld [tilespmem:s14+$0x30];
	v39 =	vmul.f32 $1.442695020e+00, v56;
	v32 =	vmul.f32 v58, v32  }
0x396: {  	v50 =	vor.u32 s21, v4;
	v34 =	vmin.f32 v34, $9.999989860e-01;
	v28 =	vld [tilespmem:s15+$0x30]  }
0x397: {  	v34 =	vadd.f32 $9.999999960e-13, v34;
	v1 =	vld.idx.msk [tilespmem:v61+s24+$0x0], $0xffff;
	(erf) = vpow2.f32 v39;
	v32 =	vmin.f32 v32, $9.999989860e-01  }
0x398: {  	v19 =	vand.u32 $0x80000000, v19;
	v18 =	vand.u32 $0x80000000, v18;
	v61 =	vld [tilespmem:s14+$0xFFFFFFD0];
	v32 =	vadd.f32 $9.999999960e-13, v32  }
0x399: {  	v35 =	vand.u32 $0x80000000, v35;
	v25 =	vsub.f32 $1.000000000e+00, v25;
	v19 =	vor.u32 v34, v19;
	v62 =	vld.idx.msk [tilespmem:v47+s24+$0x0], $0xffff  }
0x39a: {  	v33 =	vld [tilespmem:s19+$0xFFFFFFE0];
	v30 =	vmul.f32 v30, v59;
	v10 =	vmul.f32 v44, v60;
	v32 =	vor.u32 v32, v35  }
0x39b: {  	v24 =	vor.u32 s25, v3;
	v34 =	vsub.f32 v36, v38;
	v8 =	vsub.f32 v22, v11;
	v11 =	vld [tilespmem:s12+$0xFFFFFFE0];
	[tilespmem:v57+s31+$0x0] =	vst.idx.msk $0xffff, v32  }
0x39c: {  	v25 =	vmul.f32 v46, v25;
	v30 =	vadd.f32 v10, v30;
	v28 =	vsub.f32 v37, v28;
	v22 =	vpop (erf);
	v53 =	vld.idx.msk [tilespmem:v50+s5+$0x0], $0xffff  }
0x39d: {  	v43 =	vmul.f32 v8, v51;
	v1 =	vmul.f32 v1, v61;
	v48 =	vadd.f32 $1.000000000e+00, v22;
	v52 =	vpop (erf);
	v55 =	vld [tilespmem:s26+$0x20]  }
0x39e: {  	v36 =	vmul.f32 v62, v9;
	v57 =	vmul.f32 v28, v63;
	v54 =	vadd.f32 $1.000000000e+00, v52;
	v58 =	vld.idx.msk [tilespmem:v50+s24+$0x0], $0xffff  }
0x39f: {  	v28 =	vadd.f32 v1, v43;
	v1 =	vand.u32 $0x7FFFFFFF, v30;
	v60 =	vld [tilespmem:s12+$0x20];
	(erf) = vrcp.f32 v48  }
0x3a0: {  	v26 =	vld.idx.msk [tilespmem:v24+s5+$0x0], $0xffff;
	v34 =	vmul.f32 v34, v33;
	v1 =	vsub.f32 $0.0e+00, v1;
	(erf) = vrcp.f32 v54;
	v59 =	vpop (erf)  }
0x3a1: {  	v56 =	vld [tilespmem:s19+$0x20];
	v61 =	vand.u32 $0x7FFFFFFF, v28;
	v33 =	vadd.f32 v36, v57;
	v62 =	vadd.f32 $1.000000000e+00, v59  }
0x3a2: {  	v25 =	vmin.f32 v25, $9.999989860e-01;
	v31 =	vmul.f32 v31, v11;
	v63 =	vld.idx.msk [tilespmem:v24+s24+$0x0], $0xffff;
	v24 =	vsub.f32 $0.0e+00, v61  }
0x3a3: {  	v1 =	vmul.f32 $1.442695020e+00, v1;
	v36 =	vand.u32 $0x7FFFFFFF, v33;
	(erf) = vrcp.f32 v62  }
0x3a4: {  	v27 =	vld [tilespmem:s26+$0x40];
	v24 =	vmul.f32 $1.442695020e+00, v24;
	v35 =	vsub.f32 v53, v55;
	v37 =	vmul.f32 v58, v60  }
0x3a5: {  	v21 =	vld [tilespmem:s1+$0xFFFFFFC0];
	v36 =	vsub.f32 $0.0e+00, v36;
	(erf) = vpow2.f32 v1;
	v1 =	vadd.f32 $9.999999960e-13, v25  }
0x3a6: {  	v49 =	vor.u32 s28, v4;
	v23 =	vld [tilespmem:s1+$0x20];
	[tilespmem:v17+s31+$0x0] =	vst.idx.msk $0xffff, v19;
	v17 =	vadd.f32 v31, v34;
	v35 =	vmul.f32 v35, v56  }
0x3a7: {  	v47 =	vld [tilespmem:s4+$0xFFFFFFF0];
	(erf) = vpow2.f32 v24;
	v24 =	vmul.f32 $1.442695020e+00, v36;
	v1 =	vor.u32 v1, v18  }
0x3a8: {  	v10 =	vld [tilespmem:s20+$0xFFFFFFB0];
	v18 =	vadd.f32 v37, v35;
	[tilespmem:v16+s31+$0x0] =	vst.idx.msk $0xffff, v1;
	v1 =	vsub.f32 $1.000000000e+00, v52;
	v37 =	vpop (erf);
	v16 =	vand.u32 $0x7FFFFFFF, v17  }
0x3a9: {  	v9 =	vld [tilespmem:s12+$0x40];
	(erf) = vpow2.f32 v24;
	v24 =	vsub.f32 v26, v27;
	v26 =	vpop (erf);
	v16 =	vsub.f32 $0.0e+00, v16  }
0x3aa: {  	v46 =	vor.u32 s16, v4;
	s16 =	simm.s32 $0x159E0;
	v8 =	vld [tilespmem:s19+$0x40];
	v27 =	vand.u32 $0x7FFFFFFF, v18;
	v1 =	vmul.f32 v26, v1  }
0x3ab: {  	v31 =	vld [tilespmem:s16+$0x0];
	v26 =	vsub.f32 $0.0e+00, v27;
	v27 =	vsub.f32 $1.000000000e+00, v59;
	v16 =	vmul.f32 $1.442695020e+00, v16  }
0x3ac: {  	v39 =	vld [tilespmem:s16+$0xFFFFFFA0];
	v57 =	vpop (erf)  }
0x3ad: {  	v25 =	vld [tilespmem:s20+$0xFFFFFFE0];
	v27 =	vmul.f32 v57, v27  }
0x3ae: {  	v32 =	vmul.f32 v63, v9;
	v60 =	vor.u32 s29, v3;
	v36 =	vld [tilespmem:s6+$0xFFFFFFF0];
	v26 =	vmul.f32 $1.442695020e+00, v26  }
0x3af: {  	v35 =	vld.idx.msk [tilespmem:v49+s5+$0x0], $0xffff;
	v56 =	vmul.f32 v24, v8;
	(erf) = vpow2.f32 v16;
	v16 =	vpop (erf);
	v27 =	vmin.f32 v27, $9.999989860e-01  }
0x3b0: {  	v41 =	vld [tilespmem:s6+$0x50];
	(erf) = vpow2.f32 v26;
	v26 =	vadd.f32 $1.000000000e+00, v16;
	v58 =	vpop (erf);
	v27 =	vadd.f32 $9.999999960e-13, v27  }
0x3b1: {  	v29 =	vand.u32 $0x80000000, v29;
	v44 =	vld.idx.msk [tilespmem:v46+s5+$0x0], $0xffff;
	v38 =	vadd.f32 v32, v56;
	v59 =	vadd.f32 $1.000000000e+00, v58  }
0x3b2: {  	v14 =	vsub.f32 $1.000000000e+00, v14;
	v34 =	vld.idx.msk [tilespmem:v46+s24+$0x0], $0xffff;
	v61 =	vpop (erf);
	(erf) = vrcp.f32 v26;
	v26 =	vor.u32 v27, v29  }
0x3b3: {  	v46 =	vld [tilespmem:s16+$0xFFFFFFD0];
	(erf) = vrcp.f32 v59;
	v27 =	vadd.f32 $1.000000000e+00, v61;
	[tilespmem:v31+s31+$0x0] =	vst.idx.msk $0xffff, v26;
	v26 =	vand.u32 $0x7FFFFFFF, v38  }
0x3b4: {  	v14 =	vmul.f32 v20, v14;
	v24 =	vld.idx.msk [tilespmem:v49+s24+$0x0], $0xffff;
	v20 =	vsub.f32 $0.0e+00, v26  }
0x3b5: {  	(erf) = vrcp.f32 v27;
	v27 =	vld.idx.msk [tilespmem:v60+s5+$0x0], $0xffff  }
0x3b6: {  	v63 =	vld [tilespmem:s15+$0x10];
	v20 =	vmul.f32 $1.442695020e+00, v20  }
0x3b7: {  	v11 =	vor.u32 s8, v4;
	v1 =	vmin.f32 v1, $9.999989860e-01;
	v48 =	vld.idx.msk [tilespmem:v60+s24+$0x0], $0xffff  }
0x3b8: {  	v14 =	vmin.f32 v14, $9.999989860e-01;
	v55 =	vand.u32 $0x80000000, v40;
	v1 =	vadd.f32 $9.999999960e-13, v1;
	v8 =	vld [tilespmem:s14+$0x10]  }
0x3b9: {  	v13 =	vand.u32 $0x80000000, v13;
	v14 =	vadd.f32 $9.999999960e-13, v14;
	v62 =	vld [tilespmem:s13+$0x10];
	v50 =	vpop (erf)  }
0x3ba: {  	v49 =	vld [tilespmem:s16+$0x30];
	v1 =	vor.u32 v1, v55;
	v16 =	vsub.f32 $1.000000000e+00, v16;
	(erf) = vpow2.f32 v20;
	v20 =	vpop (erf)  }
0x3bb: {  	v30 =	vand.u32 $0x80000000, v30;
	v52 =	vor.u32 s2, v3;
	[tilespmem:v10+s31+$0x0] =	vst.idx.msk $0xffff, v1;
	v1 =	vld [tilespmem:s3+$0xFFFFFFF0];
	v45 =	vsub.f32 $1.000000000e+00, v58;
	v55 =	vpop (erf)  }
0x3bc: {  	v40 =	vld.idx.msk [tilespmem:v11+s5+$0x0], $0xffff;
	v32 =	vsub.f32 $1.000000000e+00, v61;
	v27 =	vsub.f32 v27, v63;
	v16 =	vmul.f32 v55, v16;
	v9 =	vpop (erf)  }
0x3bd: {  	v43 =	vld.idx.msk [tilespmem:v11+s24+$0x0], $0xffff;
	v10 =	vadd.f32 $1.000000000e+00, v50;
	v11 =	vmul.f32 v48, v8;
	v45 =	vmul.f32 v9, v45  }
0x3be: {  	v53 =	vld [tilespmem:s26+$0xFFFFFFC0];
	v57 =	vadd.f32 $1.000000000e+00, v20;
	v27 =	vmul.f32 v27, v62;
	v60 =	vpop (erf);
	v16 =	vmin.f32 v16, $9.999989860e-01  }
0x3bf: {  	v56 =	vld [tilespmem:s19+$0xFFFFFFC0];
	v51 =	vmul.f32 v60, v32;
	v61 =	vadd.f32 $9.999999960e-13, v16;
	v16 =	vmin.f32 v45, $9.999989860e-01  }
0x3c0: {  	v58 =	vld [tilespmem:s12+$0xFFFFFFC0];
	(erf) = vrcp.f32 v10;
	v59 =	vadd.f32 $9.999999960e-13, v16;
	v16 =	vadd.f32 v11, v27  }
0x3c1: {  	v24 =	vmul.f32 v24, v47;
	v48 =	vld [tilespmem:s3+$0x50];
	(erf) = vrcp.f32 v57;
	v27 =	vand.u32 $0x80000000, v28  }
0x3c2: {  	v45 =	vld [tilespmem:s4+$0x50];
	s4 =	simm.s32 $0xBAA0;
	v62 =	vmin.f32 v51, $9.999989860e-01;
	v28 =	vor.u32 v61, v30;
	v63 =	vand.u32 $0x7FFFFFFF, v16  }
0x3c3: {  	v47 =	vld [tilespmem:s4+$0x0];
	[tilespmem:v39+s31+$0x0] =	vst.idx.msk $0xffff, v28;
	v28 =	vor.u32 v59, v27;
	v27 =	vor.u32 v14, v13;
	v51 =	vpop (erf);
	v14 =	vsub.f32 $0.0e+00, v63  }
0x3c4: {  	v22 =	vsub.f32 $1.000000000e+00, v22;
	v54 =	vor.u32 s10, v3;
	v55 =	vld.idx.msk [tilespmem:v52+s5+$0x0], $0xffff;
	v8 =	vadd.f32 $1.000000000e+00, v51  }
0x3c5: {  	v57 =	vld [tilespmem:s15+$0xFFFFFFB0];
	v9 =	vmul.f32 $1.442695020e+00, v14  }
0x3c6: {  	v22 =	vmul.f32 v37, v22;
	v37 =	vld.idx.msk [tilespmem:v52+s24+$0x0], $0xffff;
	(erf) = vrcp.f32 v8  }
0x3c7: {  	s3 =	simm.s32 $0x2A0;
	v10 =	vsub.f32 v44, v41;
	v41 =	vld [tilespmem:s13+$0xFFFFFFB0];
	(erf) = vpow2.f32 v9  }
0x3c8: {  	v33 =	vand.u32 $0x80000000, v33;
	v29 =	vor.u32 s25, v4;
	[tilespmem:v46+s31+$0x0] =	vst.idx.msk $0xffff, v28;
	v44 =	vsub.f32 $1.000000000e+00, v51;
	v51 =	vld [tilespmem:s3+$0x30]  }
0x3c9: {  	v31 =	vor.u32 s17, v4;
	v26 =	vor.u32 s30, v3;
	v13 =	vadd.f32 $9.999999960e-13, v62;
	v46 =	vld.idx.msk [tilespmem:v54+s5+$0x0], $0xffff  }
0x3ca: {  	s17 =	simm.s32 $0xE0;
	v43 =	vmul.f32 v43, v58;
	v60 =	vand.u32 $0x80000000, v17;
	v17 =	vsub.f32 v35, v36;
	v42 =	vld.idx.msk [tilespmem:v54+s24+$0x0], $0xffff  }
0x3cb: {  	v20 =	vsub.f32 $1.000000000e+00, v20;
	v33 =	vor.u32 v13, v33;
	v11 =	vpop (erf);
	v52 =	vld [tilespmem:s13+$0xFFFFFFE0];
	v8 =	vor.u32 s17, v0  }
0x3cc: {  	s25 =	simm.s32 $0xF0;
	v1 =	vmul.f32 v17, v1;
	v17 =	vsub.f32 $1.000000000e+00, v50;
	v62 =	vsub.f32 v40, v53;
	[tilespmem:v49+s31+$0x0] =	vst.idx.msk $0xffff, v33;
	v49 =	vld [tilespmem:s15+$0xFFFFFFE0];
	v63 =	vpop (erf)  }
0x3cd: {  	s21 =	simm.s32 $0xD0;
	v58 =	vor.u32 s25, v0;
	v48 =	vmul.f32 v10, v48;
	v20 =	vmul.f32 v63, v20;
	v63 =	vld [tilespmem:s14+$0xFFFFFFB0]  }
0x3ce: {  	v53 =	vor.u32 s21, v0;
	v62 =	vmul.f32 v62, v56;
	v36 =	vmul.f32 v11, v17;
	v11 =	vld [tilespmem:s3+$0x0]  }
0x3cf: {  	v35 =	vadd.f32 v24, v1;
	v34 =	vmul.f32 v34, v45;
	v14 =	vor.u32 s10, v4;
	s10 =	simm.s32 $0xC0;
	v59 =	vld.idx.msk [tilespmem:v26+s5+$0x0], $0xffff;
	v54 =	vpop (erf)  }
0x3d0: {  	v45 =	vor.u32 s10, v0;
	v39 =	vadd.f32 v43, v62;
	v10 =	vsub.f32 v55, v57;
	v56 =	vld.idx.msk [tilespmem:v8+s5+$0x0], $0xffff;
	v57 =	vpop (erf)  }
0x3d1: {  	v24 =	vmin.f32 v36, $9.999989860e-01;
	v36 =	vadd.f32 v34, v48;
	v43 =	vld.idx.msk [tilespmem:v8+s24+$0x0], $0xffff;
	v8 =	vadd.f32 $1.000000000e+00, v57  }
0x3d2: {  	s6 =	simm.s32 $0x8AA0;
	v61 =	vld [tilespmem:s15+$0x40];
	v9 =	vmin.f32 v20, $9.999989860e-01;
	v41 =	vmul.f32 v10, v41;
	v37 =	vmul.f32 v37, v63  }
0x3d3: {  	v1 =	vand.u32 $0x7FFFFFFF, v39;
	v50 =	vadd.f32 $9.999999960e-13, v9;
	v9 =	vld [tilespmem:s6+$0x0];
	(erf) = vrcp.f32 v8  }
0x3d4: {  	v48 =	vld.idx.msk [tilespmem:v58+s5+$0x0], $0xffff;
	v1 =	vsub.f32 $0.0e+00, v1;
	v10 =	vand.u32 $0x7FFFFFFF, v35;
	v40 =	vadd.f32 v37, v41  }
0x3d5: {  	v46 =	vsub.f32 v46, v49;
	v49 =	vld [tilespmem:s6+$0xFFFFFFA0];
	v34 =	vsub.f32 $0.0e+00, v10  }
0x3d6: {  	v62 =	vld.idx.msk [tilespmem:v45+s5+$0x0], $0xffff;
	v1 =	vmul.f32 $1.442695020e+00, v1;
	v11 =	vsub.f32 v56, v11;
	v8 =	vand.u32 $0x7FFFFFFF, v40  }
0x3d7: {  	v63 =	vld [tilespmem:s3+$0xFFFFFFD0];
	v46 =	vmul.f32 v46, v52;
	v34 =	vmul.f32 $1.442695020e+00, v34;
	v55 =	vsub.f32 $0.0e+00, v8  }
0x3d8: {  	v15 =	vand.u32 $0x80000000, v15;
	v52 =	vld [tilespmem:s14+$0xFFFFFFE0];
	v43 =	vmul.f32 v43, v9;
	v37 =	vmul.f32 v11, v47  }
0x3d9: {  	v41 =	vld.idx.msk [tilespmem:v53+s5+$0x0], $0xffff;
	v9 =	vand.u32 $0x7FFFFFFF, v36;
	(erf) = vpow2.f32 v1;
	v55 =	vmul.f32 $1.442695020e+00, v55  }
0x3da: {  	v18 =	vand.u32 $0x80000000, v18;
	v22 =	vmin.f32 v22, $9.999989860e-01;
	v56 =	vld [tilespmem:s3+$0xFFFFFFA0];
	(erf) = vpow2.f32 v34  }
0x3db: {  	v11 =	vsub.f32 $1.000000000e+00, v57;
	v37 =	vadd.f32 v43, v37;
	(erf) = vpow2.f32 v55;
	v55 =	vld [tilespmem:s16+$0x10]  }
0x3dc: {  	v22 =	vadd.f32 $9.999999960e-13, v22;
	v38 =	vand.u32 $0x80000000, v38;
	v47 =	vld.idx.msk [tilespmem:v58+s24+$0x0], $0xffff;
	v43 =	vsub.f32 $0.0e+00, v9;
	v9 =	vpop (erf)  }
0x3dd: {  	v1 =	vld.idx.msk [tilespmem:v45+s24+$0x0], $0xffff;
	v10 =	vand.u32 $0x7FFFFFFF, v37;
	v34 =	vor.u32 v50, v18;
	v50 =	vmul.f32 v9, v11  }
0x3de: {  	v16 =	vand.u32 $0x80000000, v16;
	v45 =	vld.idx.msk [tilespmem:v53+s24+$0x0], $0xffff;
	v8 =	vadd.f32 $9.999999960e-13, v24;
	v18 =	vsub.f32 $0.0e+00, v10  }
0x3df: {  	v57 =	vor.u32 s29, v4;
	v43 =	vmul.f32 $1.442695020e+00, v43;
	v10 =	vld [tilespmem:s4+$0xFFFFFFA0];
	v50 =	vmin.f32 v50, $9.999989860e-01  }
0x3e0: {  	v53 =	vor.u32 v8, v60;
	v8 =	vld [tilespmem:s4+$0x30];
	v18 =	vmul.f32 $1.442695020e+00, v18;
	v50 =	vadd.f32 $9.999999960e-13, v50  }
0x3e1: {  	v28 =	vor.u32 s2, v4;
	v33 =	vor.u32 v22, v15;
	(erf) = vpow2.f32 v43;
	v11 =	vld [tilespmem:s4+$0xFFFFFFD0]  }
0x3e2: {  	v56 =	vsub.f32 v62, v56;
	(erf) = vpow2.f32 v18;
	v9 =	vld [tilespmem:s6+$0x30];
	v16 =	vor.u32 v50, v16  }
0x3e3: {  	v13 =	vor.u32 s30, v4;
	v59 =	vsub.f32 v59, v61;
	v44 =	vmul.f32 v54, v44;
	v54 =	vld [tilespmem:s6+$0xFFFFFFD0];
	v61 =	vpop (erf);
	[tilespmem:v55+s31+$0x0] =	vst.idx.msk $0xffff, v16  }
0x3e4: {  	v48 =	vsub.f32 v48, v51;
	v41 =	vsub.f32 v41, v63;
	v16 =	vmul.f32 v56, v10;
	v50 =	vpop (erf);
	v56 =	vld.idx.msk [tilespmem:v57+s5+$0x0], $0xffff  }
0x3e5: {  	v15 =	vor.u32 s21, v4;
	v1 =	vmul.f32 v1, v49;
	v10 =	vadd.f32 $1.000000000e+00, v61;
	v58 =	vld [tilespmem:s15+$0x20];
	v49 =	vpop (erf)  }
0x3e6: {  	v8 =	vmul.f32 v48, v8;
	v43 =	vmul.f32 v41, v11;
	v63 =	vld [tilespmem:s13+$0x20];
	v11 =	vadd.f32 $1.000000000e+00, v49  }
0x3e7: {  	v9 =	vmul.f32 v47, v9;
	v47 =	vld.idx.msk [tilespmem:v57+s24+$0x0], $0xffff;
	v1 =	vadd.f32 v1, v16;
	(erf) = vrcp.f32 v10  }
0x3e8: {  	v44 =	vmin.f32 v44, $9.999989860e-01;
	v16 =	vmul.f32 v45, v54;
	(erf) = vrcp.f32 v11;
	v11 =	vld [tilespmem:s14+$0x20]  }
0x3e9: {  	v19 =	vld [tilespmem:s20+$0x40];
	v44 =	vadd.f32 $9.999999960e-13, v44;
	v45 =	vadd.f32 v9, v8;
	v10 =	vand.u32 $0x7FFFFFFF, v1  }
0x3ea: {  	v52 =	vmul.f32 v42, v52;
	v55 =	vld.idx.msk [tilespmem:v26+s24+$0x0], $0xffff;
	v41 =	vpop (erf);
	v51 =	vadd.f32 v16, v43;
	v48 =	vsub.f32 $0.0e+00, v10  }
0x3eb: {  	v44 =	vor.u32 v44, v38;
	v8 =	vld [tilespmem:s14+$0x40];
	v54 =	vpop (erf);
	v62 =	vand.u32 $0x7FFFFFFF, v45;
	v60 =	vsub.f32 v56, v58  }
0x3ec: {  	v32 =	vld [tilespmem:s20+$0xFFFFFFC0];
	v26 =	vadd.f32 $1.000000000e+00, v54;
	v57 =	vand.u32 $0x7FFFFFFF, v51;
	v48 =	vmul.f32 $1.442695020e+00, v48  }
0x3ed: {  	v30 =	vld [tilespmem:s1+$0xFFFFFFF0];
	v38 =	vsub.f32 $0.0e+00, v57;
	v9 =	vmul.f32 v60, v63;
	v43 =	vmul.f32 v47, v11  }
0x3ee: {  	v46 =	vadd.f32 v52, v46;
	v56 =	vld [tilespmem:s13+$0x40];
	v57 =	vsub.f32 $0.0e+00, v62;
	(erf) = vrcp.f32 v26  }
0x3ef: {  	v42 =	vld [tilespmem:s20+$0x20];
	(erf) = vpow2.f32 v48;
	v11 =	vmul.f32 $1.442695020e+00, v38;
	v38 =	vadd.f32 v43, v9  }
0x3f0: {  	v52 =	vld [tilespmem:s16+$0xFFFFFFB0];
	[tilespmem:v25+s31+$0x0] =	vst.idx.msk $0xffff, v53;
	v10 =	vsub.f32 $1.000000000e+00, v49;
	v55 =	vmul.f32 v55, v8;
	v60 =	vand.u32 $0x7FFFFFFF, v46;
	v53 =	vpop (erf)  }
0x3f1: {  	v25 =	vld [tilespmem:s16+$0x40];
	v57 =	vmul.f32 $1.442695020e+00, v57;
	(erf) = vpow2.f32 v11;
	v63 =	vpop (erf);
	v8 =	vand.u32 $0x7FFFFFFF, v38  }
0x3f2: {  	[tilespmem:v19+s31+$0x0] =	vst.idx.msk $0xffff, v44;
	v19 =	vld [tilespmem:s26+$0xFFFFFFF0];
	v47 =	vadd.f32 $1.000000000e+00, v50;
	v9 =	vmul.f32 v63, v10;
	v10 =	vsub.f32 $0.0e+00, v8  }
0x3f3: {  	v62 =	vmul.f32 v59, v56;
	v59 =	vld.idx.msk [tilespmem:v31+s5+$0x0], $0xffff;
	v43 =	vsub.f32 $0.0e+00, v60;
	(erf) = vpow2.f32 v57  }
0x3f4: {  	v11 =	vand.u32 $0x80000000, v40;
	v40 =	vld.idx.msk [tilespmem:v31+s24+$0x0], $0xffff;
	v44 =	vmin.f32 v9, $9.999989860e-01;
	v48 =	vmul.f32 $1.442695020e+00, v10  }
0x3f5: {  	v43 =	vmul.f32 $1.442695020e+00, v43;
	(erf) = vrcp.f32 v47;
	v47 =	vld [tilespmem:s26+$0x50];
	s26 =	simm.s32 $0x15AA0;
	v44 =	vadd.f32 $9.999999960e-13, v44  }
0x3f6: {  	v22 =	vor.u32 s10, v3;
	v17 =	vor.u32 s10, v4;
	v31 =	vsub.f32 $1.000000000e+00, v54;
	v60 =	vld [tilespmem:s26+$0x0]  }
0x3f7: {  	v56 =	vld.idx.msk [tilespmem:v29+s5+$0x0], $0xffff;
	v49 =	vadd.f32 v55, v62;
	(erf) = vpow2.f32 v43;
	v8 =	vpop (erf);
	v44 =	vor.u32 v44, v11  }
0x3f8: {  	v39 =	vand.u32 $0x80000000, v39;
	v43 =	vld.idx.msk [tilespmem:v29+s24+$0x0], $0xffff;
	v29 =	vmul.f32 v8, v31;
	(erf) = vpow2.f32 v48;
	v48 =	vpop (erf);
	[tilespmem:v52+s31+$0x0] =	vst.idx.msk $0xffff, v44  }
0x3f9: {  	v37 =	vand.u32 $0x80000000, v37;
	v9 =	vand.u32 $0x7FFFFFFF, v49;
	v31 =	vadd.f32 $1.000000000e+00, v48;
	v58 =	vld.idx.msk [tilespmem:v28+s5+$0x0], $0xffff  }
0x3fa: {  	v54 =	vand.u32 $0x80000000, v35;
	v10 =	vsub.f32 $0.0e+00, v9;
	v29 =	vmin.f32 v29, $9.999989860e-01;
	v52 =	vpop (erf);
	v8 =	vld [tilespmem:s15+$0xFFFFFFC0]  }
0x3fb: {  	v11 =	vld [tilespmem:s19+$0xFFFFFFF0];
	v29 =	vadd.f32 $9.999999960e-13, v29;
	(erf) = vrcp.f32 v31;
	v31 =	vadd.f32 $1.000000000e+00, v52  }
0x3fc: {  	[tilespmem:v21+s31+$0x0] =	vst.idx.msk $0xffff, v33;
	v21 =	vld [tilespmem:s20+$0xFFFFFFF0];
	v57 =	vsub.f32 $1.000000000e+00, v61;
	v61 =	vor.u32 s17, v3;
	v19 =	vsub.f32 v59, v19;
	v59 =	vpop (erf)  }
0x3fd: {  	[tilespmem:v42+s31+$0x0] =	vst.idx.msk $0xffff, v34;
	v35 =	vmul.f32 $1.442695020e+00, v10;
	v10 =	vld [tilespmem:s13+$0xFFFFFFC0];
	v29 =	vor.u32 v29, v37;
	v9 =	vadd.f32 $1.000000000e+00, v59  }
0x3fe: {  	v34 =	vld [tilespmem:s16+$0x20];
	v50 =	vsub.f32 $1.000000000e+00, v50;
	v55 =	vadd.f32 $1.000000000e+00, v41;
	[tilespmem:v60+s31+$0x0] =	vst.idx.msk $0xffff, v29;
	(erf) = vrcp.f32 v31  }
0x3ff: {  	v53 =	vmul.f32 v53, v57;
	v62 =	vsub.f32 v58, v8;
	v8 =	vld [tilespmem:s3+$0x10];
	v31 =	vpop (erf);
	(erf) = vrcp.f32 v9  }
0x400: {  	v20 =	vor.u32 s21, v3;
	v9 =	vld [tilespmem:s4+$0x10];
	v57 =	vpop (erf);
	(erf) = vpow2.f32 v35;
	v35 =	vmul.f32 v19, v11  }
0x401: {  	v11 =	vld.idx.msk [tilespmem:v61+s5+$0x0], $0xffff;
	v50 =	vmul.f32 v31, v50;
	v31 =	vsub.f32 $1.000000000e+00, v48;
	v29 =	vadd.f32 $1.000000000e+00, v57  }
0x402: {  	v37 =	vmul.f32 v62, v10;
	v48 =	vand.u32 $0x80000000, v51;
	v51 =	vld.idx.msk [tilespmem:v61+s24+$0x0], $0xffff;
	(erf) = vrcp.f32 v55;
	v55 =	vpop (erf)  }
0x403: {  	v10 =	vsub.f32 $1.000000000e+00, v52;
	v52 =	vld.idx.msk [tilespmem:v28+s24+$0x0], $0xffff;
	(erf) = vrcp.f32 v29;
	v29 =	vadd.f32 $1.000000000e+00, v55  }
0x404: {  	v24 =	vor.u32 s25, v3;
	v18 =	vor.u32 s25, v4;
	v28 =	vmin.f32 v50, $9.999989860e-01;
	v50 =	vld [tilespmem:s14+$0xFFFFFFC0]  }
0x405: {  	v1 =	vand.u32 $0x80000000, v1;
	v45 =	vand.u32 $0x80000000, v45;
	v47 =	vsub.f32 v56, v47;
	v62 =	vld [tilespmem:s6+$0x10]  }
0x406: {  	v63 =	vld [tilespmem:s26+$0xFFFFFFA0];
	v19 =	vand.u32 $0x80000000, v36;
	(erf) = vrcp.f32 v29;
	v36 =	vsub.f32 v11, v8  }
0x407: {  	v53 =	vmin.f32 v53, $9.999989860e-01;
	v56 =	vld [tilespmem:s26+$0xFFFFFFD0];
	v11 =	vadd.f32 $9.999999960e-13, v28;
	v8 =	vsub.f32 $1.000000000e+00, v59;
	v29 =	vpop (erf)  }
0x408: {  	v59 =	vld [tilespmem:s12+$0xFFFFFFF0];
	v36 =	vmul.f32 v36, v9;
	v61 =	vmul.f32 v29, v31;
	v29 =	vadd.f32 $9.999999960e-13, v53  }
0x409: {  	v16 =	vld [tilespmem:s1+$0x50];
	v44 =	vmul.f32 v52, v50;
	v31 =	vand.u32 $0x80000000, v46;
	v28 =	vpop (erf);
	v53 =	vor.u32 v11, v54  }
0x40a: {  	v26 =	vld [tilespmem:s16+$0xFFFFFFE0];
	v46 =	vmul.f32 v28, v10;
	v10 =	vmul.f32 v51, v62;
	v58 =	vor.u32 v29, v39  }
0x40b: {  	v60 =	vld [tilespmem:s26+$0x30];
	v9 =	vpop (erf);
	v29 =	vand.u32 $0x80000000, v49;
	v49 =	vsub.f32 $1.000000000e+00, v57;
	v11 =	vmin.f32 v61, $9.999989860e-01  }
0x40c: {  	[tilespmem:v23+s31+$0x0] =	vst.idx.msk $0xffff, v27;
	v23 =	vld [tilespmem:s16+$0xFFFFFFC0];
	v39 =	vmul.f32 v9, v8;
	v8 =	vpop (erf);
	v9 =	vadd.f32 $9.999999960e-13, v11;
	v27 =	vmin.f32 v46, $9.999989860e-01  }
0x40d: {  	v54 =	vld [tilespmem:s19+$0x50];
	v51 =	vmul.f32 v40, v59;
	v36 =	vadd.f32 v10, v36;
	v33 =	vpop (erf);
	v46 =	vadd.f32 $9.999999960e-13, v27  }
0x40e: {  	v57 =	vld [tilespmem:s12+$0x50];
	v10 =	vsub.f32 $1.000000000e+00, v55;
	v62 =	vadd.f32 $1.000000000e+00, v8;
	v1 =	vor.u32 v9, v1;
	v11 =	vpop (erf)  }
0x40f: {  	v27 =	vld [tilespmem:s20+$0x50];
	v39 =	vmin.f32 v39, $9.999989860e-01;
	v52 =	vand.u32 $0x7FFFFFFF, v36;
	[tilespmem:v63+s31+$0x0] =	vst.idx.msk $0xffff, v1;
	v1 =	vor.u32 v46, v48;
	v55 =	vpop (erf)  }
0x410: {  	v39 =	vadd.f32 $9.999999960e-13, v39;
	v50 =	vld.idx.msk [tilespmem:v22+s5+$0x0], $0xffff;
	[tilespmem:v56+s31+$0x0] =	vst.idx.msk $0xffff, v1;
	v1 =	vsub.f32 $0.0e+00, v52;
	v56 =	vmul.f32 v55, v10  }
0x411: {  	v28 =	vsub.f32 $1.000000000e+00, v41;
	[tilespmem:v32+s31+$0x0] =	vst.idx.msk $0xffff, v58;
	(erf) = vrcp.f32 v62;
	v42 =	vmul.f32 v11, v49;
	v32 =	vld [tilespmem:s3+$0xFFFFFFB0]  }
0x412: {  	v45 =	vor.u32 v39, v45;
	v41 =	vld.idx.msk [tilespmem:v20+s5+$0x0], $0xffff;
	v1 =	vmul.f32 $1.442695020e+00, v1;
	v46 =	vmin.f32 v56, $9.999989860e-01  }
0x413: {  	s28 =	simm.s32 $0x130;
	v39 =	vsub.f32 $1.000000000e+00, v8;
	[tilespmem:v60+s31+$0x0] =	vst.idx.msk $0xffff, v45;
	v48 =	vld [tilespmem:s3+$0xFFFFFFE0];
	v42 =	vmin.f32 v42, $9.999989860e-01;
	v63 =	vadd.f32 $9.999999960e-13, v46  }
0x414: {  	s25 =	simm.s32 $0xC;
	s1 =	simm.s32 $0x15AA0;
	[tilespmem:v30+s31+$0x0] =	vst.idx.msk $0xffff, v53;
	v45 =	vadd.f32 $9.999999960e-13, v42;
	v49 =	vld [tilespmem:s3+$0x40];
	(erf) = vpow2.f32 v1;
	v1 =	vand.u32 $0x80000000, v38  }
0x415: {  	s19 =	simm.s32 $0x8AA0;
	s12 =	simm.s32 $0xBAA0;
	s20 =	simm.s32 $0x2A0;
	v43 =	vmul.f32 v43, v57;
	v46 =	vmul.f32 v47, v54;
	v47 =	vld.idx.msk [tilespmem:v24+s5+$0x0], $0xffff;
	v30 =	vor.u32 v63, v1  }
.LBB2_12:
0x416: {  	s8 =	sadd.s32 $0xFFFFFFD0, s28;
	s10 =	sadd.s32 $0xFFFFFFE0, s28;
	s2 =	sadd.s32 $0xFFFFFFF0, s28;
	v1 =	vor.u32 s28, v0;
	v40 =	vor.u32 s28, v3;
	v52 =	vld.idx.msk [tilespmem:v22+s24+$0x0], $0xffff;
	v31 =	vor.u32 v45, v31;
	[tilespmem:v34+s31+$0x0] =	vst.idx.msk $0xffff, v30  }
0x417: {  	v45 =	vor.u32 s8, v0;
	v53 =	vor.u32 s10, v0;
	v54 =	vor.u32 s2, v0;
	v42 =	vld.idx.msk [tilespmem:v20+s24+$0x0], $0xffff  }
0x418: {  	v22 =	vor.u32 s8, v3;
	v20 =	vor.u32 s10, v3;
	v50 =	vsub.f32 v50, v32;
	v55 =	vld [tilespmem:s4+$0xFFFFFFB0];
	[tilespmem:v26+s31+$0x0] =	vst.idx.msk $0xffff, v31  }
0x419: {  	s25 =	sadd.s32 $0x4, s25;
	v32 =	vor.u32 s8, v4;
	v38 =	vor.u32 s10, v4;
	v41 =	vsub.f32 v41, v48;
	v26 =	vld [tilespmem:s6+$0xFFFFFFB0]  }
0x41a: {  	v34 =	vor.u32 s28, v4;
	v30 =	vadd.f32 v44, v37;
	p0 =	slt.u32 s25, $0xFC;
	s4 =	sadd.s32 $0xC0, s4;
	v48 =	vld [tilespmem:s12+$0xFFFFFFE0];
	v31 =	vsub.f32 v47, v49  }
0x41b: {  	v33 =	vmul.f32 v33, v28;
	v43 =	vadd.f32 v43, v46;
	v47 =	vadd.f32 v51, v35;
	v37 =	vld [tilespmem:s4+$0x0];
	v44 =	vpop (erf)  }
0x41c: {  	s3 =	sadd.s32 $0xC0, s3;
	v35 =	vand.u32 $0x7FFFFFFF, v30;
	v30 =	vand.u32 $0x80000000, v30;
	v28 =	vld.idx.msk [tilespmem:v54+s5+$0x0], $0xffff;
	v39 =	vmul.f32 v44, v39  }
0x41d: {  	v51 =	vand.u32 $0x7FFFFFFF, v43;
	v44 =	vld [tilespmem:s3+$0x0];
	v46 =	vmul.f32 v50, v55;
	v49 =	vpop (erf);
	v50 =	vand.u32 $0x7FFFFFFF, v47  }
0x41e: {  	s6 =	sadd.s32 $0xC0, s6;
	v54 =	vld.idx.msk [tilespmem:v54+s24+$0x0], $0xffff;
	v52 =	vmul.f32 v52, v26;
	v55 =	vadd.f32 $1.000000000e+00, v49;
	v39 =	vmin.f32 v39, $9.999989860e-01  }
0x41f: {  	v35 =	vsub.f32 $0.0e+00, v35;
	v56 =	vld [tilespmem:s6+$0x0];
	v26 =	vmul.f32 v41, v48;
	v39 =	vadd.f32 $9.999999960e-13, v39  }
0x420: {  	v48 =	vsub.f32 $0.0e+00, v50;
	v41 =	vld.idx.msk [tilespmem:v45+s5+$0x0], $0xffff;
	v46 =	vadd.f32 v52, v46;
	(erf) = vrcp.f32 v55  }
0x421: {  	v35 =	vmul.f32 $1.442695020e+00, v35;
	v50 =	vld.idx.msk [tilespmem:v53+s5+$0x0], $0xffff;
	v29 =	vor.u32 v39, v29;
	v39 =	vsub.f32 $0.0e+00, v51  }
0x422: {  	v44 =	vsub.f32 v28, v44;
	v51 =	vld.idx.msk [tilespmem:v1+s5+$0x0], $0xffff;
	v52 =	vand.u32 $0x7FFFFFFF, v46;
	v28 =	vand.u32 $0x80000000, v46;
	[tilespmem:v25+s31+$0x0] =	vst.idx.msk $0xffff, v29  }
0x423: {  	v46 =	vmul.f32 $1.442695020e+00, v48;
	v25 =	vld [tilespmem:s3+$0xFFFFFFA0];
	v29 =	vsub.f32 $0.0e+00, v52;
	v39 =	vmul.f32 $1.442695020e+00, v39  }
0x424: {  	v33 =	vmin.f32 v33, $9.999989860e-01;
	v48 =	vld [tilespmem:s3+$0xFFFFFFD0];
	v37 =	vmul.f32 v44, v37;
	v44 =	vmul.f32 v54, v56  }
0x425: {  	v54 =	vadd.f32 $9.999999960e-13, v33;
	v52 =	vld [tilespmem:s3+$0x30];
	v29 =	vmul.f32 $1.442695020e+00, v29;
	(erf) = vpow2.f32 v35  }
0x426: {  	v33 =	vand.u32 $0x80000000, v47;
	v45 =	vld.idx.msk [tilespmem:v45+s24+$0x0], $0xffff;
	v35 =	vadd.f32 v44, v37;
	(erf) = vpow2.f32 v46  }
0x427: {  	v37 =	vld.idx.msk [tilespmem:v53+s24+$0x0], $0xffff;
	(erf) = vpow2.f32 v29;
	v29 =	vor.u32 v54, v19;
	v19 =	vand.u32 $0x80000000, v43  }
0x428: {  	v43 =	vsub.f32 $1.000000000e+00, v49;
	v25 =	vsub.f32 v41, v25;
	v2 =	vand.u32 $0x7FFFFFFF, v35;
	v44 =	vld [tilespmem:s26+$0x10];
	[tilespmem:v16+s31+$0x0] =	vst.idx.msk $0xffff, v29;
	v16 =	vmovc v27  }
0x429: {  	v29 =	vsub.f32 v50, v48;
	v27 =	vsub.f32 $0.0e+00, v2;
	v1 =	vld.idx.msk [tilespmem:v1+s24+$0x0], $0xffff;
	v41 =	vpop (erf);
	(erf) = vpow2.f32 v39  }
0x42a: {  	v39 =	vld [tilespmem:s4+$0xFFFFFFA0];
	v46 =	vsub.f32 v51, v52;
	v41 =	vmul.f32 v41, v43  }
0x42b: {  	v43 =	vld [tilespmem:s6+$0xFFFFFFA0];
	v27 =	vmul.f32 $1.442695020e+00, v27  }
0x42c: {  	v47 =	vld [tilespmem:s4+$0xFFFFFFD0];
	v41 =	vmin.f32 v41, $9.999989860e-01  }
0x42d: {  	v48 =	vld [tilespmem:s6+$0xFFFFFFD0];
	(erf) = vpow2.f32 v27;
	v27 =	vadd.f32 $9.999999960e-13, v41;
	v41 =	vor.u32 s17, v4;
	s17 =	smov.u32 s2  }
0x42e: {  	v36 =	vand.u32 $0x80000000, v36;
	v49 =	vld [tilespmem:s4+$0x30];
	v50 =	vpop (erf)  }
0x42f: {  	v25 =	vmul.f32 v25, v39;
	v39 =	vld [tilespmem:s6+$0x30];
	v27 =	vor.u32 v27, v36;
	v36 =	vadd.f32 $1.000000000e+00, v50;
	v51 =	vpop (erf)  }
0x430: {  	v43 =	vmul.f32 v45, v43;
	v45 =	vld [tilespmem:s19+$0xFFFFFFE0];
	[tilespmem:v44+s31+$0x0] =	vst.idx.msk $0xffff, v27;
	v44 =	vpop (erf);
	v27 =	vsub.f32 $1.000000000e+00, v50;
	v50 =	vadd.f32 $1.000000000e+00, v51  }
0x431: {  	v29 =	vmul.f32 v29, v47;
	v47 =	vsub.f32 $1.000000000e+00, v44;
	v44 =	vadd.f32 $1.000000000e+00, v44;
	v52 =	vld [tilespmem:s12+$0x20]  }
0x432: {  	v25 =	vadd.f32 v43, v25;
	v43 =	vmul.f32 v37, v48;
	v48 =	vld.idx.msk [tilespmem:v41+s5+$0x0], $0xffff;
	(erf) = vrcp.f32 v36;
	v37 =	vpop (erf)  }
0x433: {  	v2 =	vmul.f32 v46, v49;
	v49 =	vld [tilespmem:s20+$0x20];
	(erf) = vrcp.f32 v44;
	v36 =	vadd.f32 $1.000000000e+00, v37  }
0x434: {  	v44 =	vand.u32 $0x7FFFFFFF, v25;
	v29 =	vadd.f32 v43, v29;
	v1 =	vmul.f32 v1, v39;
	v43 =	vld.idx.msk [tilespmem:v41+s24+$0x0], $0xffff  }
0x435: {  	v41 =	vand.u32 $0x80000000, v25;
	v44 =	vsub.f32 $0.0e+00, v44;
	v25 =	vmul.f32 v42, v45;
	v42 =	vld [tilespmem:s19+$0x20]  }
0x436: {  	v45 =	vand.u32 $0x7FFFFFFF, v29;
	v39 =	vand.u32 $0x80000000, v29;
	v1 =	vadd.f32 v1, v2;
	v46 =	vpop (erf);
	v29 =	vld.idx.msk [tilespmem:v24+s24+$0x0], $0xffff  }
0x437: {  	v24 =	vmovc v40;
	v44 =	vmul.f32 $1.442695020e+00, v44;
	v45 =	vsub.f32 $0.0e+00, v45;
	v53 =	vadd.f32 $1.000000000e+00, v46;
	v54 =	vld [tilespmem:s12+$0x40]  }
0x438: {  	v55 =	vand.u32 $0x7FFFFFFF, v1;
	v40 =	vand.u32 $0x80000000, v1;
	v1 =	vsub.f32 v48, v49;
	v48 =	vld [tilespmem:s19+$0x40]  }
0x439: {  	v45 =	vmul.f32 $1.442695020e+00, v45;
	v49 =	vsub.f32 $0.0e+00, v55;
	(erf) = vrcp.f32 v53;
	v53 =	vld [tilespmem:s26+$0xFFFFFFB0]  }
0x43a: {  	v55 =	vadd.f32 v25, v26;
	v26 =	vld [tilespmem:s26+$0xFFFFFFE0];
	v1 =	vmul.f32 v1, v52;
	v42 =	vmul.f32 v43, v42  }
0x43b: {  	v43 =	vmul.f32 $1.442695020e+00, v49;
	(erf) = vpow2.f32 v44;
	v25 =	vld [tilespmem:s26+$0x40];
	v44 =	vpop (erf);
	v49 =	vsub.f32 $1.000000000e+00, v51  }
0x43c: {  	(erf) = vpow2.f32 v45;
	v42 =	vadd.f32 v42, v1;
	v1 =	vmul.f32 v31, v54;
	v31 =	vpop (erf);
	v45 =	vld.idx.msk [tilespmem:v14+s5+$0x0], $0xffff  }
0x43d: {  	(erf) = vpow2.f32 v43;
	v43 =	vand.u32 $0x7FFFFFFF, v55;
	v29 =	vmul.f32 v29, v48;
	v48 =	vld [tilespmem:s15+$0xFFFFFFF0]  }
0x43e: {  	v47 =	vmul.f32 v31, v47;
	v43 =	vsub.f32 $0.0e+00, v43;
	v51 =	vand.u32 $0x7FFFFFFF, v42;
	v52 =	vld.idx.msk [tilespmem:v13+s5+$0x0], $0xffff  }
0x43f: {  	v31 =	vand.u32 $0x80000000, v55;
	v51 =	vsub.f32 $0.0e+00, v51;
	v1 =	vadd.f32 v29, v1;
	v54 =	vld [tilespmem:s15+$0x50];
	s15 =	smov.u32 s20;
	s20 =	smov.u32 s3  }
0x440: {  	s26 =	sadd.s32 $0xC0, s26;
	v47 =	vmin.f32 v47, $9.999989860e-01;
	v55 =	vmul.f32 $1.442695020e+00, v43;
	v43 =	vld.idx.msk [tilespmem:v14+s24+$0x0], $0xffff;
	(erf) = vrcp.f32 v50;
	v14 =	vmovc v15;
	v15 =	vmovc v38  }
0x441: {  	v50 =	vmul.f32 $1.442695020e+00, v51;
	v51 =	vand.u32 $0x7FFFFFFF, v1;
	v29 =	vand.u32 $0x80000000, v1;
	v38 =	vld.idx.msk [tilespmem:v13+s24+$0x0], $0xffff;
	v13 =	vmovc v18;
	v18 =	vmovc v34  }
0x442: {  	v1 =	vsub.f32 $1.000000000e+00, v46;
	v34 =	vld [tilespmem:s26+$0x0];
	v46 =	vpop (erf);
	v51 =	vsub.f32 $0.0e+00, v51;
	(erf) = vpow2.f32 v55  }
0x443: {  	v47 =	vadd.f32 $9.999999960e-13, v47;
	v48 =	vsub.f32 v45, v48;
	v55 =	vld [tilespmem:s26+$0xFFFFFFA0];
	(erf) = vpow2.f32 v50  }
0x444: {  	v1 =	vmul.f32 v46, v1;
	v56 =	vld [tilespmem:s26+$0xFFFFFFD0];
	v46 =	vpop (erf);
	v50 =	vmul.f32 $1.442695020e+00, v51;
	v45 =	vsub.f32 v52, v54  }
0x445: {  	v28 =	vor.u32 v47, v28;
	v51 =	vsub.f32 $1.000000000e+00, v46;
	v46 =	vadd.f32 $1.000000000e+00, v46;
	v52 =	vld [tilespmem:s26+$0x30];
	v54 =	vpop (erf)  }
0x446: {  	v1 =	vmin.f32 v1, $9.999989860e-01;
	v47 =	vsub.f32 $1.000000000e+00, v54;
	v54 =	vadd.f32 $1.000000000e+00, v54;
	v57 =	vpop (erf);
	[tilespmem:v53+s31+$0x0] =	vst.idx.msk $0xffff, v28;
	v53 =	vld [tilespmem:s13+$0xFFFFFFF0]  }
0x447: {  	v58 =	vor.u32 s17, v3;
	v1 =	vadd.f32 $9.999999960e-13, v1;
	v59 =	vadd.f32 $1.000000000e+00, v57;
	v60 =	vld.idx.msk [tilespmem:v17+s5+$0x0], $0xffff  }
0x448: {  	v28 =	vand.u32 $0x80000000, v35;
	v57 =	vsub.f32 $1.000000000e+00, v57;
	(erf) = vrcp.f32 v46;
	v46 =	vld [tilespmem:s15+$0xFFFFFFC0]  }
0x449: {  	v1 =	vor.u32 v1, v28;
	v28 =	vsub.f32 $1.000000000e+00, v37;
	(erf) = vrcp.f32 v54;
	v54 =	vld.idx.msk [tilespmem:v17+s24+$0x0], $0xffff;
	v37 =	vpop (erf)  }
0x44a: {  	v27 =	vmul.f32 v44, v27;
	v17 =	vmov v32;
	[tilespmem:v34+s31+$0x0] =	vst.idx.msk $0xffff, v1;
	(erf) = vrcp.f32 v59;
	v1 =	vld [tilespmem:s12+$0xFFFFFFC0]  }
0x44b: {  	v32 =	vld [tilespmem:s4+$0x10];
	v34 =	vpop (erf);
	(erf) = vpow2.f32 v50;
	v35 =	vmul.f32 v48, v53  }
0x44c: {  	v44 =	vld.idx.msk [tilespmem:v58+s5+$0x0], $0xffff;
	v48 =	vsub.f32 $1.000000000e+00, v34;
	v34 =	vadd.f32 $1.000000000e+00, v34;
	v50 =	vpop (erf);
	(erf) = vrcp.f32 v36  }
0x44d: {  	v49 =	vmul.f32 v37, v49;
	v36 =	vld [tilespmem:s3+$0x10];
	v46 =	vsub.f32 v60, v46;
	v53 =	vadd.f32 $1.000000000e+00, v50  }
0x44e: {  	v27 =	vmin.f32 v27, $9.999989860e-01;
	v58 =	vld.idx.msk [tilespmem:v58+s24+$0x0], $0xffff;
	(erf) = vrcp.f32 v34  }
0x44f: {  	v34 =	vld [tilespmem:s6+$0x10];
	v37 =	vmul.f32 v46, v1;
	(erf) = vrcp.f32 v53;
	v1 =	vmin.f32 v49, $9.999989860e-01  }
0x450: {  	v27 =	vadd.f32 $9.999999960e-13, v27;
	v46 =	vld [tilespmem:s19+$0xFFFFFFC0];
	v1 =	vadd.f32 $9.999999960e-13, v1  }
0x451: {  	v49 =	vpop (erf);
	v53 =	vld [tilespmem:s14+$0xFFFFFFF0]  }
0x452: {  	v27 =	vor.u32 v27, v30;
	v2 =	vmul.f32 v49, v51;
	v36 =	vsub.f32 v44, v36;
	v44 =	vpop (erf);
	v30 =	vld [tilespmem:s13+$0x50];
	s13 =	smov.u32 s12;
	s12 =	smov.u32 s4  }
0x453: {  	v1 =	vor.u32 v1, v33;
	v44 =	vmul.f32 v44, v47;
	v47 =	vpop (erf);
	[tilespmem:v23+s31+$0x0] =	vst.idx.msk $0xffff, v27;
	v59 =	vld [tilespmem:s14+$0x50];
	s14 =	smov.u32 s19;
	s19 =	smov.u32 s6  }
0x454: {  	v27 =	vmin.f32 v2, $9.999989860e-01;
	v32 =	vmul.f32 v36, v32;
	v34 =	vmul.f32 v58, v34;
	v23 =	vld [tilespmem:s1+$0xFFFFFFC0];
	v49 =	vpop (erf);
	[tilespmem:v21+s31+$0x0] =	vst.idx.msk $0xffff, v1  }
0x455: {  	v2 =	vmul.f32 v47, v57;
	v1 =	vadd.f32 $9.999999960e-13, v27;
	v27 =	vmin.f32 v44, $9.999989860e-01;
	v21 =	vld [tilespmem:s16+$0xFFFFFFF0];
	v33 =	vpop (erf)  }
0x456: {  	v44 =	vmul.f32 v54, v46;
	v51 =	vadd.f32 $9.999999960e-13, v27;
	v36 =	vadd.f32 v34, v32;
	v27 =	vld [tilespmem:s16+$0x50];
	s16 =	smov.u32 s1;
	s1 =	smov.u32 s26  }
0x457: {  	v32 =	vmin.f32 v2, $9.999989860e-01;
	v1 =	vor.u32 v1, v41;
	v41 =	vsub.f32 $1.000000000e+00, v50;
	v34 =	vld [tilespmem:s16+$0x20];
	v46 =	vpop (erf)  }
0x458: {  	v32 =	vadd.f32 $9.999999960e-13, v32;
	[tilespmem:v55+s31+$0x0] =	vst.idx.msk $0xffff, v1;
	v1 =	vor.u32 v51, v39;
	v39 =	vand.u32 $0x7FFFFFFF, v36;
	v47 =	vpop (erf)  }
0x459: {  	v51 =	vadd.f32 $1.000000000e+00, v49;
	v50 =	vld.idx.msk [tilespmem:v22+s5+$0x0], $0xffff;
	[tilespmem:v56+s31+$0x0] =	vst.idx.msk $0xffff, v1;
	v1 =	vsub.f32 $0.0e+00, v39;
	v47 =	vmul.f32 v47, v41  }
.Ltmp4:
0x45a: {  	v46 =	vmul.f32 v46, v48;
	v40 =	vor.u32 v32, v40;
	v39 =	vsub.f32 $1.000000000e+00, v49;
	v41 =	vld.idx.msk [tilespmem:v20+s5+$0x0], $0xffff;
	(pc) =	sbr.rel @p0 .LBB2_12-.Ltmp4, $4  }
0x45b: {  	v32 =	vld [tilespmem:s3+$0xFFFFFFB0];
	v1 =	vmul.f32 $1.442695020e+00, v1;
	[tilespmem:v52+s31+$0x0] =	vst.idx.msk $0xffff, v40;
	v40 =	vmin.f32 v47, $9.999989860e-01;
	(erf) = vrcp.f32 v51  }
0x45c: {  	v49 =	vmin.f32 v46, $9.999989860e-01;
	v46 =	vmul.f32 v45, v30;
	v48 =	vld [tilespmem:s3+$0xFFFFFFE0];
	v40 =	vadd.f32 $9.999999960e-13, v40  }
0x45d: {  	v45 =	vadd.f32 $9.999999960e-13, v49;
	v47 =	vld.idx.msk [tilespmem:v24+s5+$0x0], $0xffff;
	(erf) = vpow2.f32 v1;
	v1 =	vand.u32 $0x80000000, v42  }
0x45e: {  	s28 =	sadd.s32 $0x40, s28;
	v51 =	vmul.f32 v43, v53;
	v43 =	vmul.f32 v38, v59;
	v49 =	vld [tilespmem:s3+$0x40];
	v30 =	vor.u32 v40, v1  }
0x45f: {  	_ =	sdelay $0x5  }
0x460: {  	v1 =	vpop (erf)  }
0x461: {  	v38 =	vpop (erf)  }
0x462: {  	v40 =	vadd.f32 $1.000000000e+00, v38;
	_ =	sdelay $0x1  }
0x463: {  	(erf) = vrcp.f32 v40;
	_ =	sdelay $0x3  }
0x464: {  	v10 =	vld.idx.msk [tilespmem:v22+s24+$0x0], $0xffff  }
0x465: {  	v42 =	vld [tilespmem:s4+$0xFFFFFFB0]  }
0x466: {  	v52 =	vld [tilespmem:s6+$0xFFFFFFB0];
	_ =	sdelay $0x1  }
0x467: {  	v11 =	vld [tilespmem:s26+$0x10];
	v22 =	vsub.f32 $1.000000000e+00, v38  }
0x468: {  	v32 =	vsub.f32 v50, v32;
	v53 =	vpop (erf)  }
0x469: {  	v54 =	vmul.f32 v53, v22  }
0x46a: {  	v57 =	vld.idx.msk [tilespmem:v20+s24+$0x0], $0xffff;
	v32 =	vmul.f32 v32, v42;
	v40 =	vmul.f32 v10, v52;
	v22 =	vadd.f32 v44, v37  }
0x46b: {  	v56 =	vor.u32 s17, v4;
	v59 =	vld [tilespmem:s12+$0xFFFFFFE0];
	v20 =	vadd.f32 v51, v35;
	v55 =	vmin.f32 v54, $9.999989860e-01  }
0x46c: {  	v0 =	vld [tilespmem:s19+$0xFFFFFFE0];
	v40 =	vadd.f32 v40, v32;
	v60 =	vand.u32 $0x7FFFFFFF, v22;
	v37 =	vadd.f32 $9.999999960e-13, v55  }
0x46d: {  	v58 =	vand.u32 $0x80000000, v36;
	v24 =	vld.idx.msk [tilespmem:v24+s24+$0x0], $0xffff;
	v62 =	vand.u32 $0x7FFFFFFF, v20;
	v63 =	vsub.f32 $0.0e+00, v60  }
0x46e: {  	v8 =	vld [tilespmem:s12+$0x40];
	v2 =	vsub.f32 $0.0e+00, v62;
	v3 =	vand.u32 $0x7FFFFFFF, v40;
	v61 =	vor.u32 v37, v58  }
0x46f: {  	v35 =	vsub.f32 $0.0e+00, v3;
	v37 =	vmul.f32 $1.442695020e+00, v63;
	[tilespmem:v11+s31+$0x0] =	vst.idx.msk $0xffff, v61;
	v11 =	vld [tilespmem:s19+$0x40]  }
0x470: {  	v32 =	vmul.f32 $1.442695020e+00, v2;
	v38 =	vld [tilespmem:s12+$0x20]  }
0x471: {  	v35 =	vmul.f32 $1.442695020e+00, v35;
	v4 =	vld.idx.msk [tilespmem:v56+s5+$0x0], $0xffff;
	(erf) = vpow2.f32 v37  }
0x472: {  	v5 =	vld [tilespmem:s20+$0x20];
	(erf) = vpow2.f32 v32  }
0x473: {  	v6 =	vld.idx.msk [tilespmem:v56+s24+$0x0], $0xffff;
	(erf) = vpow2.f32 v35  }
0x474: {  	v9 =	vsub.f32 v41, v48;
	v7 =	vld [tilespmem:s19+$0x20]  }
0x475: {  	v32 =	vadd.f32 v43, v46  }
0x476: {  	v47 =	vsub.f32 v47, v49;
	v36 =	vmul.f32 v9, v59  }
0x477: {  	v44 =	vmul.f32 v57, v0;
	v10 =	vand.u32 $0x7FFFFFFF, v32;
	v48 =	vsub.f32 v4, v5  }
0x478: {  	v43 =	vmul.f32 v47, v8;
	v41 =	vsub.f32 $0.0e+00, v10;
	v51 =	vmul.f32 v24, v11  }
0x479: {  	v42 =	vadd.f32 v44, v36;
	v37 =	vmul.f32 v6, v7;
	v38 =	vmul.f32 v48, v38  }
0x47a: {  	v41 =	vmul.f32 $1.442695020e+00, v41;
	v43 =	vadd.f32 v51, v43;
	v35 =	vpop (erf)  }
0x47b: {  	v55 =	vand.u32 $0x7FFFFFFF, v42;
	v24 =	vadd.f32 v37, v38;
	v36 =	vpop (erf)  }
0x47c: {  	(erf) = vpow2.f32 v41;
	v59 =	vand.u32 $0x7FFFFFFF, v43;
	v52 =	vadd.f32 $1.000000000e+00, v35;
	v53 =	vpop (erf)  }
0x47d: {  	v38 =	vsub.f32 $0.0e+00, v55;
	v57 =	vand.u32 $0x7FFFFFFF, v24;
	v56 =	vadd.f32 $1.000000000e+00, v53  }
0x47e: {  	v54 =	vadd.f32 $1.000000000e+00, v36;
	(erf) = vrcp.f32 v52;
	v58 =	vsub.f32 $0.0e+00, v57  }
0x47f: {  	v60 =	vsub.f32 $0.0e+00, v59;
	v38 =	vmul.f32 $1.442695020e+00, v38;
	(erf) = vrcp.f32 v56  }
0x480: {  	v61 =	vmul.f32 $1.442695020e+00, v58;
	(erf) = vrcp.f32 v54  }
0x481: {  	v62 =	vmul.f32 $1.442695020e+00, v60;
	(erf) = vpow2.f32 v38  }
0x482: {  	(erf) = vpow2.f32 v61  }
0x483: {  	(erf) = vpow2.f32 v62;
	_ =	sdelay $0x2  }
0x484: {  	v1 =	vmul.f32 v1, v39;
	v37 =	vpop (erf)  }
0x485: {  	v31 =	vor.u32 v45, v31;
	v38 =	vpop (erf)  }
0x486: {  	v45 =	vld [tilespmem:s26+$0xFFFFFFE0];
	[tilespmem:v26+s31+$0x0] =	vst.idx.msk $0xffff, v31;
	v1 =	vmin.f32 v1, $9.999989860e-01;
	v26 =	vadd.f32 $1.000000000e+00, v37;
	v4 =	vpop (erf)  }
0x487: {  	v31 =	vld [tilespmem:s26+$0x40];
	v1 =	vadd.f32 $9.999999960e-13, v1;
	v46 =	vpop (erf)  }
0x488: {  	v63 =	vld [tilespmem:s26+$0xFFFFFFB0];
	v5 =	vsub.f32 $1.000000000e+00, v53;
	v6 =	vpop (erf)  }
0x489: {  	v1 =	vor.u32 v1, v29;
	v29 =	vld.idx.msk [tilespmem:v14+s5+$0x0], $0xffff;
	v7 =	vadd.f32 $1.000000000e+00, v6;
	v48 =	vpop (erf)  }
0x48a: {  	[tilespmem:v25+s31+$0x0] =	vst.idx.msk $0xffff, v1;
	v8 =	vld [tilespmem:s15+$0xFFFFFFF0];
	(erf) = vrcp.f32 v26;
	v41 =	vmul.f32 v4, v5;
	v25 =	vadd.f32 $1.000000000e+00, v48;
	v26 =	vpop (erf)  }
0x48b: {  	v14 =	vld.idx.msk [tilespmem:v14+s24+$0x0], $0xffff;
	(erf) = vrcp.f32 v7;
	v10 =	vadd.f32 $1.000000000e+00, v26  }
0x48c: {  	v9 =	vld.idx.msk [tilespmem:v13+s5+$0x0], $0xffff;
	v41 =	vmin.f32 v41, $9.999989860e-01;
	(erf) = vrcp.f32 v25  }
0x48d: {  	v13 =	vld.idx.msk [tilespmem:v13+s24+$0x0], $0xffff;
	v41 =	vadd.f32 $9.999999960e-13, v41;
	(erf) = vrcp.f32 v10  }
0x48e: {  	v11 =	vld [tilespmem:s15+$0x50];
	v25 =	vand.u32 $0x80000000, v40  }
0x48f: {  	v1 =	vsub.f32 v29, v8;
	v29 =	vld [tilespmem:s13+$0x50];
	v25 =	vor.u32 v41, v25  }
0x490: {  	[tilespmem:v63+s31+$0x0] =	vst.idx.msk $0xffff, v25;
	v25 =	vld [tilespmem:s13+$0xFFFFFFF0]  }
0x491: {  	v39 =	vld.idx.msk [tilespmem:v17+s5+$0x0], $0xffff  }
0x492: {  	v57 =	vld [tilespmem:s20+$0xFFFFFFC0]  }
0x493: {  	v59 =	vsub.f32 $1.000000000e+00, v6;
	v60 =	vpop (erf);
	v17 =	vld.idx.msk [tilespmem:v17+s24+$0x0], $0xffff  }
0x494: {  	v61 =	vld [tilespmem:s19+$0xFFFFFFC0];
	v62 =	vpop (erf)  }
0x495: {  	v26 =	vsub.f32 $1.000000000e+00, v26;
	v58 =	vld [tilespmem:s12+$0xFFFFFFC0];
	v54 =	vpop (erf);
	v44 =	vmul.f32 v62, v59  }
0x496: {  	v63 =	vld [tilespmem:s14+$0xFFFFFFF0];
	v3 =	vpop (erf)  }
0x497: {  	v49 =	vsub.f32 v9, v11;
	v4 =	vld [tilespmem:s14+$0x50];
	v44 =	vmin.f32 v44, $9.999989860e-01;
	v26 =	vmul.f32 v3, v26  }
0x498: {  	v42 =	vand.u32 $0x80000000, v42;
	v39 =	vsub.f32 v39, v57;
	v44 =	vadd.f32 $9.999999960e-13, v44  }
0x499: {  	v1 =	vmul.f32 v1, v25;
	v17 =	vmul.f32 v17, v61;
	v26 =	vmin.f32 v26, $9.999989860e-01  }
0x49a: {  	v25 =	vmul.f32 v39, v58;
	v5 =	vor.u32 v44, v42;
	v26 =	vadd.f32 $9.999999960e-13, v26  }
0x49b: {  	v29 =	vmul.f32 v49, v29;
	v6 =	vand.u32 $0x80000000, v43;
	v14 =	vmul.f32 v14, v63;
	[tilespmem:v45+s31+$0x0] =	vst.idx.msk $0xffff, v5  }
0x49c: {  	v13 =	vmul.f32 v13, v4;
	v17 =	vadd.f32 v17, v25;
	v25 =	vor.u32 v26, v6;
	v26 =	vld.idx.msk [tilespmem:v15+s5+$0x0], $0xffff  }
0x49d: {  	v1 =	vadd.f32 v14, v1;
	v14 =	vld [tilespmem:s20+$0xFFFFFFF0]  }
0x49e: {  	v13 =	vadd.f32 v13, v29;
	v15 =	vld.idx.msk [tilespmem:v15+s24+$0x0], $0xffff;
	[tilespmem:v31+s31+$0x0] =	vst.idx.msk $0xffff, v25;
	v25 =	vand.u32 $0x7FFFFFFF, v17  }
0x49f: {  	v9 =	vld [tilespmem:s12+$0xFFFFFFF0];
	v31 =	vand.u32 $0x7FFFFFFF, v1;
	v25 =	vsub.f32 $0.0e+00, v25  }
0x4a0: {  	v8 =	vand.u32 $0x7FFFFFFF, v13;
	v29 =	vld.idx.msk [tilespmem:v18+s5+$0x0], $0xffff;
	v31 =	vsub.f32 $0.0e+00, v31  }
0x4a1: {  	v40 =	vsub.f32 $0.0e+00, v8;
	v7 =	vld [tilespmem:s20+$0x50];
	v25 =	vmul.f32 $1.442695020e+00, v25  }
0x4a2: {  	v18 =	vld.idx.msk [tilespmem:v18+s24+$0x0], $0xffff;
	v31 =	vmul.f32 $1.442695020e+00, v31  }
0x4a3: {  	v40 =	vmul.f32 $1.442695020e+00, v40;
	(erf) = vpow2.f32 v25;
	v25 =	vld [tilespmem:s19+$0xFFFFFFF0]  }
0x4a4: {  	v10 =	vld [tilespmem:s19+$0x50];
	(erf) = vpow2.f32 v31  }
0x4a5: {  	v31 =	vld [tilespmem:s12+$0x50];
	(erf) = vpow2.f32 v40;
	_ =	sdelay $0x1  }
0x4a6: {  	v14 =	vsub.f32 v26, v14  }
0x4a7: {  	v26 =	vsub.f32 v29, v7;
	v15 =	vmul.f32 v15, v25  }
0x4a8: {  	v14 =	vmul.f32 v14, v9  }
0x4a9: {  	v18 =	vmul.f32 v18, v10;
	v25 =	vmul.f32 v26, v31  }
0x4aa: {  	v14 =	vadd.f32 v15, v14  }
0x4ab: {  	v18 =	vadd.f32 v18, v25;
	v15 =	vpop (erf)  }
0x4ac: {  	v29 =	vand.u32 $0x7FFFFFFF, v14;
	v25 =	vadd.f32 $1.000000000e+00, v15;
	v26 =	vpop (erf)  }
0x4ad: {  	v45 =	vand.u32 $0x7FFFFFFF, v18;
	v29 =	vsub.f32 $0.0e+00, v29;
	v31 =	vadd.f32 $1.000000000e+00, v26;
	v11 =	vpop (erf)  }
0x4ae: {  	v40 =	vsub.f32 $0.0e+00, v45;
	(erf) = vrcp.f32 v25;
	v25 =	vadd.f32 $1.000000000e+00, v11  }
0x4af: {  	v29 =	vmul.f32 $1.442695020e+00, v29;
	(erf) = vrcp.f32 v31  }
0x4b0: {  	(erf) = vrcp.f32 v25;
	v25 =	vmul.f32 $1.442695020e+00, v40  }
0x4b1: {  	(erf) = vpow2.f32 v29  }
0x4b2: {  	(erf) = vpow2.f32 v25;
	_ =	sdelay $0x2  }
0x4b3: {  	v28 =	vmul.f32 v33, v28;
	_ =	sdelay $0x1  }
0x4b4: {  	v28 =	vmin.f32 v28, $9.999989860e-01;
	v25 =	vpop (erf)  }
0x4b5: {  	v28 =	vadd.f32 $9.999999960e-13, v28;
	v29 =	vpop (erf)  }
0x4b6: {  	v20 =	vand.u32 $0x80000000, v20;
	v49 =	vsub.f32 $1.000000000e+00, v36;
	v50 =	vpop (erf)  }
0x4b7: {  	v19 =	vor.u32 v28, v19;
	v22 =	vand.u32 $0x80000000, v22;
	v37 =	vsub.f32 $1.000000000e+00, v37;
	v52 =	vpop (erf)  }
0x4b8: {  	v33 =	vmul.f32 v46, v49;
	v31 =	vsub.f32 $1.000000000e+00, v35;
	v53 =	vadd.f32 $1.000000000e+00, v52;
	v55 =	vpop (erf)  }
0x4b9: {  	v51 =	vsub.f32 $1.000000000e+00, v48;
	v37 =	vmul.f32 v60, v37;
	v56 =	vadd.f32 $1.000000000e+00, v55  }
0x4ba: {  	v32 =	vand.u32 $0x80000000, v32;
	v31 =	vmul.f32 v38, v31;
	(erf) = vrcp.f32 v53  }
0x4bb: {  	v33 =	vmin.f32 v33, $9.999989860e-01;
	v36 =	vmul.f32 v54, v51;
	(erf) = vrcp.f32 v56  }
0x4bc: {  	v24 =	vand.u32 $0x80000000, v24;
	v33 =	vadd.f32 $9.999999960e-13, v33;
	v31 =	vmin.f32 v31, $9.999989860e-01  }
0x4bd: {  	v57 =	vmin.f32 v37, $9.999989860e-01;
	v36 =	vmin.f32 v36, $9.999989860e-01;
	v31 =	vadd.f32 $9.999999960e-13, v31  }
0x4be: {  	v28 =	vld [tilespmem:s1+$0x20];
	v20 =	vor.u32 v33, v20;
	v33 =	vadd.f32 $9.999999960e-13, v57;
	v36 =	vadd.f32 $9.999999960e-13, v36  }
0x4bf: {  	v13 =	vand.u32 $0x80000000, v13;
	v15 =	vsub.f32 $1.000000000e+00, v15;
	v22 =	vor.u32 v31, v22;
	v31 =	vld [tilespmem:s1+$0xFFFFFFC0]  }
0x4c0: {  	[tilespmem:v16+s31+$0x0] =	vst.idx.msk $0xffff, v19;
	v58 =	vld [tilespmem:s16+$0xFFFFFFF0];
	v16 =	vor.u32 v33, v32;
	v24 =	vor.u32 v36, v24;
	v26 =	vsub.f32 $1.000000000e+00, v26  }
0x4c1: {  	[tilespmem:v34+s31+$0x0] =	vst.idx.msk $0xffff, v30;
	v30 =	vld [tilespmem:s16+$0x50];
	v17 =	vand.u32 $0x80000000, v17;
	v59 =	vsub.f32 $1.000000000e+00, v11;
	v15 =	vmul.f32 v25, v15  }
0x4c2: {  	v1 =	vand.u32 $0x80000000, v1;
	v25 =	vld [tilespmem:s1+$0xFFFFFFF0];
	v19 =	vmul.f32 v29, v26;
	v26 =	vsub.f32 $1.000000000e+00, v52  }
0x4c3: {  	[tilespmem:v23+s31+$0x0] =	vst.idx.msk $0xffff, v22;
	v22 =	vld [tilespmem:s1+$0x50];
	v15 =	vmin.f32 v15, $9.999989860e-01;
	v23 =	vmul.f32 v50, v59;
	v29 =	vsub.f32 $1.000000000e+00, v55;
	v60 =	vpop (erf)  }
0x4c4: {  	s2 =	smin.u32 s0, $0x7;
	[tilespmem:v21+s31+$0x0] =	vst.idx.msk $0xffff, v20;
	v19 =	vmin.f32 v19, $9.999989860e-01;
	v15 =	vadd.f32 $9.999999960e-13, v15;
	v20 =	vmul.f32 v60, v26;
	v21 =	vpop (erf)  }
0x4c5: {  	[tilespmem:v27+s31+$0x0] =	vst.idx.msk $0xffff, v16;
	s1 =	sadd.s32 $0x2, s2;
	v19 =	vadd.f32 $9.999999960e-13, v19;
	v23 =	vmin.f32 v23, $9.999989860e-01;
	v21 =	vmul.f32 v21, v29  }
0x4c6: {  	[tilespmem:v28+s31+$0x0] =	vst.idx.msk $0xffff, v24;
	s13 =	sshrl.u32 s1, $0x3;
	v15 =	vor.u32 v15, v17;
	v16 =	vadd.f32 $9.999999960e-13, v23;
	v17 =	vmin.f32 v20, $9.999989860e-01  }
0x4c7: {  	s1 =	sshll.u32 s1, $0x7;
	s2 =	smul.u32 $0x18000, s13;
	[tilespmem:v31+s31+$0x0] =	vst.idx.msk $0xffff, v15;
	v1 =	vor.u32 v19, v1;
	v15 =	vadd.f32 $9.999999960e-13, v17;
	v17 =	vmin.f32 v21, $9.999989860e-01  }
0x4c8: {  	v61 =	vand.u32 $0x80000000, v14;
	s14 =	sand.u32 $0x380, s1;
	[tilespmem:v58+s31+$0x0] =	vst.idx.msk $0xffff, v1;
	v13 =	vor.u32 v16, v13;
	v14 =	vadd.f32 $9.999999960e-13, v17  }
0x4c9: {  	s1 =	sor.u32 s14, s2;
	v16 =	vand.u32 $0x80000000, v18;
	[tilespmem:v30+s31+$0x0] =	vst.idx.msk $0xffff, v13;
	v1 =	vor.u32 v15, v61  }
0x4ca: {  	s4 =	rddreg [dreg:$0x1];
	s15 =	sshrl.u32 s1, $0x3;
	[tilespmem:v25+s31+$0x0] =	vst.idx.msk $0xffff, v1;
	v62 =	vor.u32 v14, v16  }
0x4cb: {  	s6 =	simm.s32 $0x8800;
	s8 =	rddreg [dreg:$0x3];
	s2 =	sadd.s32 s4, s15;
	[tilespmem:v22+s31+$0x0] =	vst.idx.msk $0xffff, v62  }
0x4cc: {  	[tilespmem:s6], [sflag:$0x1] =	stream.strided.gather [hbm4b:s2+s22], $0x3000, s23, s22, $0x38;
	[tilespmem:$0x1C800] =	vst v63  }
0x4cd: {  	s10 =	simm.s32 $0xB800;
	s12 =	simm.s32 $0x5;
	s1 =	sadd.s32 s8, s15  }
0x4ce: {  	[tilespmem:s10], [sflag:$0x2] =	stream.strided.gather [hbm4b:s1+s22], $0x3000, s23, s22, $0x38;
	[tilespmem:$0x1C800] =	vst v63  }
0x4cf: {  	s3 =	simm.s32 $0x60;
	_ =	swait.ge [sflag:s12], $0x1000  }
0x4d0: {  	v63 =	vmov s3;
	v46 =	vld [tilespmem:$0x1FF80]  }
0x4d1: {  	s16 =	simm.s32 $0x0;
	v1 =	vmul.u32 $0x6, v63;
	v45 =	vld [tilespmem:$0x1FFB0]  }
0x4d2: {  	v14 =	vmov s16  }
0x4d3: {  	s19 =	simm.s32 $0x10;
	v14 =	vmul.u32 $0x6, v14;
	v1 =	vbroadcast v1, $0x0;
	[sflag:s12] =	ssyncset.done $0x0  }
0x4d4: {  	s17 =	simm.s32 $0x3;
	v19 =	vmov s19;
	[sflag:s12] =	ssyncadd.s32 $0xFFFFF000  }
0x4d5: {  	s20 =	simm.s32 $0x20;
	v19 =	vmul.u32 $0x6, v19;
	v14 =	vbroadcast v14, $0x0;
	_ =	swait.ge [sflag:s17], $0x3000;
	v13 =	vadd.s32 v46, v1  }
0x4d6: {  	v23 =	vmov s20;
	v47 =	vld [tilespmem:$0x1FFC0];
	v0 =	vadd.s32 v45, v1  }
0x4d7: {  	s25 =	simm.s32 $0x40;
	v23 =	vmul.u32 $0x6, v23;
	v19 =	vbroadcast v19, $0x0;
	v15 =	vld [tilespmem:$0x1FFD0];
	v20 =	vor.u32 v46, v14  }
0x4d8: {  	v4 =	vmov s25;
	[sflag:s17] =	ssyncset.done $0x0;
	v35 =	vld [tilespmem:$0x1FFE0];
	v21 =	vor.u32 v45, v14  }
0x4d9: {  	v32 =	vmul.u32 $0x6, v4;
	v23 =	vbroadcast v23, $0x0;
	v39 =	vld [tilespmem:$0x1FFF0];
	[sflag:s17] =	ssyncadd.s32 $0xFFFFD000;
	v25 =	vadd.s32 v46, v19  }
0x4da: {  	v26 =	vadd.s32 v45, v19;
	v13 =	vld.idx.msk [tilespmem:v13+s31+$0x0], $0xffff  }
0x4db: {  	v37 =	vbroadcast v32, $0x0;
	v30 =	vadd.s32 v46, v23;
	v6 =	vld.idx.msk [tilespmem:v0+s31+$0x0], $0xffff  }
0x4dc: {  	v31 =	vadd.s32 v45, v23;
	v20 =	vld.idx.msk [tilespmem:v20+s31+$0x0], $0xffff  }
0x4dd: {  	v10 =	vor.u32 v45, v37;
	v21 =	vld.idx.msk [tilespmem:v21+s31+$0x0], $0xffff  }
0x4de: {  	v16 =	vadd.s32 v47, v1;
	v33 =	vld.idx.msk [tilespmem:v25+s31+$0x0], $0xffff  }
0x4df: {  	v17 =	vadd.s32 v15, v1;
	v26 =	vld.idx.msk [tilespmem:v26+s31+$0x0], $0xffff  }
0x4e0: {  	v18 =	vadd.s32 v35, v1;
	v30 =	vld.idx.msk [tilespmem:v30+s31+$0x0], $0xffff  }
0x4e1: {  	v1 =	vadd.s32 v39, v1;
	v38 =	vld.idx.msk [tilespmem:v31+s31+$0x0], $0xffff  }
0x4e2: {  	s21 =	simm.s32 $0x30;
	v22 =	vor.u32 v47, v14;
	v42 =	vld.idx.msk [tilespmem:v10+s31+$0x0], $0xffff  }
0x4e3: {  	v28 =	vmov s21;
	v24 =	vor.u32 v15, v14;
	v16 =	vld.idx.msk [tilespmem:v16+s31+$0x0], $0xffff  }
0x4e4: {  	v28 =	vmul.u32 $0x6, v28;
	v27 =	vadd.s32 v47, v19;
	v17 =	vld.idx.msk [tilespmem:v17+s31+$0x0], $0xffff  }
0x4e5: {  	v29 =	vadd.s32 v15, v19;
	v18 =	vld.idx.msk [tilespmem:v18+s31+$0x0], $0xffff  }
0x4e6: {  	s28 =	simm.s32 $0x70;
	v5 =	vadd.s32 v15, v23;
	v25 =	vbroadcast v28, $0x0;
	v1 =	vld.idx.msk [tilespmem:v1+s31+$0x0], $0xffff  }
0x4e7: {  	v9 =	vmov s28;
	v28 =	vadd.s32 v47, v23;
	v22 =	vld.idx.msk [tilespmem:v22+s31+$0x0], $0xffff  }
0x4e8: {  	v34 =	vmul.u32 $0x6, v9;
	v7 =	vadd.s32 v46, v25;
	v24 =	vld.idx.msk [tilespmem:v24+s31+$0x0], $0xffff  }
0x4e9: {  	v8 =	vadd.s32 v47, v25;
	v27 =	vld.idx.msk [tilespmem:v27+s31+$0x0], $0xffff  }
0x4ea: {  	s26 =	simm.s32 $0x50;
	v3 =	vbroadcast v34, $0x0;
	v36 =	vld.idx.msk [tilespmem:v29+s31+$0x0], $0xffff;
	v29 =	vadd.s32 v45, v25  }
0x4eb: {  	v31 =	vmov s26;
	v2 =	vadd.s32 v15, v25;
	v41 =	vld.idx.msk [tilespmem:v5+s31+$0x0], $0xffff  }
0x4ec: {  	v63 =	vadd.s32 v47, v3;
	v40 =	vld.idx.msk [tilespmem:v28+s31+$0x0], $0xffff;
	v28 =	vmul.u32 $0x6, v31  }
0x4ed: {  	v31 =	vor.u32 v46, v37;
	v0 =	vld.idx.msk [tilespmem:v7+s31+$0x0], $0xffff  }
0x4ee: {  	v43 =	vbroadcast v28, $0x0;
	v28 =	vor.u32 v47, v37;
	v4 =	vld.idx.msk [tilespmem:v8+s31+$0x0], $0xffff  }
0x4ef: {  	v44 =	vld.idx.msk [tilespmem:v29+s31+$0x0], $0xffff;
	v29 =	vor.u32 v15, v37  }
0x4f0: {  	v61 =	vadd.s32 v46, v3;
	v2 =	vld.idx.msk [tilespmem:v2+s31+$0x0], $0xffff;
	v11 =	vadd.s32 v46, v43  }
0x4f1: {  	v62 =	vadd.s32 v45, v3;
	v1 =	vmul.f32 v1, v18;
	v18 =	vld.idx.msk [tilespmem:v63+s31+$0x0], $0xffff;
	v5 =	vadd.s32 v45, v43  }
0x4f2: {  	v9 =	vadd.s32 v15, v3;
	v55 =	vor.u32 v35, v14;
	v48 =	vadd.s32 v47, v43;
	v49 =	vld.idx.msk [tilespmem:v31+s31+$0x0], $0xffff  }
0x4f3: {  	v13 =	vmul.f32 v6, v13;
	v10 =	vmul.f32 v17, v16;
	v60 =	vadd.s32 v15, v43;
	v56 =	vld.idx.msk [tilespmem:v28+s31+$0x0], $0xffff  }
0x4f4: {  	v57 =	vor.u32 v39, v14;
	v58 =	vadd.s32 v35, v19;
	v34 =	vadd.s32 v39, v19;
	v14 =	vld.idx.msk [tilespmem:v29+s31+$0x0], $0xffff  }
0x4f5: {  	v32 =	vadd.s32 v39, v23;
	v16 =	vmul.f32 v24, v22;
	v13 =	vmul.f32 v10, v13;
	v19 =	vld.idx.msk [tilespmem:v11+s31+$0x0], $0xffff  }
0x4f6: {  	v17 =	vmul.f32 v26, v33;
	v26 =	vor.u32 v39, v37;
	v33 =	vadd.s32 v39, v3;
	v5 =	vld.idx.msk [tilespmem:v5+s31+$0x0], $0xffff  }
0x4f7: {  	v31 =	vadd.s32 v35, v23;
	v1 =	vmul.f32 v1, v13;
	v24 =	vmul.f32 v44, v0;
	v22 =	vld.idx.msk [tilespmem:v48+s31+$0x0], $0xffff  }
0x4f8: {  	v23 =	vadd.s32 v35, v3;
	v11 =	vmul.f32 v21, v20;
	v59 =	vld.idx.msk [tilespmem:v60+s31+$0x0], $0xffff;
	v60 =	vmul.f32 v36, v27  }
0x4f9: {  	v28 =	vor.u32 v35, v37;
	v36 =	vld.idx.msk [tilespmem:v61+s31+$0x0], $0xffff;
	v21 =	vmul.f32 v41, v40;
	v61 =	vmul.f32 v2, v4  }
0x4fa: {  	v37 =	vld.idx.msk [tilespmem:v62+s31+$0x0], $0xffff;
	v29 =	vadd.s32 v35, v25;
	v50 =	vmul.f32 v16, v11;
	v16 =	vmul.f32 v38, v30  }
0x4fb: {  	v25 =	vadd.s32 v39, v25;
	v20 =	vld.idx.msk [tilespmem:v9+s31+$0x0], $0xffff;
	v62 =	vmul.f32 v42, v49;
	v51 =	vmul.f32 v60, v17  }
0x4fc: {  	s2 =	simm.s32 $0x7040;
	v27 =	vadd.s32 v39, v43;
	v63 =	vmul.f32 v14, v56;
	v40 =	vmul.f32 v21, v16;
	v21 =	vld.idx.msk [tilespmem:v55+s31+$0x0], $0xffff  }
0x4fd: {  	[tilespmem:s2+$0x20] =	vst v1;
	v16 =	vmul.f32 v61, v24;
	v24 =	vld.idx.msk [tilespmem:v57+s31+$0x0], $0xffff;
	v19 =	vmul.f32 v5, v19  }
0x4fe: {  	s8 =	simm.s32 $0x0;
	s6 =	simm.s32 $0x7040;
	s10 =	simm.s32 $0xF0;
	v30 =	vadd.s32 v35, v43;
	v38 =	vmul.f32 v59, v22;
	v22 =	vld.idx.msk [tilespmem:v58+s31+$0x0], $0xffff;
	v17 =	vmul.f32 v63, v62  }
.LBB2_14:
0x4ff: {  	v0 =	vld.idx.msk [tilespmem:v34+s31+$0x0], $0xffff  }
0x500: {  	s4 =	sadd.s32 $0xFFFFFFF0, s10;
	v5 =	vld.idx.msk [tilespmem:v31+s31+$0x0], $0xffff  }
0x501: {  	v8 =	vld.idx.msk [tilespmem:v28+s31+$0x0], $0xffff;
	v4 =	vmov s4  }
0x502: {  	[tilespmem:$0x1FE30] =	vst v40;
	s28 =	sadd.s32 $0xFFFFFF90, s10;
	v40 =	vld.idx.msk [tilespmem:v26+s31+$0x0], $0xffff;
	v41 =	vmul.u32 $0x6, v4  }
0x503: {  	s25 =	sadd.s32 $0xFFFFFFC0, s10;
	v10 =	vld.idx.msk [tilespmem:v30+s31+$0x0], $0xffff;
	v60 =	vmul.f32 v38, v19;
	v6 =	vmov s28  }
0x504: {  	s26 =	sadd.s32 $0xFFFFFFD0, s10;
	v31 =	vmov s25;
	v38 =	vld.idx.msk [tilespmem:v29+s31+$0x0], $0xffff;
	v29 =	vmul.u32 $0x6, v6;
	v44 =	vbroadcast v41, $0x0  }
0x505: {  	v42 =	vmov s26;
	v61 =	vmul.f32 v37, v36;
	v36 =	vld.idx.msk [tilespmem:v25+s31+$0x0], $0xffff;
	v25 =	vmul.u32 $0x6, v31  }
0x506: {  	[tilespmem:$0x1FE20] =	vst v50;
	v50 =	vld.idx.msk [tilespmem:v33+s31+$0x0], $0xffff;
	v31 =	vmul.u32 $0x6, v42;
	v28 =	vbroadcast v29, $0x0;
	v29 =	vadd.s32 v46, v44  }
0x507: {  	v19 =	vld.idx.msk [tilespmem:v27+s31+$0x0], $0xffff;
	v9 =	vadd.s32 v45, v44  }
0x508: {  	s1 =	sadd.s32 $0xFFFFFFA0, s10;
	v37 =	vld.idx.msk [tilespmem:v32+s31+$0x0], $0xffff;
	v30 =	vbroadcast v31, $0x0;
	v31 =	vadd.s32 v47, v44  }
0x509: {  	v62 =	vmov s1;
	v41 =	vld.idx.msk [tilespmem:v23+s31+$0x0], $0xffff;
	[tilespmem:$0x1FDD0] =	vst v61;
	v11 =	vadd.s32 v15, v44  }
0x50a: {  	s12 =	sadd.s32 $0xFFFFFFE0, s10;
	v34 =	vmul.u32 $0x6, v62;
	v21 =	vmul.f32 v24, v21;
	v49 =	vadd.s32 v35, v44;
	v24 =	vld [tilespmem:$0x1FDD0]  }
0x50b: {  	v43 =	vmov s12;
	v44 =	vadd.s32 v39, v44;
	v29 =	vld.idx.msk [tilespmem:v29+s31+$0x0], $0xffff  }
0x50c: {  	v43 =	vmul.u32 $0x6, v43;
	v26 =	vbroadcast v34, $0x0;
	v23 =	vor.u32 v46, v28;
	v34 =	vld.idx.msk [tilespmem:v9+s31+$0x0], $0xffff  }
0x50d: {  	v48 =	vor.u32 v45, v28;
	v31 =	vld.idx.msk [tilespmem:v31+s31+$0x0], $0xffff  }
0x50e: {  	v27 =	vbroadcast v43, $0x0;
	v33 =	vor.u32 v47, v28;
	v43 =	vld.idx.msk [tilespmem:v11+s31+$0x0], $0xffff  }
0x50f: {  	s3 =	sadd.s32 $0xFFFFFFB0, s10;
	[tilespmem:$0x1FE40] =	vst v16;
	v16 =	vmov v51;
	v51 =	vor.u32 v15, v28;
	v49 =	vld.idx.msk [tilespmem:v49+s31+$0x0], $0xffff  }
0x510: {  	v63 =	vmov s3;
	v52 =	vadd.s32 v46, v26;
	v44 =	vld.idx.msk [tilespmem:v44+s31+$0x0], $0xffff  }
0x511: {  	v7 =	vmul.u32 $0x6, v63;
	v53 =	vadd.s32 v45, v26;
	v2 =	vld.idx.msk [tilespmem:v23+s31+$0x0], $0xffff  }
0x512: {  	v25 =	vbroadcast v25, $0x0;
	v6 =	vadd.s32 v46, v27;
	v48 =	vld.idx.msk [tilespmem:v48+s31+$0x0], $0xffff  }
0x513: {  	v32 =	vbroadcast v7, $0x0;
	v7 =	vadd.s32 v45, v27;
	v11 =	vld.idx.msk [tilespmem:v33+s31+$0x0], $0xffff  }
0x514: {  	v63 =	vadd.s32 v15, v25;
	v51 =	vld.idx.msk [tilespmem:v51+s31+$0x0], $0xffff  }
0x515: {  	[tilespmem:$0x1FDE0] =	vst v0;
	v0 =	vor.u32 v46, v30;
	v52 =	vld.idx.msk [tilespmem:v52+s31+$0x0], $0xffff  }
0x516: {  	v3 =	vor.u32 v45, v30;
	v53 =	vld.idx.msk [tilespmem:v53+s31+$0x0], $0xffff  }
0x517: {  	v4 =	vor.u32 v47, v30;
	v6 =	vld.idx.msk [tilespmem:v6+s31+$0x0], $0xffff  }
0x518: {  	[tilespmem:$0x1FDF0] =	vst v5;
	v5 =	vor.u32 v15, v30;
	v7 =	vld.idx.msk [tilespmem:v7+s31+$0x0], $0xffff  }
0x519: {  	v54 =	vadd.s32 v47, v26;
	v63 =	vld.idx.msk [tilespmem:v63+s31+$0x0], $0xffff  }
0x51a: {  	v55 =	vadd.s32 v15, v26;
	v0 =	vld.idx.msk [tilespmem:v0+s31+$0x0], $0xffff  }
0x51b: {  	v56 =	vadd.s32 v46, v32;
	v3 =	vld.idx.msk [tilespmem:v3+s31+$0x0], $0xffff  }
0x51c: {  	v57 =	vadd.s32 v45, v32;
	v4 =	vld.idx.msk [tilespmem:v4+s31+$0x0], $0xffff  }
0x51d: {  	v58 =	vadd.s32 v47, v32;
	v5 =	vld.idx.msk [tilespmem:v5+s31+$0x0], $0xffff  }
0x51e: {  	[tilespmem:$0x1FE50] =	vst v60;
	v60 =	vadd.s32 v46, v25;
	v33 =	vmul.f32 v44, v49;
	v44 =	vld.idx.msk [tilespmem:v54+s31+$0x0], $0xffff  }
0x51f: {  	v1 =	vmov s10;
	v49 =	vld.idx.msk [tilespmem:v55+s31+$0x0], $0xffff  }
0x520: {  	v1 =	vmul.u32 $0x6, v1;
	v59 =	vadd.s32 v15, v32;
	v54 =	vld.idx.msk [tilespmem:v56+s31+$0x0], $0xffff  }
0x521: {  	v61 =	vadd.s32 v45, v25;
	v2 =	vmul.f32 v48, v2;
	v48 =	vld.idx.msk [tilespmem:v57+s31+$0x0], $0xffff  }
0x522: {  	v1 =	vbroadcast v1, $0x0;
	v62 =	vadd.s32 v47, v25;
	v56 =	vld.idx.msk [tilespmem:v58+s31+$0x0], $0xffff  }
0x523: {  	[tilespmem:$0x1FE00] =	vst v8;
	v58 =	vld.idx.msk [tilespmem:v60+s31+$0x0], $0xffff  }
0x524: {  	v18 =	vmul.f32 v20, v18;
	[tilespmem:$0x1FE10] =	vst v10;
	v10 =	vadd.s32 v46, v1;
	v60 =	vld [tilespmem:$0x1FDE0]  }
0x525: {  	v12 =	vadd.s32 v45, v1;
	v13 =	vadd.s32 v47, v1;
	v14 =	vadd.s32 v15, v1;
	v57 =	vld.idx.msk [tilespmem:v59+s31+$0x0], $0xffff  }
0x526: {  	v8 =	vadd.s32 v47, v27;
	v36 =	vmul.f32 v36, v38;
	v41 =	vmul.f32 v50, v41;
	v59 =	vld.idx.msk [tilespmem:v61+s31+$0x0], $0xffff  }
0x527: {  	v42 =	vor.u32 v35, v28;
	v23 =	vmul.f32 v34, v29;
	v29 =	vmul.f32 v43, v31;
	v61 =	vld.idx.msk [tilespmem:v62+s31+$0x0], $0xffff  }
0x528: {  	[tilespmem:$0x1FE60] =	vst v14;
	v14 =	vadd.s32 v35, v26;
	v18 =	vmul.f32 v18, v24;
	v20 =	vmul.f32 v53, v52;
	v62 =	vld [tilespmem:$0x1FDF0]  }
0x529: {  	v9 =	vadd.s32 v15, v27;
	v53 =	vld [tilespmem:$0x1FE00];
	v23 =	vmul.f32 v29, v23;
	v22 =	vmul.f32 v60, v22  }
0x52a: {  	v43 =	vor.u32 v39, v28;
	v55 =	vmul.f32 v51, v11;
	v11 =	vmul.f32 v57, v56;
	v57 =	vld [tilespmem:$0x1FE30]  }
0x52b: {  	v34 =	vadd.s32 v39, v26;
	v33 =	vmul.f32 v33, v23;
	v22 =	vmul.f32 v22, v16;
	v16 =	vld [tilespmem:$0x1FE40]  }
0x52c: {  	s2 =	sadd.s32 $0x80, s2;
	v23 =	vadd.s32 v35, v1;
	v24 =	vmul.f32 v49, v44;
	v60 =	vmul.f32 v41, v18;
	v18 =	vld.idx.msk [tilespmem:v13+s31+$0x0], $0xffff  }
0x52d: {  	v37 =	vmul.f32 v37, v62;
	[tilespmem:s2+$0x20] =	vst v33;
	v33 =	vadd.s32 v39, v1;
	v1 =	vmul.f32 v55, v2;
	v55 =	vld [tilespmem:$0x1FE20]  }
0x52e: {  	v31 =	vadd.s32 v35, v32;
	v2 =	vmul.f32 v59, v58;
	v58 =	vld.idx.msk [tilespmem:v8+s31+$0x0], $0xffff;
	v20 =	vmul.f32 v24, v20  }
0x52f: {  	v32 =	vadd.s32 v39, v32;
	v40 =	vmul.f32 v40, v53;
	v24 =	vmul.f32 v48, v54;
	v54 =	vld [tilespmem:$0x1FE10]  }
0x530: {  	v28 =	vor.u32 v35, v30;
	v51 =	vmovc v20;
	v20 =	vmul.f32 v36, v16;
	v16 =	vmul.f32 v63, v61;
	v63 =	vld [tilespmem:$0x1FE60]  }
0x531: {  	v26 =	vor.u32 v39, v30;
	v30 =	vadd.s32 v35, v27;
	v59 =	vld [tilespmem:$0x1FE50];
	v17 =	vmul.f32 v40, v17  }
0x532: {  	s8 =	sadd.s32 $0x8, s8;
	v56 =	vmul.f32 v11, v24;
	[tilespmem:s6+$0xFFFFFFD0] =	vst v22;
	v11 =	vmul.f32 v37, v57;
	v37 =	vld.idx.msk [tilespmem:v12+s31+$0x0], $0xffff  }
0x533: {  	p0 =	slt.u32 s8, $0x78;
	v27 =	vadd.s32 v39, v27;
	[tilespmem:s6+$0x0] =	vst v17;
	v21 =	vmul.f32 v21, v55;
	v61 =	vld.idx.msk [tilespmem:v9+s31+$0x0], $0xffff  }
.Ltmp5:
0x534: {  	v0 =	vmul.f32 v3, v0;
	v22 =	vld.idx.msk [tilespmem:v14+s31+$0x0], $0xffff;
	v19 =	vmul.f32 v19, v54;
	[tilespmem:s6+$0xFFFFFFE0] =	vst v11;
	(pc) =	sbr.rel @p0 .LBB2_14-.Ltmp5, $4  }
0x535: {  	v29 =	vadd.s32 v35, v25;
	v62 =	vmul.f32 v5, v4;
	v36 =	vld.idx.msk [tilespmem:v10+s31+$0x0], $0xffff;
	[tilespmem:s6+$0xFFFFFFC0] =	vst v21  }
0x536: {  	v25 =	vadd.s32 v39, v25;
	[tilespmem:s6+$0x30] =	vst v60;
	v8 =	vmul.f32 v19, v59;
	v21 =	vld.idx.msk [tilespmem:v42+s31+$0x0], $0xffff  }
0x537: {  	s10 =	sadd.s32 $0x80, s10;
	s1 =	simm.s32 $0xE840;
	s12 =	simm.s32 $0x18840;
	v50 =	vmov v1;
	v17 =	vmul.f32 v62, v0;
	v16 =	vmul.f32 v16, v2;
	[tilespmem:s6+$0xFFFFFFF0] =	vst v20;
	v24 =	vld.idx.msk [tilespmem:v43+s31+$0x0], $0xffff  }
0x538: {  	s3 =	simm.s32 $0x3040;
	s4 =	simm.s32 $0x12840;
	v40 =	vmov v56;
	v19 =	vmul.f32 v7, v6;
	[tilespmem:s6+$0x10] =	vst v8;
	s6 =	smov.u32 s2;
	v38 =	vmul.f32 v61, v58;
	v20 =	vld.idx.msk [tilespmem:v63+s31+$0x0], $0xffff  }
0x539: {  	_ =	sdelay $0x3  }
0x53a: {  	v0 =	vld.idx.msk [tilespmem:v34+s31+$0x0], $0xffff  }
0x53b: {  	v1 =	vld.idx.msk [tilespmem:v31+s31+$0x0], $0xffff  }
0x53c: {  	v2 =	vld.idx.msk [tilespmem:v32+s31+$0x0], $0xffff  }
0x53d: {  	v3 =	vld.idx.msk [tilespmem:v29+s31+$0x0], $0xffff  }
0x53e: {  	v4 =	vld.idx.msk [tilespmem:v25+s31+$0x0], $0xffff  }
0x53f: {  	v5 =	vld.idx.msk [tilespmem:v28+s31+$0x0], $0xffff  }
0x540: {  	v6 =	vld.idx.msk [tilespmem:v26+s31+$0x0], $0xffff  }
0x541: {  	v7 =	vld.idx.msk [tilespmem:v30+s31+$0x0], $0xffff  }
0x542: {  	v9 =	vld.idx.msk [tilespmem:v27+s31+$0x0], $0xffff  }
0x543: {  	v12 =	vld.idx.msk [tilespmem:v23+s31+$0x0], $0xffff;
	v8 =	vmul.f32 v37, v36;
	v11 =	vmul.f32 v38, v19  }
0x544: {  	v14 =	vld.idx.msk [tilespmem:v33+s31+$0x0], $0xffff;
	v13 =	vmul.f32 v24, v21;
	v10 =	vmul.f32 v20, v18  }
0x545: {  	v0 =	vmul.f32 v0, v22;
	v1 =	vmul.f32 v2, v1  }
0x546: {  	v34 =	vmul.f32 v13, v50;
	v3 =	vmul.f32 v4, v3  }
0x547: {  	v35 =	vmul.f32 v6, v5;
	v0 =	vmul.f32 v0, v51  }
0x548: {  	v36 =	vmul.f32 v9, v7;
	[tilespmem:s6+$0xFFFFFFC0] =	vst v34;
	v1 =	vmul.f32 v1, v40  }
0x549: {  	v37 =	vmul.f32 v14, v12;
	v3 =	vmul.f32 v3, v16;
	[tilespmem:s6+$0xFFFFFFD0] =	vst v0  }
0x54a: {  	v8 =	vmul.f32 v10, v8;
	v4 =	vmul.f32 v35, v17;
	[tilespmem:s6+$0xFFFFFFE0] =	vst v1  }
0x54b: {  	v38 =	vmul.f32 v36, v11;
	[tilespmem:s6+$0xFFFFFFF0] =	vst v3  }
0x54c: {  	v0 =	vmul.f32 v37, v8;
	[tilespmem:s6+$0x0] =	vst v4  }
0x54d: {  	[tilespmem:s6+$0x10] =	vst v38  }
0x54e: {  	[tilespmem:s6+$0x30] =	vst v0  }
0x54f: {  	v0 =	vld [tilespmem:s3+$0x10]  }
0x550: {  	v1 =	vld [tilespmem:s3+$0x20]  }
0x551: {  	v39 =	vld [tilespmem:s3+$0xFFFFFFF0]  }
0x552: {  	v3 =	vld [tilespmem:s3+$0x30]  }
0x553: {  	v4 =	vld [tilespmem:s12+$0xFFFFFFE0]  }
0x554: {  	v40 =	vld [tilespmem:s12+$0x30]  }
0x555: {  	v41 =	vld [tilespmem:s12+$0xFFFFFFF0]  }
0x556: {  	v42 =	vld [tilespmem:s12+$0x20]  }
0x557: {  	v43 =	vld [tilespmem:s12+$0x10]  }
0x558: {  	v44 =	vld [tilespmem:s12+$0xFFFFFFC0]  }
0x559: {  	v45 =	vld [tilespmem:s3+$0xFFFFFFE0]  }
0x55a: {  	v46 =	vld [tilespmem:s12+$0xFFFFFFD0]  }
0x55b: {  	v4 =	vld.idx.msk [tilespmem:v4+s9+$0x0], $0xffff  }
0x55c: {  	v5 =	vld.idx.msk [tilespmem:v40+s9+$0x0], $0xffff  }
0x55d: {  	v12 =	vld [tilespmem:s3+$0xFFFFFFC0]  }
0x55e: {  	v15 =	vld [tilespmem:s3+$0xFFFFFFD0]  }
0x55f: {  	v6 =	vld.idx.msk [tilespmem:v41+s9+$0x0], $0xffff  }
0x560: {  	v7 =	vld.idx.msk [tilespmem:v42+s9+$0x0], $0xffff;
	v13 =	vsub.f32 v45, v4  }
0x561: {  	v8 =	vld.idx.msk [tilespmem:v43+s9+$0x0], $0xffff;
	v14 =	vsub.f32 v3, v5  }
0x562: {  	v9 =	vld.idx.msk [tilespmem:v44+s9+$0x0], $0xffff;
	(erf) = vrcp.f32 v13  }
0x563: {  	v11 =	vld.idx.msk [tilespmem:v46+s9+$0x0], $0xffff;
	(erf) = vrcp.f32 v14  }
0x564: {  	v16 =	vsub.f32 v39, v6  }
0x565: {  	v13 =	vsub.f32 v1, v7;
	v14 =	vld [tilespmem:s12+$0x0]  }
0x566: {  	v17 =	vsub.f32 v0, v8;
	(erf) = vrcp.f32 v16  }
0x567: {  	v16 =	vsub.f32 v12, v9;
	(erf) = vrcp.f32 v13  }
0x568: {  	v13 =	vsub.f32 v15, v11;
	(erf) = vrcp.f32 v17  }
0x569: {  	(erf) = vrcp.f32 v16  }
0x56a: {  	(erf) = vrcp.f32 v13  }
0x56b: {  	v3 =	vadd.f32 v3, v5;
	v47 =	vpop (erf)  }
0x56c: {  	v13 =	vld [tilespmem:s3+$0x0];
	v16 =	vpop (erf)  }
0x56d: {  	v14 =	vld.idx.msk [tilespmem:v14+s9+$0x0], $0xffff;
	v3 =	vmul.f32 v16, v3;
	_ =	sdelay $0x1  }
0x56e: {  	v9 =	vadd.f32 v12, v9;
	v16 =	vpop (erf);
	v12 =	vadd.s32 $0xC0CAFB0D, v3  }
0x56f: {  	v11 =	vadd.f32 v15, v11;
	v17 =	vpop (erf);
	v15 =	vand.u32 $0xFF800000, v12  }
0x570: {  	v18 =	vpop (erf)  }
0x571: {  	v19 =	vpop (erf);
	v20 =	vsub.f32 v13, v14;
	v3 =	vsub.s32 v3, v15  }
0x572: {  	v9 =	vmul.f32 v19, v9;
	v19 =	vadd.f32 $1.000000000e+00, v3;
	v15 =	vpop (erf)  }
0x573: {  	(erf) = vrcp.f32 v20;
	v11 =	vmul.f32 v15, v11  }
0x574: {  	v15 =	vadd.s32 $0xC0CAFB0D, v9;
	(erf) = vrcp.f32 v19  }
0x575: {  	v4 =	vadd.f32 v45, v4;
	v20 =	vand.u32 $0xFF800000, v15;
	v19 =	vadd.s32 $0xC0CAFB0D, v11  }
0x576: {  	v1 =	vadd.f32 v1, v7;
	v9 =	vsub.s32 v9, v20;
	v20 =	vand.u32 $0xFF800000, v19  }
0x577: {  	v2 =	vadd.f32 v39, v6;
	v48 =	vadd.f32 $1.000000000e+00, v9;
	v11 =	vsub.s32 v11, v20  }
0x578: {  	v4 =	vmul.f32 v47, v4;
	v1 =	vmul.f32 v17, v1;
	v49 =	vadd.f32 $1.000000000e+00, v11  }
0x579: {  	v0 =	vadd.f32 v0, v8;
	v2 =	vmul.f32 v16, v2;
	(erf) = vrcp.f32 v48  }
0x57a: {  	v5 =	vadd.s32 $0xC0CAFB0D, v4;
	v26 =	vadd.s32 $0xC0CAFB0D, v1;
	(erf) = vrcp.f32 v49  }
0x57b: {  	v58 =	vand.u32 $0xFF800000, v5;
	v5 =	vshra.s32 v5, $0x17;
	v50 =	vand.u32 $0xFF800000, v26  }
0x57c: {  	v17 =	vadd.f32 v13, v14;
	v52 =	vadd.f32 $-1.000000000e+00, v3;
	v13 =	vsub.s32 v1, v50;
	v25 =	vpop (erf)  }
0x57d: {  	v0 =	vmul.f32 v18, v0;
	v51 =	vadd.s32 $0xC0CAFB0D, v2;
	v6 =	vadd.f32 $1.000000000e+00, v13;
	v54 =	vpop (erf)  }
0x57e: {  	v33 =	vsub.s32 v4, v58;
	v22 =	vcvt.s32.f32 v5;
	v1 =	vmul.f32 v54, v52  }
0x57f: {  	v63 =	vshra.s32 v12, $0x17;
	v56 =	vand.u32 $0xFF800000, v51;
	(erf) = vrcp.f32 v6  }
0x580: {  	v27 =	vshra.s32 v51, $0x17;
	v21 =	vadd.s32 $0xC0CAFB0D, v0;
	v59 =	vmul.f32 v1, v1  }
0x581: {  	v37 =	vcvt.s32.f32 v63;
	v3 =	vadd.f32 $1.000000000e+00, v33;
	v57 =	vand.u32 $0xFF800000, v21  }
0x582: {  	v31 =	vld [tilespmem:s1+$0xFFFFFFD0];
	v29 =	vsub.s32 v0, v57;
	v55 =	vadd.f32 $-1.000000000e+00, v11;
	v35 =	vpop (erf);
	v60 =	vmul.f32 $2.000000030e-01, v59  }
0x583: {  	v23 =	vld [tilespmem:s4+$0xFFFFFFD0];
	v2 =	vsub.s32 v2, v56;
	v53 =	vshra.s32 v15, $0x17;
	v62 =	vadd.f32 $1.000000000e+00, v29;
	v61 =	vpop (erf)  }
0x584: {  	v28 =	vld [tilespmem:s4+$0x30];
	(erf) = vrcp.f32 v3;
	v0 =	vadd.f32 $3.333333430e-01, v60;
	v36 =	vmul.f32 v61, v55  }
0x585: {  	v16 =	vld [tilespmem:s1+$0xFFFFFFE0];
	v8 =	vadd.f32 $1.000000000e+00, v2;
	v32 =	vcvt.s32.f32 v53;
	(erf) = vrcp.f32 v62  }
0x586: {  	v18 =	vld [tilespmem:s1+$0x30];
	v30 =	vadd.f32 $-1.000000000e+00, v2;
	v0 =	vmul.f32 v0, v59;
	v20 =	vmul.f32 v36, v36  }
0x587: {  	s8 =	simm.s32 $0x0;
	s16 =	simm.s32 $0xE8C0;
	v14 =	vld [tilespmem:s1+$0x10];
	v24 =	vshra.s32 v19, $0x17;
	v34 =	vadd.f32 $-1.000000000e+00, v9;
	(erf) = vrcp.f32 v8  }
0x588: {  	s26 =	simm.s32 $0x1;
	s6 =	simm.s32 $0x12840;
	s12 =	simm.s32 $0x188C0;
	v15 =	vld [tilespmem:s4+$0xFFFFFFE0];
	v40 =	vadd.f32 v1, v1;
	v19 =	vpop (erf);
	v38 =	vadd.f32 $1.000000000e+00, v0;
	v39 =	vmul.f32 $2.000000030e-01, v20  }
.LBB2_16:
0x589: {  	v0 =	vld [tilespmem:s12+$0x0];
	s8 =	sadd.s32 $0x8, s8;
	v1 =	vadd.f32 v36, v36;
	v2 =	vmul.f32 v25, v17;
	v3 =	vshra.s32 v26, $0x17;
	s3 =	sadd.s32 $0x80, s3;
	s4 =	sadd.s32 $0x80, s4  }
0x58a: {  	v6 =	vmul.f32 $6.931471820e-01, v37;
	v4 =	vld [tilespmem:s3+$0x10];
	v5 =	vadd.f32 $3.333333430e-01, v39;
	v7 =	vmul.f32 v38, v40  }
0x58b: {  	v9 =	vmul.f32 v35, v34;
	v25 =	vmul.f32 $6.931471820e-01, v32;
	v10 =	vadd.f32 $-1.000000000e+00, v33;
	p0 =	slt.u32 s8, $0x2F8;
	v8 =	vld [tilespmem:s3+$0x20]  }
0x58c: {  	v3 =	vcvt.s32.f32 v3;
	v11 =	vld [tilespmem:s3+$0xFFFFFFF0];
	v5 =	vmul.f32 v5, v20;
	v32 =	vadd.f32 v7, v6  }
0x58d: {  	v12 =	vmul.f32 v9, v9;
	v26 =	vadd.f32 v9, v9;
	v9 =	vcvt.s32.f32 v24;
	v7 =	vld [tilespmem:s3+$0x30];
	v17 =	vpop (erf)  }
0x58e: {  	v20 =	vmul.f32 $6.931471820e-01, v3;
	v24 =	vld [tilespmem:s3+$0xFFFFFFE0];
	v5 =	vadd.f32 $1.000000000e+00, v5;
	v33 =	vmul.f32 v32, v18;
	v6 =	vpop (erf)  }
0x58f: {  	v10 =	vmul.f32 v17, v10;
	v17 =	vshra.s32 v21, $0x17;
	v18 =	vadd.f32 $-1.000000000e+00, v29;
	v32 =	vld [tilespmem:s3+$0x0]  }
0x590: {  	v9 =	vmul.f32 $6.931471820e-01, v9;
	v21 =	vld [tilespmem:s12+$0xFFFFFFE0];
	v1 =	vmul.f32 v5, v1;
	v5 =	vadd.s32 $0xC0CAFB0D, v2;
	[tilespmem:v28+s7+$0x0] =	vst.idx.msk $0xffff, v33;
	v3 =	vpop (erf)  }
0x591: {  	v17 =	vcvt.s32.f32 v17;
	v6 =	vmul.f32 v6, v18;
	v28 =	vld [tilespmem:s12+$0x30]  }
0x592: {  	v29 =	vand.u32 $0xFF800000, v5;
	v18 =	vld [tilespmem:s12+$0xFFFFFFF0];
	v1 =	vadd.f32 v1, v9;
	v9 =	vmul.f32 v10, v10  }
0x593: {  	v3 =	vmul.f32 v3, v30;
	v5 =	vshra.s32 v5, $0x17;
	v30 =	vmul.f32 v6, v6;
	v33 =	vld [tilespmem:s12+$0x20]  }
0x594: {  	v2 =	vsub.s32 v2, v29;
	v29 =	vmul.f32 $6.931471820e-01, v17;
	v34 =	vld [tilespmem:s12+$0x10];
	v1 =	vmul.f32 v1, v31  }
0x595: {  	v17 =	vmul.f32 v3, v3;
	v35 =	vadd.f32 $1.000000000e+00, v2;
	v36 =	vmul.f32 $2.000000030e-01, v30;
	v31 =	vld [tilespmem:s12+$0xFFFFFFC0]  }
0x596: {  	v37 =	vmul.f32 $2.000000030e-01, v12;
	v0 =	vld.idx.msk [tilespmem:v0+s9+$0x0], $0xffff;
	[tilespmem:v23+s7+$0x0] =	vst.idx.msk $0xffff, v1;
	v1 =	vmul.f32 $2.000000030e-01, v9  }
0x597: {  	v27 =	vcvt.s32.f32 v27;
	v23 =	vmul.f32 $2.000000030e-01, v17;
	v36 =	vadd.f32 $3.333333430e-01, v36;
	v38 =	vld [tilespmem:s12+$0xFFFFFFD0]  }
0x598: {  	v37 =	vadd.f32 $3.333333430e-01, v37;
	v5 =	vcvt.s32.f32 v5;
	v21 =	vld.idx.msk [tilespmem:v21+s9+$0x0], $0xffff;
	v1 =	vadd.f32 $3.333333430e-01, v1  }
0x599: {  	v27 =	vmul.f32 $6.931471820e-01, v27;
	v39 =	vadd.f32 $3.333333430e-01, v23;
	v30 =	vmul.f32 v36, v30;
	v28 =	vld.idx.msk [tilespmem:v28+s9+$0x0], $0xffff  }
0x59a: {  	v23 =	vmul.f32 $6.931471820e-01, v5;
	v18 =	vld.idx.msk [tilespmem:v18+s9+$0x0], $0xffff;
	v1 =	vmul.f32 v1, v9;
	v9 =	vadd.f32 v10, v10  }
0x59b: {  	v3 =	vadd.f32 v3, v3;
	v2 =	vadd.f32 $-1.000000000e+00, v2;
	v10 =	vmul.f32 v39, v17;
	v5 =	vld.idx.msk [tilespmem:v33+s9+$0x0], $0xffff  }
0x59c: {  	v17 =	vadd.f32 v32, v0;
	v33 =	vld.idx.msk [tilespmem:v34+s9+$0x0], $0xffff;
	v1 =	vadd.f32 $1.000000000e+00, v1;
	(erf) = vrcp.f32 v35  }
0x59d: {  	v12 =	vmul.f32 v37, v12;
	v6 =	vadd.f32 v6, v6;
	v30 =	vadd.f32 $1.000000000e+00, v30;
	v31 =	vld.idx.msk [tilespmem:v31+s9+$0x0], $0xffff  }
0x59e: {  	v22 =	vmul.f32 $6.931471820e-01, v22;
	v35 =	vsub.f32 v24, v21;
	v34 =	vld [tilespmem:s3+$0xFFFFFFC0];
	v1 =	vmul.f32 v1, v9  }
0x59f: {  	v6 =	vmul.f32 v30, v6;
	v36 =	vadd.f32 v7, v28;
	v7 =	vsub.f32 v7, v28;
	v9 =	vld.idx.msk [tilespmem:v38+s9+$0x0], $0xffff  }
0x5a0: {  	v30 =	vadd.f32 v11, v18;
	v11 =	vsub.f32 v11, v18;
	v28 =	vld [tilespmem:s3+$0xFFFFFFD0];
	(erf) = vrcp.f32 v35  }
0x5a1: {  	v35 =	vadd.f32 v8, v5;
	v5 =	vsub.f32 v8, v5;
	v18 =	vld [tilespmem:s16+$0x30];
	(erf) = vrcp.f32 v7  }
0x5a2: {  	v7 =	vadd.f32 v4, v33;
	v4 =	vsub.f32 v4, v33;
	(erf) = vrcp.f32 v11;
	v8 =	vld [tilespmem:s6+$0x10]  }
0x5a3: {  	v1 =	vadd.f32 v1, v22;
	v11 =	vsub.f32 v34, v31;
	(erf) = vrcp.f32 v5  }
0x5a4: {  	v0 =	vsub.f32 v32, v0;
	(erf) = vrcp.f32 v4;
	v4 =	vadd.f32 v6, v29  }
0x5a5: {  	v5 =	vadd.f32 v28, v9;
	v6 =	vsub.f32 v28, v9;
	(erf) = vrcp.f32 v11;
	v9 =	vpop (erf)  }
0x5a6: {  	v10 =	vadd.f32 $1.000000000e+00, v10;
	v1 =	vmul.f32 v1, v16;
	v4 =	vmul.f32 v4, v14  }
0x5a7: {  	v2 =	vmul.f32 v9, v2;
	(erf) = vrcp.f32 v6;
	v6 =	vadd.f32 $1.000000000e+00, v12  }
0x5a8: {  	v11 =	vadd.f32 v24, v21;
	(erf) = vrcp.f32 v0;
	[tilespmem:v15+s7+$0x0] =	vst.idx.msk $0xffff, v1;
	v0 =	vmul.f32 v10, v3;
	v1 =	vld [tilespmem:s1+$0xFFFFFFF0]  }
0x5a9: {  	v10 =	vmul.f32 v2, v2;
	v2 =	vadd.f32 v2, v2;
	v3 =	vpop (erf);
	v6 =	vmul.f32 v6, v26  }
0x5aa: {  	v3 =	vmul.f32 v3, v11;
	v9 =	vpop (erf);
	v0 =	vadd.f32 v0, v27;
	[tilespmem:v8+s7+$0x0] =	vst.idx.msk $0xffff, v4;
	v4 =	vadd.f32 $-1.000000000e+00, v13  }
0x5ab: {  	v11 =	vmul.f32 $2.000000030e-01, v10;
	v8 =	vmul.f32 v9, v36;
	v9 =	vpop (erf);
	v6 =	vadd.f32 v6, v25  }
0x5ac: {  	v12 =	vadd.s32 $0xC0CAFB0D, v3;
	v9 =	vmul.f32 v9, v30;
	v13 =	vpop (erf);
	v14 =	vld [tilespmem:s6+$0xFFFFFFC0];
	v4 =	vmul.f32 v19, v4  }
0x5ad: {  	v15 =	vadd.f32 v34, v31;
	v19 =	vadd.s32 $0xC0CAFB0D, v8;
	v16 =	vpop (erf);
	v22 =	vld [tilespmem:s1+$0xFFFFFFC0];
	v0 =	vmul.f32 v0, v1  }
0x5ae: {  	v1 =	vmul.f32 v16, v7;
	v7 =	vmul.f32 v13, v35;
	v13 =	vand.u32 $0xFF800000, v19;
	v16 =	vpop (erf)  }
0x5af: {  	v15 =	vmul.f32 v16, v15;
	v8 =	vsub.s32 v8, v13;
	v16 =	vadd.f32 v4, v4  }
0x5b0: {  	v27 =	vadd.s32 $0xC0CAFB0D, v9;
	v21 =	vadd.s32 $0xC0CAFB0D, v1;
	v13 =	vadd.f32 $1.000000000e+00, v8;
	v24 =	vpop (erf)  }
0x5b1: {  	v11 =	vadd.f32 $3.333333430e-01, v11;
	v26 =	vadd.s32 $0xC0CAFB0D, v15;
	v5 =	vmul.f32 v24, v5;
	v25 =	vpop (erf);
	v28 =	vld [tilespmem:s6+$0xFFFFFFF0]  }
0x5b2: {  	v24 =	vand.u32 $0xFF800000, v26;
	(erf) = vrcp.f32 v13;
	v6 =	vmul.f32 v6, v22  }
0x5b3: {  	v4 =	vmul.f32 v4, v4;
	v15 =	vsub.s32 v15, v24;
	v13 =	vadd.s32 $0xC0CAFB0D, v5  }
0x5b4: {  	v22 =	vadd.f32 $1.000000000e+00, v15;
	v24 =	vand.u32 $0xFF800000, v13;
	[tilespmem:v14+s7+$0x0] =	vst.idx.msk $0xffff, v6;
	v6 =	vmul.f32 v11, v10  }
0x5b5: {  	v10 =	vshra.s32 v26, $0x17;
	v11 =	vmul.f32 $2.000000030e-01, v4;
	v5 =	vsub.s32 v5, v24  }
0x5b6: {  	v30 =	vadd.f32 $-1.000000000e+00, v5;
	v5 =	vadd.f32 $1.000000000e+00, v5;
	(erf) = vrcp.f32 v22  }
0x5b7: {  	v26 =	vadd.s32 $0xC0CAFB0D, v7;
	v24 =	vshra.s32 v13, $0x17;
	v11 =	vadd.f32 $3.333333430e-01, v11  }
0x5b8: {  	v14 =	vand.u32 $0xFF800000, v27;
	(erf) = vrcp.f32 v5;
	v5 =	vadd.f32 $1.000000000e+00, v6;
	v6 =	vld [tilespmem:s1+$0x20]  }
0x5b9: {  	v13 =	vand.u32 $0xFF800000, v26;
	v22 =	vand.u32 $0xFF800000, v21;
	v4 =	vmul.f32 v11, v4;
	v11 =	vld [tilespmem:s6+$0x20]  }
0x5ba: {  	v13 =	vsub.s32 v7, v13;
	v7 =	vadd.f32 $-1.000000000e+00, v8;
	v2 =	vmul.f32 v5, v2;
	v5 =	vld [tilespmem:s6+$0x0];
	s6 =	smov.u32 s4  }
0x5bb: {  	v32 =	vcvt.s32.f32 v10;
	v8 =	vadd.f32 $1.000000000e+00, v13;
	v4 =	vadd.f32 $1.000000000e+00, v4;
	v10 =	vpop (erf);
	v31 =	vld [tilespmem:s1+$0x0];
	s1 =	smov.u32 s16  }
0x5bc: {  	v29 =	vand.u32 $0xFF800000, v12;
	v9 =	vsub.s32 v9, v14;
	v7 =	vmul.f32 v10, v7  }
0x5bd: {  	v33 =	vsub.s32 v3, v29;
	v3 =	vmul.f32 v4, v16;
	(erf) = vrcp.f32 v8  }
0x5be: {  	v34 =	vadd.f32 $-1.000000000e+00, v15;
	v2 =	vadd.f32 v2, v23;
	v4 =	vmul.f32 v7, v7  }
0x5bf: {  	v29 =	vsub.s32 v1, v22;
	v8 =	vadd.f32 $1.000000000e+00, v33;
	v1 =	vadd.f32 v3, v20;
	v35 =	vpop (erf)  }
0x5c0: {  	v3 =	vadd.f32 $1.000000000e+00, v9;
	v10 =	vmul.f32 $2.000000030e-01, v4;
	v2 =	vmul.f32 v2, v31  }
0x5c1: {  	v12 =	vshra.s32 v12, $0x17;
	v20 =	vadd.f32 $1.000000000e+00, v29;
	v14 =	vld [tilespmem:s16+$0x10];
	v15 =	vpop (erf);
	[tilespmem:v28+s7+$0x0] =	vst.idx.msk $0xffff, v0;
	v0 =	vmul.f32 v1, v6  }
.Ltmp6:
0x5c2: {  	v36 =	vmul.f32 v15, v30;
	v16 =	vld [tilespmem:s16+$0xFFFFFFE0];
	v1 =	vadd.f32 $3.333333430e-01, v10;
	(erf) = vrcp.f32 v8;
	[tilespmem:v5+s7+$0x0] =	vst.idx.msk $0xffff, v2;
	(pc) =	sbr.rel @p0 .LBB2_16-.Ltmp6, $4  }
0x5c3: {  	v22 =	vcvt.s32.f32 v12;
	v30 =	vadd.f32 $-1.000000000e+00, v9;
	v15 =	vld [tilespmem:s4+$0xFFFFFFE0];
	(erf) = vrcp.f32 v20;
	[tilespmem:v11+s7+$0x0] =	vst.idx.msk $0xffff, v0  }
0x5c4: {  	v0 =	vshra.s32 v19, $0x17;
	v20 =	vmul.f32 v36, v36;
	v31 =	vld [tilespmem:s16+$0xFFFFFFD0];
	v1 =	vmul.f32 v1, v4  }
0x5c5: {  	v27 =	vshra.s32 v27, $0x17;
	v37 =	vcvt.s32.f32 v0;
	v23 =	vld [tilespmem:s4+$0xFFFFFFD0];
	(erf) = vrcp.f32 v3  }
0x5c6: {  	s12 =	sadd.s32 $0x80, s12;
	v40 =	vadd.f32 v7, v7;
	s16 =	sadd.s32 $0x80, s16;
	v39 =	vmul.f32 $2.000000030e-01, v20;
	v38 =	vadd.f32 $1.000000000e+00, v1;
	v28 =	vld [tilespmem:s4+$0x30];
	v19 =	vpop (erf)  }
0x5c7: {  	v1 =	vmul.f32 v25, v17;
	v2 =	vshra.s32 v26, $0x17;
	v4 =	vmul.f32 $6.931471820e-01, v37  }
0x5c8: {  	v6 =	vmul.f32 v35, v34;
	v7 =	vmul.f32 $6.931471820e-01, v32;
	v9 =	vadd.f32 $-1.000000000e+00, v33  }
0x5c9: {  	v11 =	vcvt.s32.f32 v24;
	v62 =	vshra.s32 v21, $0x17;
	v8 =	vadd.s32 $0xC0CAFB0D, v1  }
0x5ca: {  	v26 =	vcvt.s32.f32 v27;
	v13 =	vadd.f32 $-1.000000000e+00, v13;
	v10 =	vand.u32 $0xFF800000, v8  }
0x5cb: {  	v5 =	vmul.f32 v38, v40;
	v2 =	vcvt.s32.f32 v2;
	v1 =	vsub.s32 v1, v10  }
0x5cc: {  	v57 =	vmul.f32 v6, v6;
	v58 =	vmul.f32 $6.931471820e-01, v11;
	v59 =	vpop (erf);
	v12 =	vadd.f32 $1.000000000e+00, v1  }
0x5cd: {  	v0 =	vadd.f32 v36, v36;
	v11 =	vcvt.s32.f32 v62;
	v9 =	vmul.f32 v59, v9  }
0x5ce: {  	v3 =	vadd.f32 $3.333333430e-01, v39;
	v13 =	vmul.f32 v19, v13;
	(erf) = vrcp.f32 v12  }
0x5cf: {  	v17 =	vadd.f32 $-1.000000000e+00, v29;
	v26 =	vmul.f32 $6.931471820e-01, v26;
	v63 =	vmul.f32 v9, v9  }
0x5d0: {  	v3 =	vmul.f32 v3, v20;
	v4 =	vadd.f32 v5, v4;
	v2 =	vmul.f32 $6.931471820e-01, v2  }
0x5d1: {  	v6 =	vadd.f32 v6, v6;
	v11 =	vmul.f32 $6.931471820e-01, v11;
	v61 =	vpop (erf);
	v20 =	vmul.f32 $2.000000030e-01, v63  }
0x5d2: {  	v8 =	vshra.s32 v8, $0x17;
	v60 =	vmul.f32 v4, v18;
	v4 =	vmul.f32 v61, v17;
	v12 =	vpop (erf)  }
0x5d3: {  	v8 =	vcvt.s32.f32 v8;
	v12 =	vmul.f32 v12, v30;
	v20 =	vadd.f32 $3.333333430e-01, v20  }
0x5d4: {  	v24 =	vmul.f32 $2.000000030e-01, v57;
	v3 =	vadd.f32 $1.000000000e+00, v3;
	v17 =	vmul.f32 v4, v4  }
0x5d5: {  	v38 =	vadd.f32 v13, v13;
	v8 =	vmul.f32 $6.931471820e-01, v8;
	v18 =	vmul.f32 v12, v12  }
0x5d6: {  	v1 =	vadd.f32 $-1.000000000e+00, v1;
	v0 =	vmul.f32 v3, v0;
	v21 =	vmul.f32 $2.000000030e-01, v17  }
0x5d7: {  	v24 =	vadd.f32 $3.333333430e-01, v24;
	v5 =	vmul.f32 v20, v63;
	v25 =	vmul.f32 $2.000000030e-01, v18;
	v20 =	vpop (erf)  }
0x5d8: {  	v9 =	vadd.f32 v9, v9;
	v21 =	vadd.f32 $3.333333430e-01, v21;
	v1 =	vmul.f32 v20, v1  }
0x5d9: {  	v10 =	vmul.f32 v24, v57;
	v25 =	vadd.f32 $3.333333430e-01, v25;
	v20 =	vmul.f32 v13, v13  }
0x5da: {  	v4 =	vadd.f32 v4, v4;
	v17 =	vmul.f32 v21, v17;
	v19 =	vmul.f32 v1, v1  }
0x5db: {  	v32 =	vld [tilespmem:s1+$0xFFFFFFF0];
	v5 =	vadd.f32 $1.000000000e+00, v5;
	v18 =	vmul.f32 v25, v18;
	v25 =	vmul.f32 $2.000000030e-01, v20  }
0x5dc: {  	v36 =	vld [tilespmem:s6+$0x0];
	v0 =	vadd.f32 v0, v58;
	v17 =	vadd.f32 $1.000000000e+00, v17;
	v24 =	vmul.f32 $2.000000030e-01, v19  }
0x5dd: {  	v21 =	vmul.f32 $6.931471820e-01, v22;
	v22 =	vld [tilespmem:s6+$0x10];
	v5 =	vmul.f32 v5, v9;
	v25 =	vadd.f32 $3.333333430e-01, v25  }
0x5de: {  	v10 =	vadd.f32 $1.000000000e+00, v10;
	v4 =	vmul.f32 v17, v4;
	v17 =	vld [tilespmem:s6+$0xFFFFFFC0];
	v24 =	vadd.f32 $3.333333430e-01, v24  }
0x5df: {  	v5 =	vadd.f32 v5, v21;
	v21 =	vld [tilespmem:s1+$0xFFFFFFC0];
	v33 =	vadd.f32 $1.000000000e+00, v18;
	v18 =	vmul.f32 v25, v20  }
0x5e0: {  	v0 =	vmul.f32 v0, v31;
	v12 =	vadd.f32 v12, v12;
	v19 =	vmul.f32 v24, v19;
	v24 =	vld [tilespmem:s6+$0xFFFFFFF0]  }
0x5e1: {  	[tilespmem:v28+s7+$0x0] =	vst.idx.msk $0xffff, v60;
	v34 =	vmul.f32 v10, v6;
	v1 =	vadd.f32 v1, v1;
	v20 =	vld [tilespmem:s6+$0x20];
	v13 =	vadd.f32 $1.000000000e+00, v18  }
0x5e2: {  	v39 =	vld [tilespmem:s1+$0x20];
	[tilespmem:v23+s7+$0x0] =	vst.idx.msk $0xffff, v0;
	v4 =	vadd.f32 v4, v11;
	v37 =	vmul.f32 v33, v12;
	v35 =	vadd.f32 $1.000000000e+00, v19  }
0x5e3: {  	v3 =	vadd.f32 v34, v7;
	v5 =	vmul.f32 v5, v16;
	v12 =	vld [tilespmem:s1+$0x0];
	v40 =	vmul.f32 v13, v38  }
0x5e4: {  	v4 =	vmul.f32 v4, v14;
	v0 =	vadd.f32 v37, v26;
	v1 =	vmul.f32 v35, v1  }
0x5e5: {  	[tilespmem:v15+s7+$0x0] =	vst.idx.msk $0xffff, v5;
	v3 =	vmul.f32 v3, v21;
	v2 =	vadd.f32 v40, v2  }
0x5e6: {  	[tilespmem:v22+s7+$0x0] =	vst.idx.msk $0xffff, v4;
	v0 =	vmul.f32 v0, v32;
	v1 =	vadd.f32 v1, v8  }
0x5e7: {  	[tilespmem:v17+s7+$0x0] =	vst.idx.msk $0xffff, v3;
	v43 =	vmul.f32 v2, v39  }
0x5e8: {  	v1 =	vmul.f32 v1, v12;
	[tilespmem:v24+s7+$0x0] =	vst.idx.msk $0xffff, v0  }
0x5e9: {  	[tilespmem:v20+s7+$0x0] =	vst.idx.msk $0xffff, v43  }
0x5ea: {  	s10 =	simm.s32 $0x0;
	[tilespmem:v36+s7+$0x0] =	vst.idx.msk $0xffff, v1  }
0x5eb: {  	v41 =	vmov s10;
	v51 =	vld [tilespmem:$0x1FE70]  }
0x5ec: {  	s16 =	simm.s32 $0x20;
	v42 =	vmul.u32 $0x3, v41;
	v52 =	vld [tilespmem:$0x1FE80]  }
0x5ed: {  	s12 =	simm.s32 $0x30;
	v47 =	vmov s16  }
0x5ee: {  	s2 =	simm.s32 $0x40;
	v44 =	vmov s12;
	v45 =	vbroadcast v42, $0x0;
	v0 =	vmul.u32 $0x3, v47  }
0x5ef: {  	s20 =	simm.s32 $0x60;
	v46 =	vmov s2;
	v2 =	vmul.u32 $0x3, v44;
	s17 =	rddreg [dreg:$0x7]  }
0x5f0: {  	s19 =	simm.s32 $0xE800;
	s21 =	simm.s32 $0x10;
	v54 =	vmov s20;
	v0 =	vbroadcast v0, $0x0;
	s2 =	sadd.s32 s17, s15;
	v4 =	vor.u32 v51, v45  }
0x5f1: {  	v7 =	vmul.u32 $0x3, v54;
	v2 =	vbroadcast v2, $0x0;
	[tilespmem:s19], [sflag:$0x3] =	stream.strided.gather [hbm4b:s2+s22], $0x3000, s23, s22, $0x38;
	v49 =	vor.u32 v52, v45;
	[tilespmem:$0x1C800] =	vst v63  }
0x5f2: {  	v58 =	vmov s21;
	_ =	swait.ge [sflag:s18], $0x1000;
	v56 =	vadd.s32 v52, v0  }
0x5f3: {  	s25 =	simm.s32 $0x50;
	v7 =	vbroadcast v7, $0x0;
	v11 =	vmul.u32 $0x3, v58;
	[sflag:s18] =	ssyncset.done $0x0;
	v57 =	vadd.s32 v51, v2  }
0x5f4: {  	v15 =	vmov s25;
	v1 =	vmul.u32 $0x3, v46;
	v53 =	vld [tilespmem:$0x1FE90];
	[sflag:s18] =	ssyncadd.s32 $0xFFFFF000;
	v12 =	vadd.s32 v51, v0  }
0x5f5: {  	v11 =	vbroadcast v11, $0x0;
	v15 =	vmul.u32 $0x3, v15;
	v13 =	vadd.s32 v51, v7;
	v4 =	vld.idx.msk [tilespmem:v4+s7+$0x0], $0xffff  }
0x5f6: {  	v1 =	vbroadcast v1, $0x0;
	v14 =	vadd.s32 v52, v7;
	v5 =	vld.idx.msk [tilespmem:v49+s7+$0x0], $0xffff  }
0x5f7: {  	v20 =	vbroadcast v15, $0x0;
	v17 =	vadd.s32 v52, v11;
	v9 =	vld.idx.msk [tilespmem:v56+s7+$0x0], $0xffff  }
0x5f8: {  	v18 =	vor.u32 v52, v1;
	v10 =	vld.idx.msk [tilespmem:v57+s7+$0x0], $0xffff  }
0x5f9: {  	v19 =	vadd.s32 v52, v20;
	v12 =	vld.idx.msk [tilespmem:v12+s7+$0x0], $0xffff  }
0x5fa: {  	v3 =	vor.u32 v53, v45;
	v13 =	vld.idx.msk [tilespmem:v13+s7+$0x0], $0xffff  }
0x5fb: {  	v50 =	vadd.s32 v53, v2;
	v14 =	vld.idx.msk [tilespmem:v14+s7+$0x0], $0xffff  }
0x5fc: {  	v55 =	vor.u32 v53, v1;
	v60 =	vld.idx.msk [tilespmem:v17+s7+$0x0], $0xffff  }
0x5fd: {  	v16 =	vadd.s32 v53, v11;
	v62 =	vld.idx.msk [tilespmem:v18+s7+$0x0], $0xffff  }
0x5fe: {  	s28 =	simm.s32 $0x70;
	v2 =	vadd.s32 v52, v2;
	v18 =	vld.idx.msk [tilespmem:v19+s7+$0x0], $0xffff  }
0x5ff: {  	v15 =	vmov s28;
	v0 =	vadd.s32 v53, v0;
	v3 =	vld.idx.msk [tilespmem:v3+s7+$0x0], $0xffff  }
0x600: {  	v59 =	vmul.u32 $0x3, v15;
	v7 =	vadd.s32 v53, v7;
	v6 =	vld.idx.msk [tilespmem:v50+s7+$0x0], $0xffff  }
0x601: {  	v1 =	vor.u32 v51, v1;
	v8 =	vld.idx.msk [tilespmem:v55+s7+$0x0], $0xffff  }
0x602: {  	v61 =	vbroadcast v59, $0x0;
	v21 =	vld.idx.msk [tilespmem:v16+s7+$0x0], $0xffff;
	v16 =	vadd.s32 v51, v20  }
0x603: {  	v11 =	vadd.s32 v51, v11;
	v2 =	vld.idx.msk [tilespmem:v2+s7+$0x0], $0xffff  }
0x604: {  	v17 =	vadd.s32 v52, v61;
	v0 =	vld.idx.msk [tilespmem:v0+s7+$0x0], $0xffff  }
0x605: {  	v19 =	vadd.s32 v51, v61;
	v7 =	vld.idx.msk [tilespmem:v7+s7+$0x0], $0xffff  }
0x606: {  	v1 =	vld.idx.msk [tilespmem:v1+s7+$0x0], $0xffff;
	v4 =	vadd.f32 v5, v4  }
0x607: {  	v23 =	vld.idx.msk [tilespmem:v16+s7+$0x0], $0xffff  }
0x608: {  	v11 =	vld.idx.msk [tilespmem:v11+s7+$0x0], $0xffff;
	v13 =	vadd.f32 v14, v13;
	v15 =	vadd.f32 v3, v4  }
0x609: {  	s3 =	simm.s32 $0x6040;
	v27 =	vld.idx.msk [tilespmem:v17+s7+$0x0], $0xffff;
	v4 =	vadd.s32 v53, v61  }
0x60a: {  	s4 =	simm.s32 $0x11840;
	v28 =	vld.idx.msk [tilespmem:v19+s7+$0x0], $0xffff;
	v14 =	vadd.f32 v7, v13;
	[tilespmem:s3+$0xFFFFFFC0] =	vst v15  }
0x60b: {  	s2 =	simm.s32 $0x7840;
	v9 =	vadd.f32 v9, v12;
	v22 =	vld [tilespmem:s4+$0xFFFFFFC0]  }
0x60c: {  	v2 =	vadd.f32 v2, v10;
	[tilespmem:s3+$0x20] =	vst v14;
	v25 =	vld [tilespmem:s2+$0xFFFFFFC0];
	v24 =	vadd.f32 v18, v23;
	v23 =	vadd.s32 v53, v20  }
0x60d: {  	v16 =	vadd.f32 v0, v9;
	v17 =	vld [tilespmem:s4+$0x20]  }
0x60e: {  	s8 =	simm.s32 $0x78C0;
	v63 =	vadd.f32 v62, v1;
	v13 =	vadd.f32 v6, v2;
	v26 =	vld.idx.msk [tilespmem:v4+s7+$0x0], $0xffff  }
0x60f: {  	s10 =	simm.s32 $0x1B8C0;
	s12 =	simm.s32 $0xF0;
	s16 =	simm.s32 $0x118C0;
	v29 =	vadd.f32 v60, v11;
	[tilespmem:s3+$0xFFFFFFE0] =	vst v16;
	v19 =	vld [tilespmem:s2+$0x20]  }
0x610: {  	s1 =	simm.s32 $0x1B840;
	s6 =	simm.s32 $0x0;
	s15 =	simm.s32 $0x60C0;
	[tilespmem:s3+$0xFFFFFFF0] =	vst v13;
	v20 =	vld [tilespmem:s2+$0xFFFFFFE0];
	v18 =	vadd.f32 v8, v63  }
.LBB2_18:
0x611: {  	s17 =	sadd.s32 $0xFFFFFF90, s12;
	s19 =	sadd.s32 $0xFFFFFFA0, s12;
	s20 =	sadd.s32 $0xFFFFFFC0, s12;
	v0 =	vmov s12;
	v1 =	vadd.f32 v21, v29;
	v2 =	vld.idx.msk [tilespmem:v23+s7+$0x0], $0xffff;
	v3 =	vadd.f32 v27, v28  }
0x612: {  	s21 =	sadd.s32 $0xFFFFFFF0, s12;
	v6 =	vmul.f32 v25, v22;
	v4 =	vmov s17;
	v5 =	vmov s19;
	s17 =	sadd.s32 $0xFFFFFFD0, s12;
	s19 =	sadd.s32 $0xFFFFFFE0, s12;
	v7 =	vld [tilespmem:s4+$0xFFFFFFE0];
	[tilespmem:s3+$0x0] =	vst v18  }
0x613: {  	s6 =	sadd.s32 $0x8, s6;
	v4 =	vmul.u32 $0x3, v4;
	v5 =	vmul.u32 $0x3, v5;
	[tilespmem:s3+$0xFFFFFFD0] =	vst v1;
	v8 =	vld [tilespmem:s4+$0xFFFFFFF0];
	v3 =	vadd.f32 v26, v3  }
0x614: {  	v9 =	vmov s20;
	p0 =	slt.u32 s6, $0xF8;
	v10 =	vmov s17;
	v11 =	vmov s19;
	v12 =	vld [tilespmem:s2+$0xFFFFFFF0]  }
0x615: {  	v21 =	vmov s21;
	s17 =	sadd.s32 $0xFFFFFFB0, s12;
	v9 =	vmul.u32 $0x3, v9;
	v4 =	vbroadcast v4, $0x0;
	v22 =	vld [tilespmem:s4+$0xFFFFFFD0];
	[tilespmem:s3+$0x30] =	vst v3  }
0x616: {  	v0 =	vmul.u32 $0x3, v0;
	v23 =	vmov s17;
	v10 =	vmul.u32 $0x3, v10;
	v25 =	vld [tilespmem:s4+$0x30]  }
0x617: {  	v23 =	vmul.u32 $0x3, v23;
	v2 =	vadd.f32 v2, v24;
	v26 =	vor.u32 v51, v4;
	v24 =	vld [tilespmem:s2+$0x30]  }
0x618: {  	v0 =	vbroadcast v0, $0x0;
	v10 =	vbroadcast v10, $0x0;
	v27 =	vor.u32 v52, v4;
	v28 =	vld [tilespmem:s2+$0xFFFFFFD0]  }
0x619: {  	v9 =	vbroadcast v9, $0x0;
	v4 =	vor.u32 v53, v4;
	v23 =	vbroadcast v23, $0x0;
	v29 =	vld [tilespmem:s4+$0x0];
	[tilespmem:s3+$0x10] =	vst v2;
	s3 =	smov.u32 s15  }
0x61a: {  	v6 =	vadd.f32 v6, v15;
	v30 =	vor.u32 v52, v10;
	v31 =	vor.u32 v53, v10;
	v15 =	vld [tilespmem:s4+$0x10];
	s4 =	smov.u32 s16  }
0x61b: {  	v34 =	vadd.s32 v53, v9;
	v32 =	vadd.s32 v51, v23;
	v33 =	vadd.s32 v53, v23;
	v35 =	vld [tilespmem:s2+$0x10]  }
0x61c: {  	v21 =	vmul.u32 $0x3, v21;
	v11 =	vmul.u32 $0x3, v11;
	v23 =	vadd.s32 v52, v23;
	v26 =	vld.idx.msk [tilespmem:v26+s7+$0x0], $0xffff;
	[tilespmem:s1+$0xFFFFFFC0] =	vst v6  }
0x61d: {  	v5 =	vbroadcast v5, $0x0;
	v6 =	vld.idx.msk [tilespmem:v27+s7+$0x0], $0xffff;
	v27 =	vadd.s32 v52, v0;
	v22 =	vmul.f32 v28, v22  }
0x61e: {  	v11 =	vbroadcast v11, $0x0;
	v7 =	vmul.f32 v20, v7;
	v28 =	vadd.s32 v51, v9;
	v4 =	vld.idx.msk [tilespmem:v4+s7+$0x0], $0xffff  }
0x61f: {  	v21 =	vbroadcast v21, $0x0;
	v20 =	vadd.s32 v52, v5;
	v9 =	vadd.s32 v52, v9;
	v36 =	vld [tilespmem:s2+$0x0];
	s2 =	smov.u32 s8  }
0x620: {  	v37 =	vadd.s32 v53, v5;
	v7 =	vadd.f32 v7, v16;
	v34 =	vld.idx.msk [tilespmem:v34+s7+$0x0], $0xffff;
	v15 =	vmul.f32 v35, v15  }
0x621: {  	v16 =	vadd.s32 v51, v21;
	v1 =	vadd.f32 v22, v1;
	v35 =	vadd.s32 v52, v21;
	v31 =	vld.idx.msk [tilespmem:v31+s7+$0x0], $0xffff  }
0x622: {  	v24 =	vmul.f32 v24, v25;
	v22 =	vld.idx.msk [tilespmem:v23+s7+$0x0], $0xffff;
	v23 =	vadd.s32 v53, v11;
	v2 =	vadd.f32 v15, v2  }
0x623: {  	v17 =	vmul.f32 v19, v17;
	v6 =	vadd.f32 v6, v26;
	v26 =	vadd.s32 v52, v11;
	v25 =	vld.idx.msk [tilespmem:v28+s7+$0x0], $0xffff  }
0x624: {  	v11 =	vadd.s32 v51, v11;
	v9 =	vld.idx.msk [tilespmem:v9+s7+$0x0], $0xffff;
	v19 =	vmul.f32 v36, v29;
	[tilespmem:s1+$0x10] =	vst v2  }
0x625: {  	v15 =	vadd.f32 v4, v6;
	v4 =	vor.u32 v51, v10;
	v6 =	vmul.f32 v12, v8;
	v2 =	vld.idx.msk [tilespmem:v32+s7+$0x0], $0xffff  }
0x626: {  	v3 =	vadd.f32 v24, v3;
	v8 =	vld.idx.msk [tilespmem:v16+s7+$0x0], $0xffff;
	[tilespmem:s1+$0xFFFFFFE0] =	vst v7;
	v7 =	vadd.f32 v19, v18  }
0x627: {  	v12 =	vadd.s32 v53, v21;
	v6 =	vadd.f32 v6, v13;
	[tilespmem:s15+$0xFFFFFFC0] =	vst v15;
	v10 =	vld.idx.msk [tilespmem:v35+s7+$0x0], $0xffff  }
0x628: {  	v5 =	vadd.s32 v51, v5;
	v16 =	vld.idx.msk [tilespmem:v33+s7+$0x0], $0xffff;
	[tilespmem:s1+$0xFFFFFFD0] =	vst v1;
	v1 =	vadd.f32 v17, v14  }
0x629: {  	v21 =	vld.idx.msk [tilespmem:v37+s7+$0x0], $0xffff;
	[tilespmem:s1+$0x0] =	vst v7  }
0x62a: {  	v9 =	vadd.f32 v9, v25;
	v7 =	vld.idx.msk [tilespmem:v20+s7+$0x0], $0xffff;
	[tilespmem:s1+$0xFFFFFFF0] =	vst v6  }
0x62b: {  	v2 =	vadd.f32 v22, v2;
	v6 =	vld.idx.msk [tilespmem:v30+s7+$0x0], $0xffff;
	[tilespmem:s1+$0x20] =	vst v1  }
0x62c: {  	v13 =	vadd.f32 v34, v9;
	v1 =	vld.idx.msk [tilespmem:v12+s7+$0x0], $0xffff;
	[tilespmem:s1+$0x30] =	vst v3;
	s1 =	smov.u32 s10  }
0x62d: {  	v3 =	vadd.f32 v10, v8;
	v22 =	vld [tilespmem:s16+$0xFFFFFFC0]  }
0x62e: {  	v8 =	vadd.s32 v51, v0;
	v16 =	vadd.f32 v16, v2;
	[tilespmem:s15+$0xFFFFFFF0] =	vst v13;
	v2 =	vld.idx.msk [tilespmem:v26+s7+$0x0], $0xffff  }
0x62f: {  	v9 =	vld.idx.msk [tilespmem:v11+s7+$0x0], $0xffff  }
0x630: {  	v0 =	vadd.s32 v53, v0;
	[tilespmem:s15+$0xFFFFFFE0] =	vst v16;
	v4 =	vld.idx.msk [tilespmem:v4+s7+$0x0], $0xffff  }
0x631: {  	v5 =	vld.idx.msk [tilespmem:v5+s7+$0x0], $0xffff  }
0x632: {  	v14 =	vadd.f32 v1, v3;
	v27 =	vld.idx.msk [tilespmem:v27+s7+$0x0], $0xffff  }
0x633: {  	v28 =	vld.idx.msk [tilespmem:v8+s7+$0x0], $0xffff  }
.Ltmp7:
0x634: {  	v25 =	vld [tilespmem:s8+$0xFFFFFFC0];
	[tilespmem:s15+$0x20] =	vst v14;
	(pc) =	sbr.rel @p0 .LBB2_18-.Ltmp7, $4  }
0x635: {  	v24 =	vadd.f32 v2, v9;
	v26 =	vld.idx.msk [tilespmem:v0+s7+$0x0], $0xffff  }
0x636: {  	v0 =	vadd.f32 v6, v4;
	v17 =	vld [tilespmem:s16+$0x20]  }
0x637: {  	s10 =	sadd.s32 $0x80, s10;
	s8 =	sadd.s32 $0x80, s8;
	v29 =	vadd.f32 v7, v5;
	v19 =	vld [tilespmem:s2+$0x20]  }
0x638: {  	s12 =	sadd.s32 $0x80, s12;
	s15 =	sadd.s32 $0x80, s15;
	s16 =	sadd.s32 $0x80, s16;
	v18 =	vadd.f32 v31, v0;
	v20 =	vld [tilespmem:s2+$0xFFFFFFE0]  }
0x639: {  	_ =	sdelay $0x3  }
0x63a: {  	v0 =	vld.idx.msk [tilespmem:v23+s7+$0x0], $0xffff;
	_ =	sdelay $0x4  }
0x63b: {  	v2 =	vld [tilespmem:s4+$0xFFFFFFE0];
	v0 =	vadd.f32 v0, v24  }
0x63c: {  	v3 =	vld [tilespmem:s4+$0xFFFFFFF0];
	[tilespmem:s3+$0x0] =	vst v18  }
0x63d: {  	v1 =	vadd.f32 v21, v29;
	v9 =	vld [tilespmem:s4+$0x0];
	[tilespmem:s3+$0x10] =	vst v0  }
0x63e: {  	v5 =	vld [tilespmem:s4+$0x10]  }
0x63f: {  	v6 =	vadd.f32 v27, v28;
	[tilespmem:s3+$0xFFFFFFD0] =	vst v1;
	v7 =	vld [tilespmem:s2+$0x10]  }
0x640: {  	v4 =	vld [tilespmem:s4+$0xFFFFFFD0]  }
0x641: {  	v6 =	vadd.f32 v26, v6;
	v8 =	vld [tilespmem:s2+$0xFFFFFFD0]  }
0x642: {  	v10 =	vld [tilespmem:s2+$0x0]  }
0x643: {  	v11 =	vmul.f32 v25, v22;
	v12 =	vld [tilespmem:s2+$0xFFFFFFF0];
	[tilespmem:s3+$0x30] =	vst v6  }
0x644: {  	v63 =	vld [tilespmem:s2+$0x30];
	v5 =	vmul.f32 v7, v5  }
0x645: {  	v11 =	vadd.f32 v11, v15;
	v2 =	vmul.f32 v20, v2;
	v7 =	vld [tilespmem:s4+$0x30]  }
0x646: {  	v4 =	vmul.f32 v8, v4;
	v0 =	vadd.f32 v5, v0  }
0x647: {  	[tilespmem:s1+$0xFFFFFFC0] =	vst v11;
	v2 =	vadd.f32 v2, v16;
	v5 =	vmul.f32 v10, v9  }
0x648: {  	v1 =	vadd.f32 v4, v1;
	[tilespmem:s1+$0x10] =	vst v0;
	v0 =	vmul.f32 v12, v3  }
0x649: {  	[tilespmem:s1+$0xFFFFFFE0] =	vst v2;
	v3 =	vmul.f32 v19, v17;
	v2 =	vadd.f32 v5, v18  }
0x64a: {  	[tilespmem:s1+$0xFFFFFFD0] =	vst v1;
	v4 =	vmul.f32 v63, v7;
	v0 =	vadd.f32 v0, v13  }
0x64b: {  	s17 =	sshll.u32 s13, $0xF;
	v1 =	vadd.f32 v3, v14;
	[tilespmem:s1+$0x0] =	vst v2  }
0x64c: {  	s2 =	sor.u32 s14, s17;
	v2 =	vadd.f32 v4, v6;
	[tilespmem:s1+$0xFFFFFFF0] =	vst v0  }
0x64d: {  	s0 =	sadd.s32 $0x1, s0;
	s19 =	rddreg [dreg:$0x2];
	s2 =	sshrl.u32 s2, $0x3;
	[tilespmem:s1+$0x20] =	vst v1  }
0x64e: {  	s20 =	simm.s32 $0x11800;
	p0 =	sne.s32 s0, $0x9;
	[tilespmem:s1+$0x30] =	vst v2;
	s1 =	sadd.s32 s19, s2  }
0x64f: {  	[tilespmem:s20], [sflag:$0x4] =	stream.strided.gather [hbm4b:s1+s22], $0x1000, s23, s22, $0x38;
	v0 =	vld [tilespmem:$0x1FF70]  }
.Ltmp8:
0x650: {  	s21 =	sshll.u32 s0, $0x14;
	v3 =	vld [tilespmem:$0x1FF90];
	(pc) =	sbr.rel @p0 .LBB2_11-.Ltmp8, $4  }
0x651: {  	s1 =	sadd.s32 s11, s21  }
0x652: {  	s25 =	rddreg [dreg:$0x5];
	s1 =	sshrl.u32 s1, $0x3  }
0x653: {  	s28 =	simm.s32 $0x1B800;
	v4 =	vld [tilespmem:$0x1FFA0];
	s1 =	sadd.s32 s25, s1  }
0x654: {  	[hbm4b:s1+s22] =	stream.strided.scatter [tilespmem:s28], [sflag:$0x5], $0x1000, s23, s22, $0x38;
	[tilespmem:$0x1C800] =	vst v63  }
0x655: {  	s0 =	simm.s32 $0x5  }
0x656: {  	_ =	swait.ge [sflag:s0], $0x1000  }
0x657: {  	[sflag:s0] =	ssyncset.done $0x0  }
0x658: {  	[sflag:s0] =	ssyncadd.s32 $0xFFFFF000  }
0x659: {  	_ =	swait.ge [sflag:s26], $0x3000  }
0x65a: {  	[sflag:s26] =	ssyncset.done $0x0  }
0x65b: {  	s21 =	simm.s32 $0x2;
	[sflag:s26] =	ssyncadd.s32 $0xFFFFD000  }
0x65c: {  	_ =	swait.ge [sflag:s21], $0x3000  }
0x65d: {  	[sflag:s21] =	ssyncset.done $0x0  }
0x65e: {  	s25 =	simm.s32 $0x3;
	[sflag:s21] =	ssyncadd.s32 $0xFFFFD000  }
0x65f: {  	_ =	swait.ge [sflag:s25], $0x3000  }
0x660: {  	[sflag:s25] =	ssyncset.done $0x0  }
0x661: {  	[sflag:s25] =	ssyncadd.s32 $0xFFFFD000  }
0x662: {  	_ =	swait.ge [sflag:s18], $0x1000  }
0x663: {  	s28 =	rddreg [dreg:$0x11]  }
0x664: {  	s0 =	sadd.s32 $0x1, s28  }
0x665: {  	p0 =	sne.s32 s0, $0x8  }
.Ltmp9:
0x666: {  	_ = 	snop;
	(pc) =	sbr.rel @p0 .LBB2_2-.Ltmp9, $4  }
0x667: {  	v2 =	vld [tilespmem:$0x1FF80]  }
0x668: {  	v5 =	vld [tilespmem:$0x1FFB0]  }
0x669: {  	[sflag:s18] =	ssyncset.done $0x0;
	v8 =	vld [tilespmem:$0x1FFE0]  }
0x66a: {  	v9 =	vld [tilespmem:$0x1FFF0];
	[sflag:s18] =	ssyncadd.s32 $0xFFFFF000  }
0x66b: {  	s1 =	rddreg [dreg:$0x10]  }
0x66c: {  	s0 =	rddreg [dreg:$0xf];
	s1 =	sadd.s32 $0x1, s1  }
0x66d: {  	p0 =	sne.s32 s1, s0  }
.Ltmp10:
0x66e: {  	_ = 	snop;
	(pc) =	sbr.rel @p0 .LBB2_1-.Ltmp10, $1  }
0x66f: {  	_ =	sdelay $0x3  }
0x670: {  	_ =	sfence.sel $0x180000  }
0x671: {  	[bflag:$0x0] =	sbarrier.arrive $0xFFFF  }
0x672: {  	_ =	strace $0x9000004A  }
0x673: {  	s0 =	stileid.u32;
	[bflag:$0x2] =	sbarrier.arrive $0xFFFF  }
0x674: {  	p0 =	sne.s32 s0, $0x0;
	s0 =	rddreg [dreg:$0x6]  }
0x675: {  	s0 =	sadd.s32 @!p0 $0x100000, s0  }
0x676: {  	[sflag:s0] =	ssyncadd.tile.s32 @!p0 $0x1;
	_ =	shalt  }
.Lfunc_end2:
_tile_overlayer_lowered:
.L_overlay_start_2:
0x677: {  	(tag) =	ssettag $0x2  }
0x678: {  	s0 =	rddreg [dreg:$0x0];
	s2 =	stileid.u32  }
0x679: {  	s1 =	rddreg [dreg:$0x1];
	p0 =	sne.s32 s2, $0x0  }
0x67a: {  	s3 =	rddreg [dreg:$0x2];
	[bflag:$0x3] =	sbarrier.arrive $0xFFFF;
	s2 =	simm.s32 @!p0 $0x1C06  }
0x67b: {  	[timem:s3], [sflag:s2] =	dma.local @!p0 [hbm:s0], s1  }
0x67c: {  	s0 =	simm.s32 @!p0 $0x6  }
0x67d: {  	_ =	swait.ge @!p0 [sflag:s0], s1  }
0x67e: {  	s1 =	ssub.s32 @!p0 $0x0, s1;
	[sflag:s0] =	ssyncset.done @!p0 $0x0  }
0x67f: {  	[sflag:s0] =	ssyncadd.s32 @!p0 s1  }
0x680: {  	[bflag:$0x3] =	sbarrier.arrive $0xFFFF  }
0x681: {  	_ =	shalt  }

</sc_bundles>
